<compile_context>
chip_gen: v7x
topology: tpu7x:2x2x1
jax: 0.10.2.dev20260603
libtpu: 0.0.44.dev20260713+nightly
codegen_flags: <defaults>
</compile_context>

<pallas_src>
import functools
import math

import jax
import jax.numpy as jnp
from jax import lax
from jax.experimental import pallas as pl
from jax.experimental.pallas import tpu as pltpu
from jax.experimental.pallas import tpu_sc as plsc

N = 10000
D = 128
E = 160000
KSEL = 5000

NPAD = 10240
PHANTOM = N
NW = 32
EPT = 5120
G = 128
NCHUNK = EPT // G
NSUB = 16
RPT = NPAD // NSUB
BR = 1280


@functools.lru_cache(maxsize=1)
def _make_spmv_sc():
    mesh = plsc.VectorSubcoreMesh(core_axis_name="c", subcore_axis_name="s")

    @functools.partial(
        pl.kernel,
        mesh=mesh,
        out_type=jax.ShapeDtypeStruct((2 * NPAD, D), jnp.float32),
        scratch_types=[
            pltpu.VMEM((NCHUNK, G), jnp.int32),
            pltpu.VMEM((NCHUNK, G), jnp.int32),
            pltpu.VMEM((G, D), jnp.float32),
            pltpu.VMEM((G, D), jnp.float32),
            pltpu.VMEM_SHARED((NPAD, D), jnp.float32),
            pltpu.SemaphoreType.DMA,
            pltpu.SemaphoreType.DMA,
        ],
    )
    def _spmv_sc(h_hbm, rows_hbm, cols_hbm, zeros_hbm, out_hbm,
                 rows_v, cols_v, gbuf, gbuf2, acc, semA, semB):
        cid = lax.axis_index("c")
        sid = lax.axis_index("s")
        wid = sid * 2 + cid

        pltpu.sync_copy(rows_hbm.at[wid], rows_v)
        pltpu.sync_copy(cols_hbm.at[wid], cols_v)
        pltpu.sync_copy(zeros_hbm.at[pl.ds(sid * RPT, RPT)],
                        acc.at[pl.ds(sid * RPT, RPT)])
        plsc.subcore_barrier()

        pltpu.async_copy(h_hbm.at[rows_v.at[0]], gbuf, semA)

        def chunk(j, carry):
            i0 = 2 * j
            pltpu.async_copy(h_hbm.at[rows_v.at[i0 + 1]], gbuf2, semB)
            pltpu.make_async_copy(h_hbm.at[rows_v.at[i0]], gbuf, semA).wait()
            pltpu.sync_copy(gbuf, acc.at[cols_v.at[i0]], add=True)

            @pl.when(j < NCHUNK // 2 - 1)
            def _():
                pltpu.async_copy(h_hbm.at[rows_v.at[i0 + 2]], gbuf, semA)

            pltpu.make_async_copy(h_hbm.at[rows_v.at[i0 + 1]], gbuf2,
                                  semB).wait()
            pltpu.sync_copy(gbuf2, acc.at[cols_v.at[i0 + 1]], add=True)
            return carry

        lax.fori_loop(0, NCHUNK // 2, chunk, 0)
        plsc.subcore_barrier()

        pltpu.sync_copy(acc.at[pl.ds(sid * RPT, RPT)],
                        out_hbm.at[pl.ds(cid * NPAD + sid * RPT, RPT)])

    return _spmv_sc


def _spmv(h, rows_sc, cols_sc, zeros_h):
    out = _make_spmv_sc()(h, rows_sc, cols_sc, zeros_h)
    return out[:NPAD], out[NPAD:]


W8 = 8


@functools.lru_cache(maxsize=1)
def _make_scal_spmv_sc():
    mesh = plsc.VectorSubcoreMesh(core_axis_name="c", subcore_axis_name="s")

    @functools.partial(
        pl.kernel,
        mesh=mesh,
        out_type=jax.ShapeDtypeStruct((2 * NPAD, W8), jnp.float32),
        scratch_types=[
            pltpu.VMEM((NCHUNK, G), jnp.int32),
            pltpu.VMEM((NCHUNK, G), jnp.int32),
            pltpu.VMEM((G, W8), jnp.float32),
            pltpu.VMEM((G, W8), jnp.float32),
            pltpu.VMEM_SHARED((NPAD, W8), jnp.float32),
            pltpu.SemaphoreType.DMA,
            pltpu.SemaphoreType.DMA,
        ],
        compiler_params=pltpu.CompilerParams(use_tc_tiling_on_sc=False),
    )
    def _scal_spmv_sc(v_hbm, rows_hbm, cols_hbm, zeros_hbm, out_hbm,
                      rows_v, cols_v, gbuf, gbuf2, acc, semA, semB):
        cid = lax.axis_index("c")
        sid = lax.axis_index("s")
        wid = sid * 2 + cid

        pltpu.sync_copy(rows_hbm.at[wid], rows_v)
        pltpu.sync_copy(cols_hbm.at[wid], cols_v)
        pltpu.sync_copy(zeros_hbm.at[pl.ds(sid * RPT, RPT)],
                        acc.at[pl.ds(sid * RPT, RPT)])
        plsc.subcore_barrier()

        pltpu.async_copy(v_hbm.at[rows_v.at[0]], gbuf, semA)

        def chunk(j, carry):
            i0 = 2 * j
            pltpu.async_copy(v_hbm.at[rows_v.at[i0 + 1]], gbuf2, semB)
            pltpu.make_async_copy(v_hbm.at[rows_v.at[i0]], gbuf, semA).wait()
            pltpu.sync_copy(gbuf, acc.at[cols_v.at[i0]], add=True)

            @pl.when(j < NCHUNK // 2 - 1)
            def _():
                pltpu.async_copy(v_hbm.at[rows_v.at[i0 + 2]], gbuf, semA)

            pltpu.make_async_copy(v_hbm.at[rows_v.at[i0 + 1]], gbuf2,
                                  semB).wait()
            pltpu.sync_copy(gbuf2, acc.at[cols_v.at[i0 + 1]], add=True)
            return carry

        lax.fori_loop(0, NCHUNK // 2, chunk, 0)
        plsc.subcore_barrier()
        pltpu.sync_copy(acc.at[pl.ds(sid * RPT, RPT)],
                        out_hbm.at[pl.ds(cid * NPAD + sid * RPT, RPT)])

    return _scal_spmv_sc


def _scal_spmv(v_pad, rows_sc, cols_sc, zeros2):
    v2 = jnp.broadcast_to(v_pad[:, None], (NPAD, W8))
    out = _make_scal_spmv_sc()(v2, rows_sc, cols_sc, zeros2)
    return out[:NPAD, 0] + out[NPAD:, 0]


@functools.lru_cache(maxsize=None)
def _make_edge_scat_sc(nchunk):
    mesh = plsc.VectorSubcoreMesh(core_axis_name="c", subcore_axis_name="s")

    @functools.partial(
        pl.kernel,
        mesh=mesh,
        out_type=jax.ShapeDtypeStruct((2 * NPAD, W8), jnp.float32),
        scratch_types=[
            pltpu.VMEM((nchunk, G), jnp.int32),
            pltpu.VMEM((G, W8), jnp.float32),
            pltpu.VMEM((G, W8), jnp.float32),
            pltpu.VMEM_SHARED((NPAD, W8), jnp.float32),
            pltpu.SemaphoreType.DMA,
            pltpu.SemaphoreType.DMA,
        ],
        compiler_params=pltpu.CompilerParams(use_tc_tiling_on_sc=False),
    )
    def _edge_scat_sc(ev_hbm, idx_hbm, zeros_hbm, out_hbm,
                      idx_v, gbuf, gbuf2, acc, semA, semB):
        cid = lax.axis_index("c")
        sid = lax.axis_index("s")
        wid = sid * 2 + cid

        pltpu.sync_copy(idx_hbm.at[wid], idx_v)
        pltpu.sync_copy(zeros_hbm.at[pl.ds(sid * RPT, RPT)],
                        acc.at[pl.ds(sid * RPT, RPT)])
        plsc.subcore_barrier()

        pltpu.async_copy(ev_hbm.at[wid, 0], gbuf, semA)

        def chunk(j, carry):
            i0 = 2 * j
            pltpu.async_copy(ev_hbm.at[wid, i0 + 1], gbuf2, semB)
            pltpu.make_async_copy(ev_hbm.at[wid, i0], gbuf, semA).wait()
            pltpu.sync_copy(gbuf, acc.at[idx_v.at[i0]], add=True)

            @pl.when(j < nchunk // 2 - 1)
            def _():
                pltpu.async_copy(ev_hbm.at[wid, i0 + 2], gbuf, semA)

            pltpu.make_async_copy(ev_hbm.at[wid, i0 + 1], gbuf2,
                                  semB).wait()
            pltpu.sync_copy(gbuf2, acc.at[idx_v.at[i0 + 1]], add=True)
            return carry

        lax.fori_loop(0, nchunk // 2, chunk, 0)
        plsc.subcore_barrier()
        pltpu.sync_copy(acc.at[pl.ds(sid * RPT, RPT)],
                        out_hbm.at[pl.ds(cid * NPAD + sid * RPT, RPT)])

    return _edge_scat_sc


def _edge_scat(ev, idx, zeros2):
    if ev.ndim == 1:
        ev = ev[:, None]
    L, m = ev.shape
    nchunk = -(-L // (NW * G))
    nchunk += nchunk % 2
    Lp = NW * nchunk * G
    ev_pad = jnp.pad(ev, ((0, Lp - L), (0, W8 - m)))
    idx_pad = jnp.pad(idx, (0, Lp - L), constant_values=PHANTOM)
    out = _make_edge_scat_sc(nchunk)(ev_pad.reshape(NW, nchunk, G, W8),
                                     idx_pad.reshape(NW, nchunk, G), zeros2)
    s = out[:NPAD, :m] + out[NPAD:, :m]
    return s[:, 0] if m == 1 else s


TR = NPAD // D


def _topk_body(s_ref, u_ref):
    s = s_ref[...]
    i32 = lax.bitcast_convert_type(s, jnp.int32)
    key = jnp.where(i32 < 0, i32 ^ jnp.int32(0x7FFFFFFF), i32)
    ukey = lax.bitcast_convert_type(key, jnp.uint32) ^ jnp.uint32(0x80000000)
    rown = lax.broadcasted_iota(jnp.int32, (TR, D), 0)
    coln = lax.broadcasted_iota(jnp.int32, (TR, D), 1)
    valid = rown * D + coln < N
    ukey = jnp.where(valid, ukey, jnp.uint32(0))

    def bit(b, t):
        sh = jnp.uint32(31) - b.astype(jnp.uint32)
        cand = t | lax.shift_left(jnp.uint32(1), sh)
        cnt = jnp.sum((ukey >= cand).astype(jnp.int32))
        return jnp.where(cnt >= KSEL, cand, t)

    t = lax.fori_loop(0, 32, bit, jnp.uint32(0))
    gt = ukey > t
    eq = ukey == t
    eqf = eq.astype(jnp.float32)
    su = (lax.broadcasted_iota(jnp.int32, (D, D), 0)
          < lax.broadcasted_iota(jnp.int32, (D, D), 1)).astype(jnp.float32)
    within = lax.dot_general(eqf, su, (((1,), (0,)), ((), ())),
                             precision=lax.Precision.HIGHEST,
                             preferred_element_type=jnp.float32)
    sl = (lax.broadcasted_iota(jnp.int32, (TR, TR), 1)
          < lax.broadcasted_iota(jnp.int32, (TR, TR), 0)).astype(jnp.float32)
    rowsum = jnp.sum(eqf, axis=1, keepdims=True)
    rowpre = lax.dot_general(sl, rowsum, (((1,), (0,)), ((), ())),
                             precision=lax.Precision.HIGHEST,
                             preferred_element_type=jnp.float32)
    excl = rowpre + within
    needf = (KSEL - jnp.sum(gt.astype(jnp.int32))).astype(jnp.float32)
    u_ref[...] = jnp.where(gt | (eq & (excl < needf)), 1.0, 0.0)


def _topk_mask(score_pad):
    u2d = pl.pallas_call(
        _topk_body,
        out_shape=jax.ShapeDtypeStruct((TR, D), jnp.float32),
    )(score_pad.reshape(TR, D))
    return u2d.reshape(NPAD)


def _mm_body(s_ref, x_ref, w_ref, o_ref):
    xs = s_ref[...] * x_ref[...]
    o_ref[...] = lax.dot_general(
        xs, w_ref[...], (((1,), (0,)), ((), ())),
        precision=lax.Precision.HIGHEST,
        preferred_element_type=jnp.float32)


def _scaled_mm(x, w, s):
    grid = NPAD // BR
    return pl.pallas_call(
        _mm_body,
        grid=(grid,),
        in_specs=[
            pl.BlockSpec((BR, 1), lambda i: (i, 0)),
            pl.BlockSpec((BR, D), lambda i: (i, 0)),
            pl.BlockSpec((D, D), lambda i: (0, 0)),
        ],
        out_specs=pl.BlockSpec((BR, D), lambda i: (i, 0)),
        out_shape=jax.ShapeDtypeStruct((NPAD, D), jnp.float32),
    )(s, x, w)


def _x1_score_body(v1_ref, v2_ref, p0_ref, p1_ref, h_ref, b_ref, pn_ref,
                   x1_ref, sc_ref):
    x1 = jax.nn.relu(v1_ref[...] * (p0_ref[...] + p1_ref[...])
                     + v2_ref[...] * h_ref[...] + b_ref[...])
    x1_ref[...] = x1
    sc_ref[...] = jnp.tanh(
        lax.dot_general(x1, pn_ref[...], (((1,), (0,)), ((), ())),
                        precision=lax.Precision.HIGHEST,
                        preferred_element_type=jnp.float32))


def _x1_score(v1, v2, p0, p1, h0s, b0row, pn):
    grid = NPAD // BR
    vec = pl.BlockSpec((BR, 1), lambda i: (i, 0))
    big = pl.BlockSpec((BR, D), lambda i: (i, 0))
    return pl.pallas_call(
        _x1_score_body,
        grid=(grid,),
        in_specs=[vec, vec, big, big, big,
                  pl.BlockSpec((1, D), lambda i: (0, 0)),
                  pl.BlockSpec((D, 1), lambda i: (0, 0))],
        out_specs=[big, vec],
        out_shape=[jax.ShapeDtypeStruct((NPAD, D), jnp.float32),
                   jax.ShapeDtypeStruct((NPAD, 1), jnp.float32)],
    )(v1, v2, p0, p1, h0s, b0row, pn)


def _t1_body(a_ref, y_ref, t0_ref, t1_ref, o_ref):
    o_ref[...] = a_ref[...] * y_ref[...] + t0_ref[...] + t1_ref[...]


def _t1_combine(a, y, t0, t1):
    grid = NPAD // BR
    vec = pl.BlockSpec((BR, 1), lambda i: (i, 0))
    big = pl.BlockSpec((BR, D), lambda i: (i, 0))
    return pl.pallas_call(
        _t1_body,
        grid=(grid,),
        in_specs=[vec, big, big, big],
        out_specs=big,
        out_shape=jax.ShapeDtypeStruct((NPAD, D), jnp.float32),
    )(a, y, t0, t1)


def _x3_body(a_ref, d2_ref, g_ref, u_ref, b_ref, t1_ref, q0_ref, q1_ref,
             y_ref, x1_ref, o_ref):
    t2 = a_ref[...] * t1_ref[...] + q0_ref[...] + q1_ref[...]
    z = t2 - d2_ref[...] * y_ref[...]
    x2 = jax.nn.relu(g_ref[...] * z + 2.0 * g_ref[...] * y_ref[...]
                     + b_ref[...])
    o_ref[...] = x1_ref[...] + u_ref[...] * x2


def _x3_combine(a, d2v, g1v, uv, b1row, t1, q0, q1, y, x1):
    grid = NPAD // BR
    vec = pl.BlockSpec((BR, 1), lambda i: (i, 0))
    big = pl.BlockSpec((BR, D), lambda i: (i, 0))
    return pl.pallas_call(
        _x3_body,
        grid=(grid,),
        in_specs=[vec, vec, vec, vec,
                  pl.BlockSpec((1, D), lambda i: (0, 0)),
                  big, big, big, big, big],
        out_specs=big,
        out_shape=jax.ShapeDtypeStruct((NPAD, D), jnp.float32),
    )(a, d2v, g1v, uv, b1row, t1, q0, q1, y, x1)


def _out_body(v1_ref, v2_ref, r0_ref, r1_ref, h_ref, b_ref, o_ref):
    o_ref[...] = (v1_ref[...] * (r0_ref[...] + r1_ref[...])
                  + v2_ref[...] * h_ref[...] + b_ref[...])


def _out_combine(v1, v2, r0, r1, hus, burow):
    grid = NPAD // BR
    vec = pl.BlockSpec((BR, 1), lambda i: (i, 0))
    big = pl.BlockSpec((BR, D), lambda i: (i, 0))
    return pl.pallas_call(
        _out_body,
        grid=(grid,),
        in_specs=[vec, vec, big, big, big,
                  pl.BlockSpec((1, D), lambda i: (0, 0))],
        out_specs=big,
        out_shape=jax.ShapeDtypeStruct((NPAD, D), jnp.float32),
    )(v1, v2, r0, r1, hus, burow)


def _pad1(v, fill=0.0):
    return jnp.pad(v, (0, NPAD - N), constant_values=fill).reshape(NPAD, 1)


def kernel(x, edge_index, W0, b0, W1, b1, p, Wu, bu):
    row = edge_index[0].astype(jnp.int32)
    col = edge_index[1].astype(jnp.int32)

    pad_e = NW * EPT - E
    rows_flat = jnp.concatenate([row, jnp.full((pad_e,), PHANTOM, jnp.int32)])
    cols_flat = jnp.concatenate([col, jnp.full((pad_e,), PHANTOM, jnp.int32)])
    rows_sc = rows_flat.reshape(NW, NCHUNK, G)
    cols_sc = cols_flat.reshape(NW, NCHUNK, G)
    zeros_h = jnp.zeros((NPAD, D), jnp.float32)
    zeros2 = jnp.zeros((NPAD, W8), jnp.float32)
    is_self = (row == col).astype(jnp.float32)

    cnt_all = _edge_scat(jnp.ones((E,), jnp.float32), col, zeros2)[:N]
    cnt_self = _edge_scat(is_self, col, zeros2)[:N]
    deg0 = cnt_all + jnp.where(cnt_self > 0, 0.0, 2.0)
    dinv = 1.0 / jnp.sqrt(deg0)

    selfb = row == col
    SENT = jnp.int32(2 * 100000000 + 1)
    vk = (row * N + col) * 2
    vq = jnp.where(selfb, SENT, (col * N + row) * 2 + 1)
    v_all = jnp.concatenate([vk, vq])
    pay = jnp.concatenate(
        [jnp.full((E,), PHANTOM, jnp.int32),
         jnp.where(selfb, PHANTOM, row)])
    v_s, pay_s = lax.sort_key_val(v_all, pay)
    tag = v_s & 1
    cntk = jnp.cumsum(1 - tag)
    keyv = v_s >> 1
    newrun = jnp.concatenate(
        [jnp.array([True]), keyv[1:] != keyv[:-1]])
    prevk = jnp.concatenate([jnp.zeros((1,), cntk.dtype), cntk[:-1]])
    base = jnp.where(newrun, prevk, -1)
    base = lax.cummax(base)
    cnt_q = ((cntk - base) * tag).astype(jnp.float32)
    d2 = 1.0 + _edge_scat(cnt_q, pay_s, zeros2)[:N]

    x_pad = jnp.pad(x, ((0, NPAD - N), (0, 0)))
    loop_w = jnp.where(cnt_self > 0, 0.0, 2.0)
    dinv_p = _pad1(dinv)
    dlw_p = _pad1(dinv * loop_w)
    b0row = b0.reshape(1, D)
    b1row = b1.reshape(1, D)
    burow = bu.reshape(1, D)
    pn = (p / jnp.linalg.norm(p)).reshape(D, 1)

    h0s = _scaled_mm(x_pad, W0, dinv_p)
    p0, p1 = _spmv(h0s, rows_sc, cols_sc, zeros_h)
    x1, score = _x1_score(dinv_p, dlw_p, p0, p1, h0s, b0row, pn)

    u_pad = _topk_mask(score[:, 0])
    u = u_pad[:N]
    score1d = score[:N, 0]

    s1 = (1.0 - cnt_self) * u + _scal_spmv(u_pad, rows_sc, cols_sc,
                                           zeros2)[:N]
    s1_pad = jnp.pad(s1, (0, NPAD - N))
    s2 = (1.0 - cnt_self) * s1 + _scal_spmv(s1_pad, rows_sc, cols_sc,
                                            zeros2)[:N]
    deg1 = s2 - d2 * u + 2.0
    dinv1m = jnp.where(u > 0, 1.0 / jnp.sqrt(deg1), 0.0)

    sc1 = _pad1(dinv1m * score1d)
    y = _scaled_mm(x1, W1, sc1)
    t0a, t0b = _spmv(y, rows_sc, cols_sc, zeros_h)
    a_p = _pad1(1.0 - cnt_self, fill=1.0)
    t1 = _t1_combine(a_p, y, t0a, t0b)
    q0, q1 = _spmv(t1, rows_sc, cols_sc, zeros_h)
    x3 = _x3_combine(a_p, _pad1(d2), _pad1(dinv1m), _pad1(u), b1row,
                     t1, q0, q1, y, x1)

    hus = _scaled_mm(x3, Wu, dinv_p)
    r0, r1 = _spmv(hus, rows_sc, cols_sc, zeros_h)
    out = _out_combine(dinv_p, dlw_p, r0, r1, hus, burow)
    return out[:N]

# --- scband reference (transcript-rebuilt; emitter-appended) ---
"""Pipeline reference for scband-graph-unet-42786464203097 (READ-ONLY COPY).

The authoritative reference and input builder live on the scoring server;
editing this copy changes nothing except your own understanding.
"""

import jax, jax.numpy as jnp
import numpy as np
import math

N_NODES = 10000
N_EDGES = 160000
D = 128
RATIO = 0.5

def _augment_adj_np(row, col, w, n):
    # remove self loops, add self loops (w=1), then A @ A, remove self loops
    m = row != col
    A = jnp.zeros((n, n), jnp.float32).at[row, col].add(jnp.where(m, w, 0.0))
    diag = jnp.arange(n)
    A = A.at[diag, diag].add(1.0)
    A2 = jnp.matmul(A, A, precision=jax.lax.Precision.HIGHEST)
    A2 = A2.at[diag, diag].set(0.0)
    return A2

def _filter_adj_np(A2, perm):
    return A2[perm][:, perm]

def _gcn_norm_np(row, col, w, n, fill):
    # add_remaining_self_loops semantics: nodes with an existing self loop get a 0-weight extra loop
    sl = row == col
    cnt = jnp.zeros((n,), jnp.int32).at[row].add(sl.astype(jnp.int32))
    loop_w = jnp.where(cnt > 0, 0.0, fill).astype(jnp.float32)
    r = jnp.concatenate([row, jnp.arange(n, dtype=row.dtype)])
    c = jnp.concatenate([col, jnp.arange(n, dtype=col.dtype)])
    ww = jnp.concatenate([w.astype(jnp.float32), loop_w])
    deg = jax.ops.segment_sum(ww, c, num_segments=n)
    dinv = 1.0 / jnp.sqrt(deg)
    dinv = jnp.where(jnp.isfinite(dinv), dinv, 0.0)
    norm = dinv[r] * ww * dinv[c]
    return r, c, norm

def _gcn_apply(x, W, b, r, c, norm, n):
    h = x @ W
    msg = h[r] * norm[:, None]
    return jax.ops.segment_sum(msg, c, num_segments=n) + b

def setup_inputs(seed: int = 0):
    key = jax.random.key(seed)
    ks = jax.random.split(key, 9)
    s = 1.0 / math.sqrt(D)
    x = jax.random.normal(ks[0], (N_NODES, D), jnp.float32)
    edge_index = jax.random.randint(ks[1], (2, N_EDGES), 0, N_NODES, dtype=jnp.int32)
    W0 = jax.random.normal(ks[2], (D, D), jnp.float32) * s
    b0 = jnp.zeros((D,), jnp.float32)
    W1 = jax.random.normal(ks[3], (D, D), jnp.float32) * s
    b1 = jnp.zeros((D,), jnp.float32)
    p = jax.random.normal(ks[4], (D,), jnp.float32) * s
    Wu = jax.random.normal(ks[5], (D, D), jnp.float32) * s
    bu = jnp.zeros((D,), jnp.float32)
    return {"x": x, "edge_index": edge_index, "W0": W0, "b0": b0, "W1": W1, "b1": b1, "p": p, "Wu": Wu, "bu": bu}

def reference(x, edge_index, W0, b0, W1, b1, p, Wu, bu):
    row, col = edge_index[0], edge_index[1]
    w = jnp.ones((row.shape[0],), jnp.float32)
    # level-0 GCN (improved: self-loop fill 2.0)
    r0, c0, n0 = _gcn_norm_np(row, col, w, N_NODES, 2.0)
    x1 = jax.nn.relu(_gcn_apply(x, W0, b0, r0, c0, n0, N_NODES))
    # augment adjacency: remove self loops, add self loops (w=1), A @ A, remove self loops
    A2 = _augment_adj_np(row, col, w, N_NODES)
    # TopKPooling: score = tanh(x.p / ||p||), keep top ceil(ratio*N)
    score = jnp.tanh((x1 @ p) / jnp.linalg.norm(p))
    k = int(math.ceil(RATIO * N_NODES))
    _, perm = jax.lax.top_k(score, k)
    sel = score[perm]
    xp = x1[perm] * sel[:, None]
    B = _filter_adj_np(A2, perm)
    # level-1 GCN on pooled graph (pooled graph has no self loops, so all loop weights are 2.0)
    deg1 = jnp.sum(B, axis=0) + 2.0
    dinv1 = 1.0 / jnp.sqrt(deg1)
    dinv1 = jnp.where(jnp.isfinite(dinv1), dinv1, 0.0)
    NormOff = (dinv1[:, None] * B) * dinv1[None, :]
    h = xp @ W1
    order = jnp.argsort(perm)
    def body(i, acc):
        r = order[i]
        return acc + NormOff[r][:, None] * h[r][None, :]
    agg = jax.lax.fori_loop(0, k, body, jnp.zeros((k, D), jnp.float32))
    loop_norm = (dinv1 * 2.0) * dinv1
    x2 = jax.nn.relu(agg + loop_norm[:, None] * h + b1)
    # unpool + skip (sum_res) and final up conv (no act at last layer)
    up = jnp.zeros_like(x1).at[perm].set(x2)
    x3 = x1 + up
    out = _gcn_apply(x3, Wu, bu, r0, c0, n0, N_NODES)
    return out

if __name__ == "__main__":
    import jax
    _d = setup_inputs()
    print(jax.jit(kernel)(*tuple(_d.values())))

</pallas_src>

<mosaic_0001>
#map = affine_map<(d0, d1) -> (0, 0, 0, 0)>
#map1 = affine_map<(d0, d1) -> (0, 0, 0)>
#map2 = affine_map<(d0, d1) -> (0, 0)>
module attributes {stable_mosaic.version = 14 : i64} {
  func.func @_edge_scat_sc(%arg0: i32, %arg1: i32, %arg2: memref<32x40x128x8xf32, #tpu.memory_space<hbm>>, %arg3: memref<32x40x128xi32, #tpu.memory_space<hbm>>, %arg4: memref<10240x8xf32, #tpu.memory_space<hbm>>, %arg5: memref<20480x8xf32, #tpu.memory_space<hbm>>, %arg6: memref<40x128xi32, #tpu.memory_space<vmem>>, %arg7: memref<128x8xf32, #tpu.memory_space<vmem>>, %arg8: memref<128x8xf32, #tpu.memory_space<vmem>>, %arg9: memref<10240x8xf32, #tpu.memory_space<vmem_shared>>, %arg10: memref<!tpu.dma_semaphore, #tpu.memory_space<semaphore_mem>>, %arg11: memref<!tpu.dma_semaphore, #tpu.memory_space<semaphore_mem>>) attributes {dimension_semantics = [#tpu.dimension_semantics<core_parallel>, #tpu.dimension_semantics<subcore_parallel>], iteration_bounds = array<i64: 2, 16>, scalar_prefetch = 0 : i64, scratch_operands = 6 : i64, tpu.core_type = #tpu.core_type<sc_vector_subcore>, window_params = [{transform_indices = #map}, {transform_indices = #map1}, {transform_indices = #map2}, {transform_indices = #map2}]} {
    %mul3A = arith.constant 2 : i32
    %mul3A_0 = arith.muli %arg1, %mul3A : i32
    %add3A = arith.addi %mul3A_0, %arg0 : i32
    "tpu.region"() ({
      %run_scoped3A = tpu.sem_alloc : memref<!tpu.dma_semaphore, #tpu.memory_space<semaphore_mem>>
      %dma_start3A_26 = arith.constant 0 : i32
      %dma_start3A_27 = arith.constant 0 : i32
      %dma_start3A_28 = tpu.memref_slice %arg3[%add3A, %dma_start3A_26, %dma_start3A_27] : memref<32x40x128xi32, #tpu.memory_space<hbm>> -> memref<1x40x128xi32, #tpu.memory_space<hbm>>
      %dma_start3A_29 = tpu.memref_squeeze %dma_start3A_28 : memref<1x40x128xi32, #tpu.memory_space<hbm>> -> memref<40x128xi32, #tpu.memory_space<hbm>>
      %dma_start3A_30 = arith.constant 0 : i32
      %dma_start3A_31 = arith.constant 0 : i32
      %dma_start3A_32 = tpu.memref_slice %arg3[%add3A, %dma_start3A_30, %dma_start3A_31] : memref<32x40x128xi32, #tpu.memory_space<hbm>> -> memref<1x40x128xi32, #tpu.memory_space<hbm>>
      %dma_start3A_33 = tpu.memref_squeeze %dma_start3A_32 : memref<1x40x128xi32, #tpu.memory_space<hbm>> -> memref<40x128xi32, #tpu.memory_space<hbm>>
      tpu.enqueue_dma source(%dma_start3A_33 : memref<40x128xi32, #tpu.memory_space<hbm>>) target(%arg6 : memref<40x128xi32, #tpu.memory_space<vmem>>) target_semaphore(%run_scoped3A : memref<!tpu.dma_semaphore, #tpu.memory_space<semaphore_mem>>)
      %dma_wait3A = arith.constant 0 : i32
      %dma_wait3A_34 = arith.constant 0 : i32
      %dma_wait3A_35 = tpu.memref_slice %arg3[%add3A, %dma_wait3A, %dma_wait3A_34] : memref<32x40x128xi32, #tpu.memory_space<hbm>> -> memref<1x40x128xi32, #tpu.memory_space<hbm>>
      %dma_wait3A_36 = tpu.memref_squeeze %dma_wait3A_35 : memref<1x40x128xi32, #tpu.memory_space<hbm>> -> memref<40x128xi32, #tpu.memory_space<hbm>>
      %dma_wait3A_37 = arith.constant 0 : i32
      %dma_wait3A_38 = arith.constant 0 : i32
      %dma_wait3A_39 = tpu.memref_slice %arg3[%add3A, %dma_wait3A_37, %dma_wait3A_38] : memref<32x40x128xi32, #tpu.memory_space<hbm>> -> memref<1x40x128xi32, #tpu.memory_space<hbm>>
      %dma_wait3A_40 = tpu.memref_squeeze %dma_wait3A_39 : memref<1x40x128xi32, #tpu.memory_space<hbm>> -> memref<40x128xi32, #tpu.memory_space<hbm>>
      tpu.wait_dma2 semaphore(%run_scoped3A : memref<!tpu.dma_semaphore, #tpu.memory_space<semaphore_mem>>) src(%dma_wait3A_40 : memref<40x128xi32, #tpu.memory_space<hbm>>) dst(%arg6 : memref<40x128xi32, #tpu.memory_space<vmem>>)
      tpu.yield
    }) : () -> ()
    %mul3A_1 = arith.constant 640 : i32
    %mul3A_2 = arith.muli %arg1, %mul3A_1 : i32
    %mul3A_3 = arith.constant 640 : i32
    %mul3A_4 = arith.muli %arg1, %mul3A_3 : i32
    "tpu.region"() ({
      %run_scoped3A = tpu.sem_alloc : memref<!tpu.dma_semaphore, #tpu.memory_space<semaphore_mem>>
      %dma_start3A_26 = arith.constant 0 : i32
      %dma_start3A_27 = tpu.memref_slice %arg9[%mul3A_4, %dma_start3A_26] : memref<10240x8xf32, #tpu.memory_space<vmem_shared>> -> memref<640x8xf32, #tpu.memory_space<vmem_shared>>
      %dma_start3A_28 = arith.constant 0 : i32
      %dma_start3A_29 = tpu.memref_slice %arg4[%mul3A_2, %dma_start3A_28] : memref<10240x8xf32, #tpu.memory_space<hbm>> -> memref<640x8xf32, #tpu.memory_space<hbm>>
      tpu.enqueue_dma source(%dma_start3A_29 : memref<640x8xf32, #tpu.memory_space<hbm>>) target(%dma_start3A_27 : memref<640x8xf32, #tpu.memory_space<vmem_shared>>) target_semaphore(%run_scoped3A : memref<!tpu.dma_semaphore, #tpu.memory_space<semaphore_mem>>)
      %dma_wait3A = arith.constant 0 : i32
      %dma_wait3A_30 = tpu.memref_slice %arg9[%mul3A_4, %dma_wait3A] : memref<10240x8xf32, #tpu.memory_space<vmem_shared>> -> memref<640x8xf32, #tpu.memory_space<vmem_shared>>
      %dma_wait3A_31 = arith.constant 0 : i32
      %dma_wait3A_32 = tpu.memref_slice %arg4[%mul3A_2, %dma_wait3A_31] : memref<10240x8xf32, #tpu.memory_space<hbm>> -> memref<640x8xf32, #tpu.memory_space<hbm>>
      tpu.wait_dma2 semaphore(%run_scoped3A : memref<!tpu.dma_semaphore, #tpu.memory_space<semaphore_mem>>) src(%dma_wait3A_32 : memref<640x8xf32, #tpu.memory_space<hbm>>) dst(%dma_wait3A_30 : memref<640x8xf32, #tpu.memory_space<vmem_shared>>)
      tpu.yield
    }) : () -> ()
    %barrier3A = arith.constant 0 : index
    tpu.barrier barrier_id(%barrier3A)
    %dma_start3A = arith.constant 0 : i32
    %dma_start3A_5 = arith.constant 0 : i32
    %dma_start3A_6 = arith.constant 0 : i32
    %dma_start3A_7 = tpu.memref_slice %arg2[%add3A, %dma_start3A, %dma_start3A_5, %dma_start3A_6] : memref<32x40x128x8xf32, #tpu.memory_space<hbm>> -> memref<1x1x128x8xf32, #tpu.memory_space<hbm>>
    %dma_start3A_8 = tpu.memref_squeeze %dma_start3A_7 : memref<1x1x128x8xf32, #tpu.memory_space<hbm>> -> memref<128x8xf32, #tpu.memory_space<hbm>>
    %dma_start3A_9 = arith.constant 0 : i32
    %dma_start3A_10 = arith.constant 0 : i32
    %dma_start3A_11 = tpu.memref_slice %arg2[%add3A, %dma_start3A, %dma_start3A_9, %dma_start3A_10] : memref<32x40x128x8xf32, #tpu.memory_space<hbm>> -> memref<1x1x128x8xf32, #tpu.memory_space<hbm>>
    %dma_start3A_12 = tpu.memref_squeeze %dma_start3A_11 : memref<1x1x128x8xf32, #tpu.memory_space<hbm>> -> memref<128x8xf32, #tpu.memory_space<hbm>>
    tpu.enqueue_dma source(%dma_start3A_12 : memref<128x8xf32, #tpu.memory_space<hbm>>) target(%arg7 : memref<128x8xf32, #tpu.memory_space<vmem>>) target_semaphore(%arg10 : memref<!tpu.dma_semaphore, #tpu.memory_space<semaphore_mem>>)
    %scan3A = arith.constant 0 : i32
    %scan3A_13 = arith.constant 0 : i32
    %scan3A_14 = arith.constant 20 : i32
    %scan3A_15 = arith.addi %scan3A_13, %scan3A_14 : i32
    %scan3A_16 = arith.constant 1 : i32
    scf.for %scan3A_26 = %scan3A_13 to %scan3A_15 step %scan3A_16  : i32 {
      %mul3A_27 = arith.constant 2 : i32
      %mul3A_28 = arith.muli %mul3A_27, %scan3A_26 : i32
      %add3A_29 = arith.constant 1 : i32
      %add3A_30 = arith.addi %mul3A_28, %add3A_29 : i32
      %dma_start3A_31 = arith.constant 0 : i32
      %dma_start3A_32 = arith.constant 0 : i32
      %dma_start3A_33 = tpu.memref_slice %arg2[%add3A, %add3A_30, %dma_start3A_31, %dma_start3A_32] : memref<32x40x128x8xf32, #tpu.memory_space<hbm>> -> memref<1x1x128x8xf32, #tpu.memory_space<hbm>>
      %dma_start3A_34 = tpu.memref_squeeze %dma_start3A_33 : memref<1x1x128x8xf32, #tpu.memory_space<hbm>> -> memref<128x8xf32, #tpu.memory_space<hbm>>
      %dma_start3A_35 = arith.constant 0 : i32
      %dma_start3A_36 = arith.constant 0 : i32
      %dma_start3A_37 = tpu.memref_slice %arg2[%add3A, %add3A_30, %dma_start3A_35, %dma_start3A_36] : memref<32x40x128x8xf32, #tpu.memory_space<hbm>> -> memref<1x1x128x8xf32, #tpu.memory_space<hbm>>
      %dma_start3A_38 = tpu.memref_squeeze %dma_start3A_37 : memref<1x1x128x8xf32, #tpu.memory_space<hbm>> -> memref<128x8xf32, #tpu.memory_space<hbm>>
      tpu.enqueue_dma source(%dma_start3A_38 : memref<128x8xf32, #tpu.memory_space<hbm>>) target(%arg8 : memref<128x8xf32, #tpu.memory_space<vmem>>) target_semaphore(%arg11 : memref<!tpu.dma_semaphore, #tpu.memory_space<semaphore_mem>>)
      %dma_wait3A = arith.constant 0 : i32
      %dma_wait3A_39 = arith.constant 0 : i32
      %dma_wait3A_40 = tpu.memref_slice %arg2[%add3A, %mul3A_28, %dma_wait3A, %dma_wait3A_39] : memref<32x40x128x8xf32, #tpu.memory_space<hbm>> -> memref<1x1x128x8xf32, #tpu.memory_space<hbm>>
      %dma_wait3A_41 = tpu.memref_squeeze %dma_wait3A_40 : memref<1x1x128x8xf32, #tpu.memory_space<hbm>> -> memref<128x8xf32, #tpu.memory_space<hbm>>
      %dma_wait3A_42 = arith.constant 0 : i32
      %dma_wait3A_43 = arith.constant 0 : i32
      %dma_wait3A_44 = tpu.memref_slice %arg2[%add3A, %mul3A_28, %dma_wait3A_42, %dma_wait3A_43] : memref<32x40x128x8xf32, #tpu.memory_space<hbm>> -> memref<1x1x128x8xf32, #tpu.memory_space<hbm>>
      %dma_wait3A_45 = tpu.memref_squeeze %dma_wait3A_44 : memref<1x1x128x8xf32, #tpu.memory_space<hbm>> -> memref<128x8xf32, #tpu.memory_space<hbm>>
      tpu.wait_dma2 semaphore(%arg10 : memref<!tpu.dma_semaphore, #tpu.memory_space<semaphore_mem>>) src(%dma_wait3A_45 : memref<128x8xf32, #tpu.memory_space<hbm>>) dst(%arg7 : memref<128x8xf32, #tpu.memory_space<vmem>>)
      "tpu.region"() ({
        %run_scoped3A = tpu.sem_alloc : memref<!tpu.dma_semaphore, #tpu.memory_space<semaphore_mem>>
        %dma_start3A_60 = arith.constant 0 : i32
        %dma_start3A_61 = tpu.memref_slice %arg6[%mul3A_28, %dma_start3A_60] : memref<40x128xi32, #tpu.memory_space<vmem>> -> memref<1x128xi32, #tpu.memory_space<vmem>>
        %dma_start3A_62 = tpu.memref_squeeze %dma_start3A_61 : memref<1x128xi32, #tpu.memory_space<vmem>> -> memref<128xi32, #tpu.memory_space<vmem>>
        %dma_start3A_63 = arith.constant 0 : i32
        %dma_start3A_64 = arith.constant 0 : i32
        %dma_start3A_65 = tpu.memref_slice %arg9[%dma_start3A_63, %dma_start3A_64] : memref<10240x8xf32, #tpu.memory_space<vmem_shared>> -> memref<10240x8xf32, #tpu.memory_space<vmem_shared>>
        tpu.enqueue_indirect_dma source(%arg7 : memref<128x8xf32, #tpu.memory_space<vmem>>) target(%dma_start3A_65 : memref<10240x8xf32, #tpu.memory_space<vmem_shared>>) offsets(%dma_start3A_62 : memref<128xi32, #tpu.memory_space<vmem>>) semaphore(%run_scoped3A : memref<!tpu.dma_semaphore, #tpu.memory_space<semaphore_mem>>) {add = true}
        %dma_wait3A_66 = arith.constant 0 : i32
        %dma_wait3A_67 = tpu.memref_slice %arg6[%mul3A_28, %dma_wait3A_66] : memref<40x128xi32, #tpu.memory_space<vmem>> -> memref<1x128xi32, #tpu.memory_space<vmem>>
        %dma_wait3A_68 = tpu.memref_squeeze %dma_wait3A_67 : memref<1x128xi32, #tpu.memory_space<vmem>> -> memref<128xi32, #tpu.memory_space<vmem>>
        %dma_wait3A_69 = arith.constant 0 : i32
        %dma_wait3A_70 = arith.constant 0 : i32
        %dma_wait3A_71 = tpu.memref_slice %arg9[%dma_wait3A_69, %dma_wait3A_70] : memref<10240x8xf32, #tpu.memory_space<vmem_shared>> -> memref<10240x8xf32, #tpu.memory_space<vmem_shared>>
        tpu.wait_indirect_dma semaphore(%run_scoped3A : memref<!tpu.dma_semaphore, #tpu.memory_space<semaphore_mem>>) src(%arg7 : memref<128x8xf32, #tpu.memory_space<vmem>>) dst(%dma_wait3A_71 : memref<10240x8xf32, #tpu.memory_space<vmem_shared>>)
        tpu.yield
      }) : () -> ()
      %lt3A = arith.constant 19 : i32
      %lt3A_46 = arith.cmpi slt, %scan3A_26, %lt3A : i32
      %convert_element_type3A = arith.extui %lt3A_46 : i1 to i32
      %cond3A = arith.constant 0 : i32
      %cond3A_47 = arith.cmpi ne, %convert_element_type3A, %cond3A : i32
      scf.if %cond3A_47 {
        %add3A_60 = arith.constant 2 : i32
        %add3A_61 = arith.addi %mul3A_28, %add3A_60 : i32
        %dma_start3A_62 = arith.constant 0 : i32
        %dma_start3A_63 = arith.constant 0 : i32
        %dma_start3A_64 = tpu.memref_slice %arg2[%add3A, %add3A_61, %dma_start3A_62, %dma_start3A_63] : memref<32x40x128x8xf32, #tpu.memory_space<hbm>> -> memref<1x1x128x8xf32, #tpu.memory_space<hbm>>
        %dma_start3A_65 = tpu.memref_squeeze %dma_start3A_64 : memref<1x1x128x8xf32, #tpu.memory_space<hbm>> -> memref<128x8xf32, #tpu.memory_space<hbm>>
        %dma_start3A_66 = arith.constant 0 : i32
        %dma_start3A_67 = arith.constant 0 : i32
        %dma_start3A_68 = tpu.memref_slice %arg2[%add3A, %add3A_61, %dma_start3A_66, %dma_start3A_67] : memref<32x40x128x8xf32, #tpu.memory_space<hbm>> -> memref<1x1x128x8xf32, #tpu.memory_space<hbm>>
        %dma_start3A_69 = tpu.memref_squeeze %dma_start3A_68 : memref<1x1x128x8xf32, #tpu.memory_space<hbm>> -> memref<128x8xf32, #tpu.memory_space<hbm>>
        tpu.enqueue_dma source(%dma_start3A_69 : memref<128x8xf32, #tpu.memory_space<hbm>>) target(%arg7 : memref<128x8xf32, #tpu.memory_space<vmem>>) target_semaphore(%arg10 : memref<!tpu.dma_semaphore, #tpu.memory_space<semaphore_mem>>)
      } else {
      }
      %add3A_48 = arith.constant 1 : i32
      %add3A_49 = arith.addi %mul3A_28, %add3A_48 : i32
      %dma_wait3A_50 = arith.constant 0 : i32
      %dma_wait3A_51 = arith.constant 0 : i32
      %dma_wait3A_52 = tpu.memref_slice %arg2[%add3A, %add3A_49, %dma_wait3A_50, %dma_wait3A_51] : memref<32x40x128x8xf32, #tpu.memory_space<hbm>> -> memref<1x1x128x8xf32, #tpu.memory_space<hbm>>
      %dma_wait3A_53 = tpu.memref_squeeze %dma_wait3A_52 : memref<1x1x128x8xf32, #tpu.memory_space<hbm>> -> memref<128x8xf32, #tpu.memory_space<hbm>>
      %dma_wait3A_54 = arith.constant 0 : i32
      %dma_wait3A_55 = arith.constant 0 : i32
      %dma_wait3A_56 = tpu.memref_slice %arg2[%add3A, %add3A_49, %dma_wait3A_54, %dma_wait3A_55] : memref<32x40x128x8xf32, #tpu.memory_space<hbm>> -> memref<1x1x128x8xf32, #tpu.memory_space<hbm>>
      %dma_wait3A_57 = tpu.memref_squeeze %dma_wait3A_56 : memref<1x1x128x8xf32, #tpu.memory_space<hbm>> -> memref<128x8xf32, #tpu.memory_space<hbm>>
      tpu.wait_dma2 semaphore(%arg11 : memref<!tpu.dma_semaphore, #tpu.memory_space<semaphore_mem>>) src(%dma_wait3A_57 : memref<128x8xf32, #tpu.memory_space<hbm>>) dst(%arg8 : memref<128x8xf32, #tpu.memory_space<vmem>>)
      %add3A_58 = arith.constant 1 : i32
      %add3A_59 = arith.addi %mul3A_28, %add3A_58 : i32
      "tpu.region"() ({
        %run_scoped3A = tpu.sem_alloc : memref<!tpu.dma_semaphore, #tpu.memory_space<semaphore_mem>>
        %dma_start3A_60 = arith.constant 0 : i32
        %dma_start3A_61 = tpu.memref_slice %arg6[%add3A_59, %dma_start3A_60] : memref<40x128xi32, #tpu.memory_space<vmem>> -> memref<1x128xi32, #tpu.memory_space<vmem>>
        %dma_start3A_62 = tpu.memref_squeeze %dma_start3A_61 : memref<1x128xi32, #tpu.memory_space<vmem>> -> memref<128xi32, #tpu.memory_space<vmem>>
        %dma_start3A_63 = arith.constant 0 : i32
        %dma_start3A_64 = arith.constant 0 : i32
        %dma_start3A_65 = tpu.memref_slice %arg9[%dma_start3A_63, %dma_start3A_64] : memref<10240x8xf32, #tpu.memory_space<vmem_shared>> -> memref<10240x8xf32, #tpu.memory_space<vmem_shared>>
        tpu.enqueue_indirect_dma source(%arg8 : memref<128x8xf32, #tpu.memory_space<vmem>>) target(%dma_start3A_65 : memref<10240x8xf32, #tpu.memory_space<vmem_shared>>) offsets(%dma_start3A_62 : memref<128xi32, #tpu.memory_space<vmem>>) semaphore(%run_scoped3A : memref<!tpu.dma_semaphore, #tpu.memory_space<semaphore_mem>>) {add = true}
        %dma_wait3A_66 = arith.constant 0 : i32
        %dma_wait3A_67 = tpu.memref_slice %arg6[%add3A_59, %dma_wait3A_66] : memref<40x128xi32, #tpu.memory_space<vmem>> -> memref<1x128xi32, #tpu.memory_space<vmem>>
        %dma_wait3A_68 = tpu.memref_squeeze %dma_wait3A_67 : memref<1x128xi32, #tpu.memory_space<vmem>> -> memref<128xi32, #tpu.memory_space<vmem>>
        %dma_wait3A_69 = arith.constant 0 : i32
        %dma_wait3A_70 = arith.constant 0 : i32
        %dma_wait3A_71 = tpu.memref_slice %arg9[%dma_wait3A_69, %dma_wait3A_70] : memref<10240x8xf32, #tpu.memory_space<vmem_shared>> -> memref<10240x8xf32, #tpu.memory_space<vmem_shared>>
        tpu.wait_indirect_dma semaphore(%run_scoped3A : memref<!tpu.dma_semaphore, #tpu.memory_space<semaphore_mem>>) src(%arg8 : memref<128x8xf32, #tpu.memory_space<vmem>>) dst(%dma_wait3A_71 : memref<10240x8xf32, #tpu.memory_space<vmem_shared>>)
        tpu.yield
      }) : () -> ()
    }
    %scan3A_17 = arith.constant 20 : i32
    %barrier3A_18 = arith.constant 0 : index
    tpu.barrier barrier_id(%barrier3A_18)
    %mul3A_19 = arith.constant 640 : i32
    %mul3A_20 = arith.muli %arg1, %mul3A_19 : i32
    %mul3A_21 = arith.constant 10240 : i32
    %mul3A_22 = arith.muli %arg0, %mul3A_21 : i32
    %mul3A_23 = arith.constant 640 : i32
    %mul3A_24 = arith.muli %arg1, %mul3A_23 : i32
    %add3A_25 = arith.addi %mul3A_22, %mul3A_24 : i32
    "tpu.region"() ({
      %run_scoped3A = tpu.sem_alloc : memref<!tpu.dma_semaphore, #tpu.memory_space<semaphore_mem>>
      %dma_start3A_26 = arith.constant 0 : i32
      %dma_start3A_27 = tpu.memref_slice %arg5[%add3A_25, %dma_start3A_26] : memref<20480x8xf32, #tpu.memory_space<hbm>> -> memref<640x8xf32, #tpu.memory_space<hbm>>
      %dma_start3A_28 = arith.constant 0 : i32
      %dma_start3A_29 = tpu.memref_slice %arg9[%mul3A_20, %dma_start3A_28] : memref<10240x8xf32, #tpu.memory_space<vmem_shared>> -> memref<640x8xf32, #tpu.memory_space<vmem_shared>>
      tpu.enqueue_dma source(%dma_start3A_29 : memref<640x8xf32, #tpu.memory_space<vmem_shared>>) target(%dma_start3A_27 : memref<640x8xf32, #tpu.memory_space<hbm>>) target_semaphore(%run_scoped3A : memref<!tpu.dma_semaphore, #tpu.memory_space<semaphore_mem>>)
      %dma_wait3A = arith.constant 0 : i32
      %dma_wait3A_30 = tpu.memref_slice %arg5[%add3A_25, %dma_wait3A] : memref<20480x8xf32, #tpu.memory_space<hbm>> -> memref<640x8xf32, #tpu.memory_space<hbm>>
      %dma_wait3A_31 = arith.constant 0 : i32
      %dma_wait3A_32 = tpu.memref_slice %arg9[%mul3A_20, %dma_wait3A_31] : memref<10240x8xf32, #tpu.memory_space<vmem_shared>> -> memref<640x8xf32, #tpu.memory_space<vmem_shared>>
      tpu.wait_dma2 semaphore(%run_scoped3A : memref<!tpu.dma_semaphore, #tpu.memory_space<semaphore_mem>>) src(%dma_wait3A_32 : memref<640x8xf32, #tpu.memory_space<vmem_shared>>) dst(%dma_wait3A_30 : memref<640x8xf32, #tpu.memory_space<hbm>>)
      tpu.yield
    }) : () -> ()
    return
  }
}

#map = affine_map<(d0, d1) -> (0, 0, 0, 0)>
#map1 = affine_map<(d0, d1) -> (0, 0, 0)>
#map2 = affine_map<(d0, d1) -> (0, 0)>
module attributes {stable_mosaic.version = 14 : i64} {
  func.func @_edge_scat_sc(%arg0: i32, %arg1: i32, %arg2: memref<32x40x128x8xf32, #tpu.memory_space<hbm>>, %arg3: memref<32x40x128xi32, #tpu.memory_space<hbm>>, %arg4: memref<10240x8xf32, #tpu.memory_space<hbm>>, %arg5: memref<20480x8xf32, #tpu.memory_space<hbm>>, %arg6: memref<40x128xi32, #tpu.memory_space<vmem>>, %arg7: memref<128x8xf32, #tpu.memory_space<vmem>>, %arg8: memref<128x8xf32, #tpu.memory_space<vmem>>, %arg9: memref<10240x8xf32, #tpu.memory_space<vmem_shared>>, %arg10: memref<!tpu.dma_semaphore, #tpu.memory_space<semaphore_mem>>, %arg11: memref<!tpu.dma_semaphore, #tpu.memory_space<semaphore_mem>>) attributes {dimension_semantics = [#tpu.dimension_semantics<core_parallel>, #tpu.dimension_semantics<subcore_parallel>], iteration_bounds = array<i64: 2, 16>, scalar_prefetch = 0 : i64, scratch_operands = 6 : i64, tpu.core_type = #tpu.core_type<sc_vector_subcore>, window_params = [{transform_indices = #map}, {transform_indices = #map1}, {transform_indices = #map2}, {transform_indices = #map2}]} {
    %mul3A = arith.constant 2 : i32
    %mul3A_0 = arith.muli %arg1, %mul3A : i32
    %add3A = arith.addi %mul3A_0, %arg0 : i32
    "tpu.region"() ({
      %run_scoped3A = tpu.sem_alloc : memref<!tpu.dma_semaphore, #tpu.memory_space<semaphore_mem>>
      %dma_start3A_26 = arith.constant 0 : i32
      %dma_start3A_27 = arith.constant 0 : i32
      %dma_start3A_28 = tpu.memref_slice %arg3[%add3A, %dma_start3A_26, %dma_start3A_27] : memref<32x40x128xi32, #tpu.memory_space<hbm>> -> memref<1x40x128xi32, #tpu.memory_space<hbm>>
      %dma_start3A_29 = tpu.memref_squeeze %dma_start3A_28 : memref<1x40x128xi32, #tpu.memory_space<hbm>> -> memref<40x128xi32, #tpu.memory_space<hbm>>
      %dma_start3A_30 = arith.constant 0 : i32
      %dma_start3A_31 = arith.constant 0 : i32
      %dma_start3A_32 = tpu.memref_slice %arg3[%add3A, %dma_start3A_30, %dma_start3A_31] : memref<32x40x128xi32, #tpu.memory_space<hbm>> -> memref<1x40x128xi32, #tpu.memory_space<hbm>>
      %dma_start3A_33 = tpu.memref_squeeze %dma_start3A_32 : memref<1x40x128xi32, #tpu.memory_space<hbm>> -> memref<40x128xi32, #tpu.memory_space<hbm>>
      tpu.enqueue_dma source(%dma_start3A_33 : memref<40x128xi32, #tpu.memory_space<hbm>>) target(%arg6 : memref<40x128xi32, #tpu.memory_space<vmem>>) target_semaphore(%run_scoped3A : memref<!tpu.dma_semaphore, #tpu.memory_space<semaphore_mem>>)
      %dma_wait3A = arith.constant 0 : i32
      %dma_wait3A_34 = arith.constant 0 : i32
      %dma_wait3A_35 = tpu.memref_slice %arg3[%add3A, %dma_wait3A, %dma_wait3A_34] : memref<32x40x128xi32, #tpu.memory_space<hbm>> -> memref<1x40x128xi32, #tpu.memory_space<hbm>>
      %dma_wait3A_36 = tpu.memref_squeeze %dma_wait3A_35 : memref<1x40x128xi32, #tpu.memory_space<hbm>> -> memref<40x128xi32, #tpu.memory_space<hbm>>
      %dma_wait3A_37 = arith.constant 0 : i32
      %dma_wait3A_38 = arith.constant 0 : i32
      %dma_wait3A_39 = tpu.memref_slice %arg3[%add3A, %dma_wait3A_37, %dma_wait3A_38] : memref<32x40x128xi32, #tpu.memory_space<hbm>> -> memref<1x40x128xi32, #tpu.memory_space<hbm>>
      %dma_wait3A_40 = tpu.memref_squeeze %dma_wait3A_39 : memref<1x40x128xi32, #tpu.memory_space<hbm>> -> memref<40x128xi32, #tpu.memory_space<hbm>>
      tpu.wait_dma2 semaphore(%run_scoped3A : memref<!tpu.dma_semaphore, #tpu.memory_space<semaphore_mem>>) src(%dma_wait3A_40 : memref<40x128xi32, #tpu.memory_space<hbm>>) dst(%arg6 : memref<40x128xi32, #tpu.memory_space<vmem>>)
      tpu.yield
    }) : () -> ()
    %mul3A_1 = arith.constant 640 : i32
    %mul3A_2 = arith.muli %arg1, %mul3A_1 : i32
    %mul3A_3 = arith.constant 640 : i32
    %mul3A_4 = arith.muli %arg1, %mul3A_3 : i32
    "tpu.region"() ({
      %run_scoped3A = tpu.sem_alloc : memref<!tpu.dma_semaphore, #tpu.memory_space<semaphore_mem>>
      %dma_start3A_26 = arith.constant 0 : i32
      %dma_start3A_27 = tpu.memref_slice %arg9[%mul3A_4, %dma_start3A_26] : memref<10240x8xf32, #tpu.memory_space<vmem_shared>> -> memref<640x8xf32, #tpu.memory_space<vmem_shared>>
      %dma_start3A_28 = arith.constant 0 : i32
      %dma_start3A_29 = tpu.memref_slice %arg4[%mul3A_2, %dma_start3A_28] : memref<10240x8xf32, #tpu.memory_space<hbm>> -> memref<640x8xf32, #tpu.memory_space<hbm>>
      tpu.enqueue_dma source(%dma_start3A_29 : memref<640x8xf32, #tpu.memory_space<hbm>>) target(%dma_start3A_27 : memref<640x8xf32, #tpu.memory_space<vmem_shared>>) target_semaphore(%run_scoped3A : memref<!tpu.dma_semaphore, #tpu.memory_space<semaphore_mem>>)
      %dma_wait3A = arith.constant 0 : i32
      %dma_wait3A_30 = tpu.memref_slice %arg9[%mul3A_4, %dma_wait3A] : memref<10240x8xf32, #tpu.memory_space<vmem_shared>> -> memref<640x8xf32, #tpu.memory_space<vmem_shared>>
      %dma_wait3A_31 = arith.constant 0 : i32
      %dma_wait3A_32 = tpu.memref_slice %arg4[%mul3A_2, %dma_wait3A_31] : memref<10240x8xf32, #tpu.memory_space<hbm>> -> memref<640x8xf32, #tpu.memory_space<hbm>>
      tpu.wait_dma2 semaphore(%run_scoped3A : memref<!tpu.dma_semaphore, #tpu.memory_space<semaphore_mem>>) src(%dma_wait3A_32 : memref<640x8xf32, #tpu.memory_space<hbm>>) dst(%dma_wait3A_30 : memref<640x8xf32, #tpu.memory_space<vmem_shared>>)
      tpu.yield
    }) : () -> ()
    %barrier3A = arith.constant 0 : index
    tpu.barrier barrier_id(%barrier3A)
    %dma_start3A = arith.constant 0 : i32
    %dma_start3A_5 = arith.constant 0 : i32
    %dma_start3A_6 = arith.constant 0 : i32
    %dma_start3A_7 = tpu.memref_slice %arg2[%add3A, %dma_start3A, %dma_start3A_5, %dma_start3A_6] : memref<32x40x128x8xf32, #tpu.memory_space<hbm>> -> memref<1x1x128x8xf32, #tpu.memory_space<hbm>>
    %dma_start3A_8 = tpu.memref_squeeze %dma_start3A_7 : memref<1x1x128x8xf32, #tpu.memory_space<hbm>> -> memref<128x8xf32, #tpu.memory_space<hbm>>
    %dma_start3A_9 = arith.constant 0 : i32
    %dma_start3A_10 = arith.constant 0 : i32
    %dma_start3A_11 = tpu.memref_slice %arg2[%add3A, %dma_start3A, %dma_start3A_9, %dma_start3A_10] : memref<32x40x128x8xf32, #tpu.memory_space<hbm>> -> memref<1x1x128x8xf32, #tpu.memory_space<hbm>>
    %dma_start3A_12 = tpu.memref_squeeze %dma_start3A_11 : memref<1x1x128x8xf32, #tpu.memory_space<hbm>> -> memref<128x8xf32, #tpu.memory_space<hbm>>
    tpu.enqueue_dma source(%dma_start3A_12 : memref<128x8xf32, #tpu.memory_space<hbm>>) target(%arg7 : memref<128x8xf32, #tpu.memory_space<vmem>>) target_semaphore(%arg10 : memref<!tpu.dma_semaphore, #tpu.memory_space<semaphore_mem>>)
    %scan3A = arith.constant 0 : i32
    %scan3A_13 = arith.constant 0 : i32
    %scan3A_14 = arith.constant 20 : i32
    %scan3A_15 = arith.addi %scan3A_13, %scan3A_14 : i32
    %scan3A_16 = arith.constant 1 : i32
    scf.for %scan3A_26 = %scan3A_13 to %scan3A_15 step %scan3A_16  : i32 {
      %mul3A_27 = arith.constant 2 : i32
      %mul3A_28 = arith.muli %mul3A_27, %scan3A_26 : i32
      %add3A_29 = arith.constant 1 : i32
      %add3A_30 = arith.addi %mul3A_28, %add3A_29 : i32
      %dma_start3A_31 = arith.constant 0 : i32
      %dma_start3A_32 = arith.constant 0 : i32
      %dma_start3A_33 = tpu.memref_slice %arg2[%add3A, %add3A_30, %dma_start3A_31, %dma_start3A_32] : memref<32x40x128x8xf32, #tpu.memory_space<hbm>> -> memref<1x1x128x8xf32, #tpu.memory_space<hbm>>
      %dma_start3A_34 = tpu.memref_squeeze %dma_start3A_33 : memref<1x1x128x8xf32, #tpu.memory_space<hbm>> -> memref<128x8xf32, #tpu.memory_space<hbm>>
      %dma_start3A_35 = arith.constant 0 : i32
      %dma_start3A_36 = arith.constant 0 : i32
      %dma_start3A_37 = tpu.memref_slice %arg2[%add3A, %add3A_30, %dma_start3A_35, %dma_start3A_36] : memref<32x40x128x8xf32, #tpu.memory_space<hbm>> -> memref<1x1x128x8xf32, #tpu.memory_space<hbm>>
      %dma_start3A_38 = tpu.memref_squeeze %dma_start3A_37 : memref<1x1x128x8xf32, #tpu.memory_space<hbm>> -> memref<128x8xf32, #tpu.memory_space<hbm>>
      tpu.enqueue_dma source(%dma_start3A_38 : memref<128x8xf32, #tpu.memory_space<hbm>>) target(%arg8 : memref<128x8xf32, #tpu.memory_space<vmem>>) target_semaphore(%arg11 : memref<!tpu.dma_semaphore, #tpu.memory_space<semaphore_mem>>)
      %dma_wait3A = arith.constant 0 : i32
      %dma_wait3A_39 = arith.constant 0 : i32
      %dma_wait3A_40 = tpu.memref_slice %arg2[%add3A, %mul3A_28, %dma_wait3A, %dma_wait3A_39] : memref<32x40x128x8xf32, #tpu.memory_space<hbm>> -> memref<1x1x128x8xf32, #tpu.memory_space<hbm>>
      %dma_wait3A_41 = tpu.memref_squeeze %dma_wait3A_40 : memref<1x1x128x8xf32, #tpu.memory_space<hbm>> -> memref<128x8xf32, #tpu.memory_space<hbm>>
      %dma_wait3A_42 = arith.constant 0 : i32
      %dma_wait3A_43 = arith.constant 0 : i32
      %dma_wait3A_44 = tpu.memref_slice %arg2[%add3A, %mul3A_28, %dma_wait3A_42, %dma_wait3A_43] : memref<32x40x128x8xf32, #tpu.memory_space<hbm>> -> memref<1x1x128x8xf32, #tpu.memory_space<hbm>>
      %dma_wait3A_45 = tpu.memref_squeeze %dma_wait3A_44 : memref<1x1x128x8xf32, #tpu.memory_space<hbm>> -> memref<128x8xf32, #tpu.memory_space<hbm>>
      tpu.wait_dma2 semaphore(%arg10 : memref<!tpu.dma_semaphore, #tpu.memory_space<semaphore_mem>>) src(%dma_wait3A_45 : memref<128x8xf32, #tpu.memory_space<hbm>>) dst(%arg7 : memref<128x8xf32, #tpu.memory_space<vmem>>)
      "tpu.region"() ({
        %run_scoped3A = tpu.sem_alloc : memref<!tpu.dma_semaphore, #tpu.memory_space<semaphore_mem>>
        %dma_start3A_60 = arith.constant 0 : i32
        %dma_start3A_61 = tpu.memref_slice %arg6[%mul3A_28, %dma_start3A_60] : memref<40x128xi32, #tpu.memory_space<vmem>> -> memref<1x128xi32, #tpu.memory_space<vmem>>
        %dma_start3A_62 = tpu.memref_squeeze %dma_start3A_61 : memref<1x128xi32, #tpu.memory_space<vmem>> -> memref<128xi32, #tpu.memory_space<vmem>>
        %dma_start3A_63 = arith.constant 0 : i32
        %dma_start3A_64 = arith.constant 0 : i32
        %dma_start3A_65 = tpu.memref_slice %arg9[%dma_start3A_63, %dma_start3A_64] : memref<10240x8xf32, #tpu.memory_space<vmem_shared>> -> memref<10240x8xf32, #tpu.memory_space<vmem_shared>>
        tpu.enqueue_indirect_dma source(%arg7 : memref<128x8xf32, #tpu.memory_space<vmem>>) target(%dma_start3A_65 : memref<10240x8xf32, #tpu.memory_space<vmem_shared>>) offsets(%dma_start3A_62 : memref<128xi32, #tpu.memory_space<vmem>>) semaphore(%run_scoped3A : memref<!tpu.dma_semaphore, #tpu.memory_space<semaphore_mem>>) {add = true}
        %dma_wait3A_66 = arith.constant 0 : i32
        %dma_wait3A_67 = tpu.memref_slice %arg6[%mul3A_28, %dma_wait3A_66] : memref<40x128xi32, #tpu.memory_space<vmem>> -> memref<1x128xi32, #tpu.memory_space<vmem>>
        %dma_wait3A_68 = tpu.memref_squeeze %dma_wait3A_67 : memref<1x128xi32, #tpu.memory_space<vmem>> -> memref<128xi32, #tpu.memory_space<vmem>>
        %dma_wait3A_69 = arith.constant 0 : i32
        %dma_wait3A_70 = arith.constant 0 : i32
        %dma_wait3A_71 = tpu.memref_slice %arg9[%dma_wait3A_69, %dma_wait3A_70] : memref<10240x8xf32, #tpu.memory_space<vmem_shared>> -> memref<10240x8xf32, #tpu.memory_space<vmem_shared>>
        tpu.wait_indirect_dma semaphore(%run_scoped3A : memref<!tpu.dma_semaphore, #tpu.memory_space<semaphore_mem>>) src(%arg7 : memref<128x8xf32, #tpu.memory_space<vmem>>) dst(%dma_wait3A_71 : memref<10240x8xf32, #tpu.memory_space<vmem_shared>>)
        tpu.yield
      }) : () -> ()
      %lt3A = arith.constant 19 : i32
      %lt3A_46 = arith.cmpi slt, %scan3A_26, %lt3A : i32
      %convert_element_type3A = arith.extui %lt3A_46 : i1 to i32
      %cond3A = arith.constant 0 : i32
      %cond3A_47 = arith.cmpi ne, %convert_element_type3A, %cond3A : i32
      scf.if %cond3A_47 {
        %add3A_60 = arith.constant 2 : i32
        %add3A_61 = arith.addi %mul3A_28, %add3A_60 : i32
        %dma_start3A_62 = arith.constant 0 : i32
        %dma_start3A_63 = arith.constant 0 : i32
        %dma_start3A_64 = tpu.memref_slice %arg2[%add3A, %add3A_61, %dma_start3A_62, %dma_start3A_63] : memref<32x40x128x8xf32, #tpu.memory_space<hbm>> -> memref<1x1x128x8xf32, #tpu.memory_space<hbm>>
        %dma_start3A_65 = tpu.memref_squeeze %dma_start3A_64 : memref<1x1x128x8xf32, #tpu.memory_space<hbm>> -> memref<128x8xf32, #tpu.memory_space<hbm>>
        %dma_start3A_66 = arith.constant 0 : i32
        %dma_start3A_67 = arith.constant 0 : i32
        %dma_start3A_68 = tpu.memref_slice %arg2[%add3A, %add3A_61, %dma_start3A_66, %dma_start3A_67] : memref<32x40x128x8xf32, #tpu.memory_space<hbm>> -> memref<1x1x128x8xf32, #tpu.memory_space<hbm>>
        %dma_start3A_69 = tpu.memref_squeeze %dma_start3A_68 : memref<1x1x128x8xf32, #tpu.memory_space<hbm>> -> memref<128x8xf32, #tpu.memory_space<hbm>>
        tpu.enqueue_dma source(%dma_start3A_69 : memref<128x8xf32, #tpu.memory_space<hbm>>) target(%arg7 : memref<128x8xf32, #tpu.memory_space<vmem>>) target_semaphore(%arg10 : memref<!tpu.dma_semaphore, #tpu.memory_space<semaphore_mem>>)
      } else {
      }
      %add3A_48 = arith.constant 1 : i32
      %add3A_49 = arith.addi %mul3A_28, %add3A_48 : i32
      %dma_wait3A_50 = arith.constant 0 : i32
      %dma_wait3A_51 = arith.constant 0 : i32
      %dma_wait3A_52 = tpu.memref_slice %arg2[%add3A, %add3A_49, %dma_wait3A_50, %dma_wait3A_51] : memref<32x40x128x8xf32, #tpu.memory_space<hbm>> -> memref<1x1x128x8xf32, #tpu.memory_space<hbm>>
      %dma_wait3A_53 = tpu.memref_squeeze %dma_wait3A_52 : memref<1x1x128x8xf32, #tpu.memory_space<hbm>> -> memref<128x8xf32, #tpu.memory_space<hbm>>
      %dma_wait3A_54 = arith.constant 0 : i32
      %dma_wait3A_55 = arith.constant 0 : i32
      %dma_wait3A_56 = tpu.memref_slice %arg2[%add3A, %add3A_49, %dma_wait3A_54, %dma_wait3A_55] : memref<32x40x128x8xf32, #tpu.memory_space<hbm>> -> memref<1x1x128x8xf32, #tpu.memory_space<hbm>>
      %dma_wait3A_57 = tpu.memref_squeeze %dma_wait3A_56 : memref<1x1x128x8xf32, #tpu.memory_space<hbm>> -> memref<128x8xf32, #tpu.memory_space<hbm>>
      tpu.wait_dma2 semaphore(%arg11 : memref<!tpu.dma_semaphore, #tpu.memory_space<semaphore_mem>>) src(%dma_wait3A_57 : memref<128x8xf32, #tpu.memory_space<hbm>>) dst(%arg8 : memref<128x8xf32, #tpu.memory_space<vmem>>)
      %add3A_58 = arith.constant 1 : i32
      %add3A_59 = arith.addi %mul3A_28, %add3A_58 : i32
      "tpu.region"() ({
        %run_scoped3A = tpu.sem_alloc : memref<!tpu.dma_semaphore, #tpu.memory_space<semaphore_mem>>
        %dma_start3A_60 = arith.constant 0 : i32
        %dma_start3A_61 = tpu.memref_slice %arg6[%add3A_59, %dma_start3A_60] : memref<40x128xi32, #tpu.memory_space<vmem>> -> memref<1x128xi32, #tpu.memory_space<vmem>>
        %dma_start3A_62 = tpu.memref_squeeze %dma_start3A_61 : memref<1x128xi32, #tpu.memory_space<vmem>> -> memref<128xi32, #tpu.memory_space<vmem>>
        %dma_start3A_63 = arith.constant 0 : i32
        %dma_start3A_64 = arith.constant 0 : i32
        %dma_start3A_65 = tpu.memref_slice %arg9[%dma_start3A_63, %dma_start3A_64] : memref<10240x8xf32, #tpu.memory_space<vmem_shared>> -> memref<10240x8xf32, #tpu.memory_space<vmem_shared>>
        tpu.enqueue_indirect_dma source(%arg8 : memref<128x8xf32, #tpu.memory_space<vmem>>) target(%dma_start3A_65 : memref<10240x8xf32, #tpu.memory_space<vmem_shared>>) offsets(%dma_start3A_62 : memref<128xi32, #tpu.memory_space<vmem>>) semaphore(%run_scoped3A : memref<!tpu.dma_semaphore, #tpu.memory_space<semaphore_mem>>) {add = true}
        %dma_wait3A_66 = arith.constant 0 : i32
        %dma_wait3A_67 = tpu.memref_slice %arg6[%add3A_59, %dma_wait3A_66] : memref<40x128xi32, #tpu.memory_space<vmem>> -> memref<1x128xi32, #tpu.memory_space<vmem>>
        %dma_wait3A_68 = tpu.memref_squeeze %dma_wait3A_67 : memref<1x128xi32, #tpu.memory_space<vmem>> -> memref<128xi32, #tpu.memory_space<vmem>>
        %dma_wait3A_69 = arith.constant 0 : i32
        %dma_wait3A_70 = arith.constant 0 : i32
        %dma_wait3A_71 = tpu.memref_slice %arg9[%dma_wait3A_69, %dma_wait3A_70] : memref<10240x8xf32, #tpu.memory_space<vmem_shared>> -> memref<10240x8xf32, #tpu.memory_space<vmem_shared>>
        tpu.wait_indirect_dma semaphore(%run_scoped3A : memref<!tpu.dma_semaphore, #tpu.memory_space<semaphore_mem>>) src(%arg8 : memref<128x8xf32, #tpu.memory_space<vmem>>) dst(%dma_wait3A_71 : memref<10240x8xf32, #tpu.memory_space<vmem_shared>>)
        tpu.yield
      }) : () -> ()
    }
    %scan3A_17 = arith.constant 20 : i32
    %barrier3A_18 = arith.constant 0 : index
    tpu.barrier barrier_id(%barrier3A_18)
    %mul3A_19 = arith.constant 640 : i32
    %mul3A_20 = arith.muli %arg1, %mul3A_19 : i32
    %mul3A_21 = arith.constant 10240 : i32
    %mul3A_22 = arith.muli %arg0, %mul3A_21 : i32
    %mul3A_23 = arith.constant 640 : i32
    %mul3A_24 = arith.muli %arg1, %mul3A_23 : i32
    %add3A_25 = arith.addi %mul3A_22, %mul3A_24 : i32
    "tpu.region"() ({
      %run_scoped3A = tpu.sem_alloc : memref<!tpu.dma_semaphore, #tpu.memory_space<semaphore_mem>>
      %dma_start3A_26 = arith.constant 0 : i32
      %dma_start3A_27 = tpu.memref_slice %arg5[%add3A_25, %dma_start3A_26] : memref<20480x8xf32, #tpu.memory_space<hbm>> -> memref<640x8xf32, #tpu.memory_space<hbm>>
      %dma_start3A_28 = arith.constant 0 : i32
      %dma_start3A_29 = tpu.memref_slice %arg9[%mul3A_20, %dma_start3A_28] : memref<10240x8xf32, #tpu.memory_space<vmem_shared>> -> memref<640x8xf32, #tpu.memory_space<vmem_shared>>
      tpu.enqueue_dma source(%dma_start3A_29 : memref<640x8xf32, #tpu.memory_space<vmem_shared>>) target(%dma_start3A_27 : memref<640x8xf32, #tpu.memory_space<hbm>>) target_semaphore(%run_scoped3A : memref<!tpu.dma_semaphore, #tpu.memory_space<semaphore_mem>>)
      %dma_wait3A = arith.constant 0 : i32
      %dma_wait3A_30 = tpu.memref_slice %arg5[%add3A_25, %dma_wait3A] : memref<20480x8xf32, #tpu.memory_space<hbm>> -> memref<640x8xf32, #tpu.memory_space<hbm>>
      %dma_wait3A_31 = arith.constant 0 : i32
      %dma_wait3A_32 = tpu.memref_slice %arg9[%mul3A_20, %dma_wait3A_31] : memref<10240x8xf32, #tpu.memory_space<vmem_shared>> -> memref<640x8xf32, #tpu.memory_space<vmem_shared>>
      tpu.wait_dma2 semaphore(%run_scoped3A : memref<!tpu.dma_semaphore, #tpu.memory_space<semaphore_mem>>) src(%dma_wait3A_32 : memref<640x8xf32, #tpu.memory_space<vmem_shared>>) dst(%dma_wait3A_30 : memref<640x8xf32, #tpu.memory_space<hbm>>)
      tpu.yield
    }) : () -> ()
    return
  }
}

#map = affine_map<(d0, d1) -> (0, 0)>
#map1 = affine_map<(d0, d1) -> (0, 0, 0)>
module attributes {stable_mosaic.version = 14 : i64} {
  func.func @_spmv_sc(%arg0: i32, %arg1: i32, %arg2: memref<10240x128xf32, #tpu.memory_space<hbm>>, %arg3: memref<32x40x128xi32, #tpu.memory_space<hbm>>, %arg4: memref<32x40x128xi32, #tpu.memory_space<hbm>>, %arg5: memref<10240x128xf32, #tpu.memory_space<hbm>>, %arg6: memref<20480x128xf32, #tpu.memory_space<hbm>>, %arg7: memref<40x128xi32, #tpu.memory_space<vmem>>, %arg8: memref<40x128xi32, #tpu.memory_space<vmem>>, %arg9: memref<128x128xf32, #tpu.memory_space<vmem>>, %arg10: memref<128x128xf32, #tpu.memory_space<vmem>>, %arg11: memref<10240x128xf32, #tpu.memory_space<vmem_shared>>, %arg12: memref<!tpu.dma_semaphore, #tpu.memory_space<semaphore_mem>>, %arg13: memref<!tpu.dma_semaphore, #tpu.memory_space<semaphore_mem>>) attributes {dimension_semantics = [#tpu.dimension_semantics<core_parallel>, #tpu.dimension_semantics<subcore_parallel>], iteration_bounds = array<i64: 2, 16>, scalar_prefetch = 0 : i64, scratch_operands = 7 : i64, tpu.core_type = #tpu.core_type<sc_vector_subcore>, window_params = [{transform_indices = #map}, {transform_indices = #map1}, {transform_indices = #map1}, {transform_indices = #map}, {transform_indices = #map}]} {
    %mul3A = arith.constant 2 : i32
    %mul3A_0 = arith.muli %arg1, %mul3A : i32
    %add3A = arith.addi %mul3A_0, %arg0 : i32
    "tpu.region"() ({
      %run_scoped3A = tpu.sem_alloc : memref<!tpu.dma_semaphore, #tpu.memory_space<semaphore_mem>>
      %dma_start3A_24 = arith.constant 0 : i32
      %dma_start3A_25 = arith.constant 0 : i32
      %dma_start3A_26 = tpu.memref_slice %arg3[%add3A, %dma_start3A_24, %dma_start3A_25] : memref<32x40x128xi32, #tpu.memory_space<hbm>> -> memref<1x40x128xi32, #tpu.memory_space<hbm>>
      %dma_start3A_27 = tpu.memref_squeeze %dma_start3A_26 : memref<1x40x128xi32, #tpu.memory_space<hbm>> -> memref<40x128xi32, #tpu.memory_space<hbm>>
      %dma_start3A_28 = arith.constant 0 : i32
      %dma_start3A_29 = arith.constant 0 : i32
      %dma_start3A_30 = tpu.memref_slice %arg3[%add3A, %dma_start3A_28, %dma_start3A_29] : memref<32x40x128xi32, #tpu.memory_space<hbm>> -> memref<1x40x128xi32, #tpu.memory_space<hbm>>
      %dma_start3A_31 = tpu.memref_squeeze %dma_start3A_30 : memref<1x40x128xi32, #tpu.memory_space<hbm>> -> memref<40x128xi32, #tpu.memory_space<hbm>>
      tpu.enqueue_dma source(%dma_start3A_31 : memref<40x128xi32, #tpu.memory_space<hbm>>) target(%arg7 : memref<40x128xi32, #tpu.memory_space<vmem>>) target_semaphore(%run_scoped3A : memref<!tpu.dma_semaphore, #tpu.memory_space<semaphore_mem>>)
      %dma_wait3A = arith.constant 0 : i32
      %dma_wait3A_32 = arith.constant 0 : i32
      %dma_wait3A_33 = tpu.memref_slice %arg3[%add3A, %dma_wait3A, %dma_wait3A_32] : memref<32x40x128xi32, #tpu.memory_space<hbm>> -> memref<1x40x128xi32, #tpu.memory_space<hbm>>
      %dma_wait3A_34 = tpu.memref_squeeze %dma_wait3A_33 : memref<1x40x128xi32, #tpu.memory_space<hbm>> -> memref<40x128xi32, #tpu.memory_space<hbm>>
      %dma_wait3A_35 = arith.constant 0 : i32
      %dma_wait3A_36 = arith.constant 0 : i32
      %dma_wait3A_37 = tpu.memref_slice %arg3[%add3A, %dma_wait3A_35, %dma_wait3A_36] : memref<32x40x128xi32, #tpu.memory_space<hbm>> -> memref<1x40x128xi32, #tpu.memory_space<hbm>>
      %dma_wait3A_38 = tpu.memref_squeeze %dma_wait3A_37 : memref<1x40x128xi32, #tpu.memory_space<hbm>> -> memref<40x128xi32, #tpu.memory_space<hbm>>
      tpu.wait_dma2 semaphore(%run_scoped3A : memref<!tpu.dma_semaphore, #tpu.memory_space<semaphore_mem>>) src(%dma_wait3A_38 : memref<40x128xi32, #tpu.memory_space<hbm>>) dst(%arg7 : memref<40x128xi32, #tpu.memory_space<vmem>>)
      tpu.yield
    }) : () -> ()
    "tpu.region"() ({
      %run_scoped3A = tpu.sem_alloc : memref<!tpu.dma_semaphore, #tpu.memory_space<semaphore_mem>>
      %dma_start3A_24 = arith.constant 0 : i32
      %dma_start3A_25 = arith.constant 0 : i32
      %dma_start3A_26 = tpu.memref_slice %arg4[%add3A, %dma_start3A_24, %dma_start3A_25] : memref<32x40x128xi32, #tpu.memory_space<hbm>> -> memref<1x40x128xi32, #tpu.memory_space<hbm>>
      %dma_start3A_27 = tpu.memref_squeeze %dma_start3A_26 : memref<1x40x128xi32, #tpu.memory_space<hbm>> -> memref<40x128xi32, #tpu.memory_space<hbm>>
      %dma_start3A_28 = arith.constant 0 : i32
      %dma_start3A_29 = arith.constant 0 : i32
      %dma_start3A_30 = tpu.memref_slice %arg4[%add3A, %dma_start3A_28, %dma_start3A_29] : memref<32x40x128xi32, #tpu.memory_space<hbm>> -> memref<1x40x128xi32, #tpu.memory_space<hbm>>
      %dma_start3A_31 = tpu.memref_squeeze %dma_start3A_30 : memref<1x40x128xi32, #tpu.memory_space<hbm>> -> memref<40x128xi32, #tpu.memory_space<hbm>>
      tpu.enqueue_dma source(%dma_start3A_31 : memref<40x128xi32, #tpu.memory_space<hbm>>) target(%arg8 : memref<40x128xi32, #tpu.memory_space<vmem>>) target_semaphore(%run_scoped3A : memref<!tpu.dma_semaphore, #tpu.memory_space<semaphore_mem>>)
      %dma_wait3A = arith.constant 0 : i32
      %dma_wait3A_32 = arith.constant 0 : i32
      %dma_wait3A_33 = tpu.memref_slice %arg4[%add3A, %dma_wait3A, %dma_wait3A_32] : memref<32x40x128xi32, #tpu.memory_space<hbm>> -> memref<1x40x128xi32, #tpu.memory_space<hbm>>
      %dma_wait3A_34 = tpu.memref_squeeze %dma_wait3A_33 : memref<1x40x128xi32, #tpu.memory_space<hbm>> -> memref<40x128xi32, #tpu.memory_space<hbm>>
      %dma_wait3A_35 = arith.constant 0 : i32
      %dma_wait3A_36 = arith.constant 0 : i32
      %dma_wait3A_37 = tpu.memref_slice %arg4[%add3A, %dma_wait3A_35, %dma_wait3A_36] : memref<32x40x128xi32, #tpu.memory_space<hbm>> -> memref<1x40x128xi32, #tpu.memory_space<hbm>>
      %dma_wait3A_38 = tpu.memref_squeeze %dma_wait3A_37 : memref<1x40x128xi32, #tpu.memory_space<hbm>> -> memref<40x128xi32, #tpu.memory_space<hbm>>
      tpu.wait_dma2 semaphore(%run_scoped3A : memref<!tpu.dma_semaphore, #tpu.memory_space<semaphore_mem>>) src(%dma_wait3A_38 : memref<40x128xi32, #tpu.memory_space<hbm>>) dst(%arg8 : memref<40x128xi32, #tpu.memory_space<vmem>>)
      tpu.yield
    }) : () -> ()
    %mul3A_1 = arith.constant 640 : i32
    %mul3A_2 = arith.muli %arg1, %mul3A_1 : i32
    %mul3A_3 = arith.constant 640 : i32
    %mul3A_4 = arith.muli %arg1, %mul3A_3 : i32
    "tpu.region"() ({
      %run_scoped3A = tpu.sem_alloc : memref<!tpu.dma_semaphore, #tpu.memory_space<semaphore_mem>>
      %dma_start3A_24 = arith.constant 0 : i32
      %dma_start3A_25 = tpu.memref_slice %arg11[%mul3A_4, %dma_start3A_24] : memref<10240x128xf32, #tpu.memory_space<vmem_shared>> -> memref<640x128xf32, #tpu.memory_space<vmem_shared>>
      %dma_start3A_26 = arith.constant 0 : i32
      %dma_start3A_27 = tpu.memref_slice %arg5[%mul3A_2, %dma_start3A_26] : memref<10240x128xf32, #tpu.memory_space<hbm>> -> memref<640x128xf32, #tpu.memory_space<hbm>>
      tpu.enqueue_dma source(%dma_start3A_27 : memref<640x128xf32, #tpu.memory_space<hbm>>) target(%dma_start3A_25 : memref<640x128xf32, #tpu.memory_space<vmem_shared>>) target_semaphore(%run_scoped3A : memref<!tpu.dma_semaphore, #tpu.memory_space<semaphore_mem>>)
      %dma_wait3A = arith.constant 0 : i32
      %dma_wait3A_28 = tpu.memref_slice %arg11[%mul3A_4, %dma_wait3A] : memref<10240x128xf32, #tpu.memory_space<vmem_shared>> -> memref<640x128xf32, #tpu.memory_space<vmem_shared>>
      %dma_wait3A_29 = arith.constant 0 : i32
      %dma_wait3A_30 = tpu.memref_slice %arg5[%mul3A_2, %dma_wait3A_29] : memref<10240x128xf32, #tpu.memory_space<hbm>> -> memref<640x128xf32, #tpu.memory_space<hbm>>
      tpu.wait_dma2 semaphore(%run_scoped3A : memref<!tpu.dma_semaphore, #tpu.memory_space<semaphore_mem>>) src(%dma_wait3A_30 : memref<640x128xf32, #tpu.memory_space<hbm>>) dst(%dma_wait3A_28 : memref<640x128xf32, #tpu.memory_space<vmem_shared>>)
      tpu.yield
    }) : () -> ()
    %barrier3A = arith.constant 0 : index
    tpu.barrier barrier_id(%barrier3A)
    %dma_start3A = arith.constant 0 : i32
    %dma_start3A_5 = arith.constant 0 : i32
    %dma_start3A_6 = tpu.memref_slice %arg7[%dma_start3A, %dma_start3A_5] : memref<40x128xi32, #tpu.memory_space<vmem>> -> memref<1x128xi32, #tpu.memory_space<vmem>>
    %dma_start3A_7 = tpu.memref_squeeze %dma_start3A_6 : memref<1x128xi32, #tpu.memory_space<vmem>> -> memref<128xi32, #tpu.memory_space<vmem>>
    %dma_start3A_8 = arith.constant 0 : i32
    %dma_start3A_9 = arith.constant 0 : i32
    %dma_start3A_10 = tpu.memref_slice %arg2[%dma_start3A_8, %dma_start3A_9] : memref<10240x128xf32, #tpu.memory_space<hbm>> -> memref<10240x128xf32, #tpu.memory_space<hbm>>
    tpu.enqueue_indirect_dma source(%dma_start3A_10 : memref<10240x128xf32, #tpu.memory_space<hbm>>) target(%arg9 : memref<128x128xf32, #tpu.memory_space<vmem>>) offsets(%dma_start3A_7 : memref<128xi32, #tpu.memory_space<vmem>>) semaphore(%arg12 : memref<!tpu.dma_semaphore, #tpu.memory_space<semaphore_mem>>)
    %scan3A = arith.constant 0 : i32
    %scan3A_11 = arith.constant 0 : i32
    %scan3A_12 = arith.constant 20 : i32
    %scan3A_13 = arith.addi %scan3A_11, %scan3A_12 : i32
    %scan3A_14 = arith.constant 1 : i32
    scf.for %scan3A_24 = %scan3A_11 to %scan3A_13 step %scan3A_14  : i32 {
      %mul3A_25 = arith.constant 2 : i32
      %mul3A_26 = arith.muli %mul3A_25, %scan3A_24 : i32
      %add3A_27 = arith.constant 1 : i32
      %add3A_28 = arith.addi %mul3A_26, %add3A_27 : i32
      %dma_start3A_29 = arith.constant 0 : i32
      %dma_start3A_30 = tpu.memref_slice %arg7[%add3A_28, %dma_start3A_29] : memref<40x128xi32, #tpu.memory_space<vmem>> -> memref<1x128xi32, #tpu.memory_space<vmem>>
      %dma_start3A_31 = tpu.memref_squeeze %dma_start3A_30 : memref<1x128xi32, #tpu.memory_space<vmem>> -> memref<128xi32, #tpu.memory_space<vmem>>
      %dma_start3A_32 = arith.constant 0 : i32
      %dma_start3A_33 = arith.constant 0 : i32
      %dma_start3A_34 = tpu.memref_slice %arg2[%dma_start3A_32, %dma_start3A_33] : memref<10240x128xf32, #tpu.memory_space<hbm>> -> memref<10240x128xf32, #tpu.memory_space<hbm>>
      tpu.enqueue_indirect_dma source(%dma_start3A_34 : memref<10240x128xf32, #tpu.memory_space<hbm>>) target(%arg10 : memref<128x128xf32, #tpu.memory_space<vmem>>) offsets(%dma_start3A_31 : memref<128xi32, #tpu.memory_space<vmem>>) semaphore(%arg13 : memref<!tpu.dma_semaphore, #tpu.memory_space<semaphore_mem>>)
      %dma_wait3A = arith.constant 0 : i32
      %dma_wait3A_35 = tpu.memref_slice %arg7[%mul3A_26, %dma_wait3A] : memref<40x128xi32, #tpu.memory_space<vmem>> -> memref<1x128xi32, #tpu.memory_space<vmem>>
      %dma_wait3A_36 = tpu.memref_squeeze %dma_wait3A_35 : memref<1x128xi32, #tpu.memory_space<vmem>> -> memref<128xi32, #tpu.memory_space<vmem>>
      %dma_wait3A_37 = arith.constant 0 : i32
      %dma_wait3A_38 = arith.constant 0 : i32
      %dma_wait3A_39 = tpu.memref_slice %arg2[%dma_wait3A_37, %dma_wait3A_38] : memref<10240x128xf32, #tpu.memory_space<hbm>> -> memref<10240x128xf32, #tpu.memory_space<hbm>>
      tpu.wait_indirect_dma semaphore(%arg12 : memref<!tpu.dma_semaphore, #tpu.memory_space<semaphore_mem>>) src(%dma_wait3A_39 : memref<10240x128xf32, #tpu.memory_space<hbm>>) dst(%arg9 : memref<128x128xf32, #tpu.memory_space<vmem>>)
      "tpu.region"() ({
        %run_scoped3A = tpu.sem_alloc : memref<!tpu.dma_semaphore, #tpu.memory_space<semaphore_mem>>
        %dma_start3A_52 = arith.constant 0 : i32
        %dma_start3A_53 = tpu.memref_slice %arg8[%mul3A_26, %dma_start3A_52] : memref<40x128xi32, #tpu.memory_space<vmem>> -> memref<1x128xi32, #tpu.memory_space<vmem>>
        %dma_start3A_54 = tpu.memref_squeeze %dma_start3A_53 : memref<1x128xi32, #tpu.memory_space<vmem>> -> memref<128xi32, #tpu.memory_space<vmem>>
        %dma_start3A_55 = arith.constant 0 : i32
        %dma_start3A_56 = arith.constant 0 : i32
        %dma_start3A_57 = tpu.memref_slice %arg11[%dma_start3A_55, %dma_start3A_56] : memref<10240x128xf32, #tpu.memory_space<vmem_shared>> -> memref<10240x128xf32, #tpu.memory_space<vmem_shared>>
        tpu.enqueue_indirect_dma source(%arg9 : memref<128x128xf32, #tpu.memory_space<vmem>>) target(%dma_start3A_57 : memref<10240x128xf32, #tpu.memory_space<vmem_shared>>) offsets(%dma_start3A_54 : memref<128xi32, #tpu.memory_space<vmem>>) semaphore(%run_scoped3A : memref<!tpu.dma_semaphore, #tpu.memory_space<semaphore_mem>>) {add = true}
        %dma_wait3A_58 = arith.constant 0 : i32
        %dma_wait3A_59 = tpu.memref_slice %arg8[%mul3A_26, %dma_wait3A_58] : memref<40x128xi32, #tpu.memory_space<vmem>> -> memref<1x128xi32, #tpu.memory_space<vmem>>
        %dma_wait3A_60 = tpu.memref_squeeze %dma_wait3A_59 : memref<1x128xi32, #tpu.memory_space<vmem>> -> memref<128xi32, #tpu.memory_space<vmem>>
        %dma_wait3A_61 = arith.constant 0 : i32
        %dma_wait3A_62 = arith.constant 0 : i32
        %dma_wait3A_63 = tpu.memref_slice %arg11[%dma_wait3A_61, %dma_wait3A_62] : memref<10240x128xf32, #tpu.memory_space<vmem_shared>> -> memref<10240x128xf32, #tpu.memory_space<vmem_shared>>
        tpu.wait_indirect_dma semaphore(%run_scoped3A : memref<!tpu.dma_semaphore, #tpu.memory_space<semaphore_mem>>) src(%arg9 : memref<128x128xf32, #tpu.memory_space<vmem>>) dst(%dma_wait3A_63 : memref<10240x128xf32, #tpu.memory_space<vmem_shared>>)
        tpu.yield
      }) : () -> ()
      %lt3A = arith.constant 19 : i32
      %lt3A_40 = arith.cmpi slt, %scan3A_24, %lt3A : i32
      %convert_element_type3A = arith.extui %lt3A_40 : i1 to i32
      %cond3A = arith.constant 0 : i32
      %cond3A_41 = arith.cmpi ne, %convert_element_type3A, %cond3A : i32
      scf.if %cond3A_41 {
        %add3A_52 = arith.constant 2 : i32
        %add3A_53 = arith.addi %mul3A_26, %add3A_52 : i32
        %dma_start3A_54 = arith.constant 0 : i32
        %dma_start3A_55 = tpu.memref_slice %arg7[%add3A_53, %dma_start3A_54] : memref<40x128xi32, #tpu.memory_space<vmem>> -> memref<1x128xi32, #tpu.memory_space<vmem>>
        %dma_start3A_56 = tpu.memref_squeeze %dma_start3A_55 : memref<1x128xi32, #tpu.memory_space<vmem>> -> memref<128xi32, #tpu.memory_space<vmem>>
        %dma_start3A_57 = arith.constant 0 : i32
        %dma_start3A_58 = arith.constant 0 : i32
        %dma_start3A_59 = tpu.memref_slice %arg2[%dma_start3A_57, %dma_start3A_58] : memref<10240x128xf32, #tpu.memory_space<hbm>> -> memref<10240x128xf32, #tpu.memory_space<hbm>>
        tpu.enqueue_indirect_dma source(%dma_start3A_59 : memref<10240x128xf32, #tpu.memory_space<hbm>>) target(%arg9 : memref<128x128xf32, #tpu.memory_space<vmem>>) offsets(%dma_start3A_56 : memref<128xi32, #tpu.memory_space<vmem>>) semaphore(%arg12 : memref<!tpu.dma_semaphore, #tpu.memory_space<semaphore_mem>>)
      } else {
      }
      %add3A_42 = arith.constant 1 : i32
      %add3A_43 = arith.addi %mul3A_26, %add3A_42 : i32
      %dma_wait3A_44 = arith.constant 0 : i32
      %dma_wait3A_45 = tpu.memref_slice %arg7[%add3A_43, %dma_wait3A_44] : memref<40x128xi32, #tpu.memory_space<vmem>> -> memref<1x128xi32, #tpu.memory_space<vmem>>
      %dma_wait3A_46 = tpu.memref_squeeze %dma_wait3A_45 : memref<1x128xi32, #tpu.memory_space<vmem>> -> memref<128xi32, #tpu.memory_space<vmem>>
      %dma_wait3A_47 = arith.constant 0 : i32
      %dma_wait3A_48 = arith.constant 0 : i32
      %dma_wait3A_49 = tpu.memref_slice %arg2[%dma_wait3A_47, %dma_wait3A_48] : memref<10240x128xf32, #tpu.memory_space<hbm>> -> memref<10240x128xf32, #tpu.memory_space<hbm>>
      tpu.wait_indirect_dma semaphore(%arg13 : memref<!tpu.dma_semaphore, #tpu.memory_space<semaphore_mem>>) src(%dma_wait3A_49 : memref<10240x128xf32, #tpu.memory_space<hbm>>) dst(%arg10 : memref<128x128xf32, #tpu.memory_space<vmem>>)
      %add3A_50 = arith.constant 1 : i32
      %add3A_51 = arith.addi %mul3A_26, %add3A_50 : i32
      "tpu.region"() ({
        %run_scoped3A = tpu.sem_alloc : memref<!tpu.dma_semaphore, #tpu.memory_space<semaphore_mem>>
        %dma_start3A_52 = arith.constant 0 : i32
        %dma_start3A_53 = tpu.memref_slice %arg8[%add3A_51, %dma_start3A_52] : memref<40x128xi32, #tpu.memory_space<vmem>> -> memref<1x128xi32, #tpu.memory_space<vmem>>
        %dma_start3A_54 = tpu.memref_squeeze %dma_start3A_53 : memref<1x128xi32, #tpu.memory_space<vmem>> -> memref<128xi32, #tpu.memory_space<vmem>>
        %dma_start3A_55 = arith.constant 0 : i32
        %dma_start3A_56 = arith.constant 0 : i32
        %dma_start3A_57 = tpu.memref_slice %arg11[%dma_start3A_55, %dma_start3A_56] : memref<10240x128xf32, #tpu.memory_space<vmem_shared>> -> memref<10240x128xf32, #tpu.memory_space<vmem_shared>>
        tpu.enqueue_indirect_dma source(%arg10 : memref<128x128xf32, #tpu.memory_space<vmem>>) target(%dma_start3A_57 : memref<10240x128xf32, #tpu.memory_space<vmem_shared>>) offsets(%dma_start3A_54 : memref<128xi32, #tpu.memory_space<vmem>>) semaphore(%run_scoped3A : memref<!tpu.dma_semaphore, #tpu.memory_space<semaphore_mem>>) {add = true}
        %dma_wait3A_58 = arith.constant 0 : i32
        %dma_wait3A_59 = tpu.memref_slice %arg8[%add3A_51, %dma_wait3A_58] : memref<40x128xi32, #tpu.memory_space<vmem>> -> memref<1x128xi32, #tpu.memory_space<vmem>>
        %dma_wait3A_60 = tpu.memref_squeeze %dma_wait3A_59 : memref<1x128xi32, #tpu.memory_space<vmem>> -> memref<128xi32, #tpu.memory_space<vmem>>
        %dma_wait3A_61 = arith.constant 0 : i32
        %dma_wait3A_62 = arith.constant 0 : i32
        %dma_wait3A_63 = tpu.memref_slice %arg11[%dma_wait3A_61, %dma_wait3A_62] : memref<10240x128xf32, #tpu.memory_space<vmem_shared>> -> memref<10240x128xf32, #tpu.memory_space<vmem_shared>>
        tpu.wait_indirect_dma semaphore(%run_scoped3A : memref<!tpu.dma_semaphore, #tpu.memory_space<semaphore_mem>>) src(%arg10 : memref<128x128xf32, #tpu.memory_space<vmem>>) dst(%dma_wait3A_63 : memref<10240x128xf32, #tpu.memory_space<vmem_shared>>)
        tpu.yield
      }) : () -> ()
    }
    %scan3A_15 = arith.constant 20 : i32
    %barrier3A_16 = arith.constant 0 : index
    tpu.barrier barrier_id(%barrier3A_16)
    %mul3A_17 = arith.constant 640 : i32
    %mul3A_18 = arith.muli %arg1, %mul3A_17 : i32
    %mul3A_19 = arith.constant 10240 : i32
    %mul3A_20 = arith.muli %arg0, %mul3A_19 : i32
    %mul3A_21 = arith.constant 640 : i32
    %mul3A_22 = arith.muli %arg1, %mul3A_21 : i32
    %add3A_23 = arith.addi %mul3A_20, %mul3A_22 : i32
    "tpu.region"() ({
      %run_scoped3A = tpu.sem_alloc : memref<!tpu.dma_semaphore, #tpu.memory_space<semaphore_mem>>
      %dma_start3A_24 = arith.constant 0 : i32
      %dma_start3A_25 = tpu.memref_slice %arg6[%add3A_23, %dma_start3A_24] : memref<20480x128xf32, #tpu.memory_space<hbm>> -> memref<640x128xf32, #tpu.memory_space<hbm>>
      %dma_start3A_26 = arith.constant 0 : i32
      %dma_start3A_27 = tpu.memref_slice %arg11[%mul3A_18, %dma_start3A_26] : memref<10240x128xf32, #tpu.memory_space<vmem_shared>> -> memref<640x128xf32, #tpu.memory_space<vmem_shared>>
      tpu.enqueue_dma source(%dma_start3A_27 : memref<640x128xf32, #tpu.memory_space<vmem_shared>>) target(%dma_start3A_25 : memref<640x128xf32, #tpu.memory_space<hbm>>) target_semaphore(%run_scoped3A : memref<!tpu.dma_semaphore, #tpu.memory_space<semaphore_mem>>)
      %dma_wait3A = arith.constant 0 : i32
      %dma_wait3A_28 = tpu.memref_slice %arg6[%add3A_23, %dma_wait3A] : memref<20480x128xf32, #tpu.memory_space<hbm>> -> memref<640x128xf32, #tpu.memory_space<hbm>>
      %dma_wait3A_29 = arith.constant 0 : i32
      %dma_wait3A_30 = tpu.memref_slice %arg11[%mul3A_18, %dma_wait3A_29] : memref<10240x128xf32, #tpu.memory_space<vmem_shared>> -> memref<640x128xf32, #tpu.memory_space<vmem_shared>>
      tpu.wait_dma2 semaphore(%run_scoped3A : memref<!tpu.dma_semaphore, #tpu.memory_space<semaphore_mem>>) src(%dma_wait3A_30 : memref<640x128xf32, #tpu.memory_space<vmem_shared>>) dst(%dma_wait3A_28 : memref<640x128xf32, #tpu.memory_space<hbm>>)
      tpu.yield
    }) : () -> ()
    return
  }
}

#map = affine_map<(d0, d1) -> (0, 0)>
#map1 = affine_map<(d0, d1) -> (0, 0, 0)>
module attributes {stable_mosaic.version = 14 : i64} {
  func.func @_scal_spmv_sc(%arg0: i32, %arg1: i32, %arg2: memref<10240x8xf32, #tpu.memory_space<hbm>>, %arg3: memref<32x40x128xi32, #tpu.memory_space<hbm>>, %arg4: memref<32x40x128xi32, #tpu.memory_space<hbm>>, %arg5: memref<10240x8xf32, #tpu.memory_space<hbm>>, %arg6: memref<20480x8xf32, #tpu.memory_space<hbm>>, %arg7: memref<40x128xi32, #tpu.memory_space<vmem>>, %arg8: memref<40x128xi32, #tpu.memory_space<vmem>>, %arg9: memref<128x8xf32, #tpu.memory_space<vmem>>, %arg10: memref<128x8xf32, #tpu.memory_space<vmem>>, %arg11: memref<10240x8xf32, #tpu.memory_space<vmem_shared>>, %arg12: memref<!tpu.dma_semaphore, #tpu.memory_space<semaphore_mem>>, %arg13: memref<!tpu.dma_semaphore, #tpu.memory_space<semaphore_mem>>) attributes {dimension_semantics = [#tpu.dimension_semantics<core_parallel>, #tpu.dimension_semantics<subcore_parallel>], iteration_bounds = array<i64: 2, 16>, scalar_prefetch = 0 : i64, scratch_operands = 7 : i64, tpu.core_type = #tpu.core_type<sc_vector_subcore>, window_params = [{transform_indices = #map}, {transform_indices = #map1}, {transform_indices = #map1}, {transform_indices = #map}, {transform_indices = #map}]} {
    %mul3A = arith.constant 2 : i32
    %mul3A_0 = arith.muli %arg1, %mul3A : i32
    %add3A = arith.addi %mul3A_0, %arg0 : i32
    "tpu.region"() ({
      %run_scoped3A = tpu.sem_alloc : memref<!tpu.dma_semaphore, #tpu.memory_space<semaphore_mem>>
      %dma_start3A_24 = arith.constant 0 : i32
      %dma_start3A_25 = arith.constant 0 : i32
      %dma_start3A_26 = tpu.memref_slice %arg3[%add3A, %dma_start3A_24, %dma_start3A_25] : memref<32x40x128xi32, #tpu.memory_space<hbm>> -> memref<1x40x128xi32, #tpu.memory_space<hbm>>
      %dma_start3A_27 = tpu.memref_squeeze %dma_start3A_26 : memref<1x40x128xi32, #tpu.memory_space<hbm>> -> memref<40x128xi32, #tpu.memory_space<hbm>>
      %dma_start3A_28 = arith.constant 0 : i32
      %dma_start3A_29 = arith.constant 0 : i32
      %dma_start3A_30 = tpu.memref_slice %arg3[%add3A, %dma_start3A_28, %dma_start3A_29] : memref<32x40x128xi32, #tpu.memory_space<hbm>> -> memref<1x40x128xi32, #tpu.memory_space<hbm>>
      %dma_start3A_31 = tpu.memref_squeeze %dma_start3A_30 : memref<1x40x128xi32, #tpu.memory_space<hbm>> -> memref<40x128xi32, #tpu.memory_space<hbm>>
      tpu.enqueue_dma source(%dma_start3A_31 : memref<40x128xi32, #tpu.memory_space<hbm>>) target(%arg7 : memref<40x128xi32, #tpu.memory_space<vmem>>) target_semaphore(%run_scoped3A : memref<!tpu.dma_semaphore, #tpu.memory_space<semaphore_mem>>)
      %dma_wait3A = arith.constant 0 : i32
      %dma_wait3A_32 = arith.constant 0 : i32
      %dma_wait3A_33 = tpu.memref_slice %arg3[%add3A, %dma_wait3A, %dma_wait3A_32] : memref<32x40x128xi32, #tpu.memory_space<hbm>> -> memref<1x40x128xi32, #tpu.memory_space<hbm>>
      %dma_wait3A_34 = tpu.memref_squeeze %dma_wait3A_33 : memref<1x40x128xi32, #tpu.memory_space<hbm>> -> memref<40x128xi32, #tpu.memory_space<hbm>>
      %dma_wait3A_35 = arith.constant 0 : i32
      %dma_wait3A_36 = arith.constant 0 : i32
      %dma_wait3A_37 = tpu.memref_slice %arg3[%add3A, %dma_wait3A_35, %dma_wait3A_36] : memref<32x40x128xi32, #tpu.memory_space<hbm>> -> memref<1x40x128xi32, #tpu.memory_space<hbm>>
      %dma_wait3A_38 = tpu.memref_squeeze %dma_wait3A_37 : memref<1x40x128xi32, #tpu.memory_space<hbm>> -> memref<40x128xi32, #tpu.memory_space<hbm>>
      tpu.wait_dma2 semaphore(%run_scoped3A : memref<!tpu.dma_semaphore, #tpu.memory_space<semaphore_mem>>) src(%dma_wait3A_38 : memref<40x128xi32, #tpu.memory_space<hbm>>) dst(%arg7 : memref<40x128xi32, #tpu.memory_space<vmem>>)
      tpu.yield
    }) : () -> ()
    "tpu.region"() ({
      %run_scoped3A = tpu.sem_alloc : memref<!tpu.dma_semaphore, #tpu.memory_space<semaphore_mem>>
      %dma_start3A_24 = arith.constant 0 : i32
      %dma_start3A_25 = arith.constant 0 : i32
      %dma_start3A_26 = tpu.memref_slice %arg4[%add3A, %dma_start3A_24, %dma_start3A_25] : memref<32x40x128xi32, #tpu.memory_space<hbm>> -> memref<1x40x128xi32, #tpu.memory_space<hbm>>
      %dma_start3A_27 = tpu.memref_squeeze %dma_start3A_26 : memref<1x40x128xi32, #tpu.memory_space<hbm>> -> memref<40x128xi32, #tpu.memory_space<hbm>>
      %dma_start3A_28 = arith.constant 0 : i32
      %dma_start3A_29 = arith.constant 0 : i32
      %dma_start3A_30 = tpu.memref_slice %arg4[%add3A, %dma_start3A_28, %dma_start3A_29] : memref<32x40x128xi32, #tpu.memory_space<hbm>> -> memref<1x40x128xi32, #tpu.memory_space<hbm>>
      %dma_start3A_31 = tpu.memref_squeeze %dma_start3A_30 : memref<1x40x128xi32, #tpu.memory_space<hbm>> -> memref<40x128xi32, #tpu.memory_space<hbm>>
      tpu.enqueue_dma source(%dma_start3A_31 : memref<40x128xi32, #tpu.memory_space<hbm>>) target(%arg8 : memref<40x128xi32, #tpu.memory_space<vmem>>) target_semaphore(%run_scoped3A : memref<!tpu.dma_semaphore, #tpu.memory_space<semaphore_mem>>)
      %dma_wait3A = arith.constant 0 : i32
      %dma_wait3A_32 = arith.constant 0 : i32
      %dma_wait3A_33 = tpu.memref_slice %arg4[%add3A, %dma_wait3A, %dma_wait3A_32] : memref<32x40x128xi32, #tpu.memory_space<hbm>> -> memref<1x40x128xi32, #tpu.memory_space<hbm>>
      %dma_wait3A_34 = tpu.memref_squeeze %dma_wait3A_33 : memref<1x40x128xi32, #tpu.memory_space<hbm>> -> memref<40x128xi32, #tpu.memory_space<hbm>>
      %dma_wait3A_35 = arith.constant 0 : i32
      %dma_wait3A_36 = arith.constant 0 : i32
      %dma_wait3A_37 = tpu.memref_slice %arg4[%add3A, %dma_wait3A_35, %dma_wait3A_36] : memref<32x40x128xi32, #tpu.memory_space<hbm>> -> memref<1x40x128xi32, #tpu.memory_space<hbm>>
      %dma_wait3A_38 = tpu.memref_squeeze %dma_wait3A_37 : memref<1x40x128xi32, #tpu.memory_space<hbm>> -> memref<40x128xi32, #tpu.memory_space<hbm>>
      tpu.wait_dma2 semaphore(%run_scoped3A : memref<!tpu.dma_semaphore, #tpu.memory_space<semaphore_mem>>) src(%dma_wait3A_38 : memref<40x128xi32, #tpu.memory_space<hbm>>) dst(%arg8 : memref<40x128xi32, #tpu.memory_space<vmem>>)
      tpu.yield
    }) : () -> ()
    %mul3A_1 = arith.constant 640 : i32
    %mul3A_2 = arith.muli %arg1, %mul3A_1 : i32
    %mul3A_3 = arith.constant 640 : i32
    %mul3A_4 = arith.muli %arg1, %mul3A_3 : i32
    "tpu.region"() ({
      %run_scoped3A = tpu.sem_alloc : memref<!tpu.dma_semaphore, #tpu.memory_space<semaphore_mem>>
      %dma_start3A_24 = arith.constant 0 : i32
      %dma_start3A_25 = tpu.memref_slice %arg11[%mul3A_4, %dma_start3A_24] : memref<10240x8xf32, #tpu.memory_space<vmem_shared>> -> memref<640x8xf32, #tpu.memory_space<vmem_shared>>
      %dma_start3A_26 = arith.constant 0 : i32
      %dma_start3A_27 = tpu.memref_slice %arg5[%mul3A_2, %dma_start3A_26] : memref<10240x8xf32, #tpu.memory_space<hbm>> -> memref<640x8xf32, #tpu.memory_space<hbm>>
      tpu.enqueue_dma source(%dma_start3A_27 : memref<640x8xf32, #tpu.memory_space<hbm>>) target(%dma_start3A_25 : memref<640x8xf32, #tpu.memory_space<vmem_shared>>) target_semaphore(%run_scoped3A : memref<!tpu.dma_semaphore, #tpu.memory_space<semaphore_mem>>)
      %dma_wait3A = arith.constant 0 : i32
      %dma_wait3A_28 = tpu.memref_slice %arg11[%mul3A_4, %dma_wait3A] : memref<10240x8xf32, #tpu.memory_space<vmem_shared>> -> memref<640x8xf32, #tpu.memory_space<vmem_shared>>
      %dma_wait3A_29 = arith.constant 0 : i32
      %dma_wait3A_30 = tpu.memref_slice %arg5[%mul3A_2, %dma_wait3A_29] : memref<10240x8xf32, #tpu.memory_space<hbm>> -> memref<640x8xf32, #tpu.memory_space<hbm>>
      tpu.wait_dma2 semaphore(%run_scoped3A : memref<!tpu.dma_semaphore, #tpu.memory_space<semaphore_mem>>) src(%dma_wait3A_30 : memref<640x8xf32, #tpu.memory_space<hbm>>) dst(%dma_wait3A_28 : memref<640x8xf32, #tpu.memory_space<vmem_shared>>)
      tpu.yield
    }) : () -> ()
    %barrier3A = arith.constant 0 : index
    tpu.barrier barrier_id(%barrier3A)
    %dma_start3A = arith.constant 0 : i32
    %dma_start3A_5 = arith.constant 0 : i32
    %dma_start3A_6 = tpu.memref_slice %arg7[%dma_start3A, %dma_start3A_5] : memref<40x128xi32, #tpu.memory_space<vmem>> -> memref<1x128xi32, #tpu.memory_space<vmem>>
    %dma_start3A_7 = tpu.memref_squeeze %dma_start3A_6 : memref<1x128xi32, #tpu.memory_space<vmem>> -> memref<128xi32, #tpu.memory_space<vmem>>
    %dma_start3A_8 = arith.constant 0 : i32
    %dma_start3A_9 = arith.constant 0 : i32
    %dma_start3A_10 = tpu.memref_slice %arg2[%dma_start3A_8, %dma_start3A_9] : memref<10240x8xf32, #tpu.memory_space<hbm>> -> memref<10240x8xf32, #tpu.memory_space<hbm>>
    tpu.enqueue_indirect_dma source(%dma_start3A_10 : memref<10240x8xf32, #tpu.memory_space<hbm>>) target(%arg9 : memref<128x8xf32, #tpu.memory_space<vmem>>) offsets(%dma_start3A_7 : memref<128xi32, #tpu.memory_space<vmem>>) semaphore(%arg12 : memref<!tpu.dma_semaphore, #tpu.memory_space<semaphore_mem>>)
    %scan3A = arith.constant 0 : i32
    %scan3A_11 = arith.constant 0 : i32
    %scan3A_12 = arith.constant 20 : i32
    %scan3A_13 = arith.addi %scan3A_11, %scan3A_12 : i32
    %scan3A_14 = arith.constant 1 : i32
    scf.for %scan3A_24 = %scan3A_11 to %scan3A_13 step %scan3A_14  : i32 {
      %mul3A_25 = arith.constant 2 : i32
      %mul3A_26 = arith.muli %mul3A_25, %scan3A_24 : i32
      %add3A_27 = arith.constant 1 : i32
      %add3A_28 = arith.addi %mul3A_26, %add3A_27 : i32
      %dma_start3A_29 = arith.constant 0 : i32
      %dma_start3A_30 = tpu.memref_slice %arg7[%add3A_28, %dma_start3A_29] : memref<40x128xi32, #tpu.memory_space<vmem>> -> memref<1x128xi32, #tpu.memory_space<vmem>>
      %dma_start3A_31 = tpu.memref_squeeze %dma_start3A_30 : memref<1x128xi32, #tpu.memory_space<vmem>> -> memref<128xi32, #tpu.memory_space<vmem>>
      %dma_start3A_32 = arith.constant 0 : i32
      %dma_start3A_33 = arith.constant 0 : i32
      %dma_start3A_34 = tpu.memref_slice %arg2[%dma_start3A_32, %dma_start3A_33] : memref<10240x8xf32, #tpu.memory_space<hbm>> -> memref<10240x8xf32, #tpu.memory_space<hbm>>
      tpu.enqueue_indirect_dma source(%dma_start3A_34 : memref<10240x8xf32, #tpu.memory_space<hbm>>) target(%arg10 : memref<128x8xf32, #tpu.memory_space<vmem>>) offsets(%dma_start3A_31 : memref<128xi32, #tpu.memory_space<vmem>>) semaphore(%arg13 : memref<!tpu.dma_semaphore, #tpu.memory_space<semaphore_mem>>)
      %dma_wait3A = arith.constant 0 : i32
      %dma_wait3A_35 = tpu.memref_slice %arg7[%mul3A_26, %dma_wait3A] : memref<40x128xi32, #tpu.memory_space<vmem>> -> memref<1x128xi32, #tpu.memory_space<vmem>>
      %dma_wait3A_36 = tpu.memref_squeeze %dma_wait3A_35 : memref<1x128xi32, #tpu.memory_space<vmem>> -> memref<128xi32, #tpu.memory_space<vmem>>
      %dma_wait3A_37 = arith.constant 0 : i32
      %dma_wait3A_38 = arith.constant 0 : i32
      %dma_wait3A_39 = tpu.memref_slice %arg2[%dma_wait3A_37, %dma_wait3A_38] : memref<10240x8xf32, #tpu.memory_space<hbm>> -> memref<10240x8xf32, #tpu.memory_space<hbm>>
      tpu.wait_indirect_dma semaphore(%arg12 : memref<!tpu.dma_semaphore, #tpu.memory_space<semaphore_mem>>) src(%dma_wait3A_39 : memref<10240x8xf32, #tpu.memory_space<hbm>>) dst(%arg9 : memref<128x8xf32, #tpu.memory_space<vmem>>)
      "tpu.region"() ({
        %run_scoped3A = tpu.sem_alloc : memref<!tpu.dma_semaphore, #tpu.memory_space<semaphore_mem>>
        %dma_start3A_52 = arith.constant 0 : i32
        %dma_start3A_53 = tpu.memref_slice %arg8[%mul3A_26, %dma_start3A_52] : memref<40x128xi32, #tpu.memory_space<vmem>> -> memref<1x128xi32, #tpu.memory_space<vmem>>
        %dma_start3A_54 = tpu.memref_squeeze %dma_start3A_53 : memref<1x128xi32, #tpu.memory_space<vmem>> -> memref<128xi32, #tpu.memory_space<vmem>>
        %dma_start3A_55 = arith.constant 0 : i32
        %dma_start3A_56 = arith.constant 0 : i32
        %dma_start3A_57 = tpu.memref_slice %arg11[%dma_start3A_55, %dma_start3A_56] : memref<10240x8xf32, #tpu.memory_space<vmem_shared>> -> memref<10240x8xf32, #tpu.memory_space<vmem_shared>>
        tpu.enqueue_indirect_dma source(%arg9 : memref<128x8xf32, #tpu.memory_space<vmem>>) target(%dma_start3A_57 : memref<10240x8xf32, #tpu.memory_space<vmem_shared>>) offsets(%dma_start3A_54 : memref<128xi32, #tpu.memory_space<vmem>>) semaphore(%run_scoped3A : memref<!tpu.dma_semaphore, #tpu.memory_space<semaphore_mem>>) {add = true}
        %dma_wait3A_58 = arith.constant 0 : i32
        %dma_wait3A_59 = tpu.memref_slice %arg8[%mul3A_26, %dma_wait3A_58] : memref<40x128xi32, #tpu.memory_space<vmem>> -> memref<1x128xi32, #tpu.memory_space<vmem>>
        %dma_wait3A_60 = tpu.memref_squeeze %dma_wait3A_59 : memref<1x128xi32, #tpu.memory_space<vmem>> -> memref<128xi32, #tpu.memory_space<vmem>>
        %dma_wait3A_61 = arith.constant 0 : i32
        %dma_wait3A_62 = arith.constant 0 : i32
        %dma_wait3A_63 = tpu.memref_slice %arg11[%dma_wait3A_61, %dma_wait3A_62] : memref<10240x8xf32, #tpu.memory_space<vmem_shared>> -> memref<10240x8xf32, #tpu.memory_space<vmem_shared>>
        tpu.wait_indirect_dma semaphore(%run_scoped3A : memref<!tpu.dma_semaphore, #tpu.memory_space<semaphore_mem>>) src(%arg9 : memref<128x8xf32, #tpu.memory_space<vmem>>) dst(%dma_wait3A_63 : memref<10240x8xf32, #tpu.memory_space<vmem_shared>>)
        tpu.yield
      }) : () -> ()
      %lt3A = arith.constant 19 : i32
      %lt3A_40 = arith.cmpi slt, %scan3A_24, %lt3A : i32
      %convert_element_type3A = arith.extui %lt3A_40 : i1 to i32
      %cond3A = arith.constant 0 : i32
      %cond3A_41 = arith.cmpi ne, %convert_element_type3A, %cond3A : i32
      scf.if %cond3A_41 {
        %add3A_52 = arith.constant 2 : i32
        %add3A_53 = arith.addi %mul3A_26, %add3A_52 : i32
        %dma_start3A_54 = arith.constant 0 : i32
        %dma_start3A_55 = tpu.memref_slice %arg7[%add3A_53, %dma_start3A_54] : memref<40x128xi32, #tpu.memory_space<vmem>> -> memref<1x128xi32, #tpu.memory_space<vmem>>
        %dma_start3A_56 = tpu.memref_squeeze %dma_start3A_55 : memref<1x128xi32, #tpu.memory_space<vmem>> -> memref<128xi32, #tpu.memory_space<vmem>>
        %dma_start3A_57 = arith.constant 0 : i32
        %dma_start3A_58 = arith.constant 0 : i32
        %dma_start3A_59 = tpu.memref_slice %arg2[%dma_start3A_57, %dma_start3A_58] : memref<10240x8xf32, #tpu.memory_space<hbm>> -> memref<10240x8xf32, #tpu.memory_space<hbm>>
        tpu.enqueue_indirect_dma source(%dma_start3A_59 : memref<10240x8xf32, #tpu.memory_space<hbm>>) target(%arg9 : memref<128x8xf32, #tpu.memory_space<vmem>>) offsets(%dma_start3A_56 : memref<128xi32, #tpu.memory_space<vmem>>) semaphore(%arg12 : memref<!tpu.dma_semaphore, #tpu.memory_space<semaphore_mem>>)
      } else {
      }
      %add3A_42 = arith.constant 1 : i32
      %add3A_43 = arith.addi %mul3A_26, %add3A_42 : i32
      %dma_wait3A_44 = arith.constant 0 : i32
      %dma_wait3A_45 = tpu.memref_slice %arg7[%add3A_43, %dma_wait3A_44] : memref<40x128xi32, #tpu.memory_space<vmem>> -> memref<1x128xi32, #tpu.memory_space<vmem>>
      %dma_wait3A_46 = tpu.memref_squeeze %dma_wait3A_45 : memref<1x128xi32, #tpu.memory_space<vmem>> -> memref<128xi32, #tpu.memory_space<vmem>>
      %dma_wait3A_47 = arith.constant 0 : i32
      %dma_wait3A_48 = arith.constant 0 : i32
      %dma_wait3A_49 = tpu.memref_slice %arg2[%dma_wait3A_47, %dma_wait3A_48] : memref<10240x8xf32, #tpu.memory_space<hbm>> -> memref<10240x8xf32, #tpu.memory_space<hbm>>
      tpu.wait_indirect_dma semaphore(%arg13 : memref<!tpu.dma_semaphore, #tpu.memory_space<semaphore_mem>>) src(%dma_wait3A_49 : memref<10240x8xf32, #tpu.memory_space<hbm>>) dst(%arg10 : memref<128x8xf32, #tpu.memory_space<vmem>>)
      %add3A_50 = arith.constant 1 : i32
      %add3A_51 = arith.addi %mul3A_26, %add3A_50 : i32
      "tpu.region"() ({
        %run_scoped3A = tpu.sem_alloc : memref<!tpu.dma_semaphore, #tpu.memory_space<semaphore_mem>>
        %dma_start3A_52 = arith.constant 0 : i32
        %dma_start3A_53 = tpu.memref_slice %arg8[%add3A_51, %dma_start3A_52] : memref<40x128xi32, #tpu.memory_space<vmem>> -> memref<1x128xi32, #tpu.memory_space<vmem>>
        %dma_start3A_54 = tpu.memref_squeeze %dma_start3A_53 : memref<1x128xi32, #tpu.memory_space<vmem>> -> memref<128xi32, #tpu.memory_space<vmem>>
        %dma_start3A_55 = arith.constant 0 : i32
        %dma_start3A_56 = arith.constant 0 : i32
        %dma_start3A_57 = tpu.memref_slice %arg11[%dma_start3A_55, %dma_start3A_56] : memref<10240x8xf32, #tpu.memory_space<vmem_shared>> -> memref<10240x8xf32, #tpu.memory_space<vmem_shared>>
        tpu.enqueue_indirect_dma source(%arg10 : memref<128x8xf32, #tpu.memory_space<vmem>>) target(%dma_start3A_57 : memref<10240x8xf32, #tpu.memory_space<vmem_shared>>) offsets(%dma_start3A_54 : memref<128xi32, #tpu.memory_space<vmem>>) semaphore(%run_scoped3A : memref<!tpu.dma_semaphore, #tpu.memory_space<semaphore_mem>>) {add = true}
        %dma_wait3A_58 = arith.constant 0 : i32
        %dma_wait3A_59 = tpu.memref_slice %arg8[%add3A_51, %dma_wait3A_58] : memref<40x128xi32, #tpu.memory_space<vmem>> -> memref<1x128xi32, #tpu.memory_space<vmem>>
        %dma_wait3A_60 = tpu.memref_squeeze %dma_wait3A_59 : memref<1x128xi32, #tpu.memory_space<vmem>> -> memref<128xi32, #tpu.memory_space<vmem>>
        %dma_wait3A_61 = arith.constant 0 : i32
        %dma_wait3A_62 = arith.constant 0 : i32
        %dma_wait3A_63 = tpu.memref_slice %arg11[%dma_wait3A_61, %dma_wait3A_62] : memref<10240x8xf32, #tpu.memory_space<vmem_shared>> -> memref<10240x8xf32, #tpu.memory_space<vmem_shared>>
        tpu.wait_indirect_dma semaphore(%run_scoped3A : memref<!tpu.dma_semaphore, #tpu.memory_space<semaphore_mem>>) src(%arg10 : memref<128x8xf32, #tpu.memory_space<vmem>>) dst(%dma_wait3A_63 : memref<10240x8xf32, #tpu.memory_space<vmem_shared>>)
        tpu.yield
      }) : () -> ()
    }
    %scan3A_15 = arith.constant 20 : i32
    %barrier3A_16 = arith.constant 0 : index
    tpu.barrier barrier_id(%barrier3A_16)
    %mul3A_17 = arith.constant 640 : i32
    %mul3A_18 = arith.muli %arg1, %mul3A_17 : i32
    %mul3A_19 = arith.constant 10240 : i32
    %mul3A_20 = arith.muli %arg0, %mul3A_19 : i32
    %mul3A_21 = arith.constant 640 : i32
    %mul3A_22 = arith.muli %arg1, %mul3A_21 : i32
    %add3A_23 = arith.addi %mul3A_20, %mul3A_22 : i32
    "tpu.region"() ({
      %run_scoped3A = tpu.sem_alloc : memref<!tpu.dma_semaphore, #tpu.memory_space<semaphore_mem>>
      %dma_start3A_24 = arith.constant 0 : i32
      %dma_start3A_25 = tpu.memref_slice %arg6[%add3A_23, %dma_start3A_24] : memref<20480x8xf32, #tpu.memory_space<hbm>> -> memref<640x8xf32, #tpu.memory_space<hbm>>
      %dma_start3A_26 = arith.constant 0 : i32
      %dma_start3A_27 = tpu.memref_slice %arg11[%mul3A_18, %dma_start3A_26] : memref<10240x8xf32, #tpu.memory_space<vmem_shared>> -> memref<640x8xf32, #tpu.memory_space<vmem_shared>>
      tpu.enqueue_dma source(%dma_start3A_27 : memref<640x8xf32, #tpu.memory_space<vmem_shared>>) target(%dma_start3A_25 : memref<640x8xf32, #tpu.memory_space<hbm>>) target_semaphore(%run_scoped3A : memref<!tpu.dma_semaphore, #tpu.memory_space<semaphore_mem>>)
      %dma_wait3A = arith.constant 0 : i32
      %dma_wait3A_28 = tpu.memref_slice %arg6[%add3A_23, %dma_wait3A] : memref<20480x8xf32, #tpu.memory_space<hbm>> -> memref<640x8xf32, #tpu.memory_space<hbm>>
      %dma_wait3A_29 = arith.constant 0 : i32
      %dma_wait3A_30 = tpu.memref_slice %arg11[%mul3A_18, %dma_wait3A_29] : memref<10240x8xf32, #tpu.memory_space<vmem_shared>> -> memref<640x8xf32, #tpu.memory_space<vmem_shared>>
      tpu.wait_dma2 semaphore(%run_scoped3A : memref<!tpu.dma_semaphore, #tpu.memory_space<semaphore_mem>>) src(%dma_wait3A_30 : memref<640x8xf32, #tpu.memory_space<vmem_shared>>) dst(%dma_wait3A_28 : memref<640x8xf32, #tpu.memory_space<hbm>>)
      tpu.yield
    }) : () -> ()
    return
  }
}

#map = affine_map<(d0, d1) -> (0, 0, 0, 0)>
#map1 = affine_map<(d0, d1) -> (0, 0, 0)>
#map2 = affine_map<(d0, d1) -> (0, 0)>
module attributes {stable_mosaic.version = 14 : i64} {
  func.func @_edge_scat_sc(%arg0: i32, %arg1: i32, %arg2: memref<32x80x128x8xf32, #tpu.memory_space<hbm>>, %arg3: memref<32x80x128xi32, #tpu.memory_space<hbm>>, %arg4: memref<10240x8xf32, #tpu.memory_space<hbm>>, %arg5: memref<20480x8xf32, #tpu.memory_space<hbm>>, %arg6: memref<80x128xi32, #tpu.memory_space<vmem>>, %arg7: memref<128x8xf32, #tpu.memory_space<vmem>>, %arg8: memref<128x8xf32, #tpu.memory_space<vmem>>, %arg9: memref<10240x8xf32, #tpu.memory_space<vmem_shared>>, %arg10: memref<!tpu.dma_semaphore, #tpu.memory_space<semaphore_mem>>, %arg11: memref<!tpu.dma_semaphore, #tpu.memory_space<semaphore_mem>>) attributes {dimension_semantics = [#tpu.dimension_semantics<core_parallel>, #tpu.dimension_semantics<subcore_parallel>], iteration_bounds = array<i64: 2, 16>, scalar_prefetch = 0 : i64, scratch_operands = 6 : i64, tpu.core_type = #tpu.core_type<sc_vector_subcore>, window_params = [{transform_indices = #map}, {transform_indices = #map1}, {transform_indices = #map2}, {transform_indices = #map2}]} {
    %mul3A = arith.constant 2 : i32
    %mul3A_0 = arith.muli %arg1, %mul3A : i32
    %add3A = arith.addi %mul3A_0, %arg0 : i32
    "tpu.region"() ({
      %run_scoped3A = tpu.sem_alloc : memref<!tpu.dma_semaphore, #tpu.memory_space<semaphore_mem>>
      %dma_start3A_26 = arith.constant 0 : i32
      %dma_start3A_27 = arith.constant 0 : i32
      %dma_start3A_28 = tpu.memref_slice %arg3[%add3A, %dma_start3A_26, %dma_start3A_27] : memref<32x80x128xi32, #tpu.memory_space<hbm>> -> memref<1x80x128xi32, #tpu.memory_space<hbm>>
      %dma_start3A_29 = tpu.memref_squeeze %dma_start3A_28 : memref<1x80x128xi32, #tpu.memory_space<hbm>> -> memref<80x128xi32, #tpu.memory_space<hbm>>
      %dma_start3A_30 = arith.constant 0 : i32
      %dma_start3A_31 = arith.constant 0 : i32
      %dma_start3A_32 = tpu.memref_slice %arg3[%add3A, %dma_start3A_30, %dma_start3A_31] : memref<32x80x128xi32, #tpu.memory_space<hbm>> -> memref<1x80x128xi32, #tpu.memory_space<hbm>>
      %dma_start3A_33 = tpu.memref_squeeze %dma_start3A_32 : memref<1x80x128xi32, #tpu.memory_space<hbm>> -> memref<80x128xi32, #tpu.memory_space<hbm>>
      tpu.enqueue_dma source(%dma_start3A_33 : memref<80x128xi32, #tpu.memory_space<hbm>>) target(%arg6 : memref<80x128xi32, #tpu.memory_space<vmem>>) target_semaphore(%run_scoped3A : memref<!tpu.dma_semaphore, #tpu.memory_space<semaphore_mem>>)
      %dma_wait3A = arith.constant 0 : i32
      %dma_wait3A_34 = arith.constant 0 : i32
      %dma_wait3A_35 = tpu.memref_slice %arg3[%add3A, %dma_wait3A, %dma_wait3A_34] : memref<32x80x128xi32, #tpu.memory_space<hbm>> -> memref<1x80x128xi32, #tpu.memory_space<hbm>>
      %dma_wait3A_36 = tpu.memref_squeeze %dma_wait3A_35 : memref<1x80x128xi32, #tpu.memory_space<hbm>> -> memref<80x128xi32, #tpu.memory_space<hbm>>
      %dma_wait3A_37 = arith.constant 0 : i32
      %dma_wait3A_38 = arith.constant 0 : i32
      %dma_wait3A_39 = tpu.memref_slice %arg3[%add3A, %dma_wait3A_37, %dma_wait3A_38] : memref<32x80x128xi32, #tpu.memory_space<hbm>> -> memref<1x80x128xi32, #tpu.memory_space<hbm>>
      %dma_wait3A_40 = tpu.memref_squeeze %dma_wait3A_39 : memref<1x80x128xi32, #tpu.memory_space<hbm>> -> memref<80x128xi32, #tpu.memory_space<hbm>>
      tpu.wait_dma2 semaphore(%run_scoped3A : memref<!tpu.dma_semaphore, #tpu.memory_space<semaphore_mem>>) src(%dma_wait3A_40 : memref<80x128xi32, #tpu.memory_space<hbm>>) dst(%arg6 : memref<80x128xi32, #tpu.memory_space<vmem>>)
      tpu.yield
    }) : () -> ()
    %mul3A_1 = arith.constant 640 : i32
    %mul3A_2 = arith.muli %arg1, %mul3A_1 : i32
    %mul3A_3 = arith.constant 640 : i32
    %mul3A_4 = arith.muli %arg1, %mul3A_3 : i32
    "tpu.region"() ({
      %run_scoped3A = tpu.sem_alloc : memref<!tpu.dma_semaphore, #tpu.memory_space<semaphore_mem>>
      %dma_start3A_26 = arith.constant 0 : i32
      %dma_start3A_27 = tpu.memref_slice %arg9[%mul3A_4, %dma_start3A_26] : memref<10240x8xf32, #tpu.memory_space<vmem_shared>> -> memref<640x8xf32, #tpu.memory_space<vmem_shared>>
      %dma_start3A_28 = arith.constant 0 : i32
      %dma_start3A_29 = tpu.memref_slice %arg4[%mul3A_2, %dma_start3A_28] : memref<10240x8xf32, #tpu.memory_space<hbm>> -> memref<640x8xf32, #tpu.memory_space<hbm>>
      tpu.enqueue_dma source(%dma_start3A_29 : memref<640x8xf32, #tpu.memory_space<hbm>>) target(%dma_start3A_27 : memref<640x8xf32, #tpu.memory_space<vmem_shared>>) target_semaphore(%run_scoped3A : memref<!tpu.dma_semaphore, #tpu.memory_space<semaphore_mem>>)
      %dma_wait3A = arith.constant 0 : i32
      %dma_wait3A_30 = tpu.memref_slice %arg9[%mul3A_4, %dma_wait3A] : memref<10240x8xf32, #tpu.memory_space<vmem_shared>> -> memref<640x8xf32, #tpu.memory_space<vmem_shared>>
      %dma_wait3A_31 = arith.constant 0 : i32
      %dma_wait3A_32 = tpu.memref_slice %arg4[%mul3A_2, %dma_wait3A_31] : memref<10240x8xf32, #tpu.memory_space<hbm>> -> memref<640x8xf32, #tpu.memory_space<hbm>>
      tpu.wait_dma2 semaphore(%run_scoped3A : memref<!tpu.dma_semaphore, #tpu.memory_space<semaphore_mem>>) src(%dma_wait3A_32 : memref<640x8xf32, #tpu.memory_space<hbm>>) dst(%dma_wait3A_30 : memref<640x8xf32, #tpu.memory_space<vmem_shared>>)
      tpu.yield
    }) : () -> ()
    %barrier3A = arith.constant 0 : index
    tpu.barrier barrier_id(%barrier3A)
    %dma_start3A = arith.constant 0 : i32
    %dma_start3A_5 = arith.constant 0 : i32
    %dma_start3A_6 = arith.constant 0 : i32
    %dma_start3A_7 = tpu.memref_slice %arg2[%add3A, %dma_start3A, %dma_start3A_5, %dma_start3A_6] : memref<32x80x128x8xf32, #tpu.memory_space<hbm>> -> memref<1x1x128x8xf32, #tpu.memory_space<hbm>>
    %dma_start3A_8 = tpu.memref_squeeze %dma_start3A_7 : memref<1x1x128x8xf32, #tpu.memory_space<hbm>> -> memref<128x8xf32, #tpu.memory_space<hbm>>
    %dma_start3A_9 = arith.constant 0 : i32
    %dma_start3A_10 = arith.constant 0 : i32
    %dma_start3A_11 = tpu.memref_slice %arg2[%add3A, %dma_start3A, %dma_start3A_9, %dma_start3A_10] : memref<32x80x128x8xf32, #tpu.memory_space<hbm>> -> memref<1x1x128x8xf32, #tpu.memory_space<hbm>>
    %dma_start3A_12 = tpu.memref_squeeze %dma_start3A_11 : memref<1x1x128x8xf32, #tpu.memory_space<hbm>> -> memref<128x8xf32, #tpu.memory_space<hbm>>
    tpu.enqueue_dma source(%dma_start3A_12 : memref<128x8xf32, #tpu.memory_space<hbm>>) target(%arg7 : memref<128x8xf32, #tpu.memory_space<vmem>>) target_semaphore(%arg10 : memref<!tpu.dma_semaphore, #tpu.memory_space<semaphore_mem>>)
    %scan3A = arith.constant 0 : i32
    %scan3A_13 = arith.constant 0 : i32
    %scan3A_14 = arith.constant 40 : i32
    %scan3A_15 = arith.addi %scan3A_13, %scan3A_14 : i32
    %scan3A_16 = arith.constant 1 : i32
    scf.for %scan3A_26 = %scan3A_13 to %scan3A_15 step %scan3A_16  : i32 {
      %mul3A_27 = arith.constant 2 : i32
      %mul3A_28 = arith.muli %mul3A_27, %scan3A_26 : i32
      %add3A_29 = arith.constant 1 : i32
      %add3A_30 = arith.addi %mul3A_28, %add3A_29 : i32
      %dma_start3A_31 = arith.constant 0 : i32
      %dma_start3A_32 = arith.constant 0 : i32
      %dma_start3A_33 = tpu.memref_slice %arg2[%add3A, %add3A_30, %dma_start3A_31, %dma_start3A_32] : memref<32x80x128x8xf32, #tpu.memory_space<hbm>> -> memref<1x1x128x8xf32, #tpu.memory_space<hbm>>
      %dma_start3A_34 = tpu.memref_squeeze %dma_start3A_33 : memref<1x1x128x8xf32, #tpu.memory_space<hbm>> -> memref<128x8xf32, #tpu.memory_space<hbm>>
      %dma_start3A_35 = arith.constant 0 : i32
      %dma_start3A_36 = arith.constant 0 : i32
      %dma_start3A_37 = tpu.memref_slice %arg2[%add3A, %add3A_30, %dma_start3A_35, %dma_start3A_36] : memref<32x80x128x8xf32, #tpu.memory_space<hbm>> -> memref<1x1x128x8xf32, #tpu.memory_space<hbm>>
      %dma_start3A_38 = tpu.memref_squeeze %dma_start3A_37 : memref<1x1x128x8xf32, #tpu.memory_space<hbm>> -> memref<128x8xf32, #tpu.memory_space<hbm>>
      tpu.enqueue_dma source(%dma_start3A_38 : memref<128x8xf32, #tpu.memory_space<hbm>>) target(%arg8 : memref<128x8xf32, #tpu.memory_space<vmem>>) target_semaphore(%arg11 : memref<!tpu.dma_semaphore, #tpu.memory_space<semaphore_mem>>)
      %dma_wait3A = arith.constant 0 : i32
      %dma_wait3A_39 = arith.constant 0 : i32
      %dma_wait3A_40 = tpu.memref_slice %arg2[%add3A, %mul3A_28, %dma_wait3A, %dma_wait3A_39] : memref<32x80x128x8xf32, #tpu.memory_space<hbm>> -> memref<1x1x128x8xf32, #tpu.memory_space<hbm>>
      %dma_wait3A_41 = tpu.memref_squeeze %dma_wait3A_40 : memref<1x1x128x8xf32, #tpu.memory_space<hbm>> -> memref<128x8xf32, #tpu.memory_space<hbm>>
      %dma_wait3A_42 = arith.constant 0 : i32
      %dma_wait3A_43 = arith.constant 0 : i32
      %dma_wait3A_44 = tpu.memref_slice %arg2[%add3A, %mul3A_28, %dma_wait3A_42, %dma_wait3A_43] : memref<32x80x128x8xf32, #tpu.memory_space<hbm>> -> memref<1x1x128x8xf32, #tpu.memory_space<hbm>>
      %dma_wait3A_45 = tpu.memref_squeeze %dma_wait3A_44 : memref<1x1x128x8xf32, #tpu.memory_space<hbm>> -> memref<128x8xf32, #tpu.memory_space<hbm>>
      tpu.wait_dma2 semaphore(%arg10 : memref<!tpu.dma_semaphore, #tpu.memory_space<semaphore_mem>>) src(%dma_wait3A_45 : memref<128x8xf32, #tpu.memory_space<hbm>>) dst(%arg7 : memref<128x8xf32, #tpu.memory_space<vmem>>)
      "tpu.region"() ({
        %run_scoped3A = tpu.sem_alloc : memref<!tpu.dma_semaphore, #tpu.memory_space<semaphore_mem>>
        %dma_start3A_60 = arith.constant 0 : i32
        %dma_start3A_61 = tpu.memref_slice %arg6[%mul3A_28, %dma_start3A_60] : memref<80x128xi32, #tpu.memory_space<vmem>> -> memref<1x128xi32, #tpu.memory_space<vmem>>
        %dma_start3A_62 = tpu.memref_squeeze %dma_start3A_61 : memref<1x128xi32, #tpu.memory_space<vmem>> -> memref<128xi32, #tpu.memory_space<vmem>>
        %dma_start3A_63 = arith.constant 0 : i32
        %dma_start3A_64 = arith.constant 0 : i32
        %dma_start3A_65 = tpu.memref_slice %arg9[%dma_start3A_63, %dma_start3A_64] : memref<10240x8xf32, #tpu.memory_space<vmem_shared>> -> memref<10240x8xf32, #tpu.memory_space<vmem_shared>>
        tpu.enqueue_indirect_dma source(%arg7 : memref<128x8xf32, #tpu.memory_space<vmem>>) target(%dma_start3A_65 : memref<10240x8xf32, #tpu.memory_space<vmem_shared>>) offsets(%dma_start3A_62 : memref<128xi32, #tpu.memory_space<vmem>>) semaphore(%run_scoped3A : memref<!tpu.dma_semaphore, #tpu.memory_space<semaphore_mem>>) {add = true}
        %dma_wait3A_66 = arith.constant 0 : i32
        %dma_wait3A_67 = tpu.memref_slice %arg6[%mul3A_28, %dma_wait3A_66] : memref<80x128xi32, #tpu.memory_space<vmem>> -> memref<1x128xi32, #tpu.memory_space<vmem>>
        %dma_wait3A_68 = tpu.memref_squeeze %dma_wait3A_67 : memref<1x128xi32, #tpu.memory_space<vmem>> -> memref<128xi32, #tpu.memory_space<vmem>>
        %dma_wait3A_69 = arith.constant 0 : i32
        %dma_wait3A_70 = arith.constant 0 : i32
        %dma_wait3A_71 = tpu.memref_slice %arg9[%dma_wait3A_69, %dma_wait3A_70] : memref<10240x8xf32, #tpu.memory_space<vmem_shared>> -> memref<10240x8xf32, #tpu.memory_space<vmem_shared>>
        tpu.wait_indirect_dma semaphore(%run_scoped3A : memref<!tpu.dma_semaphore, #tpu.memory_space<semaphore_mem>>) src(%arg7 : memref<128x8xf32, #tpu.memory_space<vmem>>) dst(%dma_wait3A_71 : memref<10240x8xf32, #tpu.memory_space<vmem_shared>>)
        tpu.yield
      }) : () -> ()
      %lt3A = arith.constant 39 : i32
      %lt3A_46 = arith.cmpi slt, %scan3A_26, %lt3A : i32
      %convert_element_type3A = arith.extui %lt3A_46 : i1 to i32
      %cond3A = arith.constant 0 : i32
      %cond3A_47 = arith.cmpi ne, %convert_element_type3A, %cond3A : i32
      scf.if %cond3A_47 {
        %add3A_60 = arith.constant 2 : i32
        %add3A_61 = arith.addi %mul3A_28, %add3A_60 : i32
        %dma_start3A_62 = arith.constant 0 : i32
        %dma_start3A_63 = arith.constant 0 : i32
        %dma_start3A_64 = tpu.memref_slice %arg2[%add3A, %add3A_61, %dma_start3A_62, %dma_start3A_63] : memref<32x80x128x8xf32, #tpu.memory_space<hbm>> -> memref<1x1x128x8xf32, #tpu.memory_space<hbm>>
        %dma_start3A_65 = tpu.memref_squeeze %dma_start3A_64 : memref<1x1x128x8xf32, #tpu.memory_space<hbm>> -> memref<128x8xf32, #tpu.memory_space<hbm>>
        %dma_start3A_66 = arith.constant 0 : i32
        %dma_start3A_67 = arith.constant 0 : i32
        %dma_start3A_68 = tpu.memref_slice %arg2[%add3A, %add3A_61, %dma_start3A_66, %dma_start3A_67] : memref<32x80x128x8xf32, #tpu.memory_space<hbm>> -> memref<1x1x128x8xf32, #tpu.memory_space<hbm>>
        %dma_start3A_69 = tpu.memref_squeeze %dma_start3A_68 : memref<1x1x128x8xf32, #tpu.memory_space<hbm>> -> memref<128x8xf32, #tpu.memory_space<hbm>>
        tpu.enqueue_dma source(%dma_start3A_69 : memref<128x8xf32, #tpu.memory_space<hbm>>) target(%arg7 : memref<128x8xf32, #tpu.memory_space<vmem>>) target_semaphore(%arg10 : memref<!tpu.dma_semaphore, #tpu.memory_space<semaphore_mem>>)
      } else {
      }
      %add3A_48 = arith.constant 1 : i32
      %add3A_49 = arith.addi %mul3A_28, %add3A_48 : i32
      %dma_wait3A_50 = arith.constant 0 : i32
      %dma_wait3A_51 = arith.constant 0 : i32
      %dma_wait3A_52 = tpu.memref_slice %arg2[%add3A, %add3A_49, %dma_wait3A_50, %dma_wait3A_51] : memref<32x80x128x8xf32, #tpu.memory_space<hbm>> -> memref<1x1x128x8xf32, #tpu.memory_space<hbm>>
      %dma_wait3A_53 = tpu.memref_squeeze %dma_wait3A_52 : memref<1x1x128x8xf32, #tpu.memory_space<hbm>> -> memref<128x8xf32, #tpu.memory_space<hbm>>
      %dma_wait3A_54 = arith.constant 0 : i32
      %dma_wait3A_55 = arith.constant 0 : i32
      %dma_wait3A_56 = tpu.memref_slice %arg2[%add3A, %add3A_49, %dma_wait3A_54, %dma_wait3A_55] : memref<32x80x128x8xf32, #tpu.memory_space<hbm>> -> memref<1x1x128x8xf32, #tpu.memory_space<hbm>>
      %dma_wait3A_57 = tpu.memref_squeeze %dma_wait3A_56 : memref<1x1x128x8xf32, #tpu.memory_space<hbm>> -> memref<128x8xf32, #tpu.memory_space<hbm>>
      tpu.wait_dma2 semaphore(%arg11 : memref<!tpu.dma_semaphore, #tpu.memory_space<semaphore_mem>>) src(%dma_wait3A_57 : memref<128x8xf32, #tpu.memory_space<hbm>>) dst(%arg8 : memref<128x8xf32, #tpu.memory_space<vmem>>)
      %add3A_58 = arith.constant 1 : i32
      %add3A_59 = arith.addi %mul3A_28, %add3A_58 : i32
      "tpu.region"() ({
        %run_scoped3A = tpu.sem_alloc : memref<!tpu.dma_semaphore, #tpu.memory_space<semaphore_mem>>
        %dma_start3A_60 = arith.constant 0 : i32
        %dma_start3A_61 = tpu.memref_slice %arg6[%add3A_59, %dma_start3A_60] : memref<80x128xi32, #tpu.memory_space<vmem>> -> memref<1x128xi32, #tpu.memory_space<vmem>>
        %dma_start3A_62 = tpu.memref_squeeze %dma_start3A_61 : memref<1x128xi32, #tpu.memory_space<vmem>> -> memref<128xi32, #tpu.memory_space<vmem>>
        %dma_start3A_63 = arith.constant 0 : i32
        %dma_start3A_64 = arith.constant 0 : i32
        %dma_start3A_65 = tpu.memref_slice %arg9[%dma_start3A_63, %dma_start3A_64] : memref<10240x8xf32, #tpu.memory_space<vmem_shared>> -> memref<10240x8xf32, #tpu.memory_space<vmem_shared>>
        tpu.enqueue_indirect_dma source(%arg8 : memref<128x8xf32, #tpu.memory_space<vmem>>) target(%dma_start3A_65 : memref<10240x8xf32, #tpu.memory_space<vmem_shared>>) offsets(%dma_start3A_62 : memref<128xi32, #tpu.memory_space<vmem>>) semaphore(%run_scoped3A : memref<!tpu.dma_semaphore, #tpu.memory_space<semaphore_mem>>) {add = true}
        %dma_wait3A_66 = arith.constant 0 : i32
        %dma_wait3A_67 = tpu.memref_slice %arg6[%add3A_59, %dma_wait3A_66] : memref<80x128xi32, #tpu.memory_space<vmem>> -> memref<1x128xi32, #tpu.memory_space<vmem>>
        %dma_wait3A_68 = tpu.memref_squeeze %dma_wait3A_67 : memref<1x128xi32, #tpu.memory_space<vmem>> -> memref<128xi32, #tpu.memory_space<vmem>>
        %dma_wait3A_69 = arith.constant 0 : i32
        %dma_wait3A_70 = arith.constant 0 : i32
        %dma_wait3A_71 = tpu.memref_slice %arg9[%dma_wait3A_69, %dma_wait3A_70] : memref<10240x8xf32, #tpu.memory_space<vmem_shared>> -> memref<10240x8xf32, #tpu.memory_space<vmem_shared>>
        tpu.wait_indirect_dma semaphore(%run_scoped3A : memref<!tpu.dma_semaphore, #tpu.memory_space<semaphore_mem>>) src(%arg8 : memref<128x8xf32, #tpu.memory_space<vmem>>) dst(%dma_wait3A_71 : memref<10240x8xf32, #tpu.memory_space<vmem_shared>>)
        tpu.yield
      }) : () -> ()
    }
    %scan3A_17 = arith.constant 40 : i32
    %barrier3A_18 = arith.constant 0 : index
    tpu.barrier barrier_id(%barrier3A_18)
    %mul3A_19 = arith.constant 640 : i32
    %mul3A_20 = arith.muli %arg1, %mul3A_19 : i32
    %mul3A_21 = arith.constant 10240 : i32
    %mul3A_22 = arith.muli %arg0, %mul3A_21 : i32
    %mul3A_23 = arith.constant 640 : i32
    %mul3A_24 = arith.muli %arg1, %mul3A_23 : i32
    %add3A_25 = arith.addi %mul3A_22, %mul3A_24 : i32
    "tpu.region"() ({
      %run_scoped3A = tpu.sem_alloc : memref<!tpu.dma_semaphore, #tpu.memory_space<semaphore_mem>>
      %dma_start3A_26 = arith.constant 0 : i32
      %dma_start3A_27 = tpu.memref_slice %arg5[%add3A_25, %dma_start3A_26] : memref<20480x8xf32, #tpu.memory_space<hbm>> -> memref<640x8xf32, #tpu.memory_space<hbm>>
      %dma_start3A_28 = arith.constant 0 : i32
      %dma_start3A_29 = tpu.memref_slice %arg9[%mul3A_20, %dma_start3A_28] : memref<10240x8xf32, #tpu.memory_space<vmem_shared>> -> memref<640x8xf32, #tpu.memory_space<vmem_shared>>
      tpu.enqueue_dma source(%dma_start3A_29 : memref<640x8xf32, #tpu.memory_space<vmem_shared>>) target(%dma_start3A_27 : memref<640x8xf32, #tpu.memory_space<hbm>>) target_semaphore(%run_scoped3A : memref<!tpu.dma_semaphore, #tpu.memory_space<semaphore_mem>>)
      %dma_wait3A = arith.constant 0 : i32
      %dma_wait3A_30 = tpu.memref_slice %arg5[%add3A_25, %dma_wait3A] : memref<20480x8xf32, #tpu.memory_space<hbm>> -> memref<640x8xf32, #tpu.memory_space<hbm>>
      %dma_wait3A_31 = arith.constant 0 : i32
      %dma_wait3A_32 = tpu.memref_slice %arg9[%mul3A_20, %dma_wait3A_31] : memref<10240x8xf32, #tpu.memory_space<vmem_shared>> -> memref<640x8xf32, #tpu.memory_space<vmem_shared>>
      tpu.wait_dma2 semaphore(%run_scoped3A : memref<!tpu.dma_semaphore, #tpu.memory_space<semaphore_mem>>) src(%dma_wait3A_32 : memref<640x8xf32, #tpu.memory_space<vmem_shared>>) dst(%dma_wait3A_30 : memref<640x8xf32, #tpu.memory_space<hbm>>)
      tpu.yield
    }) : () -> ()
    return
  }
}

#map = affine_map<(d0, d1) -> (0, 0)>
#map1 = affine_map<(d0, d1) -> (0, 0, 0)>
module attributes {stable_mosaic.version = 14 : i64} {
  func.func @_scal_spmv_sc(%arg0: i32, %arg1: i32, %arg2: memref<10240x8xf32, #tpu.memory_space<hbm>>, %arg3: memref<32x40x128xi32, #tpu.memory_space<hbm>>, %arg4: memref<32x40x128xi32, #tpu.memory_space<hbm>>, %arg5: memref<10240x8xf32, #tpu.memory_space<hbm>>, %arg6: memref<20480x8xf32, #tpu.memory_space<hbm>>, %arg7: memref<40x128xi32, #tpu.memory_space<vmem>>, %arg8: memref<40x128xi32, #tpu.memory_space<vmem>>, %arg9: memref<128x8xf32, #tpu.memory_space<vmem>>, %arg10: memref<128x8xf32, #tpu.memory_space<vmem>>, %arg11: memref<10240x8xf32, #tpu.memory_space<vmem_shared>>, %arg12: memref<!tpu.dma_semaphore, #tpu.memory_space<semaphore_mem>>, %arg13: memref<!tpu.dma_semaphore, #tpu.memory_space<semaphore_mem>>) attributes {dimension_semantics = [#tpu.dimension_semantics<core_parallel>, #tpu.dimension_semantics<subcore_parallel>], iteration_bounds = array<i64: 2, 16>, scalar_prefetch = 0 : i64, scratch_operands = 7 : i64, tpu.core_type = #tpu.core_type<sc_vector_subcore>, window_params = [{transform_indices = #map}, {transform_indices = #map1}, {transform_indices = #map1}, {transform_indices = #map}, {transform_indices = #map}]} {
    %mul3A = arith.constant 2 : i32
    %mul3A_0 = arith.muli %arg1, %mul3A : i32
    %add3A = arith.addi %mul3A_0, %arg0 : i32
    "tpu.region"() ({
      %run_scoped3A = tpu.sem_alloc : memref<!tpu.dma_semaphore, #tpu.memory_space<semaphore_mem>>
      %dma_start3A_24 = arith.constant 0 : i32
      %dma_start3A_25 = arith.constant 0 : i32
      %dma_start3A_26 = tpu.memref_slice %arg3[%add3A, %dma_start3A_24, %dma_start3A_25] : memref<32x40x128xi32, #tpu.memory_space<hbm>> -> memref<1x40x128xi32, #tpu.memory_space<hbm>>
      %dma_start3A_27 = tpu.memref_squeeze %dma_start3A_26 : memref<1x40x128xi32, #tpu.memory_space<hbm>> -> memref<40x128xi32, #tpu.memory_space<hbm>>
      %dma_start3A_28 = arith.constant 0 : i32
      %dma_start3A_29 = arith.constant 0 : i32
      %dma_start3A_30 = tpu.memref_slice %arg3[%add3A, %dma_start3A_28, %dma_start3A_29] : memref<32x40x128xi32, #tpu.memory_space<hbm>> -> memref<1x40x128xi32, #tpu.memory_space<hbm>>
      %dma_start3A_31 = tpu.memref_squeeze %dma_start3A_30 : memref<1x40x128xi32, #tpu.memory_space<hbm>> -> memref<40x128xi32, #tpu.memory_space<hbm>>
      tpu.enqueue_dma source(%dma_start3A_31 : memref<40x128xi32, #tpu.memory_space<hbm>>) target(%arg7 : memref<40x128xi32, #tpu.memory_space<vmem>>) target_semaphore(%run_scoped3A : memref<!tpu.dma_semaphore, #tpu.memory_space<semaphore_mem>>)
      %dma_wait3A = arith.constant 0 : i32
      %dma_wait3A_32 = arith.constant 0 : i32
      %dma_wait3A_33 = tpu.memref_slice %arg3[%add3A, %dma_wait3A, %dma_wait3A_32] : memref<32x40x128xi32, #tpu.memory_space<hbm>> -> memref<1x40x128xi32, #tpu.memory_space<hbm>>
      %dma_wait3A_34 = tpu.memref_squeeze %dma_wait3A_33 : memref<1x40x128xi32, #tpu.memory_space<hbm>> -> memref<40x128xi32, #tpu.memory_space<hbm>>
      %dma_wait3A_35 = arith.constant 0 : i32
      %dma_wait3A_36 = arith.constant 0 : i32
      %dma_wait3A_37 = tpu.memref_slice %arg3[%add3A, %dma_wait3A_35, %dma_wait3A_36] : memref<32x40x128xi32, #tpu.memory_space<hbm>> -> memref<1x40x128xi32, #tpu.memory_space<hbm>>
      %dma_wait3A_38 = tpu.memref_squeeze %dma_wait3A_37 : memref<1x40x128xi32, #tpu.memory_space<hbm>> -> memref<40x128xi32, #tpu.memory_space<hbm>>
      tpu.wait_dma2 semaphore(%run_scoped3A : memref<!tpu.dma_semaphore, #tpu.memory_space<semaphore_mem>>) src(%dma_wait3A_38 : memref<40x128xi32, #tpu.memory_space<hbm>>) dst(%arg7 : memref<40x128xi32, #tpu.memory_space<vmem>>)
      tpu.yield
    }) : () -> ()
    "tpu.region"() ({
      %run_scoped3A = tpu.sem_alloc : memref<!tpu.dma_semaphore, #tpu.memory_space<semaphore_mem>>
      %dma_start3A_24 = arith.constant 0 : i32
      %dma_start3A_25 = arith.constant 0 : i32
      %dma_start3A_26 = tpu.memref_slice %arg4[%add3A, %dma_start3A_24, %dma_start3A_25] : memref<32x40x128xi32, #tpu.memory_space<hbm>> -> memref<1x40x128xi32, #tpu.memory_space<hbm>>
      %dma_start3A_27 = tpu.memref_squeeze %dma_start3A_26 : memref<1x40x128xi32, #tpu.memory_space<hbm>> -> memref<40x128xi32, #tpu.memory_space<hbm>>
      %dma_start3A_28 = arith.constant 0 : i32
      %dma_start3A_29 = arith.constant 0 : i32
      %dma_start3A_30 = tpu.memref_slice %arg4[%add3A, %dma_start3A_28, %dma_start3A_29] : memref<32x40x128xi32, #tpu.memory_space<hbm>> -> memref<1x40x128xi32, #tpu.memory_space<hbm>>
      %dma_start3A_31 = tpu.memref_squeeze %dma_start3A_30 : memref<1x40x128xi32, #tpu.memory_space<hbm>> -> memref<40x128xi32, #tpu.memory_space<hbm>>
      tpu.enqueue_dma source(%dma_start3A_31 : memref<40x128xi32, #tpu.memory_space<hbm>>) target(%arg8 : memref<40x128xi32, #tpu.memory_space<vmem>>) target_semaphore(%run_scoped3A : memref<!tpu.dma_semaphore, #tpu.memory_space<semaphore_mem>>)
      %dma_wait3A = arith.constant 0 : i32
      %dma_wait3A_32 = arith.constant 0 : i32
      %dma_wait3A_33 = tpu.memref_slice %arg4[%add3A, %dma_wait3A, %dma_wait3A_32] : memref<32x40x128xi32, #tpu.memory_space<hbm>> -> memref<1x40x128xi32, #tpu.memory_space<hbm>>
      %dma_wait3A_34 = tpu.memref_squeeze %dma_wait3A_33 : memref<1x40x128xi32, #tpu.memory_space<hbm>> -> memref<40x128xi32, #tpu.memory_space<hbm>>
      %dma_wait3A_35 = arith.constant 0 : i32
      %dma_wait3A_36 = arith.constant 0 : i32
      %dma_wait3A_37 = tpu.memref_slice %arg4[%add3A, %dma_wait3A_35, %dma_wait3A_36] : memref<32x40x128xi32, #tpu.memory_space<hbm>> -> memref<1x40x128xi32, #tpu.memory_space<hbm>>
      %dma_wait3A_38 = tpu.memref_squeeze %dma_wait3A_37 : memref<1x40x128xi32, #tpu.memory_space<hbm>> -> memref<40x128xi32, #tpu.memory_space<hbm>>
      tpu.wait_dma2 semaphore(%run_scoped3A : memref<!tpu.dma_semaphore, #tpu.memory_space<semaphore_mem>>) src(%dma_wait3A_38 : memref<40x128xi32, #tpu.memory_space<hbm>>) dst(%arg8 : memref<40x128xi32, #tpu.memory_space<vmem>>)
      tpu.yield
    }) : () -> ()
    %mul3A_1 = arith.constant 640 : i32
    %mul3A_2 = arith.muli %arg1, %mul3A_1 : i32
    %mul3A_3 = arith.constant 640 : i32
    %mul3A_4 = arith.muli %arg1, %mul3A_3 : i32
    "tpu.region"() ({
      %run_scoped3A = tpu.sem_alloc : memref<!tpu.dma_semaphore, #tpu.memory_space<semaphore_mem>>
      %dma_start3A_24 = arith.constant 0 : i32
      %dma_start3A_25 = tpu.memref_slice %arg11[%mul3A_4, %dma_start3A_24] : memref<10240x8xf32, #tpu.memory_space<vmem_shared>> -> memref<640x8xf32, #tpu.memory_space<vmem_shared>>
      %dma_start3A_26 = arith.constant 0 : i32
      %dma_start3A_27 = tpu.memref_slice %arg5[%mul3A_2, %dma_start3A_26] : memref<10240x8xf32, #tpu.memory_space<hbm>> -> memref<640x8xf32, #tpu.memory_space<hbm>>
      tpu.enqueue_dma source(%dma_start3A_27 : memref<640x8xf32, #tpu.memory_space<hbm>>) target(%dma_start3A_25 : memref<640x8xf32, #tpu.memory_space<vmem_shared>>) target_semaphore(%run_scoped3A : memref<!tpu.dma_semaphore, #tpu.memory_space<semaphore_mem>>)
      %dma_wait3A = arith.constant 0 : i32
      %dma_wait3A_28 = tpu.memref_slice %arg11[%mul3A_4, %dma_wait3A] : memref<10240x8xf32, #tpu.memory_space<vmem_shared>> -> memref<640x8xf32, #tpu.memory_space<vmem_shared>>
      %dma_wait3A_29 = arith.constant 0 : i32
      %dma_wait3A_30 = tpu.memref_slice %arg5[%mul3A_2, %dma_wait3A_29] : memref<10240x8xf32, #tpu.memory_space<hbm>> -> memref<640x8xf32, #tpu.memory_space<hbm>>
      tpu.wait_dma2 semaphore(%run_scoped3A : memref<!tpu.dma_semaphore, #tpu.memory_space<semaphore_mem>>) src(%dma_wait3A_30 : memref<640x8xf32, #tpu.memory_space<hbm>>) dst(%dma_wait3A_28 : memref<640x8xf32, #tpu.memory_space<vmem_shared>>)
      tpu.yield
    }) : () -> ()
    %barrier3A = arith.constant 0 : index
    tpu.barrier barrier_id(%barrier3A)
    %dma_start3A = arith.constant 0 : i32
    %dma_start3A_5 = arith.constant 0 : i32
    %dma_start3A_6 = tpu.memref_slice %arg7[%dma_start3A, %dma_start3A_5] : memref<40x128xi32, #tpu.memory_space<vmem>> -> memref<1x128xi32, #tpu.memory_space<vmem>>
    %dma_start3A_7 = tpu.memref_squeeze %dma_start3A_6 : memref<1x128xi32, #tpu.memory_space<vmem>> -> memref<128xi32, #tpu.memory_space<vmem>>
    %dma_start3A_8 = arith.constant 0 : i32
    %dma_start3A_9 = arith.constant 0 : i32
    %dma_start3A_10 = tpu.memref_slice %arg2[%dma_start3A_8, %dma_start3A_9] : memref<10240x8xf32, #tpu.memory_space<hbm>> -> memref<10240x8xf32, #tpu.memory_space<hbm>>
    tpu.enqueue_indirect_dma source(%dma_start3A_10 : memref<10240x8xf32, #tpu.memory_space<hbm>>) target(%arg9 : memref<128x8xf32, #tpu.memory_space<vmem>>) offsets(%dma_start3A_7 : memref<128xi32, #tpu.memory_space<vmem>>) semaphore(%arg12 : memref<!tpu.dma_semaphore, #tpu.memory_space<semaphore_mem>>)
    %scan3A = arith.constant 0 : i32
    %scan3A_11 = arith.constant 0 : i32
    %scan3A_12 = arith.constant 20 : i32
    %scan3A_13 = arith.addi %scan3A_11, %scan3A_12 : i32
    %scan3A_14 = arith.constant 1 : i32
    scf.for %scan3A_24 = %scan3A_11 to %scan3A_13 step %scan3A_14  : i32 {
      %mul3A_25 = arith.constant 2 : i32
      %mul3A_26 = arith.muli %mul3A_25, %scan3A_24 : i32
      %add3A_27 = arith.constant 1 : i32
      %add3A_28 = arith.addi %mul3A_26, %add3A_27 : i32
      %dma_start3A_29 = arith.constant 0 : i32
      %dma_start3A_30 = tpu.memref_slice %arg7[%add3A_28, %dma_start3A_29] : memref<40x128xi32, #tpu.memory_space<vmem>> -> memref<1x128xi32, #tpu.memory_space<vmem>>
      %dma_start3A_31 = tpu.memref_squeeze %dma_start3A_30 : memref<1x128xi32, #tpu.memory_space<vmem>> -> memref<128xi32, #tpu.memory_space<vmem>>
      %dma_start3A_32 = arith.constant 0 : i32
      %dma_start3A_33 = arith.constant 0 : i32
      %dma_start3A_34 = tpu.memref_slice %arg2[%dma_start3A_32, %dma_start3A_33] : memref<10240x8xf32, #tpu.memory_space<hbm>> -> memref<10240x8xf32, #tpu.memory_space<hbm>>
      tpu.enqueue_indirect_dma source(%dma_start3A_34 : memref<10240x8xf32, #tpu.memory_space<hbm>>) target(%arg10 : memref<128x8xf32, #tpu.memory_space<vmem>>) offsets(%dma_start3A_31 : memref<128xi32, #tpu.memory_space<vmem>>) semaphore(%arg13 : memref<!tpu.dma_semaphore, #tpu.memory_space<semaphore_mem>>)
      %dma_wait3A = arith.constant 0 : i32
      %dma_wait3A_35 = tpu.memref_slice %arg7[%mul3A_26, %dma_wait3A] : memref<40x128xi32, #tpu.memory_space<vmem>> -> memref<1x128xi32, #tpu.memory_space<vmem>>
      %dma_wait3A_36 = tpu.memref_squeeze %dma_wait3A_35 : memref<1x128xi32, #tpu.memory_space<vmem>> -> memref<128xi32, #tpu.memory_space<vmem>>
      %dma_wait3A_37 = arith.constant 0 : i32
      %dma_wait3A_38 = arith.constant 0 : i32
      %dma_wait3A_39 = tpu.memref_slice %arg2[%dma_wait3A_37, %dma_wait3A_38] : memref<10240x8xf32, #tpu.memory_space<hbm>> -> memref<10240x8xf32, #tpu.memory_space<hbm>>
      tpu.wait_indirect_dma semaphore(%arg12 : memref<!tpu.dma_semaphore, #tpu.memory_space<semaphore_mem>>) src(%dma_wait3A_39 : memref<10240x8xf32, #tpu.memory_space<hbm>>) dst(%arg9 : memref<128x8xf32, #tpu.memory_space<vmem>>)
      "tpu.region"() ({
        %run_scoped3A = tpu.sem_alloc : memref<!tpu.dma_semaphore, #tpu.memory_space<semaphore_mem>>
        %dma_start3A_52 = arith.constant 0 : i32
        %dma_start3A_53 = tpu.memref_slice %arg8[%mul3A_26, %dma_start3A_52] : memref<40x128xi32, #tpu.memory_space<vmem>> -> memref<1x128xi32, #tpu.memory_space<vmem>>
        %dma_start3A_54 = tpu.memref_squeeze %dma_start3A_53 : memref<1x128xi32, #tpu.memory_space<vmem>> -> memref<128xi32, #tpu.memory_space<vmem>>
        %dma_start3A_55 = arith.constant 0 : i32
        %dma_start3A_56 = arith.constant 0 : i32
        %dma_start3A_57 = tpu.memref_slice %arg11[%dma_start3A_55, %dma_start3A_56] : memref<10240x8xf32, #tpu.memory_space<vmem_shared>> -> memref<10240x8xf32, #tpu.memory_space<vmem_shared>>
        tpu.enqueue_indirect_dma source(%arg9 : memref<128x8xf32, #tpu.memory_space<vmem>>) target(%dma_start3A_57 : memref<10240x8xf32, #tpu.memory_space<vmem_shared>>) offsets(%dma_start3A_54 : memref<128xi32, #tpu.memory_space<vmem>>) semaphore(%run_scoped3A : memref<!tpu.dma_semaphore, #tpu.memory_space<semaphore_mem>>) {add = true}
        %dma_wait3A_58 = arith.constant 0 : i32
        %dma_wait3A_59 = tpu.memref_slice %arg8[%mul3A_26, %dma_wait3A_58] : memref<40x128xi32, #tpu.memory_space<vmem>> -> memref<1x128xi32, #tpu.memory_space<vmem>>
        %dma_wait3A_60 = tpu.memref_squeeze %dma_wait3A_59 : memref<1x128xi32, #tpu.memory_space<vmem>> -> memref<128xi32, #tpu.memory_space<vmem>>
        %dma_wait3A_61 = arith.constant 0 : i32
        %dma_wait3A_62 = arith.constant 0 : i32
        %dma_wait3A_63 = tpu.memref_slice %arg11[%dma_wait3A_61, %dma_wait3A_62] : memref<10240x8xf32, #tpu.memory_space<vmem_shared>> -> memref<10240x8xf32, #tpu.memory_space<vmem_shared>>
        tpu.wait_indirect_dma semaphore(%run_scoped3A : memref<!tpu.dma_semaphore, #tpu.memory_space<semaphore_mem>>) src(%arg9 : memref<128x8xf32, #tpu.memory_space<vmem>>) dst(%dma_wait3A_63 : memref<10240x8xf32, #tpu.memory_space<vmem_shared>>)
        tpu.yield
      }) : () -> ()
      %lt3A = arith.constant 19 : i32
      %lt3A_40 = arith.cmpi slt, %scan3A_24, %lt3A : i32
      %convert_element_type3A = arith.extui %lt3A_40 : i1 to i32
      %cond3A = arith.constant 0 : i32
      %cond3A_41 = arith.cmpi ne, %convert_element_type3A, %cond3A : i32
      scf.if %cond3A_41 {
        %add3A_52 = arith.constant 2 : i32
        %add3A_53 = arith.addi %mul3A_26, %add3A_52 : i32
        %dma_start3A_54 = arith.constant 0 : i32
        %dma_start3A_55 = tpu.memref_slice %arg7[%add3A_53, %dma_start3A_54] : memref<40x128xi32, #tpu.memory_space<vmem>> -> memref<1x128xi32, #tpu.memory_space<vmem>>
        %dma_start3A_56 = tpu.memref_squeeze %dma_start3A_55 : memref<1x128xi32, #tpu.memory_space<vmem>> -> memref<128xi32, #tpu.memory_space<vmem>>
        %dma_start3A_57 = arith.constant 0 : i32
        %dma_start3A_58 = arith.constant 0 : i32
        %dma_start3A_59 = tpu.memref_slice %arg2[%dma_start3A_57, %dma_start3A_58] : memref<10240x8xf32, #tpu.memory_space<hbm>> -> memref<10240x8xf32, #tpu.memory_space<hbm>>
        tpu.enqueue_indirect_dma source(%dma_start3A_59 : memref<10240x8xf32, #tpu.memory_space<hbm>>) target(%arg9 : memref<128x8xf32, #tpu.memory_space<vmem>>) offsets(%dma_start3A_56 : memref<128xi32, #tpu.memory_space<vmem>>) semaphore(%arg12 : memref<!tpu.dma_semaphore, #tpu.memory_space<semaphore_mem>>)
      } else {
      }
      %add3A_42 = arith.constant 1 : i32
      %add3A_43 = arith.addi %mul3A_26, %add3A_42 : i32
      %dma_wait3A_44 = arith.constant 0 : i32
      %dma_wait3A_45 = tpu.memref_slice %arg7[%add3A_43, %dma_wait3A_44] : memref<40x128xi32, #tpu.memory_space<vmem>> -> memref<1x128xi32, #tpu.memory_space<vmem>>
      %dma_wait3A_46 = tpu.memref_squeeze %dma_wait3A_45 : memref<1x128xi32, #tpu.memory_space<vmem>> -> memref<128xi32, #tpu.memory_space<vmem>>
      %dma_wait3A_47 = arith.constant 0 : i32
      %dma_wait3A_48 = arith.constant 0 : i32
      %dma_wait3A_49 = tpu.memref_slice %arg2[%dma_wait3A_47, %dma_wait3A_48] : memref<10240x8xf32, #tpu.memory_space<hbm>> -> memref<10240x8xf32, #tpu.memory_space<hbm>>
      tpu.wait_indirect_dma semaphore(%arg13 : memref<!tpu.dma_semaphore, #tpu.memory_space<semaphore_mem>>) src(%dma_wait3A_49 : memref<10240x8xf32, #tpu.memory_space<hbm>>) dst(%arg10 : memref<128x8xf32, #tpu.memory_space<vmem>>)
      %add3A_50 = arith.constant 1 : i32
      %add3A_51 = arith.addi %mul3A_26, %add3A_50 : i32
      "tpu.region"() ({
        %run_scoped3A = tpu.sem_alloc : memref<!tpu.dma_semaphore, #tpu.memory_space<semaphore_mem>>
        %dma_start3A_52 = arith.constant 0 : i32
        %dma_start3A_53 = tpu.memref_slice %arg8[%add3A_51, %dma_start3A_52] : memref<40x128xi32, #tpu.memory_space<vmem>> -> memref<1x128xi32, #tpu.memory_space<vmem>>
        %dma_start3A_54 = tpu.memref_squeeze %dma_start3A_53 : memref<1x128xi32, #tpu.memory_space<vmem>> -> memref<128xi32, #tpu.memory_space<vmem>>
        %dma_start3A_55 = arith.constant 0 : i32
        %dma_start3A_56 = arith.constant 0 : i32
        %dma_start3A_57 = tpu.memref_slice %arg11[%dma_start3A_55, %dma_start3A_56] : memref<10240x8xf32, #tpu.memory_space<vmem_shared>> -> memref<10240x8xf32, #tpu.memory_space<vmem_shared>>
        tpu.enqueue_indirect_dma source(%arg10 : memref<128x8xf32, #tpu.memory_space<vmem>>) target(%dma_start3A_57 : memref<10240x8xf32, #tpu.memory_space<vmem_shared>>) offsets(%dma_start3A_54 : memref<128xi32, #tpu.memory_space<vmem>>) semaphore(%run_scoped3A : memref<!tpu.dma_semaphore, #tpu.memory_space<semaphore_mem>>) {add = true}
        %dma_wait3A_58 = arith.constant 0 : i32
        %dma_wait3A_59 = tpu.memref_slice %arg8[%add3A_51, %dma_wait3A_58] : memref<40x128xi32, #tpu.memory_space<vmem>> -> memref<1x128xi32, #tpu.memory_space<vmem>>
        %dma_wait3A_60 = tpu.memref_squeeze %dma_wait3A_59 : memref<1x128xi32, #tpu.memory_space<vmem>> -> memref<128xi32, #tpu.memory_space<vmem>>
        %dma_wait3A_61 = arith.constant 0 : i32
        %dma_wait3A_62 = arith.constant 0 : i32
        %dma_wait3A_63 = tpu.memref_slice %arg11[%dma_wait3A_61, %dma_wait3A_62] : memref<10240x8xf32, #tpu.memory_space<vmem_shared>> -> memref<10240x8xf32, #tpu.memory_space<vmem_shared>>
        tpu.wait_indirect_dma semaphore(%run_scoped3A : memref<!tpu.dma_semaphore, #tpu.memory_space<semaphore_mem>>) src(%arg10 : memref<128x8xf32, #tpu.memory_space<vmem>>) dst(%dma_wait3A_63 : memref<10240x8xf32, #tpu.memory_space<vmem_shared>>)
        tpu.yield
      }) : () -> ()
    }
    %scan3A_15 = arith.constant 20 : i32
    %barrier3A_16 = arith.constant 0 : index
    tpu.barrier barrier_id(%barrier3A_16)
    %mul3A_17 = arith.constant 640 : i32
    %mul3A_18 = arith.muli %arg1, %mul3A_17 : i32
    %mul3A_19 = arith.constant 10240 : i32
    %mul3A_20 = arith.muli %arg0, %mul3A_19 : i32
    %mul3A_21 = arith.constant 640 : i32
    %mul3A_22 = arith.muli %arg1, %mul3A_21 : i32
    %add3A_23 = arith.addi %mul3A_20, %mul3A_22 : i32
    "tpu.region"() ({
      %run_scoped3A = tpu.sem_alloc : memref<!tpu.dma_semaphore, #tpu.memory_space<semaphore_mem>>
      %dma_start3A_24 = arith.constant 0 : i32
      %dma_start3A_25 = tpu.memref_slice %arg6[%add3A_23, %dma_start3A_24] : memref<20480x8xf32, #tpu.memory_space<hbm>> -> memref<640x8xf32, #tpu.memory_space<hbm>>
      %dma_start3A_26 = arith.constant 0 : i32
      %dma_start3A_27 = tpu.memref_slice %arg11[%mul3A_18, %dma_start3A_26] : memref<10240x8xf32, #tpu.memory_space<vmem_shared>> -> memref<640x8xf32, #tpu.memory_space<vmem_shared>>
      tpu.enqueue_dma source(%dma_start3A_27 : memref<640x8xf32, #tpu.memory_space<vmem_shared>>) target(%dma_start3A_25 : memref<640x8xf32, #tpu.memory_space<hbm>>) target_semaphore(%run_scoped3A : memref<!tpu.dma_semaphore, #tpu.memory_space<semaphore_mem>>)
      %dma_wait3A = arith.constant 0 : i32
      %dma_wait3A_28 = tpu.memref_slice %arg6[%add3A_23, %dma_wait3A] : memref<20480x8xf32, #tpu.memory_space<hbm>> -> memref<640x8xf32, #tpu.memory_space<hbm>>
      %dma_wait3A_29 = arith.constant 0 : i32
      %dma_wait3A_30 = tpu.memref_slice %arg11[%mul3A_18, %dma_wait3A_29] : memref<10240x8xf32, #tpu.memory_space<vmem_shared>> -> memref<640x8xf32, #tpu.memory_space<vmem_shared>>
      tpu.wait_dma2 semaphore(%run_scoped3A : memref<!tpu.dma_semaphore, #tpu.memory_space<semaphore_mem>>) src(%dma_wait3A_30 : memref<640x8xf32, #tpu.memory_space<vmem_shared>>) dst(%dma_wait3A_28 : memref<640x8xf32, #tpu.memory_space<hbm>>)
      tpu.yield
    }) : () -> ()
    return
  }
}

#map = affine_map<(d0, d1) -> (0, 0)>
#map1 = affine_map<(d0, d1) -> (0, 0, 0)>
module attributes {stable_mosaic.version = 14 : i64} {
  func.func @_spmv_sc(%arg0: i32, %arg1: i32, %arg2: memref<10240x128xf32, #tpu.memory_space<hbm>>, %arg3: memref<32x40x128xi32, #tpu.memory_space<hbm>>, %arg4: memref<32x40x128xi32, #tpu.memory_space<hbm>>, %arg5: memref<10240x128xf32, #tpu.memory_space<hbm>>, %arg6: memref<20480x128xf32, #tpu.memory_space<hbm>>, %arg7: memref<40x128xi32, #tpu.memory_space<vmem>>, %arg8: memref<40x128xi32, #tpu.memory_space<vmem>>, %arg9: memref<128x128xf32, #tpu.memory_space<vmem>>, %arg10: memref<128x128xf32, #tpu.memory_space<vmem>>, %arg11: memref<10240x128xf32, #tpu.memory_space<vmem_shared>>, %arg12: memref<!tpu.dma_semaphore, #tpu.memory_space<semaphore_mem>>, %arg13: memref<!tpu.dma_semaphore, #tpu.memory_space<semaphore_mem>>) attributes {dimension_semantics = [#tpu.dimension_semantics<core_parallel>, #tpu.dimension_semantics<subcore_parallel>], iteration_bounds = array<i64: 2, 16>, scalar_prefetch = 0 : i64, scratch_operands = 7 : i64, tpu.core_type = #tpu.core_type<sc_vector_subcore>, window_params = [{transform_indices = #map}, {transform_indices = #map1}, {transform_indices = #map1}, {transform_indices = #map}, {transform_indices = #map}]} {
    %mul3A = arith.constant 2 : i32
    %mul3A_0 = arith.muli %arg1, %mul3A : i32
    %add3A = arith.addi %mul3A_0, %arg0 : i32
    "tpu.region"() ({
      %run_scoped3A = tpu.sem_alloc : memref<!tpu.dma_semaphore, #tpu.memory_space<semaphore_mem>>
      %dma_start3A_24 = arith.constant 0 : i32
      %dma_start3A_25 = arith.constant 0 : i32
      %dma_start3A_26 = tpu.memref_slice %arg3[%add3A, %dma_start3A_24, %dma_start3A_25] : memref<32x40x128xi32, #tpu.memory_space<hbm>> -> memref<1x40x128xi32, #tpu.memory_space<hbm>>
      %dma_start3A_27 = tpu.memref_squeeze %dma_start3A_26 : memref<1x40x128xi32, #tpu.memory_space<hbm>> -> memref<40x128xi32, #tpu.memory_space<hbm>>
      %dma_start3A_28 = arith.constant 0 : i32
      %dma_start3A_29 = arith.constant 0 : i32
      %dma_start3A_30 = tpu.memref_slice %arg3[%add3A, %dma_start3A_28, %dma_start3A_29] : memref<32x40x128xi32, #tpu.memory_space<hbm>> -> memref<1x40x128xi32, #tpu.memory_space<hbm>>
      %dma_start3A_31 = tpu.memref_squeeze %dma_start3A_30 : memref<1x40x128xi32, #tpu.memory_space<hbm>> -> memref<40x128xi32, #tpu.memory_space<hbm>>
      tpu.enqueue_dma source(%dma_start3A_31 : memref<40x128xi32, #tpu.memory_space<hbm>>) target(%arg7 : memref<40x128xi32, #tpu.memory_space<vmem>>) target_semaphore(%run_scoped3A : memref<!tpu.dma_semaphore, #tpu.memory_space<semaphore_mem>>)
      %dma_wait3A = arith.constant 0 : i32
      %dma_wait3A_32 = arith.constant 0 : i32
      %dma_wait3A_33 = tpu.memref_slice %arg3[%add3A, %dma_wait3A, %dma_wait3A_32] : memref<32x40x128xi32, #tpu.memory_space<hbm>> -> memref<1x40x128xi32, #tpu.memory_space<hbm>>
      %dma_wait3A_34 = tpu.memref_squeeze %dma_wait3A_33 : memref<1x40x128xi32, #tpu.memory_space<hbm>> -> memref<40x128xi32, #tpu.memory_space<hbm>>
      %dma_wait3A_35 = arith.constant 0 : i32
      %dma_wait3A_36 = arith.constant 0 : i32
      %dma_wait3A_37 = tpu.memref_slice %arg3[%add3A, %dma_wait3A_35, %dma_wait3A_36] : memref<32x40x128xi32, #tpu.memory_space<hbm>> -> memref<1x40x128xi32, #tpu.memory_space<hbm>>
      %dma_wait3A_38 = tpu.memref_squeeze %dma_wait3A_37 : memref<1x40x128xi32, #tpu.memory_space<hbm>> -> memref<40x128xi32, #tpu.memory_space<hbm>>
      tpu.wait_dma2 semaphore(%run_scoped3A : memref<!tpu.dma_semaphore, #tpu.memory_space<semaphore_mem>>) src(%dma_wait3A_38 : memref<40x128xi32, #tpu.memory_space<hbm>>) dst(%arg7 : memref<40x128xi32, #tpu.memory_space<vmem>>)
      tpu.yield
    }) : () -> ()
    "tpu.region"() ({
      %run_scoped3A = tpu.sem_alloc : memref<!tpu.dma_semaphore, #tpu.memory_space<semaphore_mem>>
      %dma_start3A_24 = arith.constant 0 : i32
      %dma_start3A_25 = arith.constant 0 : i32
      %dma_start3A_26 = tpu.memref_slice %arg4[%add3A, %dma_start3A_24, %dma_start3A_25] : memref<32x40x128xi32, #tpu.memory_space<hbm>> -> memref<1x40x128xi32, #tpu.memory_space<hbm>>
      %dma_start3A_27 = tpu.memref_squeeze %dma_start3A_26 : memref<1x40x128xi32, #tpu.memory_space<hbm>> -> memref<40x128xi32, #tpu.memory_space<hbm>>
      %dma_start3A_28 = arith.constant 0 : i32
      %dma_start3A_29 = arith.constant 0 : i32
      %dma_start3A_30 = tpu.memref_slice %arg4[%add3A, %dma_start3A_28, %dma_start3A_29] : memref<32x40x128xi32, #tpu.memory_space<hbm>> -> memref<1x40x128xi32, #tpu.memory_space<hbm>>
      %dma_start3A_31 = tpu.memref_squeeze %dma_start3A_30 : memref<1x40x128xi32, #tpu.memory_space<hbm>> -> memref<40x128xi32, #tpu.memory_space<hbm>>
      tpu.enqueue_dma source(%dma_start3A_31 : memref<40x128xi32, #tpu.memory_space<hbm>>) target(%arg8 : memref<40x128xi32, #tpu.memory_space<vmem>>) target_semaphore(%run_scoped3A : memref<!tpu.dma_semaphore, #tpu.memory_space<semaphore_mem>>)
      %dma_wait3A = arith.constant 0 : i32
      %dma_wait3A_32 = arith.constant 0 : i32
      %dma_wait3A_33 = tpu.memref_slice %arg4[%add3A, %dma_wait3A, %dma_wait3A_32] : memref<32x40x128xi32, #tpu.memory_space<hbm>> -> memref<1x40x128xi32, #tpu.memory_space<hbm>>
      %dma_wait3A_34 = tpu.memref_squeeze %dma_wait3A_33 : memref<1x40x128xi32, #tpu.memory_space<hbm>> -> memref<40x128xi32, #tpu.memory_space<hbm>>
      %dma_wait3A_35 = arith.constant 0 : i32
      %dma_wait3A_36 = arith.constant 0 : i32
      %dma_wait3A_37 = tpu.memref_slice %arg4[%add3A, %dma_wait3A_35, %dma_wait3A_36] : memref<32x40x128xi32, #tpu.memory_space<hbm>> -> memref<1x40x128xi32, #tpu.memory_space<hbm>>
      %dma_wait3A_38 = tpu.memref_squeeze %dma_wait3A_37 : memref<1x40x128xi32, #tpu.memory_space<hbm>> -> memref<40x128xi32, #tpu.memory_space<hbm>>
      tpu.wait_dma2 semaphore(%run_scoped3A : memref<!tpu.dma_semaphore, #tpu.memory_space<semaphore_mem>>) src(%dma_wait3A_38 : memref<40x128xi32, #tpu.memory_space<hbm>>) dst(%arg8 : memref<40x128xi32, #tpu.memory_space<vmem>>)
      tpu.yield
    }) : () -> ()
    %mul3A_1 = arith.constant 640 : i32
    %mul3A_2 = arith.muli %arg1, %mul3A_1 : i32
    %mul3A_3 = arith.constant 640 : i32
    %mul3A_4 = arith.muli %arg1, %mul3A_3 : i32
    "tpu.region"() ({
      %run_scoped3A = tpu.sem_alloc : memref<!tpu.dma_semaphore, #tpu.memory_space<semaphore_mem>>
      %dma_start3A_24 = arith.constant 0 : i32
      %dma_start3A_25 = tpu.memref_slice %arg11[%mul3A_4, %dma_start3A_24] : memref<10240x128xf32, #tpu.memory_space<vmem_shared>> -> memref<640x128xf32, #tpu.memory_space<vmem_shared>>
      %dma_start3A_26 = arith.constant 0 : i32
      %dma_start3A_27 = tpu.memref_slice %arg5[%mul3A_2, %dma_start3A_26] : memref<10240x128xf32, #tpu.memory_space<hbm>> -> memref<640x128xf32, #tpu.memory_space<hbm>>
      tpu.enqueue_dma source(%dma_start3A_27 : memref<640x128xf32, #tpu.memory_space<hbm>>) target(%dma_start3A_25 : memref<640x128xf32, #tpu.memory_space<vmem_shared>>) target_semaphore(%run_scoped3A : memref<!tpu.dma_semaphore, #tpu.memory_space<semaphore_mem>>)
      %dma_wait3A = arith.constant 0 : i32
      %dma_wait3A_28 = tpu.memref_slice %arg11[%mul3A_4, %dma_wait3A] : memref<10240x128xf32, #tpu.memory_space<vmem_shared>> -> memref<640x128xf32, #tpu.memory_space<vmem_shared>>
      %dma_wait3A_29 = arith.constant 0 : i32
      %dma_wait3A_30 = tpu.memref_slice %arg5[%mul3A_2, %dma_wait3A_29] : memref<10240x128xf32, #tpu.memory_space<hbm>> -> memref<640x128xf32, #tpu.memory_space<hbm>>
      tpu.wait_dma2 semaphore(%run_scoped3A : memref<!tpu.dma_semaphore, #tpu.memory_space<semaphore_mem>>) src(%dma_wait3A_30 : memref<640x128xf32, #tpu.memory_space<hbm>>) dst(%dma_wait3A_28 : memref<640x128xf32, #tpu.memory_space<vmem_shared>>)
      tpu.yield
    }) : () -> ()
    %barrier3A = arith.constant 0 : index
    tpu.barrier barrier_id(%barrier3A)
    %dma_start3A = arith.constant 0 : i32
    %dma_start3A_5 = arith.constant 0 : i32
    %dma_start3A_6 = tpu.memref_slice %arg7[%dma_start3A, %dma_start3A_5] : memref<40x128xi32, #tpu.memory_space<vmem>> -> memref<1x128xi32, #tpu.memory_space<vmem>>
    %dma_start3A_7 = tpu.memref_squeeze %dma_start3A_6 : memref<1x128xi32, #tpu.memory_space<vmem>> -> memref<128xi32, #tpu.memory_space<vmem>>
    %dma_start3A_8 = arith.constant 0 : i32
    %dma_start3A_9 = arith.constant 0 : i32
    %dma_start3A_10 = tpu.memref_slice %arg2[%dma_start3A_8, %dma_start3A_9] : memref<10240x128xf32, #tpu.memory_space<hbm>> -> memref<10240x128xf32, #tpu.memory_space<hbm>>
    tpu.enqueue_indirect_dma source(%dma_start3A_10 : memref<10240x128xf32, #tpu.memory_space<hbm>>) target(%arg9 : memref<128x128xf32, #tpu.memory_space<vmem>>) offsets(%dma_start3A_7 : memref<128xi32, #tpu.memory_space<vmem>>) semaphore(%arg12 : memref<!tpu.dma_semaphore, #tpu.memory_space<semaphore_mem>>)
    %scan3A = arith.constant 0 : i32
    %scan3A_11 = arith.constant 0 : i32
    %scan3A_12 = arith.constant 20 : i32
    %scan3A_13 = arith.addi %scan3A_11, %scan3A_12 : i32
    %scan3A_14 = arith.constant 1 : i32
    scf.for %scan3A_24 = %scan3A_11 to %scan3A_13 step %scan3A_14  : i32 {
      %mul3A_25 = arith.constant 2 : i32
      %mul3A_26 = arith.muli %mul3A_25, %scan3A_24 : i32
      %add3A_27 = arith.constant 1 : i32
      %add3A_28 = arith.addi %mul3A_26, %add3A_27 : i32
      %dma_start3A_29 = arith.constant 0 : i32
      %dma_start3A_30 = tpu.memref_slice %arg7[%add3A_28, %dma_start3A_29] : memref<40x128xi32, #tpu.memory_space<vmem>> -> memref<1x128xi32, #tpu.memory_space<vmem>>
      %dma_start3A_31 = tpu.memref_squeeze %dma_start3A_30 : memref<1x128xi32, #tpu.memory_space<vmem>> -> memref<128xi32, #tpu.memory_space<vmem>>
      %dma_start3A_32 = arith.constant 0 : i32
      %dma_start3A_33 = arith.constant 0 : i32
      %dma_start3A_34 = tpu.memref_slice %arg2[%dma_start3A_32, %dma_start3A_33] : memref<10240x128xf32, #tpu.memory_space<hbm>> -> memref<10240x128xf32, #tpu.memory_space<hbm>>
      tpu.enqueue_indirect_dma source(%dma_start3A_34 : memref<10240x128xf32, #tpu.memory_space<hbm>>) target(%arg10 : memref<128x128xf32, #tpu.memory_space<vmem>>) offsets(%dma_start3A_31 : memref<128xi32, #tpu.memory_space<vmem>>) semaphore(%arg13 : memref<!tpu.dma_semaphore, #tpu.memory_space<semaphore_mem>>)
      %dma_wait3A = arith.constant 0 : i32
      %dma_wait3A_35 = tpu.memref_slice %arg7[%mul3A_26, %dma_wait3A] : memref<40x128xi32, #tpu.memory_space<vmem>> -> memref<1x128xi32, #tpu.memory_space<vmem>>
      %dma_wait3A_36 = tpu.memref_squeeze %dma_wait3A_35 : memref<1x128xi32, #tpu.memory_space<vmem>> -> memref<128xi32, #tpu.memory_space<vmem>>
      %dma_wait3A_37 = arith.constant 0 : i32
      %dma_wait3A_38 = arith.constant 0 : i32
      %dma_wait3A_39 = tpu.memref_slice %arg2[%dma_wait3A_37, %dma_wait3A_38] : memref<10240x128xf32, #tpu.memory_space<hbm>> -> memref<10240x128xf32, #tpu.memory_space<hbm>>
      tpu.wait_indirect_dma semaphore(%arg12 : memref<!tpu.dma_semaphore, #tpu.memory_space<semaphore_mem>>) src(%dma_wait3A_39 : memref<10240x128xf32, #tpu.memory_space<hbm>>) dst(%arg9 : memref<128x128xf32, #tpu.memory_space<vmem>>)
      "tpu.region"() ({
        %run_scoped3A = tpu.sem_alloc : memref<!tpu.dma_semaphore, #tpu.memory_space<semaphore_mem>>
        %dma_start3A_52 = arith.constant 0 : i32
        %dma_start3A_53 = tpu.memref_slice %arg8[%mul3A_26, %dma_start3A_52] : memref<40x128xi32, #tpu.memory_space<vmem>> -> memref<1x128xi32, #tpu.memory_space<vmem>>
        %dma_start3A_54 = tpu.memref_squeeze %dma_start3A_53 : memref<1x128xi32, #tpu.memory_space<vmem>> -> memref<128xi32, #tpu.memory_space<vmem>>
        %dma_start3A_55 = arith.constant 0 : i32
        %dma_start3A_56 = arith.constant 0 : i32
        %dma_start3A_57 = tpu.memref_slice %arg11[%dma_start3A_55, %dma_start3A_56] : memref<10240x128xf32, #tpu.memory_space<vmem_shared>> -> memref<10240x128xf32, #tpu.memory_space<vmem_shared>>
        tpu.enqueue_indirect_dma source(%arg9 : memref<128x128xf32, #tpu.memory_space<vmem>>) target(%dma_start3A_57 : memref<10240x128xf32, #tpu.memory_space<vmem_shared>>) offsets(%dma_start3A_54 : memref<128xi32, #tpu.memory_space<vmem>>) semaphore(%run_scoped3A : memref<!tpu.dma_semaphore, #tpu.memory_space<semaphore_mem>>) {add = true}
        %dma_wait3A_58 = arith.constant 0 : i32
        %dma_wait3A_59 = tpu.memref_slice %arg8[%mul3A_26, %dma_wait3A_58] : memref<40x128xi32, #tpu.memory_space<vmem>> -> memref<1x128xi32, #tpu.memory_space<vmem>>
        %dma_wait3A_60 = tpu.memref_squeeze %dma_wait3A_59 : memref<1x128xi32, #tpu.memory_space<vmem>> -> memref<128xi32, #tpu.memory_space<vmem>>
        %dma_wait3A_61 = arith.constant 0 : i32
        %dma_wait3A_62 = arith.constant 0 : i32
        %dma_wait3A_63 = tpu.memref_slice %arg11[%dma_wait3A_61, %dma_wait3A_62] : memref<10240x128xf32, #tpu.memory_space<vmem_shared>> -> memref<10240x128xf32, #tpu.memory_space<vmem_shared>>
        tpu.wait_indirect_dma semaphore(%run_scoped3A : memref<!tpu.dma_semaphore, #tpu.memory_space<semaphore_mem>>) src(%arg9 : memref<128x128xf32, #tpu.memory_space<vmem>>) dst(%dma_wait3A_63 : memref<10240x128xf32, #tpu.memory_space<vmem_shared>>)
        tpu.yield
      }) : () -> ()
      %lt3A = arith.constant 19 : i32
      %lt3A_40 = arith.cmpi slt, %scan3A_24, %lt3A : i32
      %convert_element_type3A = arith.extui %lt3A_40 : i1 to i32
      %cond3A = arith.constant 0 : i32
      %cond3A_41 = arith.cmpi ne, %convert_element_type3A, %cond3A : i32
      scf.if %cond3A_41 {
        %add3A_52 = arith.constant 2 : i32
        %add3A_53 = arith.addi %mul3A_26, %add3A_52 : i32
        %dma_start3A_54 = arith.constant 0 : i32
        %dma_start3A_55 = tpu.memref_slice %arg7[%add3A_53, %dma_start3A_54] : memref<40x128xi32, #tpu.memory_space<vmem>> -> memref<1x128xi32, #tpu.memory_space<vmem>>
        %dma_start3A_56 = tpu.memref_squeeze %dma_start3A_55 : memref<1x128xi32, #tpu.memory_space<vmem>> -> memref<128xi32, #tpu.memory_space<vmem>>
        %dma_start3A_57 = arith.constant 0 : i32
        %dma_start3A_58 = arith.constant 0 : i32
        %dma_start3A_59 = tpu.memref_slice %arg2[%dma_start3A_57, %dma_start3A_58] : memref<10240x128xf32, #tpu.memory_space<hbm>> -> memref<10240x128xf32, #tpu.memory_space<hbm>>
        tpu.enqueue_indirect_dma source(%dma_start3A_59 : memref<10240x128xf32, #tpu.memory_space<hbm>>) target(%arg9 : memref<128x128xf32, #tpu.memory_space<vmem>>) offsets(%dma_start3A_56 : memref<128xi32, #tpu.memory_space<vmem>>) semaphore(%arg12 : memref<!tpu.dma_semaphore, #tpu.memory_space<semaphore_mem>>)
      } else {
      }
      %add3A_42 = arith.constant 1 : i32
      %add3A_43 = arith.addi %mul3A_26, %add3A_42 : i32
      %dma_wait3A_44 = arith.constant 0 : i32
      %dma_wait3A_45 = tpu.memref_slice %arg7[%add3A_43, %dma_wait3A_44] : memref<40x128xi32, #tpu.memory_space<vmem>> -> memref<1x128xi32, #tpu.memory_space<vmem>>
      %dma_wait3A_46 = tpu.memref_squeeze %dma_wait3A_45 : memref<1x128xi32, #tpu.memory_space<vmem>> -> memref<128xi32, #tpu.memory_space<vmem>>
      %dma_wait3A_47 = arith.constant 0 : i32
      %dma_wait3A_48 = arith.constant 0 : i32
      %dma_wait3A_49 = tpu.memref_slice %arg2[%dma_wait3A_47, %dma_wait3A_48] : memref<10240x128xf32, #tpu.memory_space<hbm>> -> memref<10240x128xf32, #tpu.memory_space<hbm>>
      tpu.wait_indirect_dma semaphore(%arg13 : memref<!tpu.dma_semaphore, #tpu.memory_space<semaphore_mem>>) src(%dma_wait3A_49 : memref<10240x128xf32, #tpu.memory_space<hbm>>) dst(%arg10 : memref<128x128xf32, #tpu.memory_space<vmem>>)
      %add3A_50 = arith.constant 1 : i32
      %add3A_51 = arith.addi %mul3A_26, %add3A_50 : i32
      "tpu.region"() ({
        %run_scoped3A = tpu.sem_alloc : memref<!tpu.dma_semaphore, #tpu.memory_space<semaphore_mem>>
        %dma_start3A_52 = arith.constant 0 : i32
        %dma_start3A_53 = tpu.memref_slice %arg8[%add3A_51, %dma_start3A_52] : memref<40x128xi32, #tpu.memory_space<vmem>> -> memref<1x128xi32, #tpu.memory_space<vmem>>
        %dma_start3A_54 = tpu.memref_squeeze %dma_start3A_53 : memref<1x128xi32, #tpu.memory_space<vmem>> -> memref<128xi32, #tpu.memory_space<vmem>>
        %dma_start3A_55 = arith.constant 0 : i32
        %dma_start3A_56 = arith.constant 0 : i32
        %dma_start3A_57 = tpu.memref_slice %arg11[%dma_start3A_55, %dma_start3A_56] : memref<10240x128xf32, #tpu.memory_space<vmem_shared>> -> memref<10240x128xf32, #tpu.memory_space<vmem_shared>>
        tpu.enqueue_indirect_dma source(%arg10 : memref<128x128xf32, #tpu.memory_space<vmem>>) target(%dma_start3A_57 : memref<10240x128xf32, #tpu.memory_space<vmem_shared>>) offsets(%dma_start3A_54 : memref<128xi32, #tpu.memory_space<vmem>>) semaphore(%run_scoped3A : memref<!tpu.dma_semaphore, #tpu.memory_space<semaphore_mem>>) {add = true}
        %dma_wait3A_58 = arith.constant 0 : i32
        %dma_wait3A_59 = tpu.memref_slice %arg8[%add3A_51, %dma_wait3A_58] : memref<40x128xi32, #tpu.memory_space<vmem>> -> memref<1x128xi32, #tpu.memory_space<vmem>>
        %dma_wait3A_60 = tpu.memref_squeeze %dma_wait3A_59 : memref<1x128xi32, #tpu.memory_space<vmem>> -> memref<128xi32, #tpu.memory_space<vmem>>
        %dma_wait3A_61 = arith.constant 0 : i32
        %dma_wait3A_62 = arith.constant 0 : i32
        %dma_wait3A_63 = tpu.memref_slice %arg11[%dma_wait3A_61, %dma_wait3A_62] : memref<10240x128xf32, #tpu.memory_space<vmem_shared>> -> memref<10240x128xf32, #tpu.memory_space<vmem_shared>>
        tpu.wait_indirect_dma semaphore(%run_scoped3A : memref<!tpu.dma_semaphore, #tpu.memory_space<semaphore_mem>>) src(%arg10 : memref<128x128xf32, #tpu.memory_space<vmem>>) dst(%dma_wait3A_63 : memref<10240x128xf32, #tpu.memory_space<vmem_shared>>)
        tpu.yield
      }) : () -> ()
    }
    %scan3A_15 = arith.constant 20 : i32
    %barrier3A_16 = arith.constant 0 : index
    tpu.barrier barrier_id(%barrier3A_16)
    %mul3A_17 = arith.constant 640 : i32
    %mul3A_18 = arith.muli %arg1, %mul3A_17 : i32
    %mul3A_19 = arith.constant 10240 : i32
    %mul3A_20 = arith.muli %arg0, %mul3A_19 : i32
    %mul3A_21 = arith.constant 640 : i32
    %mul3A_22 = arith.muli %arg1, %mul3A_21 : i32
    %add3A_23 = arith.addi %mul3A_20, %mul3A_22 : i32
    "tpu.region"() ({
      %run_scoped3A = tpu.sem_alloc : memref<!tpu.dma_semaphore, #tpu.memory_space<semaphore_mem>>
      %dma_start3A_24 = arith.constant 0 : i32
      %dma_start3A_25 = tpu.memref_slice %arg6[%add3A_23, %dma_start3A_24] : memref<20480x128xf32, #tpu.memory_space<hbm>> -> memref<640x128xf32, #tpu.memory_space<hbm>>
      %dma_start3A_26 = arith.constant 0 : i32
      %dma_start3A_27 = tpu.memref_slice %arg11[%mul3A_18, %dma_start3A_26] : memref<10240x128xf32, #tpu.memory_space<vmem_shared>> -> memref<640x128xf32, #tpu.memory_space<vmem_shared>>
      tpu.enqueue_dma source(%dma_start3A_27 : memref<640x128xf32, #tpu.memory_space<vmem_shared>>) target(%dma_start3A_25 : memref<640x128xf32, #tpu.memory_space<hbm>>) target_semaphore(%run_scoped3A : memref<!tpu.dma_semaphore, #tpu.memory_space<semaphore_mem>>)
      %dma_wait3A = arith.constant 0 : i32
      %dma_wait3A_28 = tpu.memref_slice %arg6[%add3A_23, %dma_wait3A] : memref<20480x128xf32, #tpu.memory_space<hbm>> -> memref<640x128xf32, #tpu.memory_space<hbm>>
      %dma_wait3A_29 = arith.constant 0 : i32
      %dma_wait3A_30 = tpu.memref_slice %arg11[%mul3A_18, %dma_wait3A_29] : memref<10240x128xf32, #tpu.memory_space<vmem_shared>> -> memref<640x128xf32, #tpu.memory_space<vmem_shared>>
      tpu.wait_dma2 semaphore(%run_scoped3A : memref<!tpu.dma_semaphore, #tpu.memory_space<semaphore_mem>>) src(%dma_wait3A_30 : memref<640x128xf32, #tpu.memory_space<vmem_shared>>) dst(%dma_wait3A_28 : memref<640x128xf32, #tpu.memory_space<hbm>>)
      tpu.yield
    }) : () -> ()
    return
  }
}

#map = affine_map<(d0, d1) -> (0, 0)>
#map1 = affine_map<(d0, d1) -> (0, 0, 0)>
module attributes {stable_mosaic.version = 14 : i64} {
  func.func @_spmv_sc(%arg0: i32, %arg1: i32, %arg2: memref<10240x128xf32, #tpu.memory_space<hbm>>, %arg3: memref<32x40x128xi32, #tpu.memory_space<hbm>>, %arg4: memref<32x40x128xi32, #tpu.memory_space<hbm>>, %arg5: memref<10240x128xf32, #tpu.memory_space<hbm>>, %arg6: memref<20480x128xf32, #tpu.memory_space<hbm>>, %arg7: memref<40x128xi32, #tpu.memory_space<vmem>>, %arg8: memref<40x128xi32, #tpu.memory_space<vmem>>, %arg9: memref<128x128xf32, #tpu.memory_space<vmem>>, %arg10: memref<128x128xf32, #tpu.memory_space<vmem>>, %arg11: memref<10240x128xf32, #tpu.memory_space<vmem_shared>>, %arg12: memref<!tpu.dma_semaphore, #tpu.memory_space<semaphore_mem>>, %arg13: memref<!tpu.dma_semaphore, #tpu.memory_space<semaphore_mem>>) attributes {dimension_semantics = [#tpu.dimension_semantics<core_parallel>, #tpu.dimension_semantics<subcore_parallel>], iteration_bounds = array<i64: 2, 16>, scalar_prefetch = 0 : i64, scratch_operands = 7 : i64, tpu.core_type = #tpu.core_type<sc_vector_subcore>, window_params = [{transform_indices = #map}, {transform_indices = #map1}, {transform_indices = #map1}, {transform_indices = #map}, {transform_indices = #map}]} {
    %mul3A = arith.constant 2 : i32
    %mul3A_0 = arith.muli %arg1, %mul3A : i32
    %add3A = arith.addi %mul3A_0, %arg0 : i32
    "tpu.region"() ({
      %run_scoped3A = tpu.sem_alloc : memref<!tpu.dma_semaphore, #tpu.memory_space<semaphore_mem>>
      %dma_start3A_24 = arith.constant 0 : i32
      %dma_start3A_25 = arith.constant 0 : i32
      %dma_start3A_26 = tpu.memref_slice %arg3[%add3A, %dma_start3A_24, %dma_start3A_25] : memref<32x40x128xi32, #tpu.memory_space<hbm>> -> memref<1x40x128xi32, #tpu.memory_space<hbm>>
      %dma_start3A_27 = tpu.memref_squeeze %dma_start3A_26 : memref<1x40x128xi32, #tpu.memory_space<hbm>> -> memref<40x128xi32, #tpu.memory_space<hbm>>
      %dma_start3A_28 = arith.constant 0 : i32
      %dma_start3A_29 = arith.constant 0 : i32
      %dma_start3A_30 = tpu.memref_slice %arg3[%add3A, %dma_start3A_28, %dma_start3A_29] : memref<32x40x128xi32, #tpu.memory_space<hbm>> -> memref<1x40x128xi32, #tpu.memory_space<hbm>>
      %dma_start3A_31 = tpu.memref_squeeze %dma_start3A_30 : memref<1x40x128xi32, #tpu.memory_space<hbm>> -> memref<40x128xi32, #tpu.memory_space<hbm>>
      tpu.enqueue_dma source(%dma_start3A_31 : memref<40x128xi32, #tpu.memory_space<hbm>>) target(%arg7 : memref<40x128xi32, #tpu.memory_space<vmem>>) target_semaphore(%run_scoped3A : memref<!tpu.dma_semaphore, #tpu.memory_space<semaphore_mem>>)
      %dma_wait3A = arith.constant 0 : i32
      %dma_wait3A_32 = arith.constant 0 : i32
      %dma_wait3A_33 = tpu.memref_slice %arg3[%add3A, %dma_wait3A, %dma_wait3A_32] : memref<32x40x128xi32, #tpu.memory_space<hbm>> -> memref<1x40x128xi32, #tpu.memory_space<hbm>>
      %dma_wait3A_34 = tpu.memref_squeeze %dma_wait3A_33 : memref<1x40x128xi32, #tpu.memory_space<hbm>> -> memref<40x128xi32, #tpu.memory_space<hbm>>
      %dma_wait3A_35 = arith.constant 0 : i32
      %dma_wait3A_36 = arith.constant 0 : i32
      %dma_wait3A_37 = tpu.memref_slice %arg3[%add3A, %dma_wait3A_35, %dma_wait3A_36] : memref<32x40x128xi32, #tpu.memory_space<hbm>> -> memref<1x40x128xi32, #tpu.memory_space<hbm>>
      %dma_wait3A_38 = tpu.memref_squeeze %dma_wait3A_37 : memref<1x40x128xi32, #tpu.memory_space<hbm>> -> memref<40x128xi32, #tpu.memory_space<hbm>>
      tpu.wait_dma2 semaphore(%run_scoped3A : memref<!tpu.dma_semaphore, #tpu.memory_space<semaphore_mem>>) src(%dma_wait3A_38 : memref<40x128xi32, #tpu.memory_space<hbm>>) dst(%arg7 : memref<40x128xi32, #tpu.memory_space<vmem>>)
      tpu.yield
    }) : () -> ()
    "tpu.region"() ({
      %run_scoped3A = tpu.sem_alloc : memref<!tpu.dma_semaphore, #tpu.memory_space<semaphore_mem>>
      %dma_start3A_24 = arith.constant 0 : i32
      %dma_start3A_25 = arith.constant 0 : i32
      %dma_start3A_26 = tpu.memref_slice %arg4[%add3A, %dma_start3A_24, %dma_start3A_25] : memref<32x40x128xi32, #tpu.memory_space<hbm>> -> memref<1x40x128xi32, #tpu.memory_space<hbm>>
      %dma_start3A_27 = tpu.memref_squeeze %dma_start3A_26 : memref<1x40x128xi32, #tpu.memory_space<hbm>> -> memref<40x128xi32, #tpu.memory_space<hbm>>
      %dma_start3A_28 = arith.constant 0 : i32
      %dma_start3A_29 = arith.constant 0 : i32
      %dma_start3A_30 = tpu.memref_slice %arg4[%add3A, %dma_start3A_28, %dma_start3A_29] : memref<32x40x128xi32, #tpu.memory_space<hbm>> -> memref<1x40x128xi32, #tpu.memory_space<hbm>>
      %dma_start3A_31 = tpu.memref_squeeze %dma_start3A_30 : memref<1x40x128xi32, #tpu.memory_space<hbm>> -> memref<40x128xi32, #tpu.memory_space<hbm>>
      tpu.enqueue_dma source(%dma_start3A_31 : memref<40x128xi32, #tpu.memory_space<hbm>>) target(%arg8 : memref<40x128xi32, #tpu.memory_space<vmem>>) target_semaphore(%run_scoped3A : memref<!tpu.dma_semaphore, #tpu.memory_space<semaphore_mem>>)
      %dma_wait3A = arith.constant 0 : i32
      %dma_wait3A_32 = arith.constant 0 : i32
      %dma_wait3A_33 = tpu.memref_slice %arg4[%add3A, %dma_wait3A, %dma_wait3A_32] : memref<32x40x128xi32, #tpu.memory_space<hbm>> -> memref<1x40x128xi32, #tpu.memory_space<hbm>>
      %dma_wait3A_34 = tpu.memref_squeeze %dma_wait3A_33 : memref<1x40x128xi32, #tpu.memory_space<hbm>> -> memref<40x128xi32, #tpu.memory_space<hbm>>
      %dma_wait3A_35 = arith.constant 0 : i32
      %dma_wait3A_36 = arith.constant 0 : i32
      %dma_wait3A_37 = tpu.memref_slice %arg4[%add3A, %dma_wait3A_35, %dma_wait3A_36] : memref<32x40x128xi32, #tpu.memory_space<hbm>> -> memref<1x40x128xi32, #tpu.memory_space<hbm>>
      %dma_wait3A_38 = tpu.memref_squeeze %dma_wait3A_37 : memref<1x40x128xi32, #tpu.memory_space<hbm>> -> memref<40x128xi32, #tpu.memory_space<hbm>>
      tpu.wait_dma2 semaphore(%run_scoped3A : memref<!tpu.dma_semaphore, #tpu.memory_space<semaphore_mem>>) src(%dma_wait3A_38 : memref<40x128xi32, #tpu.memory_space<hbm>>) dst(%arg8 : memref<40x128xi32, #tpu.memory_space<vmem>>)
      tpu.yield
    }) : () -> ()
    %mul3A_1 = arith.constant 640 : i32
    %mul3A_2 = arith.muli %arg1, %mul3A_1 : i32
    %mul3A_3 = arith.constant 640 : i32
    %mul3A_4 = arith.muli %arg1, %mul3A_3 : i32
    "tpu.region"() ({
      %run_scoped3A = tpu.sem_alloc : memref<!tpu.dma_semaphore, #tpu.memory_space<semaphore_mem>>
      %dma_start3A_24 = arith.constant 0 : i32
      %dma_start3A_25 = tpu.memref_slice %arg11[%mul3A_4, %dma_start3A_24] : memref<10240x128xf32, #tpu.memory_space<vmem_shared>> -> memref<640x128xf32, #tpu.memory_space<vmem_shared>>
      %dma_start3A_26 = arith.constant 0 : i32
      %dma_start3A_27 = tpu.memref_slice %arg5[%mul3A_2, %dma_start3A_26] : memref<10240x128xf32, #tpu.memory_space<hbm>> -> memref<640x128xf32, #tpu.memory_space<hbm>>
      tpu.enqueue_dma source(%dma_start3A_27 : memref<640x128xf32, #tpu.memory_space<hbm>>) target(%dma_start3A_25 : memref<640x128xf32, #tpu.memory_space<vmem_shared>>) target_semaphore(%run_scoped3A : memref<!tpu.dma_semaphore, #tpu.memory_space<semaphore_mem>>)
      %dma_wait3A = arith.constant 0 : i32
      %dma_wait3A_28 = tpu.memref_slice %arg11[%mul3A_4, %dma_wait3A] : memref<10240x128xf32, #tpu.memory_space<vmem_shared>> -> memref<640x128xf32, #tpu.memory_space<vmem_shared>>
      %dma_wait3A_29 = arith.constant 0 : i32
      %dma_wait3A_30 = tpu.memref_slice %arg5[%mul3A_2, %dma_wait3A_29] : memref<10240x128xf32, #tpu.memory_space<hbm>> -> memref<640x128xf32, #tpu.memory_space<hbm>>
      tpu.wait_dma2 semaphore(%run_scoped3A : memref<!tpu.dma_semaphore, #tpu.memory_space<semaphore_mem>>) src(%dma_wait3A_30 : memref<640x128xf32, #tpu.memory_space<hbm>>) dst(%dma_wait3A_28 : memref<640x128xf32, #tpu.memory_space<vmem_shared>>)
      tpu.yield
    }) : () -> ()
    %barrier3A = arith.constant 0 : index
    tpu.barrier barrier_id(%barrier3A)
    %dma_start3A = arith.constant 0 : i32
    %dma_start3A_5 = arith.constant 0 : i32
    %dma_start3A_6 = tpu.memref_slice %arg7[%dma_start3A, %dma_start3A_5] : memref<40x128xi32, #tpu.memory_space<vmem>> -> memref<1x128xi32, #tpu.memory_space<vmem>>
    %dma_start3A_7 = tpu.memref_squeeze %dma_start3A_6 : memref<1x128xi32, #tpu.memory_space<vmem>> -> memref<128xi32, #tpu.memory_space<vmem>>
    %dma_start3A_8 = arith.constant 0 : i32
    %dma_start3A_9 = arith.constant 0 : i32
    %dma_start3A_10 = tpu.memref_slice %arg2[%dma_start3A_8, %dma_start3A_9] : memref<10240x128xf32, #tpu.memory_space<hbm>> -> memref<10240x128xf32, #tpu.memory_space<hbm>>
    tpu.enqueue_indirect_dma source(%dma_start3A_10 : memref<10240x128xf32, #tpu.memory_space<hbm>>) target(%arg9 : memref<128x128xf32, #tpu.memory_space<vmem>>) offsets(%dma_start3A_7 : memref<128xi32, #tpu.memory_space<vmem>>) semaphore(%arg12 : memref<!tpu.dma_semaphore, #tpu.memory_space<semaphore_mem>>)
    %scan3A = arith.constant 0 : i32
    %scan3A_11 = arith.constant 0 : i32
    %scan3A_12 = arith.constant 20 : i32
    %scan3A_13 = arith.addi %scan3A_11, %scan3A_12 : i32
    %scan3A_14 = arith.constant 1 : i32
    scf.for %scan3A_24 = %scan3A_11 to %scan3A_13 step %scan3A_14  : i32 {
      %mul3A_25 = arith.constant 2 : i32
      %mul3A_26 = arith.muli %mul3A_25, %scan3A_24 : i32
      %add3A_27 = arith.constant 1 : i32
      %add3A_28 = arith.addi %mul3A_26, %add3A_27 : i32
      %dma_start3A_29 = arith.constant 0 : i32
      %dma_start3A_30 = tpu.memref_slice %arg7[%add3A_28, %dma_start3A_29] : memref<40x128xi32, #tpu.memory_space<vmem>> -> memref<1x128xi32, #tpu.memory_space<vmem>>
      %dma_start3A_31 = tpu.memref_squeeze %dma_start3A_30 : memref<1x128xi32, #tpu.memory_space<vmem>> -> memref<128xi32, #tpu.memory_space<vmem>>
      %dma_start3A_32 = arith.constant 0 : i32
      %dma_start3A_33 = arith.constant 0 : i32
      %dma_start3A_34 = tpu.memref_slice %arg2[%dma_start3A_32, %dma_start3A_33] : memref<10240x128xf32, #tpu.memory_space<hbm>> -> memref<10240x128xf32, #tpu.memory_space<hbm>>
      tpu.enqueue_indirect_dma source(%dma_start3A_34 : memref<10240x128xf32, #tpu.memory_space<hbm>>) target(%arg10 : memref<128x128xf32, #tpu.memory_space<vmem>>) offsets(%dma_start3A_31 : memref<128xi32, #tpu.memory_space<vmem>>) semaphore(%arg13 : memref<!tpu.dma_semaphore, #tpu.memory_space<semaphore_mem>>)
      %dma_wait3A = arith.constant 0 : i32
      %dma_wait3A_35 = tpu.memref_slice %arg7[%mul3A_26, %dma_wait3A] : memref<40x128xi32, #tpu.memory_space<vmem>> -> memref<1x128xi32, #tpu.memory_space<vmem>>
      %dma_wait3A_36 = tpu.memref_squeeze %dma_wait3A_35 : memref<1x128xi32, #tpu.memory_space<vmem>> -> memref<128xi32, #tpu.memory_space<vmem>>
      %dma_wait3A_37 = arith.constant 0 : i32
      %dma_wait3A_38 = arith.constant 0 : i32
      %dma_wait3A_39 = tpu.memref_slice %arg2[%dma_wait3A_37, %dma_wait3A_38] : memref<10240x128xf32, #tpu.memory_space<hbm>> -> memref<10240x128xf32, #tpu.memory_space<hbm>>
      tpu.wait_indirect_dma semaphore(%arg12 : memref<!tpu.dma_semaphore, #tpu.memory_space<semaphore_mem>>) src(%dma_wait3A_39 : memref<10240x128xf32, #tpu.memory_space<hbm>>) dst(%arg9 : memref<128x128xf32, #tpu.memory_space<vmem>>)
      "tpu.region"() ({
        %run_scoped3A = tpu.sem_alloc : memref<!tpu.dma_semaphore, #tpu.memory_space<semaphore_mem>>
        %dma_start3A_52 = arith.constant 0 : i32
        %dma_start3A_53 = tpu.memref_slice %arg8[%mul3A_26, %dma_start3A_52] : memref<40x128xi32, #tpu.memory_space<vmem>> -> memref<1x128xi32, #tpu.memory_space<vmem>>
        %dma_start3A_54 = tpu.memref_squeeze %dma_start3A_53 : memref<1x128xi32, #tpu.memory_space<vmem>> -> memref<128xi32, #tpu.memory_space<vmem>>
        %dma_start3A_55 = arith.constant 0 : i32
        %dma_start3A_56 = arith.constant 0 : i32
        %dma_start3A_57 = tpu.memref_slice %arg11[%dma_start3A_55, %dma_start3A_56] : memref<10240x128xf32, #tpu.memory_space<vmem_shared>> -> memref<10240x128xf32, #tpu.memory_space<vmem_shared>>
        tpu.enqueue_indirect_dma source(%arg9 : memref<128x128xf32, #tpu.memory_space<vmem>>) target(%dma_start3A_57 : memref<10240x128xf32, #tpu.memory_space<vmem_shared>>) offsets(%dma_start3A_54 : memref<128xi32, #tpu.memory_space<vmem>>) semaphore(%run_scoped3A : memref<!tpu.dma_semaphore, #tpu.memory_space<semaphore_mem>>) {add = true}
        %dma_wait3A_58 = arith.constant 0 : i32
        %dma_wait3A_59 = tpu.memref_slice %arg8[%mul3A_26, %dma_wait3A_58] : memref<40x128xi32, #tpu.memory_space<vmem>> -> memref<1x128xi32, #tpu.memory_space<vmem>>
        %dma_wait3A_60 = tpu.memref_squeeze %dma_wait3A_59 : memref<1x128xi32, #tpu.memory_space<vmem>> -> memref<128xi32, #tpu.memory_space<vmem>>
        %dma_wait3A_61 = arith.constant 0 : i32
        %dma_wait3A_62 = arith.constant 0 : i32
        %dma_wait3A_63 = tpu.memref_slice %arg11[%dma_wait3A_61, %dma_wait3A_62] : memref<10240x128xf32, #tpu.memory_space<vmem_shared>> -> memref<10240x128xf32, #tpu.memory_space<vmem_shared>>
        tpu.wait_indirect_dma semaphore(%run_scoped3A : memref<!tpu.dma_semaphore, #tpu.memory_space<semaphore_mem>>) src(%arg9 : memref<128x128xf32, #tpu.memory_space<vmem>>) dst(%dma_wait3A_63 : memref<10240x128xf32, #tpu.memory_space<vmem_shared>>)
        tpu.yield
      }) : () -> ()
      %lt3A = arith.constant 19 : i32
      %lt3A_40 = arith.cmpi slt, %scan3A_24, %lt3A : i32
      %convert_element_type3A = arith.extui %lt3A_40 : i1 to i32
      %cond3A = arith.constant 0 : i32
      %cond3A_41 = arith.cmpi ne, %convert_element_type3A, %cond3A : i32
      scf.if %cond3A_41 {
        %add3A_52 = arith.constant 2 : i32
        %add3A_53 = arith.addi %mul3A_26, %add3A_52 : i32
        %dma_start3A_54 = arith.constant 0 : i32
        %dma_start3A_55 = tpu.memref_slice %arg7[%add3A_53, %dma_start3A_54] : memref<40x128xi32, #tpu.memory_space<vmem>> -> memref<1x128xi32, #tpu.memory_space<vmem>>
        %dma_start3A_56 = tpu.memref_squeeze %dma_start3A_55 : memref<1x128xi32, #tpu.memory_space<vmem>> -> memref<128xi32, #tpu.memory_space<vmem>>
        %dma_start3A_57 = arith.constant 0 : i32
        %dma_start3A_58 = arith.constant 0 : i32
        %dma_start3A_59 = tpu.memref_slice %arg2[%dma_start3A_57, %dma_start3A_58] : memref<10240x128xf32, #tpu.memory_space<hbm>> -> memref<10240x128xf32, #tpu.memory_space<hbm>>
        tpu.enqueue_indirect_dma source(%dma_start3A_59 : memref<10240x128xf32, #tpu.memory_space<hbm>>) target(%arg9 : memref<128x128xf32, #tpu.memory_space<vmem>>) offsets(%dma_start3A_56 : memref<128xi32, #tpu.memory_space<vmem>>) semaphore(%arg12 : memref<!tpu.dma_semaphore, #tpu.memory_space<semaphore_mem>>)
      } else {
      }
      %add3A_42 = arith.constant 1 : i32
      %add3A_43 = arith.addi %mul3A_26, %add3A_42 : i32
      %dma_wait3A_44 = arith.constant 0 : i32
      %dma_wait3A_45 = tpu.memref_slice %arg7[%add3A_43, %dma_wait3A_44] : memref<40x128xi32, #tpu.memory_space<vmem>> -> memref<1x128xi32, #tpu.memory_space<vmem>>
      %dma_wait3A_46 = tpu.memref_squeeze %dma_wait3A_45 : memref<1x128xi32, #tpu.memory_space<vmem>> -> memref<128xi32, #tpu.memory_space<vmem>>
      %dma_wait3A_47 = arith.constant 0 : i32
      %dma_wait3A_48 = arith.constant 0 : i32
      %dma_wait3A_49 = tpu.memref_slice %arg2[%dma_wait3A_47, %dma_wait3A_48] : memref<10240x128xf32, #tpu.memory_space<hbm>> -> memref<10240x128xf32, #tpu.memory_space<hbm>>
      tpu.wait_indirect_dma semaphore(%arg13 : memref<!tpu.dma_semaphore, #tpu.memory_space<semaphore_mem>>) src(%dma_wait3A_49 : memref<10240x128xf32, #tpu.memory_space<hbm>>) dst(%arg10 : memref<128x128xf32, #tpu.memory_space<vmem>>)
      %add3A_50 = arith.constant 1 : i32
      %add3A_51 = arith.addi %mul3A_26, %add3A_50 : i32
      "tpu.region"() ({
        %run_scoped3A = tpu.sem_alloc : memref<!tpu.dma_semaphore, #tpu.memory_space<semaphore_mem>>
        %dma_start3A_52 = arith.constant 0 : i32
        %dma_start3A_53 = tpu.memref_slice %arg8[%add3A_51, %dma_start3A_52] : memref<40x128xi32, #tpu.memory_space<vmem>> -> memref<1x128xi32, #tpu.memory_space<vmem>>
        %dma_start3A_54 = tpu.memref_squeeze %dma_start3A_53 : memref<1x128xi32, #tpu.memory_space<vmem>> -> memref<128xi32, #tpu.memory_space<vmem>>
        %dma_start3A_55 = arith.constant 0 : i32
        %dma_start3A_56 = arith.constant 0 : i32
        %dma_start3A_57 = tpu.memref_slice %arg11[%dma_start3A_55, %dma_start3A_56] : memref<10240x128xf32, #tpu.memory_space<vmem_shared>> -> memref<10240x128xf32, #tpu.memory_space<vmem_shared>>
        tpu.enqueue_indirect_dma source(%arg10 : memref<128x128xf32, #tpu.memory_space<vmem>>) target(%dma_start3A_57 : memref<10240x128xf32, #tpu.memory_space<vmem_shared>>) offsets(%dma_start3A_54 : memref<128xi32, #tpu.memory_space<vmem>>) semaphore(%run_scoped3A : memref<!tpu.dma_semaphore, #tpu.memory_space<semaphore_mem>>) {add = true}
        %dma_wait3A_58 = arith.constant 0 : i32
        %dma_wait3A_59 = tpu.memref_slice %arg8[%add3A_51, %dma_wait3A_58] : memref<40x128xi32, #tpu.memory_space<vmem>> -> memref<1x128xi32, #tpu.memory_space<vmem>>
        %dma_wait3A_60 = tpu.memref_squeeze %dma_wait3A_59 : memref<1x128xi32, #tpu.memory_space<vmem>> -> memref<128xi32, #tpu.memory_space<vmem>>
        %dma_wait3A_61 = arith.constant 0 : i32
        %dma_wait3A_62 = arith.constant 0 : i32
        %dma_wait3A_63 = tpu.memref_slice %arg11[%dma_wait3A_61, %dma_wait3A_62] : memref<10240x128xf32, #tpu.memory_space<vmem_shared>> -> memref<10240x128xf32, #tpu.memory_space<vmem_shared>>
        tpu.wait_indirect_dma semaphore(%run_scoped3A : memref<!tpu.dma_semaphore, #tpu.memory_space<semaphore_mem>>) src(%arg10 : memref<128x128xf32, #tpu.memory_space<vmem>>) dst(%dma_wait3A_63 : memref<10240x128xf32, #tpu.memory_space<vmem_shared>>)
        tpu.yield
      }) : () -> ()
    }
    %scan3A_15 = arith.constant 20 : i32
    %barrier3A_16 = arith.constant 0 : index
    tpu.barrier barrier_id(%barrier3A_16)
    %mul3A_17 = arith.constant 640 : i32
    %mul3A_18 = arith.muli %arg1, %mul3A_17 : i32
    %mul3A_19 = arith.constant 10240 : i32
    %mul3A_20 = arith.muli %arg0, %mul3A_19 : i32
    %mul3A_21 = arith.constant 640 : i32
    %mul3A_22 = arith.muli %arg1, %mul3A_21 : i32
    %add3A_23 = arith.addi %mul3A_20, %mul3A_22 : i32
    "tpu.region"() ({
      %run_scoped3A = tpu.sem_alloc : memref<!tpu.dma_semaphore, #tpu.memory_space<semaphore_mem>>
      %dma_start3A_24 = arith.constant 0 : i32
      %dma_start3A_25 = tpu.memref_slice %arg6[%add3A_23, %dma_start3A_24] : memref<20480x128xf32, #tpu.memory_space<hbm>> -> memref<640x128xf32, #tpu.memory_space<hbm>>
      %dma_start3A_26 = arith.constant 0 : i32
      %dma_start3A_27 = tpu.memref_slice %arg11[%mul3A_18, %dma_start3A_26] : memref<10240x128xf32, #tpu.memory_space<vmem_shared>> -> memref<640x128xf32, #tpu.memory_space<vmem_shared>>
      tpu.enqueue_dma source(%dma_start3A_27 : memref<640x128xf32, #tpu.memory_space<vmem_shared>>) target(%dma_start3A_25 : memref<640x128xf32, #tpu.memory_space<hbm>>) target_semaphore(%run_scoped3A : memref<!tpu.dma_semaphore, #tpu.memory_space<semaphore_mem>>)
      %dma_wait3A = arith.constant 0 : i32
      %dma_wait3A_28 = tpu.memref_slice %arg6[%add3A_23, %dma_wait3A] : memref<20480x128xf32, #tpu.memory_space<hbm>> -> memref<640x128xf32, #tpu.memory_space<hbm>>
      %dma_wait3A_29 = arith.constant 0 : i32
      %dma_wait3A_30 = tpu.memref_slice %arg11[%mul3A_18, %dma_wait3A_29] : memref<10240x128xf32, #tpu.memory_space<vmem_shared>> -> memref<640x128xf32, #tpu.memory_space<vmem_shared>>
      tpu.wait_dma2 semaphore(%run_scoped3A : memref<!tpu.dma_semaphore, #tpu.memory_space<semaphore_mem>>) src(%dma_wait3A_30 : memref<640x128xf32, #tpu.memory_space<vmem_shared>>) dst(%dma_wait3A_28 : memref<640x128xf32, #tpu.memory_space<hbm>>)
      tpu.yield
    }) : () -> ()
    return
  }
}

#map = affine_map<(d0, d1) -> (0, 0)>
#map1 = affine_map<(d0, d1) -> (0, 0, 0)>
module attributes {stable_mosaic.version = 14 : i64} {
  func.func @_spmv_sc(%arg0: i32, %arg1: i32, %arg2: memref<10240x128xf32, #tpu.memory_space<hbm>>, %arg3: memref<32x40x128xi32, #tpu.memory_space<hbm>>, %arg4: memref<32x40x128xi32, #tpu.memory_space<hbm>>, %arg5: memref<10240x128xf32, #tpu.memory_space<hbm>>, %arg6: memref<20480x128xf32, #tpu.memory_space<hbm>>, %arg7: memref<40x128xi32, #tpu.memory_space<vmem>>, %arg8: memref<40x128xi32, #tpu.memory_space<vmem>>, %arg9: memref<128x128xf32, #tpu.memory_space<vmem>>, %arg10: memref<128x128xf32, #tpu.memory_space<vmem>>, %arg11: memref<10240x128xf32, #tpu.memory_space<vmem_shared>>, %arg12: memref<!tpu.dma_semaphore, #tpu.memory_space<semaphore_mem>>, %arg13: memref<!tpu.dma_semaphore, #tpu.memory_space<semaphore_mem>>) attributes {dimension_semantics = [#tpu.dimension_semantics<core_parallel>, #tpu.dimension_semantics<subcore_parallel>], iteration_bounds = array<i64: 2, 16>, scalar_prefetch = 0 : i64, scratch_operands = 7 : i64, tpu.core_type = #tpu.core_type<sc_vector_subcore>, window_params = [{transform_indices = #map}, {transform_indices = #map1}, {transform_indices = #map1}, {transform_indices = #map}, {transform_indices = #map}]} {
    %mul3A = arith.constant 2 : i32
    %mul3A_0 = arith.muli %arg1, %mul3A : i32
    %add3A = arith.addi %mul3A_0, %arg0 : i32
    "tpu.region"() ({
      %run_scoped3A = tpu.sem_alloc : memref<!tpu.dma_semaphore, #tpu.memory_space<semaphore_mem>>
      %dma_start3A_24 = arith.constant 0 : i32
      %dma_start3A_25 = arith.constant 0 : i32
      %dma_start3A_26 = tpu.memref_slice %arg3[%add3A, %dma_start3A_24, %dma_start3A_25] : memref<32x40x128xi32, #tpu.memory_space<hbm>> -> memref<1x40x128xi32, #tpu.memory_space<hbm>>
      %dma_start3A_27 = tpu.memref_squeeze %dma_start3A_26 : memref<1x40x128xi32, #tpu.memory_space<hbm>> -> memref<40x128xi32, #tpu.memory_space<hbm>>
      %dma_start3A_28 = arith.constant 0 : i32
      %dma_start3A_29 = arith.constant 0 : i32
      %dma_start3A_30 = tpu.memref_slice %arg3[%add3A, %dma_start3A_28, %dma_start3A_29] : memref<32x40x128xi32, #tpu.memory_space<hbm>> -> memref<1x40x128xi32, #tpu.memory_space<hbm>>
      %dma_start3A_31 = tpu.memref_squeeze %dma_start3A_30 : memref<1x40x128xi32, #tpu.memory_space<hbm>> -> memref<40x128xi32, #tpu.memory_space<hbm>>
      tpu.enqueue_dma source(%dma_start3A_31 : memref<40x128xi32, #tpu.memory_space<hbm>>) target(%arg7 : memref<40x128xi32, #tpu.memory_space<vmem>>) target_semaphore(%run_scoped3A : memref<!tpu.dma_semaphore, #tpu.memory_space<semaphore_mem>>)
      %dma_wait3A = arith.constant 0 : i32
      %dma_wait3A_32 = arith.constant 0 : i32
      %dma_wait3A_33 = tpu.memref_slice %arg3[%add3A, %dma_wait3A, %dma_wait3A_32] : memref<32x40x128xi32, #tpu.memory_space<hbm>> -> memref<1x40x128xi32, #tpu.memory_space<hbm>>
      %dma_wait3A_34 = tpu.memref_squeeze %dma_wait3A_33 : memref<1x40x128xi32, #tpu.memory_space<hbm>> -> memref<40x128xi32, #tpu.memory_space<hbm>>
      %dma_wait3A_35 = arith.constant 0 : i32
      %dma_wait3A_36 = arith.constant 0 : i32
      %dma_wait3A_37 = tpu.memref_slice %arg3[%add3A, %dma_wait3A_35, %dma_wait3A_36] : memref<32x40x128xi32, #tpu.memory_space<hbm>> -> memref<1x40x128xi32, #tpu.memory_space<hbm>>
      %dma_wait3A_38 = tpu.memref_squeeze %dma_wait3A_37 : memref<1x40x128xi32, #tpu.memory_space<hbm>> -> memref<40x128xi32, #tpu.memory_space<hbm>>
      tpu.wait_dma2 semaphore(%run_scoped3A : memref<!tpu.dma_semaphore, #tpu.memory_space<semaphore_mem>>) src(%dma_wait3A_38 : memref<40x128xi32, #tpu.memory_space<hbm>>) dst(%arg7 : memref<40x128xi32, #tpu.memory_space<vmem>>)
      tpu.yield
    }) : () -> ()
    "tpu.region"() ({
      %run_scoped3A = tpu.sem_alloc : memref<!tpu.dma_semaphore, #tpu.memory_space<semaphore_mem>>
      %dma_start3A_24 = arith.constant 0 : i32
      %dma_start3A_25 = arith.constant 0 : i32
      %dma_start3A_26 = tpu.memref_slice %arg4[%add3A, %dma_start3A_24, %dma_start3A_25] : memref<32x40x128xi32, #tpu.memory_space<hbm>> -> memref<1x40x128xi32, #tpu.memory_space<hbm>>
      %dma_start3A_27 = tpu.memref_squeeze %dma_start3A_26 : memref<1x40x128xi32, #tpu.memory_space<hbm>> -> memref<40x128xi32, #tpu.memory_space<hbm>>
      %dma_start3A_28 = arith.constant 0 : i32
      %dma_start3A_29 = arith.constant 0 : i32
      %dma_start3A_30 = tpu.memref_slice %arg4[%add3A, %dma_start3A_28, %dma_start3A_29] : memref<32x40x128xi32, #tpu.memory_space<hbm>> -> memref<1x40x128xi32, #tpu.memory_space<hbm>>
      %dma_start3A_31 = tpu.memref_squeeze %dma_start3A_30 : memref<1x40x128xi32, #tpu.memory_space<hbm>> -> memref<40x128xi32, #tpu.memory_space<hbm>>
      tpu.enqueue_dma source(%dma_start3A_31 : memref<40x128xi32, #tpu.memory_space<hbm>>) target(%arg8 : memref<40x128xi32, #tpu.memory_space<vmem>>) target_semaphore(%run_scoped3A : memref<!tpu.dma_semaphore, #tpu.memory_space<semaphore_mem>>)
      %dma_wait3A = arith.constant 0 : i32
      %dma_wait3A_32 = arith.constant 0 : i32
      %dma_wait3A_33 = tpu.memref_slice %arg4[%add3A, %dma_wait3A, %dma_wait3A_32] : memref<32x40x128xi32, #tpu.memory_space<hbm>> -> memref<1x40x128xi32, #tpu.memory_space<hbm>>
      %dma_wait3A_34 = tpu.memref_squeeze %dma_wait3A_33 : memref<1x40x128xi32, #tpu.memory_space<hbm>> -> memref<40x128xi32, #tpu.memory_space<hbm>>
      %dma_wait3A_35 = arith.constant 0 : i32
      %dma_wait3A_36 = arith.constant 0 : i32
      %dma_wait3A_37 = tpu.memref_slice %arg4[%add3A, %dma_wait3A_35, %dma_wait3A_36] : memref<32x40x128xi32, #tpu.memory_space<hbm>> -> memref<1x40x128xi32, #tpu.memory_space<hbm>>
      %dma_wait3A_38 = tpu.memref_squeeze %dma_wait3A_37 : memref<1x40x128xi32, #tpu.memory_space<hbm>> -> memref<40x128xi32, #tpu.memory_space<hbm>>
      tpu.wait_dma2 semaphore(%run_scoped3A : memref<!tpu.dma_semaphore, #tpu.memory_space<semaphore_mem>>) src(%dma_wait3A_38 : memref<40x128xi32, #tpu.memory_space<hbm>>) dst(%arg8 : memref<40x128xi32, #tpu.memory_space<vmem>>)
      tpu.yield
    }) : () -> ()
    %mul3A_1 = arith.constant 640 : i32
    %mul3A_2 = arith.muli %arg1, %mul3A_1 : i32
    %mul3A_3 = arith.constant 640 : i32
    %mul3A_4 = arith.muli %arg1, %mul3A_3 : i32
    "tpu.region"() ({
      %run_scoped3A = tpu.sem_alloc : memref<!tpu.dma_semaphore, #tpu.memory_space<semaphore_mem>>
      %dma_start3A_24 = arith.constant 0 : i32
      %dma_start3A_25 = tpu.memref_slice %arg11[%mul3A_4, %dma_start3A_24] : memref<10240x128xf32, #tpu.memory_space<vmem_shared>> -> memref<640x128xf32, #tpu.memory_space<vmem_shared>>
      %dma_start3A_26 = arith.constant 0 : i32
      %dma_start3A_27 = tpu.memref_slice %arg5[%mul3A_2, %dma_start3A_26] : memref<10240x128xf32, #tpu.memory_space<hbm>> -> memref<640x128xf32, #tpu.memory_space<hbm>>
      tpu.enqueue_dma source(%dma_start3A_27 : memref<640x128xf32, #tpu.memory_space<hbm>>) target(%dma_start3A_25 : memref<640x128xf32, #tpu.memory_space<vmem_shared>>) target_semaphore(%run_scoped3A : memref<!tpu.dma_semaphore, #tpu.memory_space<semaphore_mem>>)
      %dma_wait3A = arith.constant 0 : i32
      %dma_wait3A_28 = tpu.memref_slice %arg11[%mul3A_4, %dma_wait3A] : memref<10240x128xf32, #tpu.memory_space<vmem_shared>> -> memref<640x128xf32, #tpu.memory_space<vmem_shared>>
      %dma_wait3A_29 = arith.constant 0 : i32
      %dma_wait3A_30 = tpu.memref_slice %arg5[%mul3A_2, %dma_wait3A_29] : memref<10240x128xf32, #tpu.memory_space<hbm>> -> memref<640x128xf32, #tpu.memory_space<hbm>>
      tpu.wait_dma2 semaphore(%run_scoped3A : memref<!tpu.dma_semaphore, #tpu.memory_space<semaphore_mem>>) src(%dma_wait3A_30 : memref<640x128xf32, #tpu.memory_space<hbm>>) dst(%dma_wait3A_28 : memref<640x128xf32, #tpu.memory_space<vmem_shared>>)
      tpu.yield
    }) : () -> ()
    %barrier3A = arith.constant 0 : index
    tpu.barrier barrier_id(%barrier3A)
    %dma_start3A = arith.constant 0 : i32
    %dma_start3A_5 = arith.constant 0 : i32
    %dma_start3A_6 = tpu.memref_slice %arg7[%dma_start3A, %dma_start3A_5] : memref<40x128xi32, #tpu.memory_space<vmem>> -> memref<1x128xi32, #tpu.memory_space<vmem>>
    %dma_start3A_7 = tpu.memref_squeeze %dma_start3A_6 : memref<1x128xi32, #tpu.memory_space<vmem>> -> memref<128xi32, #tpu.memory_space<vmem>>
    %dma_start3A_8 = arith.constant 0 : i32
    %dma_start3A_9 = arith.constant 0 : i32
    %dma_start3A_10 = tpu.memref_slice %arg2[%dma_start3A_8, %dma_start3A_9] : memref<10240x128xf32, #tpu.memory_space<hbm>> -> memref<10240x128xf32, #tpu.memory_space<hbm>>
    tpu.enqueue_indirect_dma source(%dma_start3A_10 : memref<10240x128xf32, #tpu.memory_space<hbm>>) target(%arg9 : memref<128x128xf32, #tpu.memory_space<vmem>>) offsets(%dma_start3A_7 : memref<128xi32, #tpu.memory_space<vmem>>) semaphore(%arg12 : memref<!tpu.dma_semaphore, #tpu.memory_space<semaphore_mem>>)
    %scan3A = arith.constant 0 : i32
    %scan3A_11 = arith.constant 0 : i32
    %scan3A_12 = arith.constant 20 : i32
    %scan3A_13 = arith.addi %scan3A_11, %scan3A_12 : i32
    %scan3A_14 = arith.constant 1 : i32
    scf.for %scan3A_24 = %scan3A_11 to %scan3A_13 step %scan3A_14  : i32 {
      %mul3A_25 = arith.constant 2 : i32
      %mul3A_26 = arith.muli %mul3A_25, %scan3A_24 : i32
      %add3A_27 = arith.constant 1 : i32
      %add3A_28 = arith.addi %mul3A_26, %add3A_27 : i32
      %dma_start3A_29 = arith.constant 0 : i32
      %dma_start3A_30 = tpu.memref_slice %arg7[%add3A_28, %dma_start3A_29] : memref<40x128xi32, #tpu.memory_space<vmem>> -> memref<1x128xi32, #tpu.memory_space<vmem>>
      %dma_start3A_31 = tpu.memref_squeeze %dma_start3A_30 : memref<1x128xi32, #tpu.memory_space<vmem>> -> memref<128xi32, #tpu.memory_space<vmem>>
      %dma_start3A_32 = arith.constant 0 : i32
      %dma_start3A_33 = arith.constant 0 : i32
      %dma_start3A_34 = tpu.memref_slice %arg2[%dma_start3A_32, %dma_start3A_33] : memref<10240x128xf32, #tpu.memory_space<hbm>> -> memref<10240x128xf32, #tpu.memory_space<hbm>>
      tpu.enqueue_indirect_dma source(%dma_start3A_34 : memref<10240x128xf32, #tpu.memory_space<hbm>>) target(%arg10 : memref<128x128xf32, #tpu.memory_space<vmem>>) offsets(%dma_start3A_31 : memref<128xi32, #tpu.memory_space<vmem>>) semaphore(%arg13 : memref<!tpu.dma_semaphore, #tpu.memory_space<semaphore_mem>>)
      %dma_wait3A = arith.constant 0 : i32
      %dma_wait3A_35 = tpu.memref_slice %arg7[%mul3A_26, %dma_wait3A] : memref<40x128xi32, #tpu.memory_space<vmem>> -> memref<1x128xi32, #tpu.memory_space<vmem>>
      %dma_wait3A_36 = tpu.memref_squeeze %dma_wait3A_35 : memref<1x128xi32, #tpu.memory_space<vmem>> -> memref<128xi32, #tpu.memory_space<vmem>>
      %dma_wait3A_37 = arith.constant 0 : i32
      %dma_wait3A_38 = arith.constant 0 : i32
      %dma_wait3A_39 = tpu.memref_slice %arg2[%dma_wait3A_37, %dma_wait3A_38] : memref<10240x128xf32, #tpu.memory_space<hbm>> -> memref<10240x128xf32, #tpu.memory_space<hbm>>
      tpu.wait_indirect_dma semaphore(%arg12 : memref<!tpu.dma_semaphore, #tpu.memory_space<semaphore_mem>>) src(%dma_wait3A_39 : memref<10240x128xf32, #tpu.memory_space<hbm>>) dst(%arg9 : memref<128x128xf32, #tpu.memory_space<vmem>>)
      "tpu.region"() ({
        %run_scoped3A = tpu.sem_alloc : memref<!tpu.dma_semaphore, #tpu.memory_space<semaphore_mem>>
        %dma_start3A_52 = arith.constant 0 : i32
        %dma_start3A_53 = tpu.memref_slice %arg8[%mul3A_26, %dma_start3A_52] : memref<40x128xi32, #tpu.memory_space<vmem>> -> memref<1x128xi32, #tpu.memory_space<vmem>>
        %dma_start3A_54 = tpu.memref_squeeze %dma_start3A_53 : memref<1x128xi32, #tpu.memory_space<vmem>> -> memref<128xi32, #tpu.memory_space<vmem>>
        %dma_start3A_55 = arith.constant 0 : i32
        %dma_start3A_56 = arith.constant 0 : i32
        %dma_start3A_57 = tpu.memref_slice %arg11[%dma_start3A_55, %dma_start3A_56] : memref<10240x128xf32, #tpu.memory_space<vmem_shared>> -> memref<10240x128xf32, #tpu.memory_space<vmem_shared>>
        tpu.enqueue_indirect_dma source(%arg9 : memref<128x128xf32, #tpu.memory_space<vmem>>) target(%dma_start3A_57 : memref<10240x128xf32, #tpu.memory_space<vmem_shared>>) offsets(%dma_start3A_54 : memref<128xi32, #tpu.memory_space<vmem>>) semaphore(%run_scoped3A : memref<!tpu.dma_semaphore, #tpu.memory_space<semaphore_mem>>) {add = true}
        %dma_wait3A_58 = arith.constant 0 : i32
        %dma_wait3A_59 = tpu.memref_slice %arg8[%mul3A_26, %dma_wait3A_58] : memref<40x128xi32, #tpu.memory_space<vmem>> -> memref<1x128xi32, #tpu.memory_space<vmem>>
        %dma_wait3A_60 = tpu.memref_squeeze %dma_wait3A_59 : memref<1x128xi32, #tpu.memory_space<vmem>> -> memref<128xi32, #tpu.memory_space<vmem>>
        %dma_wait3A_61 = arith.constant 0 : i32
        %dma_wait3A_62 = arith.constant 0 : i32
        %dma_wait3A_63 = tpu.memref_slice %arg11[%dma_wait3A_61, %dma_wait3A_62] : memref<10240x128xf32, #tpu.memory_space<vmem_shared>> -> memref<10240x128xf32, #tpu.memory_space<vmem_shared>>
        tpu.wait_indirect_dma semaphore(%run_scoped3A : memref<!tpu.dma_semaphore, #tpu.memory_space<semaphore_mem>>) src(%arg9 : memref<128x128xf32, #tpu.memory_space<vmem>>) dst(%dma_wait3A_63 : memref<10240x128xf32, #tpu.memory_space<vmem_shared>>)
        tpu.yield
      }) : () -> ()
      %lt3A = arith.constant 19 : i32
      %lt3A_40 = arith.cmpi slt, %scan3A_24, %lt3A : i32
      %convert_element_type3A = arith.extui %lt3A_40 : i1 to i32
      %cond3A = arith.constant 0 : i32
      %cond3A_41 = arith.cmpi ne, %convert_element_type3A, %cond3A : i32
      scf.if %cond3A_41 {
        %add3A_52 = arith.constant 2 : i32
        %add3A_53 = arith.addi %mul3A_26, %add3A_52 : i32
        %dma_start3A_54 = arith.constant 0 : i32
        %dma_start3A_55 = tpu.memref_slice %arg7[%add3A_53, %dma_start3A_54] : memref<40x128xi32, #tpu.memory_space<vmem>> -> memref<1x128xi32, #tpu.memory_space<vmem>>
        %dma_start3A_56 = tpu.memref_squeeze %dma_start3A_55 : memref<1x128xi32, #tpu.memory_space<vmem>> -> memref<128xi32, #tpu.memory_space<vmem>>
        %dma_start3A_57 = arith.constant 0 : i32
        %dma_start3A_58 = arith.constant 0 : i32
        %dma_start3A_59 = tpu.memref_slice %arg2[%dma_start3A_57, %dma_start3A_58] : memref<10240x128xf32, #tpu.memory_space<hbm>> -> memref<10240x128xf32, #tpu.memory_space<hbm>>
        tpu.enqueue_indirect_dma source(%dma_start3A_59 : memref<10240x128xf32, #tpu.memory_space<hbm>>) target(%arg9 : memref<128x128xf32, #tpu.memory_space<vmem>>) offsets(%dma_start3A_56 : memref<128xi32, #tpu.memory_space<vmem>>) semaphore(%arg12 : memref<!tpu.dma_semaphore, #tpu.memory_space<semaphore_mem>>)
      } else {
      }
      %add3A_42 = arith.constant 1 : i32
      %add3A_43 = arith.addi %mul3A_26, %add3A_42 : i32
      %dma_wait3A_44 = arith.constant 0 : i32
      %dma_wait3A_45 = tpu.memref_slice %arg7[%add3A_43, %dma_wait3A_44] : memref<40x128xi32, #tpu.memory_space<vmem>> -> memref<1x128xi32, #tpu.memory_space<vmem>>
      %dma_wait3A_46 = tpu.memref_squeeze %dma_wait3A_45 : memref<1x128xi32, #tpu.memory_space<vmem>> -> memref<128xi32, #tpu.memory_space<vmem>>
      %dma_wait3A_47 = arith.constant 0 : i32
      %dma_wait3A_48 = arith.constant 0 : i32
      %dma_wait3A_49 = tpu.memref_slice %arg2[%dma_wait3A_47, %dma_wait3A_48] : memref<10240x128xf32, #tpu.memory_space<hbm>> -> memref<10240x128xf32, #tpu.memory_space<hbm>>
      tpu.wait_indirect_dma semaphore(%arg13 : memref<!tpu.dma_semaphore, #tpu.memory_space<semaphore_mem>>) src(%dma_wait3A_49 : memref<10240x128xf32, #tpu.memory_space<hbm>>) dst(%arg10 : memref<128x128xf32, #tpu.memory_space<vmem>>)
      %add3A_50 = arith.constant 1 : i32
      %add3A_51 = arith.addi %mul3A_26, %add3A_50 : i32
      "tpu.region"() ({
        %run_scoped3A = tpu.sem_alloc : memref<!tpu.dma_semaphore, #tpu.memory_space<semaphore_mem>>
        %dma_start3A_52 = arith.constant 0 : i32
        %dma_start3A_53 = tpu.memref_slice %arg8[%add3A_51, %dma_start3A_52] : memref<40x128xi32, #tpu.memory_space<vmem>> -> memref<1x128xi32, #tpu.memory_space<vmem>>
        %dma_start3A_54 = tpu.memref_squeeze %dma_start3A_53 : memref<1x128xi32, #tpu.memory_space<vmem>> -> memref<128xi32, #tpu.memory_space<vmem>>
        %dma_start3A_55 = arith.constant 0 : i32
        %dma_start3A_56 = arith.constant 0 : i32
        %dma_start3A_57 = tpu.memref_slice %arg11[%dma_start3A_55, %dma_start3A_56] : memref<10240x128xf32, #tpu.memory_space<vmem_shared>> -> memref<10240x128xf32, #tpu.memory_space<vmem_shared>>
        tpu.enqueue_indirect_dma source(%arg10 : memref<128x128xf32, #tpu.memory_space<vmem>>) target(%dma_start3A_57 : memref<10240x128xf32, #tpu.memory_space<vmem_shared>>) offsets(%dma_start3A_54 : memref<128xi32, #tpu.memory_space<vmem>>) semaphore(%run_scoped3A : memref<!tpu.dma_semaphore, #tpu.memory_space<semaphore_mem>>) {add = true}
        %dma_wait3A_58 = arith.constant 0 : i32
        %dma_wait3A_59 = tpu.memref_slice %arg8[%add3A_51, %dma_wait3A_58] : memref<40x128xi32, #tpu.memory_space<vmem>> -> memref<1x128xi32, #tpu.memory_space<vmem>>
        %dma_wait3A_60 = tpu.memref_squeeze %dma_wait3A_59 : memref<1x128xi32, #tpu.memory_space<vmem>> -> memref<128xi32, #tpu.memory_space<vmem>>
        %dma_wait3A_61 = arith.constant 0 : i32
        %dma_wait3A_62 = arith.constant 0 : i32
        %dma_wait3A_63 = tpu.memref_slice %arg11[%dma_wait3A_61, %dma_wait3A_62] : memref<10240x128xf32, #tpu.memory_space<vmem_shared>> -> memref<10240x128xf32, #tpu.memory_space<vmem_shared>>
        tpu.wait_indirect_dma semaphore(%run_scoped3A : memref<!tpu.dma_semaphore, #tpu.memory_space<semaphore_mem>>) src(%arg10 : memref<128x128xf32, #tpu.memory_space<vmem>>) dst(%dma_wait3A_63 : memref<10240x128xf32, #tpu.memory_space<vmem_shared>>)
        tpu.yield
      }) : () -> ()
    }
    %scan3A_15 = arith.constant 20 : i32
    %barrier3A_16 = arith.constant 0 : index
    tpu.barrier barrier_id(%barrier3A_16)
    %mul3A_17 = arith.constant 640 : i32
    %mul3A_18 = arith.muli %arg1, %mul3A_17 : i32
    %mul3A_19 = arith.constant 10240 : i32
    %mul3A_20 = arith.muli %arg0, %mul3A_19 : i32
    %mul3A_21 = arith.constant 640 : i32
    %mul3A_22 = arith.muli %arg1, %mul3A_21 : i32
    %add3A_23 = arith.addi %mul3A_20, %mul3A_22 : i32
    "tpu.region"() ({
      %run_scoped3A = tpu.sem_alloc : memref<!tpu.dma_semaphore, #tpu.memory_space<semaphore_mem>>
      %dma_start3A_24 = arith.constant 0 : i32
      %dma_start3A_25 = tpu.memref_slice %arg6[%add3A_23, %dma_start3A_24] : memref<20480x128xf32, #tpu.memory_space<hbm>> -> memref<640x128xf32, #tpu.memory_space<hbm>>
      %dma_start3A_26 = arith.constant 0 : i32
      %dma_start3A_27 = tpu.memref_slice %arg11[%mul3A_18, %dma_start3A_26] : memref<10240x128xf32, #tpu.memory_space<vmem_shared>> -> memref<640x128xf32, #tpu.memory_space<vmem_shared>>
      tpu.enqueue_dma source(%dma_start3A_27 : memref<640x128xf32, #tpu.memory_space<vmem_shared>>) target(%dma_start3A_25 : memref<640x128xf32, #tpu.memory_space<hbm>>) target_semaphore(%run_scoped3A : memref<!tpu.dma_semaphore, #tpu.memory_space<semaphore_mem>>)
      %dma_wait3A = arith.constant 0 : i32
      %dma_wait3A_28 = tpu.memref_slice %arg6[%add3A_23, %dma_wait3A] : memref<20480x128xf32, #tpu.memory_space<hbm>> -> memref<640x128xf32, #tpu.memory_space<hbm>>
      %dma_wait3A_29 = arith.constant 0 : i32
      %dma_wait3A_30 = tpu.memref_slice %arg11[%mul3A_18, %dma_wait3A_29] : memref<10240x128xf32, #tpu.memory_space<vmem_shared>> -> memref<640x128xf32, #tpu.memory_space<vmem_shared>>
      tpu.wait_dma2 semaphore(%run_scoped3A : memref<!tpu.dma_semaphore, #tpu.memory_space<semaphore_mem>>) src(%dma_wait3A_30 : memref<640x128xf32, #tpu.memory_space<vmem_shared>>) dst(%dma_wait3A_28 : memref<640x128xf32, #tpu.memory_space<hbm>>)
      tpu.yield
    }) : () -> ()
    return
  }
}

module attributes {stable_mosaic.version = 14 : i64} {
  func.func @_mm_body(%arg0: i32, %arg1: memref<1280x1xf32, #tpu.memory_space<vmem>>, %arg2: memref<1280x128xf32, #tpu.memory_space<vmem>>, %arg3: memref<128x128xf32, #tpu.memory_space<vmem>>, %arg4: memref<1280x128xf32, #tpu.memory_space<vmem>>) attributes {dimension_semantics = [#tpu.dimension_semantics<arbitrary>], iteration_bounds = array<i64: 8>, scalar_prefetch = 0 : i64, scratch_operands = 0 : i64, tpu.core_type = #tpu.core_type<tc>, window_params = [{transform_indices = @transform_0, window_bounds = array<i64: 1280, 1>}, {transform_indices = @transform_1, window_bounds = array<i64: 1280, 128>}, {pipeline_mode = #tpu.pipeline_mode<synchronous>, transform_indices = @transform_2, window_bounds = array<i64: 128, 128>}, {transform_indices = @transform_3, window_bounds = array<i64: 1280, 128>}]} {
    %get3A = arith.constant 0 : index
    %get3A_0 = arith.constant 0 : index
    %get3A_1 = vector.load %arg1[%get3A, %get3A_0] : memref<1280x1xf32, #tpu.memory_space<vmem>>, vector<1280x1xf32>
    %get3A_2 = arith.constant 0 : index
    %get3A_3 = arith.constant 0 : index
    %get3A_4 = vector.load %arg2[%get3A_2, %get3A_3] : memref<1280x128xf32, #tpu.memory_space<vmem>>, vector<1280x128xf32>
    %mul3A = vector.broadcast %get3A_1 : vector<1280x1xf32> to vector<1280x128xf32>
    %mul3A_5 = arith.mulf %mul3A, %get3A_4 : vector<1280x128xf32>
    %get3A_6 = arith.constant 0 : index
    %get3A_7 = arith.constant 0 : index
    %get3A_8 = vector.load %arg3[%get3A_6, %get3A_7] : memref<128x128xf32, #tpu.memory_space<vmem>>, vector<128x128xf32>
    %dot_general3A = arith.constant dense<0.000000e+00> : vector<1280x128xf32>
    %dot_general3A_9 = tpu.matmul %mul3A_5, %get3A_8, %dot_general3A {dimension_numbers = #tpu.dot_dimension_numbers<[1], [0], [0], [1], [0, 0, 1, 1], [], []>, precision = #tpu.contract_precision<fp32>, transpose_lhs_hint = false} : vector<1280x128xf32>, vector<128x128xf32>, vector<1280x128xf32> -> vector<1280x128xf32>
    %swap3A = arith.constant 0 : index
    %swap3A_10 = arith.constant 0 : index
    %swap3A_11 = vector.load %arg4[%swap3A, %swap3A_10] : memref<1280x128xf32, #tpu.memory_space<vmem>>, vector<1280x128xf32>
    tpu.vector_store %arg4[%swap3A, %swap3A_10], %dot_general3A_9 {strides = array<i32>} : memref<1280x128xf32, #tpu.memory_space<vmem>>, vector<1280x128xf32>,
    return
  }
  func.func @transform_0(%arg0: i32) -> (i32, i32) {
    %c0_i32 = arith.constant 0 : i32
    %c0_i32_0 = arith.constant 0 : i32
    return %arg0, %c0_i32 : i32, i32
  }
  func.func @transform_1(%arg0: i32) -> (i32, i32) {
    %c0_i32 = arith.constant 0 : i32
    %c0_i32_0 = arith.constant 0 : i32
    return %arg0, %c0_i32 : i32, i32
  }
  func.func @transform_2(%arg0: i32) -> (i32, i32) {
    %c0_i32 = arith.constant 0 : i32
    %c0_i32_0 = arith.constant 0 : i32
    %c0_i32_1 = arith.constant 0 : i32
    return %c0_i32, %c0_i32_0 : i32, i32
  }
  func.func @transform_3(%arg0: i32) -> (i32, i32) {
    %c0_i32 = arith.constant 0 : i32
    %c0_i32_0 = arith.constant 0 : i32
    return %arg0, %c0_i32 : i32, i32
  }
}

module attributes {stable_mosaic.version = 14 : i64} {
  func.func @_x1_score_body(%arg0: i32, %arg1: memref<1280x1xf32, #tpu.memory_space<vmem>>, %arg2: memref<1280x1xf32, #tpu.memory_space<vmem>>, %arg3: memref<1280x128xf32, #tpu.memory_space<vmem>>, %arg4: memref<1280x128xf32, #tpu.memory_space<vmem>>, %arg5: memref<1280x128xf32, #tpu.memory_space<vmem>>, %arg6: memref<1x128xf32, #tpu.memory_space<vmem>>, %arg7: memref<128x1xf32, #tpu.memory_space<vmem>>, %arg8: memref<1280x128xf32, #tpu.memory_space<vmem>>, %arg9: memref<1280x1xf32, #tpu.memory_space<vmem>>) attributes {dimension_semantics = [#tpu.dimension_semantics<arbitrary>], iteration_bounds = array<i64: 8>, scalar_prefetch = 0 : i64, scratch_operands = 0 : i64, tpu.core_type = #tpu.core_type<tc>, window_params = [{transform_indices = @transform_0, window_bounds = array<i64: 1280, 1>}, {transform_indices = @transform_1, window_bounds = array<i64: 1280, 1>}, {transform_indices = @transform_2, window_bounds = array<i64: 1280, 128>}, {transform_indices = @transform_3, window_bounds = array<i64: 1280, 128>}, {transform_indices = @transform_4, window_bounds = array<i64: 1280, 128>}, {pipeline_mode = #tpu.pipeline_mode<synchronous>, transform_indices = @transform_5, window_bounds = array<i64: 1, 128>}, {pipeline_mode = #tpu.pipeline_mode<synchronous>, transform_indices = @transform_6, window_bounds = array<i64: 128, 1>}, {transform_indices = @transform_7, window_bounds = array<i64: 1280, 128>}, {transform_indices = @transform_8, window_bounds = array<i64: 1280, 1>}]} {
    %get3A = arith.constant 0 : index
    %get3A_0 = arith.constant 0 : index
    %get3A_1 = vector.load %arg1[%get3A, %get3A_0] : memref<1280x1xf32, #tpu.memory_space<vmem>>, vector<1280x1xf32>
    %get3A_2 = arith.constant 0 : index
    %get3A_3 = arith.constant 0 : index
    %get3A_4 = vector.load %arg3[%get3A_2, %get3A_3] : memref<1280x128xf32, #tpu.memory_space<vmem>>, vector<1280x128xf32>
    %get3A_5 = arith.constant 0 : index
    %get3A_6 = arith.constant 0 : index
    %get3A_7 = vector.load %arg4[%get3A_5, %get3A_6] : memref<1280x128xf32, #tpu.memory_space<vmem>>, vector<1280x128xf32>
    %add3A = arith.addf %get3A_4, %get3A_7 : vector<1280x128xf32>
    %mul3A = vector.broadcast %get3A_1 : vector<1280x1xf32> to vector<1280x128xf32>
    %mul3A_8 = arith.mulf %mul3A, %add3A : vector<1280x128xf32>
    %get3A_9 = arith.constant 0 : index
    %get3A_10 = arith.constant 0 : index
    %get3A_11 = vector.load %arg2[%get3A_9, %get3A_10] : memref<1280x1xf32, #tpu.memory_space<vmem>>, vector<1280x1xf32>
    %get3A_12 = arith.constant 0 : index
    %get3A_13 = arith.constant 0 : index
    %get3A_14 = vector.load %arg5[%get3A_12, %get3A_13] : memref<1280x128xf32, #tpu.memory_space<vmem>>, vector<1280x128xf32>
    %mul3A_15 = vector.broadcast %get3A_11 : vector<1280x1xf32> to vector<1280x128xf32>
    %mul3A_16 = arith.mulf %mul3A_15, %get3A_14 : vector<1280x128xf32>
    %add3A_17 = arith.addf %mul3A_8, %mul3A_16 : vector<1280x128xf32>
    %get3A_18 = arith.constant 0 : index
    %get3A_19 = arith.constant 0 : index
    %get3A_20 = vector.load %arg6[%get3A_18, %get3A_19] : memref<1x128xf32, #tpu.memory_space<vmem>>, vector<1x128xf32>
    %add3A_21 = vector.broadcast %get3A_20 : vector<1x128xf32> to vector<1280x128xf32>
    %add3A_22 = arith.addf %add3A_17, %add3A_21 : vector<1280x128xf32>
    %max3A = arith.constant 0.000000e+00 : f32
    %max3A_23 = vector.broadcast %max3A : f32 to vector<1280x128xf32>
    %max3A_24 = arith.maximumf %add3A_22, %max3A_23 : vector<1280x128xf32>
    %swap3A = arith.constant 0 : index
    %swap3A_25 = arith.constant 0 : index
    %swap3A_26 = vector.load %arg8[%swap3A, %swap3A_25] : memref<1280x128xf32, #tpu.memory_space<vmem>>, vector<1280x128xf32>
    tpu.vector_store %arg8[%swap3A, %swap3A_25], %max3A_24 {strides = array<i32>} : memref<1280x128xf32, #tpu.memory_space<vmem>>, vector<1280x128xf32>,
    %get3A_27 = arith.constant 0 : index
    %get3A_28 = arith.constant 0 : index
    %get3A_29 = vector.load %arg7[%get3A_27, %get3A_28] : memref<128x1xf32, #tpu.memory_space<vmem>>, vector<128x1xf32>
    %dot_general3A = arith.constant dense<0.000000e+00> : vector<1280x1xf32>
    %dot_general3A_30 = tpu.matmul %max3A_24, %get3A_29, %dot_general3A {dimension_numbers = #tpu.dot_dimension_numbers<[1], [0], [0], [1], [0, 0, 1, 1], [], []>, precision = #tpu.contract_precision<fp32>, transpose_lhs_hint = false} : vector<1280x128xf32>, vector<128x1xf32>, vector<1280x1xf32> -> vector<1280x1xf32>
    %tanh3A = math.tanh %dot_general3A_30 : vector<1280x1xf32>
    %swap3A_31 = arith.constant 0 : index
    %swap3A_32 = arith.constant 0 : index
    %swap3A_33 = vector.load %arg9[%swap3A_31, %swap3A_32] : memref<1280x1xf32, #tpu.memory_space<vmem>>, vector<1280x1xf32>
    tpu.vector_store %arg9[%swap3A_31, %swap3A_32], %tanh3A {strides = array<i32>} : memref<1280x1xf32, #tpu.memory_space<vmem>>, vector<1280x1xf32>,
    return
  }
  func.func @transform_0(%arg0: i32) -> (i32, i32) {
    %c0_i32 = arith.constant 0 : i32
    %c0_i32_0 = arith.constant 0 : i32
    return %arg0, %c0_i32 : i32, i32
  }
  func.func @transform_1(%arg0: i32) -> (i32, i32) {
    %c0_i32 = arith.constant 0 : i32
    %c0_i32_0 = arith.constant 0 : i32
    return %arg0, %c0_i32 : i32, i32
  }
  func.func @transform_2(%arg0: i32) -> (i32, i32) {
    %c0_i32 = arith.constant 0 : i32
    %c0_i32_0 = arith.constant 0 : i32
    return %arg0, %c0_i32 : i32, i32
  }
  func.func @transform_3(%arg0: i32) -> (i32, i32) {
    %c0_i32 = arith.constant 0 : i32
    %c0_i32_0 = arith.constant 0 : i32
    return %arg0, %c0_i32 : i32, i32
  }
  func.func @transform_4(%arg0: i32) -> (i32, i32) {
    %c0_i32 = arith.constant 0 : i32
    %c0_i32_0 = arith.constant 0 : i32
    return %arg0, %c0_i32 : i32, i32
  }
  func.func @transform_5(%arg0: i32) -> (i32, i32) {
    %c0_i32 = arith.constant 0 : i32
    %c0_i32_0 = arith.constant 0 : i32
    %c0_i32_1 = arith.constant 0 : i32
    return %c0_i32, %c0_i32_0 : i32, i32
  }
  func.func @transform_6(%arg0: i32) -> (i32, i32) {
    %c0_i32 = arith.constant 0 : i32
    %c0_i32_0 = arith.constant 0 : i32
    %c0_i32_1 = arith.constant 0 : i32
    return %c0_i32, %c0_i32_0 : i32, i32
  }
  func.func @transform_7(%arg0: i32) -> (i32, i32) {
    %c0_i32 = arith.constant 0 : i32
    %c0_i32_0 = arith.constant 0 : i32
    return %arg0, %c0_i32 : i32, i32
  }
  func.func @transform_8(%arg0: i32) -> (i32, i32) {
    %c0_i32 = arith.constant 0 : i32
    %c0_i32_0 = arith.constant 0 : i32
    return %arg0, %c0_i32 : i32, i32
  }
}

module attributes {stable_mosaic.version = 14 : i64} {
  func.func @_topk_body(%arg0: memref<80x128xf32, #tpu.memory_space<vmem>>, %arg1: memref<80x128xf32, #tpu.memory_space<vmem>>) attributes {dimension_semantics = [], scalar_prefetch = 0 : i64, scratch_operands = 0 : i64, tpu.core_type = #tpu.core_type<tc>} {
    %get3A = arith.constant 0 : index
    %get3A_0 = arith.constant 0 : index
    %get3A_1 = vector.load %arg0[%get3A, %get3A_0] : memref<80x128xf32, #tpu.memory_space<vmem>>, vector<80x128xf32>
    %bitcast_convert_type3A = tpu.bitcast %get3A_1 : vector<80x128xf32> -> vector<80x128xi32>
    %lt3A = arith.constant 0 : i32
    %lt3A_2 = vector.broadcast %lt3A : i32 to vector<80x128xi32>
    %lt3A_3 = arith.cmpi slt, %bitcast_convert_type3A, %lt3A_2 : vector<80x128xi32>
    %xor3A = arith.constant 2147483647 : i32
    %xor3A_4 = vector.broadcast %xor3A : i32 to vector<80x128xi32>
    %xor3A_5 = arith.xori %bitcast_convert_type3A, %xor3A_4 : vector<80x128xi32>
    %select_n3A = arith.select %lt3A_3, %xor3A_5, %bitcast_convert_type3A : vector<80x128xi1>, vector<80x128xi32>
    %bitcast_convert_type3A_6 = tpu.bitcast %select_n3A : vector<80x128xi32> -> vector<80x128xi32>
    %xor3A_7 = arith.constant -2147483648 : i32
    %xor3A_8 = vector.broadcast %xor3A_7 : i32 to vector<80x128xi32>
    %xor3A_9 = arith.xori %bitcast_convert_type3A_6, %xor3A_8 : vector<80x128xi32>
    %iota3A = tpu.iota {dimensions = array<i32: 0>} : vector<80x128xi32>
    %iota3A_10 = tpu.iota {dimensions = array<i32: 1>} : vector<80x128xi32>
    %mul3A = arith.constant 128 : i32
    %mul3A_11 = vector.broadcast %mul3A : i32 to vector<80x128xi32>
    %mul3A_12 = arith.muli %iota3A, %mul3A_11 : vector<80x128xi32>
    %add3A = arith.addi %mul3A_12, %iota3A_10 : vector<80x128xi32>
    %lt3A_13 = arith.constant 10000 : i32
    %lt3A_14 = vector.broadcast %lt3A_13 : i32 to vector<80x128xi32>
    %lt3A_15 = arith.cmpi slt, %add3A, %lt3A_14 : vector<80x128xi32>
    %jit3A = arith.constant 0 : i32
    %broadcast_in_dim3A = vector.broadcast %jit3A : i32 to vector<80x128xi32>
    %select_n3A_16 = arith.select %lt3A_15, %xor3A_9, %broadcast_in_dim3A : vector<80x128xi1>, vector<80x128xi32>
    %scan3A = arith.constant 0 : i32
    %scan3A_17 = arith.constant 0 : i32
    %scan3A_18 = arith.constant 32 : i32
    %scan3A_19 = arith.addi %scan3A_17, %scan3A_18 : i32
    %scan3A_20 = arith.constant 1 : i32
    %scan3A_21 = scf.for %scan3A_60 = %scan3A_17 to %scan3A_19 step %scan3A_20 iter_args(%scan3A_61 = %scan3A) -> (i32)  : i32 {
      %sub3A_62 = arith.constant 31 : i32
      %sub3A_63 = arith.subi %sub3A_62, %scan3A_60 : i32
      %shift_left3A = arith.constant 1 : i32
      %shift_left3A_64 = arith.shli %shift_left3A, %sub3A_63 : i32
      %or3A_65 = arith.ori %scan3A_61, %shift_left3A_64 : i32
      %ge3A = vector.broadcast %or3A_65 : i32 to vector<80x128xi32>
      %ge3A_66 = arith.cmpi uge, %select_n3A_16, %ge3A : vector<80x128xi32>
      %convert_element_type3A_67 = arith.extui %ge3A_66 : vector<80x128xi1> to vector<80x128xi32>
      %reduce_sum3A_68 = vector.shape_cast %convert_element_type3A_67 : vector<80x128xi32> to vector<1x80x128xi32>
      %reduce_sum3A_69 = arith.constant dense<0> : vector<1xi32>
      %reduce_sum3A_70 = vector.multi_reduction <add>, %reduce_sum3A_68, %reduce_sum3A_69 [1, 2] : vector<1x80x128xi32> to vector<1xi32>
      %reduce_sum3A_71 = vector.shape_cast %reduce_sum3A_70 : vector<1xi32> to vector<1x1x1xi32>
      %reduce_sum3A_72 = vector.extract %reduce_sum3A_71[0, 0, 0] : i32 from vector<1x1x1xi32>
      %ge3A_73 = arith.constant 5000 : i32
      %ge3A_74 = arith.cmpi sge, %reduce_sum3A_72, %ge3A_73 : i32
      %select_n3A_75 = arith.select %ge3A_74, %or3A_65, %scan3A_61 : i32
      scf.yield %select_n3A_75 : i32
    }
    %scan3A_22 = arith.constant 32 : i32
    %gt3A = vector.broadcast %scan3A_21 : i32 to vector<80x128xi32>
    %gt3A_23 = arith.cmpi ugt, %select_n3A_16, %gt3A : vector<80x128xi32>
    %eq3A = vector.broadcast %scan3A_21 : i32 to vector<80x128xi32>
    %eq3A_24 = arith.cmpi eq, %select_n3A_16, %eq3A : vector<80x128xi32>
    %convert_element_type3A = arith.extui %eq3A_24 : vector<80x128xi1> to vector<80x128xi32>
    %convert_element_type3A_25 = arith.sitofp %convert_element_type3A : vector<80x128xi32> to vector<80x128xf32>
    %iota3A_26 = tpu.iota {dimensions = array<i32: 0>} : vector<128x128xi32>
    %iota3A_27 = tpu.iota {dimensions = array<i32: 1>} : vector<128x128xi32>
    %lt3A_28 = arith.cmpi slt, %iota3A_26, %iota3A_27 : vector<128x128xi32>
    %convert_element_type3A_29 = arith.extui %lt3A_28 : vector<128x128xi1> to vector<128x128xi32>
    %convert_element_type3A_30 = arith.sitofp %convert_element_type3A_29 : vector<128x128xi32> to vector<128x128xf32>
    %dot_general3A = arith.constant dense<0.000000e+00> : vector<80x128xf32>
    %dot_general3A_31 = tpu.matmul %convert_element_type3A_25, %convert_element_type3A_30, %dot_general3A {dimension_numbers = #tpu.dot_dimension_numbers<[1], [0], [0], [1], [0, 0, 1, 1], [], []>, precision = #tpu.contract_precision<fp32>, transpose_lhs_hint = false} : vector<80x128xf32>, vector<128x128xf32>, vector<80x128xf32> -> vector<80x128xf32>
    %iota3A_32 = tpu.iota {dimensions = array<i32: 1>} : vector<80x80xi32>
    %iota3A_33 = tpu.iota {dimensions = array<i32: 0>} : vector<80x80xi32>
    %lt3A_34 = arith.cmpi slt, %iota3A_32, %iota3A_33 : vector<80x80xi32>
    %convert_element_type3A_35 = arith.extui %lt3A_34 : vector<80x80xi1> to vector<80x80xi32>
    %convert_element_type3A_36 = arith.sitofp %convert_element_type3A_35 : vector<80x80xi32> to vector<80x80xf32>
    %reduce_sum3A = arith.constant dense<0.000000e+00> : vector<80xf32>
    %reduce_sum3A_37 = vector.multi_reduction <add>, %convert_element_type3A_25, %reduce_sum3A [1] : vector<80x128xf32> to vector<80xf32>
    %broadcast_in_dim3A_38 = vector.shape_cast %reduce_sum3A_37 : vector<80xf32> to vector<80x1xf32>
    %dot_general3A_39 = arith.constant dense<0.000000e+00> : vector<80x1xf32>
    %dot_general3A_40 = tpu.matmul %convert_element_type3A_36, %broadcast_in_dim3A_38, %dot_general3A_39 {dimension_numbers = #tpu.dot_dimension_numbers<[1], [0], [0], [1], [0, 0, 1, 1], [], []>, precision = #tpu.contract_precision<fp32>, transpose_lhs_hint = false} : vector<80x80xf32>, vector<80x1xf32>, vector<80x1xf32> -> vector<80x1xf32>
    %add3A_41 = vector.broadcast %dot_general3A_40 : vector<80x1xf32> to vector<80x128xf32>
    %add3A_42 = arith.addf %add3A_41, %dot_general3A_31 : vector<80x128xf32>
    %convert_element_type3A_43 = arith.extui %gt3A_23 : vector<80x128xi1> to vector<80x128xi32>
    %reduce_sum3A_44 = vector.shape_cast %convert_element_type3A_43 : vector<80x128xi32> to vector<1x80x128xi32>
    %reduce_sum3A_45 = arith.constant dense<0> : vector<1xi32>
    %reduce_sum3A_46 = vector.multi_reduction <add>, %reduce_sum3A_44, %reduce_sum3A_45 [1, 2] : vector<1x80x128xi32> to vector<1xi32>
    %reduce_sum3A_47 = vector.shape_cast %reduce_sum3A_46 : vector<1xi32> to vector<1x1x1xi32>
    %reduce_sum3A_48 = vector.extract %reduce_sum3A_47[0, 0, 0] : i32 from vector<1x1x1xi32>
    %sub3A = arith.constant 5000 : i32
    %sub3A_49 = arith.subi %sub3A, %reduce_sum3A_48 : i32
    %convert_element_type3A_50 = arith.sitofp %sub3A_49 : i32 to f32
    %lt3A_51 = vector.broadcast %convert_element_type3A_50 : f32 to vector<80x128xf32>
    %lt3A_52 = arith.cmpf olt, %add3A_42, %lt3A_51 : vector<80x128xf32>
    %and3A = arith.andi %eq3A_24, %lt3A_52 : vector<80x128xi1>
    %or3A = arith.ori %gt3A_23, %and3A : vector<80x128xi1>
    %jit3A_53 = arith.constant 1.000000e+00 : f32
    %jit3A_54 = arith.constant 0.000000e+00 : f32
    %broadcast_in_dim3A_55 = vector.broadcast %jit3A_53 : f32 to vector<80x128xf32>
    %broadcast_in_dim3A_56 = vector.broadcast %jit3A_54 : f32 to vector<80x128xf32>
    %select_n3A_57 = arith.select %or3A, %broadcast_in_dim3A_55, %broadcast_in_dim3A_56 : vector<80x128xi1>, vector<80x128xf32>
    %swap3A = arith.constant 0 : index
    %swap3A_58 = arith.constant 0 : index
    %swap3A_59 = vector.load %arg1[%swap3A, %swap3A_58] : memref<80x128xf32, #tpu.memory_space<vmem>>, vector<80x128xf32>
    tpu.vector_store %arg1[%swap3A, %swap3A_58], %select_n3A_57 {strides = array<i32>} : memref<80x128xf32, #tpu.memory_space<vmem>>, vector<80x128xf32>,
    return
  }
}

module attributes {stable_mosaic.version = 14 : i64} {
  func.func @_t1_body(%arg0: i32, %arg1: memref<1280x1xf32, #tpu.memory_space<vmem>>, %arg2: memref<1280x128xf32, #tpu.memory_space<vmem>>, %arg3: memref<1280x128xf32, #tpu.memory_space<vmem>>, %arg4: memref<1280x128xf32, #tpu.memory_space<vmem>>, %arg5: memref<1280x128xf32, #tpu.memory_space<vmem>>) attributes {dimension_semantics = [#tpu.dimension_semantics<arbitrary>], iteration_bounds = array<i64: 8>, scalar_prefetch = 0 : i64, scratch_operands = 0 : i64, tpu.core_type = #tpu.core_type<tc>, window_params = [{transform_indices = @transform_0, window_bounds = array<i64: 1280, 1>}, {transform_indices = @transform_1, window_bounds = array<i64: 1280, 128>}, {transform_indices = @transform_2, window_bounds = array<i64: 1280, 128>}, {transform_indices = @transform_3, window_bounds = array<i64: 1280, 128>}, {transform_indices = @transform_4, window_bounds = array<i64: 1280, 128>}]} {
    %get3A = arith.constant 0 : index
    %get3A_0 = arith.constant 0 : index
    %get3A_1 = vector.load %arg1[%get3A, %get3A_0] : memref<1280x1xf32, #tpu.memory_space<vmem>>, vector<1280x1xf32>
    %get3A_2 = arith.constant 0 : index
    %get3A_3 = arith.constant 0 : index
    %get3A_4 = vector.load %arg2[%get3A_2, %get3A_3] : memref<1280x128xf32, #tpu.memory_space<vmem>>, vector<1280x128xf32>
    %mul3A = vector.broadcast %get3A_1 : vector<1280x1xf32> to vector<1280x128xf32>
    %mul3A_5 = arith.mulf %mul3A, %get3A_4 : vector<1280x128xf32>
    %get3A_6 = arith.constant 0 : index
    %get3A_7 = arith.constant 0 : index
    %get3A_8 = vector.load %arg3[%get3A_6, %get3A_7] : memref<1280x128xf32, #tpu.memory_space<vmem>>, vector<1280x128xf32>
    %add3A = arith.addf %mul3A_5, %get3A_8 : vector<1280x128xf32>
    %get3A_9 = arith.constant 0 : index
    %get3A_10 = arith.constant 0 : index
    %get3A_11 = vector.load %arg4[%get3A_9, %get3A_10] : memref<1280x128xf32, #tpu.memory_space<vmem>>, vector<1280x128xf32>
    %add3A_12 = arith.addf %add3A, %get3A_11 : vector<1280x128xf32>
    %swap3A = arith.constant 0 : index
    %swap3A_13 = arith.constant 0 : index
    %swap3A_14 = vector.load %arg5[%swap3A, %swap3A_13] : memref<1280x128xf32, #tpu.memory_space<vmem>>, vector<1280x128xf32>
    tpu.vector_store %arg5[%swap3A, %swap3A_13], %add3A_12 {strides = array<i32>} : memref<1280x128xf32, #tpu.memory_space<vmem>>, vector<1280x128xf32>,
    return
  }
  func.func @transform_0(%arg0: i32) -> (i32, i32) {
    %c0_i32 = arith.constant 0 : i32
    %c0_i32_0 = arith.constant 0 : i32
    return %arg0, %c0_i32 : i32, i32
  }
  func.func @transform_1(%arg0: i32) -> (i32, i32) {
    %c0_i32 = arith.constant 0 : i32
    %c0_i32_0 = arith.constant 0 : i32
    return %arg0, %c0_i32 : i32, i32
  }
  func.func @transform_2(%arg0: i32) -> (i32, i32) {
    %c0_i32 = arith.constant 0 : i32
    %c0_i32_0 = arith.constant 0 : i32
    return %arg0, %c0_i32 : i32, i32
  }
  func.func @transform_3(%arg0: i32) -> (i32, i32) {
    %c0_i32 = arith.constant 0 : i32
    %c0_i32_0 = arith.constant 0 : i32
    return %arg0, %c0_i32 : i32, i32
  }
  func.func @transform_4(%arg0: i32) -> (i32, i32) {
    %c0_i32 = arith.constant 0 : i32
    %c0_i32_0 = arith.constant 0 : i32
    return %arg0, %c0_i32 : i32, i32
  }
}

module attributes {stable_mosaic.version = 14 : i64} {
  func.func @_x3_body(%arg0: i32, %arg1: memref<1280x1xf32, #tpu.memory_space<vmem>>, %arg2: memref<1280x1xf32, #tpu.memory_space<vmem>>, %arg3: memref<1280x1xf32, #tpu.memory_space<vmem>>, %arg4: memref<1280x1xf32, #tpu.memory_space<vmem>>, %arg5: memref<1x128xf32, #tpu.memory_space<vmem>>, %arg6: memref<1280x128xf32, #tpu.memory_space<vmem>>, %arg7: memref<1280x128xf32, #tpu.memory_space<vmem>>, %arg8: memref<1280x128xf32, #tpu.memory_space<vmem>>, %arg9: memref<1280x128xf32, #tpu.memory_space<vmem>>, %arg10: memref<1280x128xf32, #tpu.memory_space<vmem>>, %arg11: memref<1280x128xf32, #tpu.memory_space<vmem>>) attributes {dimension_semantics = [#tpu.dimension_semantics<arbitrary>], iteration_bounds = array<i64: 8>, scalar_prefetch = 0 : i64, scratch_operands = 0 : i64, tpu.core_type = #tpu.core_type<tc>, window_params = [{transform_indices = @transform_0, window_bounds = array<i64: 1280, 1>}, {transform_indices = @transform_1, window_bounds = array<i64: 1280, 1>}, {transform_indices = @transform_2, window_bounds = array<i64: 1280, 1>}, {transform_indices = @transform_3, window_bounds = array<i64: 1280, 1>}, {pipeline_mode = #tpu.pipeline_mode<synchronous>, transform_indices = @transform_4, window_bounds = array<i64: 1, 128>}, {transform_indices = @transform_5, window_bounds = array<i64: 1280, 128>}, {transform_indices = @transform_6, window_bounds = array<i64: 1280, 128>}, {transform_indices = @transform_7, window_bounds = array<i64: 1280, 128>}, {transform_indices = @transform_8, window_bounds = array<i64: 1280, 128>}, {transform_indices = @transform_9, window_bounds = array<i64: 1280, 128>}, {transform_indices = @transform_10, window_bounds = array<i64: 1280, 128>}]} {
    %get3A = arith.constant 0 : index
    %get3A_0 = arith.constant 0 : index
    %get3A_1 = vector.load %arg1[%get3A, %get3A_0] : memref<1280x1xf32, #tpu.memory_space<vmem>>, vector<1280x1xf32>
    %get3A_2 = arith.constant 0 : index
    %get3A_3 = arith.constant 0 : index
    %get3A_4 = vector.load %arg6[%get3A_2, %get3A_3] : memref<1280x128xf32, #tpu.memory_space<vmem>>, vector<1280x128xf32>
    %mul3A = vector.broadcast %get3A_1 : vector<1280x1xf32> to vector<1280x128xf32>
    %mul3A_5 = arith.mulf %mul3A, %get3A_4 : vector<1280x128xf32>
    %get3A_6 = arith.constant 0 : index
    %get3A_7 = arith.constant 0 : index
    %get3A_8 = vector.load %arg7[%get3A_6, %get3A_7] : memref<1280x128xf32, #tpu.memory_space<vmem>>, vector<1280x128xf32>
    %add3A = arith.addf %mul3A_5, %get3A_8 : vector<1280x128xf32>
    %get3A_9 = arith.constant 0 : index
    %get3A_10 = arith.constant 0 : index
    %get3A_11 = vector.load %arg8[%get3A_9, %get3A_10] : memref<1280x128xf32, #tpu.memory_space<vmem>>, vector<1280x128xf32>
    %add3A_12 = arith.addf %add3A, %get3A_11 : vector<1280x128xf32>
    %get3A_13 = arith.constant 0 : index
    %get3A_14 = arith.constant 0 : index
    %get3A_15 = vector.load %arg2[%get3A_13, %get3A_14] : memref<1280x1xf32, #tpu.memory_space<vmem>>, vector<1280x1xf32>
    %get3A_16 = arith.constant 0 : index
    %get3A_17 = arith.constant 0 : index
    %get3A_18 = vector.load %arg9[%get3A_16, %get3A_17] : memref<1280x128xf32, #tpu.memory_space<vmem>>, vector<1280x128xf32>
    %mul3A_19 = vector.broadcast %get3A_15 : vector<1280x1xf32> to vector<1280x128xf32>
    %mul3A_20 = arith.mulf %mul3A_19, %get3A_18 : vector<1280x128xf32>
    %sub3A = arith.subf %add3A_12, %mul3A_20 : vector<1280x128xf32>
    %get3A_21 = arith.constant 0 : index
    %get3A_22 = arith.constant 0 : index
    %get3A_23 = vector.load %arg3[%get3A_21, %get3A_22] : memref<1280x1xf32, #tpu.memory_space<vmem>>, vector<1280x1xf32>
    %mul3A_24 = vector.broadcast %get3A_23 : vector<1280x1xf32> to vector<1280x128xf32>
    %mul3A_25 = arith.mulf %mul3A_24, %sub3A : vector<1280x128xf32>
    %get3A_26 = arith.constant 0 : index
    %get3A_27 = arith.constant 0 : index
    %get3A_28 = vector.load %arg3[%get3A_26, %get3A_27] : memref<1280x1xf32, #tpu.memory_space<vmem>>, vector<1280x1xf32>
    %mul3A_29 = arith.constant 2.000000e+00 : f32
    %mul3A_30 = vector.broadcast %mul3A_29 : f32 to vector<1280x1xf32>
    %mul3A_31 = arith.mulf %mul3A_30, %get3A_28 : vector<1280x1xf32>
    %get3A_32 = arith.constant 0 : index
    %get3A_33 = arith.constant 0 : index
    %get3A_34 = vector.load %arg9[%get3A_32, %get3A_33] : memref<1280x128xf32, #tpu.memory_space<vmem>>, vector<1280x128xf32>
    %mul3A_35 = vector.broadcast %mul3A_31 : vector<1280x1xf32> to vector<1280x128xf32>
    %mul3A_36 = arith.mulf %mul3A_35, %get3A_34 : vector<1280x128xf32>
    %add3A_37 = arith.addf %mul3A_25, %mul3A_36 : vector<1280x128xf32>
    %get3A_38 = arith.constant 0 : index
    %get3A_39 = arith.constant 0 : index
    %get3A_40 = vector.load %arg5[%get3A_38, %get3A_39] : memref<1x128xf32, #tpu.memory_space<vmem>>, vector<1x128xf32>
    %add3A_41 = vector.broadcast %get3A_40 : vector<1x128xf32> to vector<1280x128xf32>
    %add3A_42 = arith.addf %add3A_37, %add3A_41 : vector<1280x128xf32>
    %max3A = arith.constant 0.000000e+00 : f32
    %max3A_43 = vector.broadcast %max3A : f32 to vector<1280x128xf32>
    %max3A_44 = arith.maximumf %add3A_42, %max3A_43 : vector<1280x128xf32>
    %get3A_45 = arith.constant 0 : index
    %get3A_46 = arith.constant 0 : index
    %get3A_47 = vector.load %arg10[%get3A_45, %get3A_46] : memref<1280x128xf32, #tpu.memory_space<vmem>>, vector<1280x128xf32>
    %get3A_48 = arith.constant 0 : index
    %get3A_49 = arith.constant 0 : index
    %get3A_50 = vector.load %arg4[%get3A_48, %get3A_49] : memref<1280x1xf32, #tpu.memory_space<vmem>>, vector<1280x1xf32>
    %mul3A_51 = vector.broadcast %get3A_50 : vector<1280x1xf32> to vector<1280x128xf32>
    %mul3A_52 = arith.mulf %mul3A_51, %max3A_44 : vector<1280x128xf32>
    %add3A_53 = arith.addf %get3A_47, %mul3A_52 : vector<1280x128xf32>
    %swap3A = arith.constant 0 : index
    %swap3A_54 = arith.constant 0 : index
    %swap3A_55 = vector.load %arg11[%swap3A, %swap3A_54] : memref<1280x128xf32, #tpu.memory_space<vmem>>, vector<1280x128xf32>
    tpu.vector_store %arg11[%swap3A, %swap3A_54], %add3A_53 {strides = array<i32>} : memref<1280x128xf32, #tpu.memory_space<vmem>>, vector<1280x128xf32>,
    return
  }
  func.func @transform_0(%arg0: i32) -> (i32, i32) {
    %c0_i32 = arith.constant 0 : i32
    %c0_i32_0 = arith.constant 0 : i32
    return %arg0, %c0_i32 : i32, i32
  }
  func.func @transform_1(%arg0: i32) -> (i32, i32) {
    %c0_i32 = arith.constant 0 : i32
    %c0_i32_0 = arith.constant 0 : i32
    return %arg0, %c0_i32 : i32, i32
  }
  func.func @transform_2(%arg0: i32) -> (i32, i32) {
    %c0_i32 = arith.constant 0 : i32
    %c0_i32_0 = arith.constant 0 : i32
    return %arg0, %c0_i32 : i32, i32
  }
  func.func @transform_3(%arg0: i32) -> (i32, i32) {
    %c0_i32 = arith.constant 0 : i32
    %c0_i32_0 = arith.constant 0 : i32
    return %arg0, %c0_i32 : i32, i32
  }
  func.func @transform_4(%arg0: i32) -> (i32, i32) {
    %c0_i32 = arith.constant 0 : i32
    %c0_i32_0 = arith.constant 0 : i32
    %c0_i32_1 = arith.constant 0 : i32
    return %c0_i32, %c0_i32_0 : i32, i32
  }
  func.func @transform_5(%arg0: i32) -> (i32, i32) {
    %c0_i32 = arith.constant 0 : i32
    %c0_i32_0 = arith.constant 0 : i32
    return %arg0, %c0_i32 : i32, i32
  }
  func.func @transform_6(%arg0: i32) -> (i32, i32) {
    %c0_i32 = arith.constant 0 : i32
    %c0_i32_0 = arith.constant 0 : i32
    return %arg0, %c0_i32 : i32, i32
  }
  func.func @transform_7(%arg0: i32) -> (i32, i32) {
    %c0_i32 = arith.constant 0 : i32
    %c0_i32_0 = arith.constant 0 : i32
    return %arg0, %c0_i32 : i32, i32
  }
  func.func @transform_8(%arg0: i32) -> (i32, i32) {
    %c0_i32 = arith.constant 0 : i32
    %c0_i32_0 = arith.constant 0 : i32
    return %arg0, %c0_i32 : i32, i32
  }
  func.func @transform_9(%arg0: i32) -> (i32, i32) {
    %c0_i32 = arith.constant 0 : i32
    %c0_i32_0 = arith.constant 0 : i32
    return %arg0, %c0_i32 : i32, i32
  }
  func.func @transform_10(%arg0: i32) -> (i32, i32) {
    %c0_i32 = arith.constant 0 : i32
    %c0_i32_0 = arith.constant 0 : i32
    return %arg0, %c0_i32 : i32, i32
  }
}

module attributes {stable_mosaic.version = 14 : i64} {
  func.func @_out_body(%arg0: i32, %arg1: memref<1280x1xf32, #tpu.memory_space<vmem>>, %arg2: memref<1280x1xf32, #tpu.memory_space<vmem>>, %arg3: memref<1280x128xf32, #tpu.memory_space<vmem>>, %arg4: memref<1280x128xf32, #tpu.memory_space<vmem>>, %arg5: memref<1280x128xf32, #tpu.memory_space<vmem>>, %arg6: memref<1x128xf32, #tpu.memory_space<vmem>>, %arg7: memref<1280x128xf32, #tpu.memory_space<vmem>>) attributes {dimension_semantics = [#tpu.dimension_semantics<arbitrary>], iteration_bounds = array<i64: 8>, scalar_prefetch = 0 : i64, scratch_operands = 0 : i64, tpu.core_type = #tpu.core_type<tc>, window_params = [{transform_indices = @transform_0, window_bounds = array<i64: 1280, 1>}, {transform_indices = @transform_1, window_bounds = array<i64: 1280, 1>}, {transform_indices = @transform_2, window_bounds = array<i64: 1280, 128>}, {transform_indices = @transform_3, window_bounds = array<i64: 1280, 128>}, {transform_indices = @transform_4, window_bounds = array<i64: 1280, 128>}, {pipeline_mode = #tpu.pipeline_mode<synchronous>, transform_indices = @transform_5, window_bounds = array<i64: 1, 128>}, {transform_indices = @transform_6, window_bounds = array<i64: 1280, 128>}]} {
    %get3A = arith.constant 0 : index
    %get3A_0 = arith.constant 0 : index
    %get3A_1 = vector.load %arg1[%get3A, %get3A_0] : memref<1280x1xf32, #tpu.memory_space<vmem>>, vector<1280x1xf32>
    %get3A_2 = arith.constant 0 : index
    %get3A_3 = arith.constant 0 : index
    %get3A_4 = vector.load %arg3[%get3A_2, %get3A_3] : memref<1280x128xf32, #tpu.memory_space<vmem>>, vector<1280x128xf32>
    %get3A_5 = arith.constant 0 : index
    %get3A_6 = arith.constant 0 : index
    %get3A_7 = vector.load %arg4[%get3A_5, %get3A_6] : memref<1280x128xf32, #tpu.memory_space<vmem>>, vector<1280x128xf32>
    %add3A = arith.addf %get3A_4, %get3A_7 : vector<1280x128xf32>
    %mul3A = vector.broadcast %get3A_1 : vector<1280x1xf32> to vector<1280x128xf32>
    %mul3A_8 = arith.mulf %mul3A, %add3A : vector<1280x128xf32>
    %get3A_9 = arith.constant 0 : index
    %get3A_10 = arith.constant 0 : index
    %get3A_11 = vector.load %arg2[%get3A_9, %get3A_10] : memref<1280x1xf32, #tpu.memory_space<vmem>>, vector<1280x1xf32>
    %get3A_12 = arith.constant 0 : index
    %get3A_13 = arith.constant 0 : index
    %get3A_14 = vector.load %arg5[%get3A_12, %get3A_13] : memref<1280x128xf32, #tpu.memory_space<vmem>>, vector<1280x128xf32>
    %mul3A_15 = vector.broadcast %get3A_11 : vector<1280x1xf32> to vector<1280x128xf32>
    %mul3A_16 = arith.mulf %mul3A_15, %get3A_14 : vector<1280x128xf32>
    %add3A_17 = arith.addf %mul3A_8, %mul3A_16 : vector<1280x128xf32>
    %get3A_18 = arith.constant 0 : index
    %get3A_19 = arith.constant 0 : index
    %get3A_20 = vector.load %arg6[%get3A_18, %get3A_19] : memref<1x128xf32, #tpu.memory_space<vmem>>, vector<1x128xf32>
    %add3A_21 = vector.broadcast %get3A_20 : vector<1x128xf32> to vector<1280x128xf32>
    %add3A_22 = arith.addf %add3A_17, %add3A_21 : vector<1280x128xf32>
    %swap3A = arith.constant 0 : index
    %swap3A_23 = arith.constant 0 : index
    %swap3A_24 = vector.load %arg7[%swap3A, %swap3A_23] : memref<1280x128xf32, #tpu.memory_space<vmem>>, vector<1280x128xf32>
    tpu.vector_store %arg7[%swap3A, %swap3A_23], %add3A_22 {strides = array<i32>} : memref<1280x128xf32, #tpu.memory_space<vmem>>, vector<1280x128xf32>,
    return
  }
  func.func @transform_0(%arg0: i32) -> (i32, i32) {
    %c0_i32 = arith.constant 0 : i32
    %c0_i32_0 = arith.constant 0 : i32
    return %arg0, %c0_i32 : i32, i32
  }
  func.func @transform_1(%arg0: i32) -> (i32, i32) {
    %c0_i32 = arith.constant 0 : i32
    %c0_i32_0 = arith.constant 0 : i32
    return %arg0, %c0_i32 : i32, i32
  }
  func.func @transform_2(%arg0: i32) -> (i32, i32) {
    %c0_i32 = arith.constant 0 : i32
    %c0_i32_0 = arith.constant 0 : i32
    return %arg0, %c0_i32 : i32, i32
  }
  func.func @transform_3(%arg0: i32) -> (i32, i32) {
    %c0_i32 = arith.constant 0 : i32
    %c0_i32_0 = arith.constant 0 : i32
    return %arg0, %c0_i32 : i32, i32
  }
  func.func @transform_4(%arg0: i32) -> (i32, i32) {
    %c0_i32 = arith.constant 0 : i32
    %c0_i32_0 = arith.constant 0 : i32
    return %arg0, %c0_i32 : i32, i32
  }
  func.func @transform_5(%arg0: i32) -> (i32, i32) {
    %c0_i32 = arith.constant 0 : i32
    %c0_i32_0 = arith.constant 0 : i32
    %c0_i32_1 = arith.constant 0 : i32
    return %c0_i32, %c0_i32_0 : i32, i32
  }
  func.func @transform_6(%arg0: i32) -> (i32, i32) {
    %c0_i32 = arith.constant 0 : i32
    %c0_i32_0 = arith.constant 0 : i32
    return %arg0, %c0_i32 : i32, i32
  }
}

</mosaic_0001>

<sc_bundles>
// kernel: kernel.19.cloned.1.call-start
scs
__scs_entry_jumppad:
0x0: {  	(pc) =	sbr.rel $0x88, $3  }
0x1: {  	(tag) =	ssettag $0x0;
	lr =	simm.s32 $0x1  }
0x2: {  	[smem:$0x3F98] =	sst lr;
	_ =	strace $0xD0000000  }
0x3: {  	_ = 	snop  }
0x4: {  	_ = 	snop  }
0x5: {  	_ = 	snop  }
0x6: {  	_ = 	snop  }
0x7: {  	_ = 	snop  }
__scs_overlays_trampoline_lowered:
0x8: {  	[smem:$0x3FA7] =	sst s0  }
0x9: {  	[smem:$0x3FA8] =	sst s1  }
0xa: {  	[smem:$0x3FA9] =	sst s2  }
0xb: {  	[smem:$0x3FAA] =	sst s3  }
0xc: {  	[smem:$0x3FAB] =	sst s4  }
0xd: {  	[smem:$0x3FAC] =	sst s5  }
0xe: {  	[smem:$0x3FAD] =	sst s6  }
0xf: {  	[smem:$0x3FAE] =	sst s7  }
0x10: {  	[smem:$0x3FAF] =	sst s8  }
0x11: {  	[smem:$0x3FB0] =	sst s9;
	s0 =	simm.s32 @!p0 $0x0  }
0x12: {  	s1 =	sld [smem:$0x3F96];
	s0 =	simm.s32 @p0 $0x1  }
0x13: {  	[smem:$0x3FB1] =	sst s0;
	s0 =	simm.s32 @!p1 $0x0  }
0x14: {  	s2 =	sld [smem:$0x3F95];
	s0 =	simm.s32 @p1 $0x1  }
0x15: {  	[smem:$0x3FB2] =	sst s0;
	s0 =	simm.s32 @!p2 $0x0  }
0x16: {  	s3 =	sld [smem:$0x3FDB];
	s0 =	simm.s32 @p2 $0x1  }
0x17: {  	s4 =	simm.s32 $0x1BF5;
	[smem:$0x3FB4] =	sst s0  }
0x18: {  	s0 =	sld [smem:$0x3F97];
	_ =	swait.ge [sflag:s4], $0x0  }
0x19: {  	s7 =	sld [smem:$0x3F98]  }
0x1a: {  	s8 =	sadd.s32 $0xFFFFE003, lr  }
0x1b: {  	s9 =	sadd.s32 $0xFFFFFEF7, lr;
	s5 =	simm.s32 $0xFFFFFFFF;
	p2 =	slt.u32 s8, $0xFFFFF086  }
0x1c: {  	p1 =	slt.u32 s9, $0xF7A;
	s5 =	simm.s32 @!p2 $0x0  }
0x1d: {  	s5 =	simm.s32 @p1 $0x1;
	p0 =	seq.s32 s7, s2  }
0x1e: {  	s7 =	smul.u32 @!p0 $0xF7A, s2;
	p2 =	seq.s32 @!p0 s5, $0x0  }
0x1f: {  	s9 =	smul.u32 $0xF7A, s1;
	s8 =	simm.s32 @!p0 $0x1BF5;
	p2 =	por !p2, p0  }
0x20: {  	[sflag:s8] =	ssyncset.s32 @!p0 $0xFFFFF086;
	s6 =	sadd.s32 @!p0 s3, s7;
	s7 =	simm.s32 @!p0 $0x108  }
0x21: {  	s3 =	sadd.s32 s3, s9;
	s6 =	sadd.s32 @!p0 $0x88, s6;
	s7 =	simm.s32 @p2 $0x1082  }
0x22: {  	[simem:s7], [sflag:s8] =	dma.local @!p0 [hbm:s6], $0xF7A  }
0x23: {  	s9 =	sor.u32 $0xD0000000, s2;
	s6 =	simm.s32 $0x108;
	_ =	swait.ge @!p0 [sflag:s8], $0x0  }
0x24: {  	s3 =	sadd.s32 $0x88, s3;
	s6 =	simm.s32 @!p1 $0x1082;
	[sflag:s4] =	ssyncset.s32 $0xFFFFF086  }
0x25: {  	[simem:s6], [sflag:s4] =	dma.local [hbm:s3], $0xF7A  }
0x26: {  	[smem:$0x3F98] =	sst s1;
	(tag) =	ssettag s2;
	_ =	strace s9  }
0x27: {  	s1 =	sld [smem:$0x3FA8]  }
0x28: {  	s2 =	sld [smem:$0x3FA9]  }
0x29: {  	s4 =	sld [smem:$0x3FAB]  }
0x2a: {  	p0 =	seq.s32 s5, $0x0;
	s5 =	sld [smem:$0x3FAC]  }
0x2b: {  	s6 =	sld [smem:$0x3FAD]  }
0x2c: {  	s7 =	sld [smem:$0x3FAE]  }
0x2d: {  	s3 =	simm.s32 $0x108;
	s8 =	sld [smem:$0x3FAF]  }
0x2e: {  	s3 =	simm.s32 @!p0 $0x1082;
	s9 =	sld [smem:$0x3FB0]  }
0x2f: {  	lr =	sadd.s32 s0, s3;
	s0 =	sld [smem:$0x3FA7]  }
0x30: {  	s3 =	sld [smem:$0x3FAA]  }
0x31: {  	[smem:$0x3FB3] =	sst s10  }
0x32: {  	s10 =	sld [smem:$0x3FB1];
	_ =	sdelay $0x3  }
0x33: {  	p0 =	seq.s32 s10, $0x1;
	s10 =	sld [smem:$0x3FB3];
	_ =	sdelay $0x3  }
0x34: {  	[smem:$0x3FB3] =	sst s10  }
0x35: {  	s10 =	sld [smem:$0x3FB2];
	_ =	sdelay $0x3  }
0x36: {  	p1 =	seq.s32 s10, $0x1;
	s10 =	sld [smem:$0x3FB3];
	_ =	sdelay $0x3  }
0x37: {  	[smem:$0x3FB3] =	sst s10  }
0x38: {  	s10 =	sld [smem:$0x3FB4]  }
0x39: {  	_ = 	snop;
	(pc) =	sbr.ind lr, $3  }
0x3a: {  	_ = 	snop  }
0x3b: {  	_ = 	snop  }
0x3c: {  	p2 =	seq.s32 s10, $0x1;
	s10 =	sld [smem:$0x3FB3]  }
0x3d: {  	_ =	shalt  }
0x3e: {  	_ =	shalt  }
0x3f: {  	_ =	shalt  }
0x40: {  	_ =	shalt  }
0x41: {  	_ =	shalt  }
0x42: {  	_ =	shalt  }
0x43: {  	_ =	shalt  }
0x44: {  	_ =	shalt  }
0x45: {  	_ =	shalt  }
0x46: {  	_ =	shalt  }
0x47: {  	_ =	shalt  }
0x48: {  	_ =	shalt  }
0x49: {  	_ =	shalt  }
0x4a: {  	_ =	shalt  }
0x4b: {  	_ =	shalt  }
0x4c: {  	_ =	shalt  }
0x4d: {  	_ =	shalt  }
0x4e: {  	_ =	shalt  }
0x4f: {  	_ =	shalt  }
0x50: {  	_ =	shalt  }
0x51: {  	_ =	shalt  }
0x52: {  	_ =	shalt  }
0x53: {  	_ =	shalt  }
0x54: {  	_ =	shalt  }
0x55: {  	_ =	shalt  }
0x56: {  	_ =	shalt  }
0x57: {  	_ =	shalt  }
0x58: {  	_ =	shalt  }
0x59: {  	_ =	shalt  }
0x5a: {  	_ =	shalt  }
0x5b: {  	_ =	shalt  }
0x5c: {  	_ =	shalt  }
0x5d: {  	_ =	shalt  }
0x5e: {  	_ =	shalt  }
0x5f: {  	_ =	shalt  }
0x60: {  	_ =	shalt  }
0x61: {  	_ =	shalt  }
0x62: {  	_ =	shalt  }
0x63: {  	_ =	shalt  }
0x64: {  	_ =	shalt  }
0x65: {  	_ =	shalt  }
0x66: {  	_ =	shalt  }
0x67: {  	_ =	shalt  }
0x68: {  	_ =	shalt  }
0x69: {  	_ =	shalt  }
0x6a: {  	_ =	shalt  }
0x6b: {  	_ =	shalt  }
0x6c: {  	_ =	shalt  }
0x6d: {  	_ =	shalt  }
0x6e: {  	_ =	shalt  }
0x6f: {  	_ =	shalt  }
0x70: {  	_ =	shalt  }
0x71: {  	_ =	shalt  }
0x72: {  	_ =	shalt  }
0x73: {  	_ =	shalt  }
0x74: {  	_ =	shalt  }
0x75: {  	_ =	shalt  }
0x76: {  	_ =	shalt  }
0x77: {  	_ =	shalt  }
0x78: {  	_ =	shalt  }
0x79: {  	_ =	shalt  }
0x7a: {  	_ =	shalt  }
0x7b: {  	_ =	shalt  }
0x7c: {  	_ =	shalt  }
0x7d: {  	_ =	shalt  }
0x7e: {  	_ =	shalt  }
0x7f: {  	_ =	shalt  }
0x80: {  	_ =	shalt  }
0x81: {  	_ =	shalt  }
0x82: {  	_ =	shalt  }
0x83: {  	_ =	shalt  }
0x84: {  	_ =	shalt  }
0x85: {  	_ =	shalt  }
0x86: {  	_ =	shalt  }
0x87: {  	_ =	shalt  }
.Lfunc_end0:
.L_simem_size_0:
called_computation_lowered:
.L_overlay_start_0:
0x88: {  	s2 =	sld [smem:$0x3FD9]  }
0x89: {  	s3 =	sld [smem:$0x3FFE];
	_ =	sdelay $0x1  }
0x8a: {  	s1 =	srdreg.scid  }
0x8b: {  	s0 =	sand.u32 $0x1, s1  }
0x8c: {  	s17 =	sshll.u32 s0, $0xA;
	s2 =	sadd.s32 s3, s2  }
0x8d: {  	s2 =	sadd.s32 s2, s17  }
0x8e: {  	[smem:$0x3FBF] =	sst s2  }
0x8f: {  	_ = 	snop  }
0x90: {  	s18 =	sld [smem:$0x3FD0];
	(tm) =	ssettm $0x1  }
0x91: {  	s19 =	sld [smem:$0x3FFB];
	_ =	sdelay $0x3  }
0x92: {  	_ =	strace s19  }
0x93: {  	s2 =	sld [smem:$0x3FFC];
	_ =	sdelay $0x3  }
0x94: {  	_ =	strace s2  }
0x95: {  	s2 =	sld [smem:$0x3FFD];
	_ =	sdelay $0x3  }
0x96: {  	_ =	strace s2  }
0x97: {  	_ =	strace $0x8FFFFFFF  }
0x98: {  	s20 =	sld [smem:$0x3FDB];
	_ =	sdelay $0x1  }
0x99: {  	s4 =	simm.s32 $_scs_section_size  }
0x9a: {  	s5 =	simm.s32 $_size__tile_overlayer_lowered;
	s6 =	simm.s32 $_tile_overlayer_lowered  }
0x9b: {  	s7 =	simm.s32 $0x1BFF;
	s21 =	sshll.u32 s6, $0x1;
	s4 =	sadd.s32 s4, s20  }
0x9c: {  	s22 =	simm.s32 $0x0;
	s5 =	sshll.u32 s5, $0x1;
	s6 =	sadd.s32 s21, s4  }
0x9d: {  	[timem:s22], [sflag:s7] =	dma.local [hbm:s6], s5  }
0x9e: {  	_ =	swait.ge [sflag:s7], s5  }
0x9f: {  	s5 =	ssub.s32 $0x0, s5;
	[sflag:s7] =	ssyncset.done $0x0  }
0xa0: {  	[sflag:s7] =	ssyncadd.s32 s5;
	_ =	sdelay $0x1  }
0xa1: {  	s23 =	simm.s32 $0x1B8B  }
0xa2: {  	_ =	swait.ge [sflag:s23], $0x1  }
0xa3: {  	[sflag:s23] =	ssyncset.done $0x0  }
0xa4: {  	[sflag:s23] =	ssyncadd.s32 $0xFFFFFFFF  }
0xa5: {  	s5 =	sld [smem:$0x0]  }
0xa6: {  	s6 =	sand.u32 $0xFFFFFFFE, s1  }
0xa7: {  	p0 =	sne.s32 s1, s6  }
0xa8: {  	s6 =	sshll.u32 @p0 s6, $0xE  }
0xa9: {  	s6 =	sadd.s32 @p0 $0x11B8D, s6;
	s7 =	sshll.u32 @p0 s5, $0x11  }
0xaa: {  	s6 =	sor.u32 @p0 s7, s6  }
0xab: {  	[sflag:s6] =	ssyncadd.remote.s32 @p0 $0x1;
	_ =	sdelay $0x1  }
0xac: {  	s6 =	simm.s32 @p0 $0x1B8D  }
0xad: {  	_ =	swait.eq @p0 [sflag:s6], $0x1  }
0xae: {  	[sflag:s6] =	ssyncadd.s32 @p0 $0xFFFFFFFF  }
0xaf: {  	s7 =	sshll.u32 @!p0 s1, $0xE  }
0xb0: {  	s7 =	sor.u32 @!p0 $0x4000, s7;
	s6 =	simm.s32 @!p0 $0x1B8D  }
0xb1: {  	s5 =	sshll.u32 @!p0 s5, $0x11;
	s7 =	sadd.s32 @!p0 $0x11B8D, s7;
	_ =	swait.eq @!p0 [sflag:s6], $0x1  }
0xb2: {  	s5 =	sor.u32 @!p0 s5, s7;
	[sflag:s6] =	ssyncadd.s32 @!p0 $0xFFFFFFFF  }
0xb3: {  	s25 =	simm.s32 $0x1B8E;
	s24 =	sld [smem:$0x3FFE];
	[sflag:s5] =	ssyncadd.remote.s32 @!p0 $0x1  }
0xb4: {  	s26 =	simm.s32 $execute0_lowered;
	[smem:$0x3FD2] =	sst s25  }
0xb5: {  	s6 =	sshll.u32 s26, $0x1;
	_ =	strace $0x80000049;
	[dreg:$0x1] =	wrdreg $0xFFFFFFFF  }
0xb6: {  	s28 =	simm.s32 $_size_execute0_lowered;
	s4 =	sadd.s32 s4, s6;
	[dreg:$0x0] =	wrdreg $0x0  }
0xb7: {  	s6 =	sshll.u32 s28, $0x1;
	[dreg:$0x2] =	wrdreg s4  }
0xb8: {  	[dreg:$0x3] =	wrdreg s6  }
0xb9: {  	[dreg:$0x4] =	wrdreg $0xC0  }
0xba: {  	_ =	task [dreg:s22], $0x5FFFF  }
0xbb: {  	[dreg:$0x1] =	wrdreg $0xFFFFFFFF  }
0xbc: {  	[dreg:$0x0] =	wrdreg $0x60  }
0xbd: {  	[dreg:$0x2] =	wrdreg s24  }
0xbe: {  	[dreg:$0x3] =	wrdreg s18  }
0xbf: {  	[dreg:$0x4] =	wrdreg $0x1C000  }
0xc0: {  	[dreg:$0x5] =	wrdreg $0x9  }
0xc1: {  	_ =	task.clear_ibuf [dreg:s22], $0x6FFFF;
	_ =	strace $0x90000049  }
0xc2: {  	s29 =	simm.s32 $0x9;
	_ =	strace $0x8000004B  }
0xc3: {  	_ =	swait.ge [sflag:s29], $0x1  }
0xc4: {  	[sflag:s29] =	ssyncadd.s32 $0xFFFFFFFF  }
0xc5: {  	_ =	strace $0x9000004B  }
0xc6: {  	_ =	sfence  }
0xc7: {  	s30 =	sld [smem:$0x0];
	_ =	sdelay $0x2  }
0xc8: {  	s31 =	sshll.u32 s1, $0xD;
	s1 =	sshrl.u32 s1, $0x2  }
0xc9: {  	s4 =	sand.u32 $0x4000, s31;
	s1 =	sadd.s32 s1, s30  }
0xca: {  	s0 =	sor.u32 s4, s0;
	s1 =	sshll.u32 s1, $0x11  }
0xcb: {  	s0 =	sor.u32 s1, s0  }
0xcc: {  	s0 =	sadd.s32 $0x8F2B, s0  }
0xcd: {  	[sflag:s0] =	ssyncadd.remote.s32 $0x1  }
0xce: {  	_ =	sfence.sel $0xFFFF  }
0xcf: {  	[dreg:$0x0] =	wrdreg $0xFFFFFFFF;
	(pc) =	sbr.abs _section_cstart, $3  }
0xd0: {  	[dreg:$0x1] =	wrdreg $0xFFFFFFFF  }
0xd1: {  	_ =	task.clear_ibuf [dreg:s22], $0x2FFFF;
	_ =	strace $0x9FFFFFFF  }
0xd2: {  	(tm) =	ssettm $0x7FFFFFFF  }
0xd3: {  	_ =	shalt  }
tec
execute0_lowered:
.L_overlay_start_1:
0x0: {  	(tag) =	ssettag $0x1  }
0x1: {  	s4 =	rddreg [dreg:$0x0]  }
0x2: {  	s7 =	rddreg [dreg:$0x1];
	s1 =	srdreg.scid  }
0x3: {  	s0 =	stileid.u32;
	s2 =	rddreg [dreg:$0x2];
	s3 =	simm.s32 $0x0  }
0x4: {  	s16 =	simm.s32 $0x1800;
	s17 =	simm.s32 $0x1;
	s18 =	simm.s32 $0x80  }
0x5: {  	s19 =	simm.s32 $0x2;
	s20 =	simm.s32 $0x1300;
	s9 =	smul.u32 $0x1400, s0  }
0x6: {  	s21 =	simm.s32 $0x1380;
	s6 =	sand.u32 $0x1, s1;
	s12 =	smul.u32 $0x280, s0  }
0x7: {  	s5 =	sshll.u32 s0, $0x1;
	s1 =	rddreg [dreg:$0x3];
	s23 =	smul.u32 $0x14000, s0  }
0x8: {  	[smem:$0x7FF] =	sst s3;
	s11 =	sadd.s32 $0x17C00, s4;
	s25 =	smul.u32 $0xA000, s6  }
0x9: {  	s31 =	sshll.u32 s0, $0x6;
	s5 =	sor.u32 s6, s5;
	s28 =	smul.u32 $0x2800, s6  }
0xa: {  	_ =	strace $0x8000004A;
	s10 =	ssub.s32 $0x2, s6;
	s8 =	smul.u32 $0x280, s5  }
0xb: {  	s13 =	sshrl.u32 s9, $0x3;
	s14 =	sshrl.u32 s10, $0x1;
	s15 =	smul.u32 $0xA000, s5  }
0xc: {  	s24 =	sadd.s32 s9, s2;
	s7 =	sadd.s32 s7, s12;
	s22 =	sadd.s32 s13, s4  }
0xd: {  	s10 =	ssub.s32 s10, s14;
	s29 =	sadd.s32 s25, s23;
	s7 =	sadd.s32 s28, s7  }
0xe: {  	s13 =	sor.u32 $0x1C03, s31;
	s14 =	sshrl.u32 s24, $0x3;
	s8 =	sadd.s32 s8, s4  }
0xf: {  	s5 =	sadd.s32 $0x10400, s22;
	s26 =	sshrl.u32 s15, $0x3;
	s30 =	sor.u32 $0x800, s29  }
0x10: {  	s12 =	sor.u32 $0x400, s29;
	s15 =	simm.s32 $0x1400;
	s22 =	simm.s32 $0x0  }
0x11: {  	s4 =	sadd.s32 $0xB400, s8;
	s6 =	sadd.s32 s11, s26;
	s8 =	smax.u32 s10, $0x1  }
0x12: {  	s10 =	sshrl.u32 s30, $0x3;
	s12 =	sshrl.u32 s12, $0x3;
	s9 =	sadd.s32 $0x1380, s6  }
0x13: {  	s10 =	sadd.s32 s10, s11;
	s11 =	sadd.s32 s12, s11;
	s12 =	simm.s32 $0x3  }
.LBB2_1:
0x14: {  	[tilespmem:s3], [sflag:$0x3] =	stream.linear.gather [hbm4b:s4+s3], $0x1400, $0x38;
	[tilespmem:$0x3000] =	vst v63  }
0x15: {  	_ =	swait.ge [sflag:s12], $0x1400  }
0x16: {  	[sflag:s12] =	ssyncset.done $0x0  }
0x17: {  	[sflag:s12] =	ssyncadd.s32 $0xFFFFEC00  }
0x18: {  	[spmem:s14], [sflag:s13] =	dma.local [hbm:s5], $0x280  }
0x19: {  	_ =	swait.ge [sflag:s12], $0x280  }
0x1a: {  	[sflag:s12] =	ssyncset.done $0x0  }
0x1b: {  	[sflag:s12] =	ssyncadd.s32 $0xFFFFFD80  }
0x1c: {  	[bflag:$0x0] =	sbarrier.arrive $0xFFFF  }
0x1d: {  	[tilespmem:s15], [sflag:$0x1] =	stream.linear.gather [hbm4b:s6+s3], $0x400, $0x38;
	[tilespmem:$0x3000] =	vst v63  }
0x1e: {  	s23 =	sadd.s32 $0x0, s11  }
0x1f: {  	[tilespmem:s16], [sflag:$0x2] =	stream.linear.gather [hbm4b:s23+s3], $0x400, $0x38;
	[tilespmem:$0x3000] =	vst v63  }
0x20: {  	_ =	swait.ge [sflag:s17], $0x400  }
0x21: {  	[sflag:s17] =	ssyncset.done $0x0  }
0x22: {  	[sflag:s17] =	ssyncadd.s32 $0xFFFFFC00  }
0x23: {  	[spmem:s2] =	stream.indirect.scatter.add.f32 [tilespmem:s15], [sflag:$0x3], $0x8, s3, s18, $0xb8;
	[tilespmem:$0x3000] =	vst v63  }
0x24: {  	_ =	swait.ge [sflag:s12], $0x400  }
0x25: {  	[sflag:s12] =	ssyncset.done $0x0  }
0x26: {  	s30 =	sadd.s32 $0x0, s10;
	[sflag:s12] =	ssyncadd.s32 $0xFFFFFC00  }
0x27: {  	[tilespmem:s15], [sflag:$0x1] =	stream.linear.gather [hbm4b:s30+s3], $0x400, $0x38;
	[tilespmem:$0x3000] =	vst v63  }
0x28: {  	_ =	swait.ge [sflag:s19], $0x400  }
0x29: {  	[sflag:s19] =	ssyncset.done $0x0  }
0x2a: {  	s31 =	simm.s32 $0x80;
	[sflag:s19] =	ssyncadd.s32 $0xFFFFFC00  }
0x2b: {  	[spmem:s2] =	stream.indirect.scatter.add.f32 [tilespmem:s16], [sflag:$0x3], $0x8, s31, s18, $0xb8;
	[tilespmem:$0x3000] =	vst v63  }
0x2c: {  	s24 =	simm.s32 $0x100;
	_ =	swait.ge [sflag:s12], $0x400  }
0x2d: {  	s25 =	simm.s32 $0x200;
	s23 =	simm.s32 $0x100;
	[sflag:s12] =	ssyncset.done $0x0  }
.LBB2_2:
0x2e: {  	s26 =	sadd.s32 s24, s11  }
0x2f: {  	[sflag:s12] =	ssyncadd.s32 $0xFFFFFC00;
	s28 =	smov.u32 s25;
	s29 =	sadd.s32 $0x100, s25  }
0x30: {  	[tilespmem:s16], [sflag:$0x2] =	stream.linear.gather [hbm4b:s26+s3], $0x400, $0x38;
	[tilespmem:$0x3000] =	vst v63  }
0x31: {  	p0 =	sne.s32 s25, $0x1200;
	_ =	swait.ge [sflag:s17], $0x400  }
0x32: {  	[sflag:s17] =	ssyncset.done $0x0  }
0x33: {  	[sflag:s17] =	ssyncadd.s32 $0xFFFFFC00  }
0x34: {  	[spmem:s2] =	stream.indirect.scatter.add.f32 [tilespmem:s15], [sflag:$0x3], $0x8, s23, s18, $0xb8;
	[tilespmem:$0x3000] =	vst v63  }
0x35: {  	_ =	swait.ge [sflag:s12], $0x400  }
0x36: {  	[sflag:s12] =	ssyncset.done $0x0  }
0x37: {  	s25 =	sadd.s32 s24, s10;
	s24 =	smov.u32 s28;
	[sflag:s12] =	ssyncadd.s32 $0xFFFFFC00  }
0x38: {  	[tilespmem:s15], [sflag:$0x1] =	stream.linear.gather [hbm4b:s25+s3], $0x400, $0x38;
	[tilespmem:$0x3000] =	vst v63  }
0x39: {  	_ =	swait.ge [sflag:s19], $0x400  }
.Ltmp0:
0x3a: {  	[sflag:s19] =	ssyncset.done $0x0;
	(pc) =	sbr.rel @p0 .LBB2_2-.Ltmp0, $4  }
0x3b: {  	s25 =	sadd.s32 $0x80, s23;
	[sflag:s19] =	ssyncadd.s32 $0xFFFFFC00  }
0x3c: {  	[spmem:s2] =	stream.indirect.scatter.add.f32 [tilespmem:s16], [sflag:$0x3], $0x8, s25, s18, $0xb8;
	[tilespmem:$0x3000] =	vst v63  }
0x3d: {  	_ =	swait.ge [sflag:s12], $0x400  }
0x3e: {  	s23 =	sadd.s32 $0x100, s23;
	s25 =	smov.u32 s29;
	[sflag:s12] =	ssyncset.done $0x0  }
0x3f: {  	s25 =	sadd.s32 s24, s11;
	[sflag:s12] =	ssyncadd.s32 $0xFFFFFC00  }
0x40: {  	[tilespmem:s16], [sflag:$0x2] =	stream.linear.gather [hbm4b:s25+s3], $0x400, $0x38;
	[tilespmem:$0x3000] =	vst v63  }
0x41: {  	_ =	swait.ge [sflag:s17], $0x400  }
0x42: {  	[sflag:s17] =	ssyncset.done $0x0  }
0x43: {  	[sflag:s17] =	ssyncadd.s32 $0xFFFFFC00  }
0x44: {  	[spmem:s2] =	stream.indirect.scatter.add.f32 [tilespmem:s15], [sflag:$0x3], $0x8, s23, s18, $0xb8;
	[tilespmem:$0x3000] =	vst v63  }
0x45: {  	_ =	swait.ge [sflag:s12], $0x400  }
0x46: {  	[sflag:s12] =	ssyncset.done $0x0  }
0x47: {  	s30 =	sadd.s32 s24, s10;
	[sflag:s12] =	ssyncadd.s32 $0xFFFFFC00  }
0x48: {  	[tilespmem:s15], [sflag:$0x1] =	stream.linear.gather [hbm4b:s30+s3], $0x400, $0x38;
	[tilespmem:$0x3000] =	vst v63  }
0x49: {  	_ =	swait.ge [sflag:s19], $0x400  }
0x4a: {  	[sflag:s19] =	ssyncset.done $0x0  }
0x4b: {  	s31 =	sadd.s32 $0x80, s23;
	[sflag:s19] =	ssyncadd.s32 $0xFFFFFC00  }
0x4c: {  	[spmem:s2] =	stream.indirect.scatter.add.f32 [tilespmem:s16], [sflag:$0x3], $0x8, s31, s18, $0xb8;
	[tilespmem:$0x3000] =	vst v63  }
0x4d: {  	_ =	swait.ge [sflag:s12], $0x400  }
0x4e: {  	[sflag:s12] =	ssyncset.done $0x0  }
0x4f: {  	[sflag:s12] =	ssyncadd.s32 $0xFFFFFC00  }
0x50: {  	[tilespmem:s16], [sflag:$0x2] =	stream.linear.gather [hbm4b:s9+s3], $0x400, $0x38;
	[tilespmem:$0x3000] =	vst v63  }
0x51: {  	_ =	swait.ge [sflag:s17], $0x400  }
0x52: {  	[sflag:s17] =	ssyncset.done $0x0  }
0x53: {  	[sflag:s17] =	ssyncadd.s32 $0xFFFFFC00  }
0x54: {  	[spmem:s2] =	stream.indirect.scatter.add.f32 [tilespmem:s15], [sflag:$0x3], $0x8, s20, s18, $0xb8;
	[tilespmem:$0x3000] =	vst v63  }
0x55: {  	_ =	swait.ge [sflag:s12], $0x400  }
0x56: {  	[sflag:s12] =	ssyncset.done $0x0  }
0x57: {  	[sflag:s12] =	ssyncadd.s32 $0xFFFFFC00  }
0x58: {  	_ =	swait.ge [sflag:s19], $0x400  }
0x59: {  	[sflag:s19] =	ssyncset.done $0x0  }
0x5a: {  	[sflag:s19] =	ssyncadd.s32 $0xFFFFFC00  }
0x5b: {  	[spmem:s2] =	stream.indirect.scatter.add.f32 [tilespmem:s16], [sflag:$0x3], $0x8, s21, s18, $0xb8;
	[tilespmem:$0x3000] =	vst v63  }
0x5c: {  	_ =	swait.ge [sflag:s12], $0x400  }
0x5d: {  	s22 =	sadd.s32 $0x1, s22;
	[sflag:s12] =	ssyncset.done $0x0  }
0x5e: {  	p0 =	sne.s32 s22, s8;
	[sflag:s12] =	ssyncadd.s32 $0xFFFFFC00  }
.Ltmp1:
0x5f: {  	[bflag:$0x0] =	sbarrier.arrive $0xFFFF;
	(pc) =	sbr.rel @p0 .LBB2_1-.Ltmp1, $4  }
0x60: {  	[hbm:s7], [sflag:s13] =	dma.local [spmem:s14], $0x280  }
0x61: {  	_ =	swait.ge [sflag:s12], $0x280  }
0x62: {  	[sflag:s12] =	ssyncset.done $0x0  }
0x63: {  	[sflag:s12] =	ssyncadd.s32 $0xFFFFFD80  }
0x64: {  	_ =	sfence.sel $0x180000  }
0x65: {  	[bflag:$0x0] =	sbarrier.arrive $0xFFFF  }
0x66: {  	p0 =	sne.s32 s0, $0x0;
	_ =	strace $0x9000004A  }
0x67: {  	s0 =	sadd.s32 @!p0 $0x100000, s1;
	[bflag:$0x2] =	sbarrier.arrive $0xFFFF  }
0x68: {  	[sflag:s0] =	ssyncadd.tile.s32 @!p0 $0x1;
	_ =	shalt  }
.Lfunc_end2:
_tile_overlayer_lowered:
.L_overlay_start_2:
0x69: {  	(tag) =	ssettag $0x2  }
0x6a: {  	s0 =	rddreg [dreg:$0x0];
	s2 =	stileid.u32  }
0x6b: {  	s1 =	rddreg [dreg:$0x1];
	p0 =	sne.s32 s2, $0x0  }
0x6c: {  	s3 =	rddreg [dreg:$0x2];
	[bflag:$0x3] =	sbarrier.arrive $0xFFFF;
	s2 =	simm.s32 @!p0 $0x1C03  }
0x6d: {  	[timem:s3], [sflag:s2] =	dma.local @!p0 [hbm:s0], s1  }
0x6e: {  	s0 =	simm.s32 @!p0 $0x3  }
0x6f: {  	_ =	swait.ge @!p0 [sflag:s0], s1  }
0x70: {  	s1 =	ssub.s32 @!p0 $0x0, s1;
	[sflag:s0] =	ssyncset.done @!p0 $0x0  }
0x71: {  	[sflag:s0] =	ssyncadd.s32 @!p0 s1  }
0x72: {  	[bflag:$0x3] =	sbarrier.arrive $0xFFFF  }
0x73: {  	_ =	shalt  }

// kernel: kernel.22.cloned.1.call-start
scs
__scs_entry_jumppad:
0x0: {  	(pc) =	sbr.rel $0x88, $3  }
0x1: {  	(tag) =	ssettag $0x0;
	lr =	simm.s32 $0x1  }
0x2: {  	[smem:$0x3F98] =	sst lr;
	_ =	strace $0xD0000000  }
0x3: {  	_ = 	snop  }
0x4: {  	_ = 	snop  }
0x5: {  	_ = 	snop  }
0x6: {  	_ = 	snop  }
0x7: {  	_ = 	snop  }
__scs_overlays_trampoline_lowered:
0x8: {  	[smem:$0x3FA7] =	sst s0  }
0x9: {  	[smem:$0x3FA8] =	sst s1  }
0xa: {  	[smem:$0x3FA9] =	sst s2  }
0xb: {  	[smem:$0x3FAA] =	sst s3  }
0xc: {  	[smem:$0x3FAB] =	sst s4  }
0xd: {  	[smem:$0x3FAC] =	sst s5  }
0xe: {  	[smem:$0x3FAD] =	sst s6  }
0xf: {  	[smem:$0x3FAE] =	sst s7  }
0x10: {  	[smem:$0x3FAF] =	sst s8  }
0x11: {  	[smem:$0x3FB0] =	sst s9;
	s0 =	simm.s32 @!p0 $0x0  }
0x12: {  	s1 =	sld [smem:$0x3F96];
	s0 =	simm.s32 @p0 $0x1  }
0x13: {  	[smem:$0x3FB1] =	sst s0;
	s0 =	simm.s32 @!p1 $0x0  }
0x14: {  	s2 =	sld [smem:$0x3F95];
	s0 =	simm.s32 @p1 $0x1  }
0x15: {  	[smem:$0x3FB2] =	sst s0;
	s0 =	simm.s32 @!p2 $0x0  }
0x16: {  	s3 =	sld [smem:$0x3FDB];
	s0 =	simm.s32 @p2 $0x1  }
0x17: {  	s4 =	simm.s32 $0x1BF5;
	[smem:$0x3FB4] =	sst s0  }
0x18: {  	s0 =	sld [smem:$0x3F97];
	_ =	swait.ge [sflag:s4], $0x0  }
0x19: {  	s7 =	sld [smem:$0x3F98]  }
0x1a: {  	s8 =	sadd.s32 $0xFFFFE003, lr  }
0x1b: {  	s9 =	sadd.s32 $0xFFFFFEF7, lr;
	s5 =	simm.s32 $0xFFFFFFFF;
	p2 =	slt.u32 s8, $0xFFFFF086  }
0x1c: {  	p1 =	slt.u32 s9, $0xF7A;
	s5 =	simm.s32 @!p2 $0x0  }
0x1d: {  	s5 =	simm.s32 @p1 $0x1;
	p0 =	seq.s32 s7, s2  }
0x1e: {  	s7 =	smul.u32 @!p0 $0xF7A, s2;
	p2 =	seq.s32 @!p0 s5, $0x0  }
0x1f: {  	s9 =	smul.u32 $0xF7A, s1;
	s8 =	simm.s32 @!p0 $0x1BF5;
	p2 =	por !p2, p0  }
0x20: {  	[sflag:s8] =	ssyncset.s32 @!p0 $0xFFFFF086;
	s6 =	sadd.s32 @!p0 s3, s7;
	s7 =	simm.s32 @!p0 $0x108  }
0x21: {  	s3 =	sadd.s32 s3, s9;
	s6 =	sadd.s32 @!p0 $0x88, s6;
	s7 =	simm.s32 @p2 $0x1082  }
0x22: {  	[simem:s7], [sflag:s8] =	dma.local @!p0 [hbm:s6], $0xF7A  }
0x23: {  	s9 =	sor.u32 $0xD0000000, s2;
	s6 =	simm.s32 $0x108;
	_ =	swait.ge @!p0 [sflag:s8], $0x0  }
0x24: {  	s3 =	sadd.s32 $0x88, s3;
	s6 =	simm.s32 @!p1 $0x1082;
	[sflag:s4] =	ssyncset.s32 $0xFFFFF086  }
0x25: {  	[simem:s6], [sflag:s4] =	dma.local [hbm:s3], $0xF7A  }
0x26: {  	[smem:$0x3F98] =	sst s1;
	(tag) =	ssettag s2;
	_ =	strace s9  }
0x27: {  	s1 =	sld [smem:$0x3FA8]  }
0x28: {  	s2 =	sld [smem:$0x3FA9]  }
0x29: {  	s4 =	sld [smem:$0x3FAB]  }
0x2a: {  	p0 =	seq.s32 s5, $0x0;
	s5 =	sld [smem:$0x3FAC]  }
0x2b: {  	s6 =	sld [smem:$0x3FAD]  }
0x2c: {  	s7 =	sld [smem:$0x3FAE]  }
0x2d: {  	s3 =	simm.s32 $0x108;
	s8 =	sld [smem:$0x3FAF]  }
0x2e: {  	s3 =	simm.s32 @!p0 $0x1082;
	s9 =	sld [smem:$0x3FB0]  }
0x2f: {  	lr =	sadd.s32 s0, s3;
	s0 =	sld [smem:$0x3FA7]  }
0x30: {  	s3 =	sld [smem:$0x3FAA]  }
0x31: {  	[smem:$0x3FB3] =	sst s10  }
0x32: {  	s10 =	sld [smem:$0x3FB1];
	_ =	sdelay $0x3  }
0x33: {  	p0 =	seq.s32 s10, $0x1;
	s10 =	sld [smem:$0x3FB3];
	_ =	sdelay $0x3  }
0x34: {  	[smem:$0x3FB3] =	sst s10  }
0x35: {  	s10 =	sld [smem:$0x3FB2];
	_ =	sdelay $0x3  }
0x36: {  	p1 =	seq.s32 s10, $0x1;
	s10 =	sld [smem:$0x3FB3];
	_ =	sdelay $0x3  }
0x37: {  	[smem:$0x3FB3] =	sst s10  }
0x38: {  	s10 =	sld [smem:$0x3FB4]  }
0x39: {  	_ = 	snop;
	(pc) =	sbr.ind lr, $3  }
0x3a: {  	_ = 	snop  }
0x3b: {  	_ = 	snop  }
0x3c: {  	p2 =	seq.s32 s10, $0x1;
	s10 =	sld [smem:$0x3FB3]  }
0x3d: {  	_ =	shalt  }
0x3e: {  	_ =	shalt  }
0x3f: {  	_ =	shalt  }
0x40: {  	_ =	shalt  }
0x41: {  	_ =	shalt  }
0x42: {  	_ =	shalt  }
0x43: {  	_ =	shalt  }
0x44: {  	_ =	shalt  }
0x45: {  	_ =	shalt  }
0x46: {  	_ =	shalt  }
0x47: {  	_ =	shalt  }
0x48: {  	_ =	shalt  }
0x49: {  	_ =	shalt  }
0x4a: {  	_ =	shalt  }
0x4b: {  	_ =	shalt  }
0x4c: {  	_ =	shalt  }
0x4d: {  	_ =	shalt  }
0x4e: {  	_ =	shalt  }
0x4f: {  	_ =	shalt  }
0x50: {  	_ =	shalt  }
0x51: {  	_ =	shalt  }
0x52: {  	_ =	shalt  }
0x53: {  	_ =	shalt  }
0x54: {  	_ =	shalt  }
0x55: {  	_ =	shalt  }
0x56: {  	_ =	shalt  }
0x57: {  	_ =	shalt  }
0x58: {  	_ =	shalt  }
0x59: {  	_ =	shalt  }
0x5a: {  	_ =	shalt  }
0x5b: {  	_ =	shalt  }
0x5c: {  	_ =	shalt  }
0x5d: {  	_ =	shalt  }
0x5e: {  	_ =	shalt  }
0x5f: {  	_ =	shalt  }
0x60: {  	_ =	shalt  }
0x61: {  	_ =	shalt  }
0x62: {  	_ =	shalt  }
0x63: {  	_ =	shalt  }
0x64: {  	_ =	shalt  }
0x65: {  	_ =	shalt  }
0x66: {  	_ =	shalt  }
0x67: {  	_ =	shalt  }
0x68: {  	_ =	shalt  }
0x69: {  	_ =	shalt  }
0x6a: {  	_ =	shalt  }
0x6b: {  	_ =	shalt  }
0x6c: {  	_ =	shalt  }
0x6d: {  	_ =	shalt  }
0x6e: {  	_ =	shalt  }
0x6f: {  	_ =	shalt  }
0x70: {  	_ =	shalt  }
0x71: {  	_ =	shalt  }
0x72: {  	_ =	shalt  }
0x73: {  	_ =	shalt  }
0x74: {  	_ =	shalt  }
0x75: {  	_ =	shalt  }
0x76: {  	_ =	shalt  }
0x77: {  	_ =	shalt  }
0x78: {  	_ =	shalt  }
0x79: {  	_ =	shalt  }
0x7a: {  	_ =	shalt  }
0x7b: {  	_ =	shalt  }
0x7c: {  	_ =	shalt  }
0x7d: {  	_ =	shalt  }
0x7e: {  	_ =	shalt  }
0x7f: {  	_ =	shalt  }
0x80: {  	_ =	shalt  }
0x81: {  	_ =	shalt  }
0x82: {  	_ =	shalt  }
0x83: {  	_ =	shalt  }
0x84: {  	_ =	shalt  }
0x85: {  	_ =	shalt  }
0x86: {  	_ =	shalt  }
0x87: {  	_ =	shalt  }
.Lfunc_end0:
.L_simem_size_0:
called_computation.1_lowered:
.L_overlay_start_0:
0x88: {  	s2 =	sld [smem:$0x3FD9]  }
0x89: {  	s3 =	sld [smem:$0x3FFE];
	_ =	sdelay $0x1  }
0x8a: {  	s1 =	srdreg.scid  }
0x8b: {  	s0 =	sand.u32 $0x1, s1  }
0x8c: {  	s16 =	sshll.u32 s0, $0xA;
	s2 =	sadd.s32 s3, s2  }
0x8d: {  	s2 =	sadd.s32 s2, s16  }
0x8e: {  	[smem:$0x3FBF] =	sst s2  }
0x8f: {  	_ = 	snop  }
0x90: {  	(tm) =	ssettm $0x1  }
0x91: {  	s17 =	sld [smem:$0x3FFB];
	_ =	sdelay $0x3  }
0x92: {  	_ =	strace s17  }
0x93: {  	s2 =	sld [smem:$0x3FFC];
	_ =	sdelay $0x3  }
0x94: {  	_ =	strace s2  }
0x95: {  	s2 =	sld [smem:$0x3FFD];
	_ =	sdelay $0x3  }
0x96: {  	_ =	strace s2  }
0x97: {  	_ =	strace $0x8FFFFFFF  }
0x98: {  	s18 =	sld [smem:$0x3FDB];
	_ =	sdelay $0x1  }
0x99: {  	s19 =	simm.s32 $_scs_section_size  }
0x9a: {  	s4 =	simm.s32 $_size__tile_overlayer_lowered;
	s5 =	simm.s32 $_tile_overlayer_lowered  }
0x9b: {  	s22 =	simm.s32 $0x1BFF;
	s21 =	sshll.u32 s5, $0x1;
	s2 =	sadd.s32 s19, s18  }
0x9c: {  	s6 =	simm.s32 $0x0;
	s20 =	sshll.u32 s4, $0x1;
	s4 =	sadd.s32 s21, s2  }
0x9d: {  	[timem:s6], [sflag:s22] =	dma.local [hbm:s4], s20  }
0x9e: {  	_ =	swait.ge [sflag:s22], s20  }
0x9f: {  	s3 =	ssub.s32 $0x0, s20;
	[sflag:s22] =	ssyncset.done $0x0  }
0xa0: {  	[sflag:s22] =	ssyncadd.s32 s3;
	_ =	sdelay $0x1  }
0xa1: {  	s23 =	simm.s32 $0x1B8B  }
0xa2: {  	_ =	swait.ge [sflag:s23], $0x1  }
0xa3: {  	[sflag:s23] =	ssyncset.done $0x0  }
0xa4: {  	s25 =	simm.s32 $0x1B8E;
	s24 =	sld [smem:$0x3FFE];
	[sflag:s23] =	ssyncadd.s32 $0xFFFFFFFF  }
0xa5: {  	s26 =	simm.s32 $execute0_lowered;
	[smem:$0x3FD2] =	sst s25  }
0xa6: {  	s4 =	sshll.u32 s26, $0x1;
	_ =	strace $0x80000046;
	[dreg:$0x1] =	wrdreg $0xFFFFFFFF  }
0xa7: {  	s28 =	simm.s32 $_size_execute0_lowered;
	s2 =	sadd.s32 s2, s4;
	[dreg:$0x0] =	wrdreg $0x0  }
0xa8: {  	s4 =	sshll.u32 s28, $0x1;
	[dreg:$0x2] =	wrdreg s2  }
0xa9: {  	[dreg:$0x3] =	wrdreg s4  }
0xaa: {  	[dreg:$0x4] =	wrdreg $0xC0  }
0xab: {  	_ =	task [dreg:s6], $0x5FFFF  }
0xac: {  	[dreg:$0x1] =	wrdreg $0xFFFFFFFF  }
0xad: {  	[dreg:$0x0] =	wrdreg $0x60  }
0xae: {  	[dreg:$0x2] =	wrdreg s24  }
0xaf: {  	[dreg:$0x3] =	wrdreg $0x1C000  }
0xb0: {  	[dreg:$0x4] =	wrdreg $0xA  }
0xb1: {  	_ =	task.clear_ibuf [dreg:s6], $0x5FFFF;
	_ =	strace $0x90000046  }
0xb2: {  	s29 =	simm.s32 $0xA;
	_ =	strace $0x80000048  }
0xb3: {  	_ =	swait.ge [sflag:s29], $0x1  }
0xb4: {  	[sflag:s29] =	ssyncadd.s32 $0xFFFFFFFF  }
0xb5: {  	_ =	strace $0x90000048  }
0xb6: {  	_ =	sfence  }
0xb7: {  	s30 =	sld [smem:$0x0];
	_ =	sdelay $0x2  }
0xb8: {  	s31 =	sshll.u32 s1, $0xD;
	s1 =	sshrl.u32 s1, $0x2  }
0xb9: {  	s3 =	sand.u32 $0x4000, s31;
	s1 =	sadd.s32 s1, s30  }
0xba: {  	s0 =	sor.u32 s3, s0;
	s1 =	sshll.u32 s1, $0x11  }
0xbb: {  	s0 =	sor.u32 s1, s0  }
0xbc: {  	s0 =	sadd.s32 $0x8F2B, s0  }
0xbd: {  	[sflag:s0] =	ssyncadd.remote.s32 $0x1  }
0xbe: {  	_ =	sfence.sel $0xFFFF  }
0xbf: {  	[dreg:$0x0] =	wrdreg $0xFFFFFFFF;
	(pc) =	sbr.abs _section_cstart, $3  }
0xc0: {  	[dreg:$0x1] =	wrdreg $0xFFFFFFFF  }
0xc1: {  	_ =	task.clear_ibuf [dreg:s6], $0x2FFFF;
	_ =	strace $0x9FFFFFFF  }
0xc2: {  	(tm) =	ssettm $0x7FFFFFFF  }
0xc3: {  	_ =	shalt  }
tec
execute0_lowered:
.L_overlay_start_1:
0x0: {  	(tag) =	ssettag $0x1  }
0x1: {  	s4 =	rddreg [dreg:$0x0]  }
0x2: {  	s1 =	srdreg.scid;
	s0 =	stileid.u32  }
0x3: {  	s2 =	rddreg [dreg:$0x1];
	s3 =	simm.s32 $0x0;
	s16 =	simm.s32 $0x1800  }
0x4: {  	s17 =	simm.s32 $0x1;
	s18 =	simm.s32 $0x80;
	s19 =	simm.s32 $0x2  }
0x5: {  	s20 =	simm.s32 $0x1300;
	s21 =	simm.s32 $0x1380;
	s8 =	smul.u32 $0x1400, s0  }
0x6: {  	s22 =	simm.s32 $0x0;
	s5 =	sand.u32 $0x1, s1;
	s9 =	smul.u32 $0x280, s0  }
0x7: {  	s6 =	sshll.u32 s0, $0x1;
	s1 =	rddreg [dreg:$0x2];
	s14 =	smul.u32 $0x14000, s0  }
0x8: {  	[smem:$0x7FF] =	sst s3;
	s11 =	sadd.s32 $0x28B400, s4;
	s13 =	smul.u32 $0x2800, s5  }
0x9: {  	s31 =	sshll.u32 s0, $0x6;
	s6 =	sor.u32 s5, s6;
	s24 =	smul.u32 $0xA000, s5  }
0xa: {  	_ =	strace $0x80000047;
	s12 =	ssub.s32 $0x2, s5;
	s7 =	smul.u32 $0x280, s6  }
0xb: {  	s10 =	sshrl.u32 s8, $0x3;
	s6 =	smul.u32 $0xA000, s6;
	s9 =	sadd.s32 s9, s4  }
0xc: {  	s23 =	sshrl.u32 s12, $0x1;
	s15 =	sadd.s32 s8, s2;
	s10 =	sadd.s32 s10, s4  }
0xd: {  	s12 =	ssub.s32 s12, s23;
	s25 =	sadd.s32 s13, s9;
	s26 =	sadd.s32 s24, s14  }
0xe: {  	s13 =	sor.u32 $0x1C03, s31;
	s14 =	sshrl.u32 s15, $0x3;
	s15 =	simm.s32 $0x1400  }
0xf: {  	s7 =	sadd.s32 s7, s4;
	s5 =	sadd.s32 $0x10400, s10;
	s6 =	sshrl.u32 s6, $0x3  }
0x10: {  	s8 =	smax.u32 s12, $0x1;
	s28 =	sor.u32 $0x800, s26;
	s29 =	sor.u32 $0x400, s26  }
0x11: {  	s4 =	sadd.s32 $0xB400, s7;
	s6 =	sadd.s32 s11, s6;
	s7 =	sadd.s32 $0x12C00, s25  }
0x12: {  	s12 =	sshrl.u32 s28, $0x3;
	s30 =	sshrl.u32 s29, $0x3;
	s9 =	sadd.s32 $0x1380, s6  }
0x13: {  	s10 =	sadd.s32 s12, s11;
	s11 =	sadd.s32 s30, s11;
	s12 =	simm.s32 $0x3  }
.LBB2_1:
0x14: {  	[tilespmem:s3], [sflag:$0x3] =	stream.linear.gather [hbm4b:s4+s3], $0x1400, $0x38;
	[tilespmem:$0x3000] =	vst v63  }
0x15: {  	_ =	swait.ge [sflag:s12], $0x1400  }
0x16: {  	[sflag:s12] =	ssyncset.done $0x0  }
0x17: {  	[sflag:s12] =	ssyncadd.s32 $0xFFFFEC00  }
0x18: {  	[spmem:s14], [sflag:s13] =	dma.local [hbm:s5], $0x280  }
0x19: {  	_ =	swait.ge [sflag:s12], $0x280  }
0x1a: {  	[sflag:s12] =	ssyncset.done $0x0  }
0x1b: {  	[sflag:s12] =	ssyncadd.s32 $0xFFFFFD80  }
0x1c: {  	[bflag:$0x0] =	sbarrier.arrive $0xFFFF  }
0x1d: {  	[tilespmem:s15], [sflag:$0x1] =	stream.linear.gather [hbm4b:s6+s3], $0x400, $0x38;
	[tilespmem:$0x3000] =	vst v63  }
0x1e: {  	s23 =	sadd.s32 $0x0, s11  }
0x1f: {  	[tilespmem:s16], [sflag:$0x2] =	stream.linear.gather [hbm4b:s23+s3], $0x400, $0x38;
	[tilespmem:$0x3000] =	vst v63  }
0x20: {  	_ =	swait.ge [sflag:s17], $0x400  }
0x21: {  	[sflag:s17] =	ssyncset.done $0x0  }
0x22: {  	[sflag:s17] =	ssyncadd.s32 $0xFFFFFC00  }
0x23: {  	[spmem:s2] =	stream.indirect.scatter.add.f32 [tilespmem:s15], [sflag:$0x3], $0x8, s3, s18, $0xb8;
	[tilespmem:$0x3000] =	vst v63  }
0x24: {  	_ =	swait.ge [sflag:s12], $0x400  }
0x25: {  	[sflag:s12] =	ssyncset.done $0x0  }
0x26: {  	s30 =	sadd.s32 $0x0, s10;
	[sflag:s12] =	ssyncadd.s32 $0xFFFFFC00  }
0x27: {  	[tilespmem:s15], [sflag:$0x1] =	stream.linear.gather [hbm4b:s30+s3], $0x400, $0x38;
	[tilespmem:$0x3000] =	vst v63  }
0x28: {  	_ =	swait.ge [sflag:s19], $0x400  }
0x29: {  	[sflag:s19] =	ssyncset.done $0x0  }
0x2a: {  	s31 =	simm.s32 $0x80;
	[sflag:s19] =	ssyncadd.s32 $0xFFFFFC00  }
0x2b: {  	[spmem:s2] =	stream.indirect.scatter.add.f32 [tilespmem:s16], [sflag:$0x3], $0x8, s31, s18, $0xb8;
	[tilespmem:$0x3000] =	vst v63  }
0x2c: {  	s24 =	simm.s32 $0x100;
	_ =	swait.ge [sflag:s12], $0x400  }
0x2d: {  	s25 =	simm.s32 $0x200;
	s23 =	simm.s32 $0x100;
	[sflag:s12] =	ssyncset.done $0x0  }
.LBB2_2:
0x2e: {  	s26 =	sadd.s32 s24, s11  }
0x2f: {  	[sflag:s12] =	ssyncadd.s32 $0xFFFFFC00;
	s28 =	smov.u32 s25;
	s29 =	sadd.s32 $0x100, s25  }
0x30: {  	[tilespmem:s16], [sflag:$0x2] =	stream.linear.gather [hbm4b:s26+s3], $0x400, $0x38;
	[tilespmem:$0x3000] =	vst v63  }
0x31: {  	p0 =	sne.s32 s25, $0x1200;
	_ =	swait.ge [sflag:s17], $0x400  }
0x32: {  	[sflag:s17] =	ssyncset.done $0x0  }
0x33: {  	[sflag:s17] =	ssyncadd.s32 $0xFFFFFC00  }
0x34: {  	[spmem:s2] =	stream.indirect.scatter.add.f32 [tilespmem:s15], [sflag:$0x3], $0x8, s23, s18, $0xb8;
	[tilespmem:$0x3000] =	vst v63  }
0x35: {  	_ =	swait.ge [sflag:s12], $0x400  }
0x36: {  	[sflag:s12] =	ssyncset.done $0x0  }
0x37: {  	s25 =	sadd.s32 s24, s10;
	s24 =	smov.u32 s28;
	[sflag:s12] =	ssyncadd.s32 $0xFFFFFC00  }
0x38: {  	[tilespmem:s15], [sflag:$0x1] =	stream.linear.gather [hbm4b:s25+s3], $0x400, $0x38;
	[tilespmem:$0x3000] =	vst v63  }
0x39: {  	_ =	swait.ge [sflag:s19], $0x400  }
.Ltmp0:
0x3a: {  	[sflag:s19] =	ssyncset.done $0x0;
	(pc) =	sbr.rel @p0 .LBB2_2-.Ltmp0, $4  }
0x3b: {  	s25 =	sadd.s32 $0x80, s23;
	[sflag:s19] =	ssyncadd.s32 $0xFFFFFC00  }
0x3c: {  	[spmem:s2] =	stream.indirect.scatter.add.f32 [tilespmem:s16], [sflag:$0x3], $0x8, s25, s18, $0xb8;
	[tilespmem:$0x3000] =	vst v63  }
0x3d: {  	_ =	swait.ge [sflag:s12], $0x400  }
0x3e: {  	s23 =	sadd.s32 $0x100, s23;
	s25 =	smov.u32 s29;
	[sflag:s12] =	ssyncset.done $0x0  }
0x3f: {  	s25 =	sadd.s32 s24, s11;
	[sflag:s12] =	ssyncadd.s32 $0xFFFFFC00  }
0x40: {  	[tilespmem:s16], [sflag:$0x2] =	stream.linear.gather [hbm4b:s25+s3], $0x400, $0x38;
	[tilespmem:$0x3000] =	vst v63  }
0x41: {  	_ =	swait.ge [sflag:s17], $0x400  }
0x42: {  	[sflag:s17] =	ssyncset.done $0x0  }
0x43: {  	[sflag:s17] =	ssyncadd.s32 $0xFFFFFC00  }
0x44: {  	[spmem:s2] =	stream.indirect.scatter.add.f32 [tilespmem:s15], [sflag:$0x3], $0x8, s23, s18, $0xb8;
	[tilespmem:$0x3000] =	vst v63  }
0x45: {  	_ =	swait.ge [sflag:s12], $0x400  }
0x46: {  	[sflag:s12] =	ssyncset.done $0x0  }
0x47: {  	s30 =	sadd.s32 s24, s10;
	[sflag:s12] =	ssyncadd.s32 $0xFFFFFC00  }
0x48: {  	[tilespmem:s15], [sflag:$0x1] =	stream.linear.gather [hbm4b:s30+s3], $0x400, $0x38;
	[tilespmem:$0x3000] =	vst v63  }
0x49: {  	_ =	swait.ge [sflag:s19], $0x400  }
0x4a: {  	[sflag:s19] =	ssyncset.done $0x0  }
0x4b: {  	s31 =	sadd.s32 $0x80, s23;
	[sflag:s19] =	ssyncadd.s32 $0xFFFFFC00  }
0x4c: {  	[spmem:s2] =	stream.indirect.scatter.add.f32 [tilespmem:s16], [sflag:$0x3], $0x8, s31, s18, $0xb8;
	[tilespmem:$0x3000] =	vst v63  }
0x4d: {  	_ =	swait.ge [sflag:s12], $0x400  }
0x4e: {  	[sflag:s12] =	ssyncset.done $0x0  }
0x4f: {  	[sflag:s12] =	ssyncadd.s32 $0xFFFFFC00  }
0x50: {  	[tilespmem:s16], [sflag:$0x2] =	stream.linear.gather [hbm4b:s9+s3], $0x400, $0x38;
	[tilespmem:$0x3000] =	vst v63  }
0x51: {  	_ =	swait.ge [sflag:s17], $0x400  }
0x52: {  	[sflag:s17] =	ssyncset.done $0x0  }
0x53: {  	[sflag:s17] =	ssyncadd.s32 $0xFFFFFC00  }
0x54: {  	[spmem:s2] =	stream.indirect.scatter.add.f32 [tilespmem:s15], [sflag:$0x3], $0x8, s20, s18, $0xb8;
	[tilespmem:$0x3000] =	vst v63  }
0x55: {  	_ =	swait.ge [sflag:s12], $0x400  }
0x56: {  	[sflag:s12] =	ssyncset.done $0x0  }
0x57: {  	[sflag:s12] =	ssyncadd.s32 $0xFFFFFC00  }
0x58: {  	_ =	swait.ge [sflag:s19], $0x400  }
0x59: {  	[sflag:s19] =	ssyncset.done $0x0  }
0x5a: {  	[sflag:s19] =	ssyncadd.s32 $0xFFFFFC00  }
0x5b: {  	[spmem:s2] =	stream.indirect.scatter.add.f32 [tilespmem:s16], [sflag:$0x3], $0x8, s21, s18, $0xb8;
	[tilespmem:$0x3000] =	vst v63  }
0x5c: {  	_ =	swait.ge [sflag:s12], $0x400  }
0x5d: {  	s22 =	sadd.s32 $0x1, s22;
	[sflag:s12] =	ssyncset.done $0x0  }
0x5e: {  	p0 =	sne.s32 s22, s8;
	[sflag:s12] =	ssyncadd.s32 $0xFFFFFC00  }
.Ltmp1:
0x5f: {  	[bflag:$0x0] =	sbarrier.arrive $0xFFFF;
	(pc) =	sbr.rel @p0 .LBB2_1-.Ltmp1, $4  }
0x60: {  	[hbm:s7], [sflag:s13] =	dma.local [spmem:s14], $0x280  }
0x61: {  	_ =	swait.ge [sflag:s12], $0x280  }
0x62: {  	[sflag:s12] =	ssyncset.done $0x0  }
0x63: {  	[sflag:s12] =	ssyncadd.s32 $0xFFFFFD80  }
0x64: {  	_ =	sfence.sel $0x180000  }
0x65: {  	[bflag:$0x0] =	sbarrier.arrive $0xFFFF  }
0x66: {  	p0 =	sne.s32 s0, $0x0;
	_ =	strace $0x90000047  }
0x67: {  	s0 =	sadd.s32 @!p0 $0x100000, s1;
	[bflag:$0x2] =	sbarrier.arrive $0xFFFF  }
0x68: {  	[sflag:s0] =	ssyncadd.tile.s32 @!p0 $0x1;
	_ =	shalt  }
.Lfunc_end2:
_tile_overlayer_lowered:
.L_overlay_start_2:
0x69: {  	(tag) =	ssettag $0x2  }
0x6a: {  	s0 =	rddreg [dreg:$0x0];
	s2 =	stileid.u32  }
0x6b: {  	s1 =	rddreg [dreg:$0x1];
	p0 =	sne.s32 s2, $0x0  }
0x6c: {  	s3 =	rddreg [dreg:$0x2];
	[bflag:$0x3] =	sbarrier.arrive $0xFFFF;
	s2 =	simm.s32 @!p0 $0x1C03  }
0x6d: {  	[timem:s3], [sflag:s2] =	dma.local @!p0 [hbm:s0], s1  }
0x6e: {  	s0 =	simm.s32 @!p0 $0x3  }
0x6f: {  	_ =	swait.ge @!p0 [sflag:s0], s1  }
0x70: {  	s1 =	ssub.s32 @!p0 $0x0, s1;
	[sflag:s0] =	ssyncset.done @!p0 $0x0  }
0x71: {  	[sflag:s0] =	ssyncadd.s32 @!p0 s1  }
0x72: {  	[bflag:$0x3] =	sbarrier.arrive $0xFFFF  }
0x73: {  	_ =	shalt  }

// kernel: kernel.25.cloned.1.call-start
scs
__scs_entry_jumppad:
0x0: {  	(pc) =	sbr.rel $0x88, $3  }
0x1: {  	(tag) =	ssettag $0x0;
	lr =	simm.s32 $0x1  }
0x2: {  	[smem:$0x3F98] =	sst lr;
	_ =	strace $0xD0000000  }
0x3: {  	_ = 	snop  }
0x4: {  	_ = 	snop  }
0x5: {  	_ = 	snop  }
0x6: {  	_ = 	snop  }
0x7: {  	_ = 	snop  }
__scs_overlays_trampoline_lowered:
0x8: {  	[smem:$0x3FA7] =	sst s0  }
0x9: {  	[smem:$0x3FA8] =	sst s1  }
0xa: {  	[smem:$0x3FA9] =	sst s2  }
0xb: {  	[smem:$0x3FAA] =	sst s3  }
0xc: {  	[smem:$0x3FAB] =	sst s4  }
0xd: {  	[smem:$0x3FAC] =	sst s5  }
0xe: {  	[smem:$0x3FAD] =	sst s6  }
0xf: {  	[smem:$0x3FAE] =	sst s7  }
0x10: {  	[smem:$0x3FAF] =	sst s8  }
0x11: {  	[smem:$0x3FB0] =	sst s9;
	s0 =	simm.s32 @!p0 $0x0  }
0x12: {  	s1 =	sld [smem:$0x3F96];
	s0 =	simm.s32 @p0 $0x1  }
0x13: {  	[smem:$0x3FB1] =	sst s0;
	s0 =	simm.s32 @!p1 $0x0  }
0x14: {  	s2 =	sld [smem:$0x3F95];
	s0 =	simm.s32 @p1 $0x1  }
0x15: {  	[smem:$0x3FB2] =	sst s0;
	s0 =	simm.s32 @!p2 $0x0  }
0x16: {  	s3 =	sld [smem:$0x3FDB];
	s0 =	simm.s32 @p2 $0x1  }
0x17: {  	s4 =	simm.s32 $0x1BF5;
	[smem:$0x3FB4] =	sst s0  }
0x18: {  	s0 =	sld [smem:$0x3F97];
	_ =	swait.ge [sflag:s4], $0x0  }
0x19: {  	s7 =	sld [smem:$0x3F98]  }
0x1a: {  	s8 =	sadd.s32 $0xFFFFE003, lr  }
0x1b: {  	s9 =	sadd.s32 $0xFFFFFEF7, lr;
	s5 =	simm.s32 $0xFFFFFFFF;
	p2 =	slt.u32 s8, $0xFFFFF086  }
0x1c: {  	p1 =	slt.u32 s9, $0xF7A;
	s5 =	simm.s32 @!p2 $0x0  }
0x1d: {  	s5 =	simm.s32 @p1 $0x1;
	p0 =	seq.s32 s7, s2  }
0x1e: {  	s7 =	smul.u32 @!p0 $0xF7A, s2;
	p2 =	seq.s32 @!p0 s5, $0x0  }
0x1f: {  	s9 =	smul.u32 $0xF7A, s1;
	s8 =	simm.s32 @!p0 $0x1BF5;
	p2 =	por !p2, p0  }
0x20: {  	[sflag:s8] =	ssyncset.s32 @!p0 $0xFFFFF086;
	s6 =	sadd.s32 @!p0 s3, s7;
	s7 =	simm.s32 @!p0 $0x108  }
0x21: {  	s3 =	sadd.s32 s3, s9;
	s6 =	sadd.s32 @!p0 $0x88, s6;
	s7 =	simm.s32 @p2 $0x1082  }
0x22: {  	[simem:s7], [sflag:s8] =	dma.local @!p0 [hbm:s6], $0xF7A  }
0x23: {  	s9 =	sor.u32 $0xD0000000, s2;
	s6 =	simm.s32 $0x108;
	_ =	swait.ge @!p0 [sflag:s8], $0x0  }
0x24: {  	s3 =	sadd.s32 $0x88, s3;
	s6 =	simm.s32 @!p1 $0x1082;
	[sflag:s4] =	ssyncset.s32 $0xFFFFF086  }
0x25: {  	[simem:s6], [sflag:s4] =	dma.local [hbm:s3], $0xF7A  }
0x26: {  	[smem:$0x3F98] =	sst s1;
	(tag) =	ssettag s2;
	_ =	strace s9  }
0x27: {  	s1 =	sld [smem:$0x3FA8]  }
0x28: {  	s2 =	sld [smem:$0x3FA9]  }
0x29: {  	s4 =	sld [smem:$0x3FAB]  }
0x2a: {  	p0 =	seq.s32 s5, $0x0;
	s5 =	sld [smem:$0x3FAC]  }
0x2b: {  	s6 =	sld [smem:$0x3FAD]  }
0x2c: {  	s7 =	sld [smem:$0x3FAE]  }
0x2d: {  	s3 =	simm.s32 $0x108;
	s8 =	sld [smem:$0x3FAF]  }
0x2e: {  	s3 =	simm.s32 @!p0 $0x1082;
	s9 =	sld [smem:$0x3FB0]  }
0x2f: {  	lr =	sadd.s32 s0, s3;
	s0 =	sld [smem:$0x3FA7]  }
0x30: {  	s3 =	sld [smem:$0x3FAA]  }
0x31: {  	[smem:$0x3FB3] =	sst s10  }
0x32: {  	s10 =	sld [smem:$0x3FB1];
	_ =	sdelay $0x3  }
0x33: {  	p0 =	seq.s32 s10, $0x1;
	s10 =	sld [smem:$0x3FB3];
	_ =	sdelay $0x3  }
0x34: {  	[smem:$0x3FB3] =	sst s10  }
0x35: {  	s10 =	sld [smem:$0x3FB2];
	_ =	sdelay $0x3  }
0x36: {  	p1 =	seq.s32 s10, $0x1;
	s10 =	sld [smem:$0x3FB3];
	_ =	sdelay $0x3  }
0x37: {  	[smem:$0x3FB3] =	sst s10  }
0x38: {  	s10 =	sld [smem:$0x3FB4]  }
0x39: {  	_ = 	snop;
	(pc) =	sbr.ind lr, $3  }
0x3a: {  	_ = 	snop  }
0x3b: {  	_ = 	snop  }
0x3c: {  	p2 =	seq.s32 s10, $0x1;
	s10 =	sld [smem:$0x3FB3]  }
0x3d: {  	_ =	shalt  }
0x3e: {  	_ =	shalt  }
0x3f: {  	_ =	shalt  }
0x40: {  	_ =	shalt  }
0x41: {  	_ =	shalt  }
0x42: {  	_ =	shalt  }
0x43: {  	_ =	shalt  }
0x44: {  	_ =	shalt  }
0x45: {  	_ =	shalt  }
0x46: {  	_ =	shalt  }
0x47: {  	_ =	shalt  }
0x48: {  	_ =	shalt  }
0x49: {  	_ =	shalt  }
0x4a: {  	_ =	shalt  }
0x4b: {  	_ =	shalt  }
0x4c: {  	_ =	shalt  }
0x4d: {  	_ =	shalt  }
0x4e: {  	_ =	shalt  }
0x4f: {  	_ =	shalt  }
0x50: {  	_ =	shalt  }
0x51: {  	_ =	shalt  }
0x52: {  	_ =	shalt  }
0x53: {  	_ =	shalt  }
0x54: {  	_ =	shalt  }
0x55: {  	_ =	shalt  }
0x56: {  	_ =	shalt  }
0x57: {  	_ =	shalt  }
0x58: {  	_ =	shalt  }
0x59: {  	_ =	shalt  }
0x5a: {  	_ =	shalt  }
0x5b: {  	_ =	shalt  }
0x5c: {  	_ =	shalt  }
0x5d: {  	_ =	shalt  }
0x5e: {  	_ =	shalt  }
0x5f: {  	_ =	shalt  }
0x60: {  	_ =	shalt  }
0x61: {  	_ =	shalt  }
0x62: {  	_ =	shalt  }
0x63: {  	_ =	shalt  }
0x64: {  	_ =	shalt  }
0x65: {  	_ =	shalt  }
0x66: {  	_ =	shalt  }
0x67: {  	_ =	shalt  }
0x68: {  	_ =	shalt  }
0x69: {  	_ =	shalt  }
0x6a: {  	_ =	shalt  }
0x6b: {  	_ =	shalt  }
0x6c: {  	_ =	shalt  }
0x6d: {  	_ =	shalt  }
0x6e: {  	_ =	shalt  }
0x6f: {  	_ =	shalt  }
0x70: {  	_ =	shalt  }
0x71: {  	_ =	shalt  }
0x72: {  	_ =	shalt  }
0x73: {  	_ =	shalt  }
0x74: {  	_ =	shalt  }
0x75: {  	_ =	shalt  }
0x76: {  	_ =	shalt  }
0x77: {  	_ =	shalt  }
0x78: {  	_ =	shalt  }
0x79: {  	_ =	shalt  }
0x7a: {  	_ =	shalt  }
0x7b: {  	_ =	shalt  }
0x7c: {  	_ =	shalt  }
0x7d: {  	_ =	shalt  }
0x7e: {  	_ =	shalt  }
0x7f: {  	_ =	shalt  }
0x80: {  	_ =	shalt  }
0x81: {  	_ =	shalt  }
0x82: {  	_ =	shalt  }
0x83: {  	_ =	shalt  }
0x84: {  	_ =	shalt  }
0x85: {  	_ =	shalt  }
0x86: {  	_ =	shalt  }
0x87: {  	_ =	shalt  }
.Lfunc_end0:
.L_simem_size_0:
called_computation.2_lowered:
.L_overlay_start_0:
0x88: {  	s2 =	sld [smem:$0x3FD9]  }
0x89: {  	s3 =	sld [smem:$0x3FFE];
	_ =	sdelay $0x1  }
0x8a: {  	s1 =	srdreg.scid  }
0x8b: {  	s0 =	sand.u32 $0x1, s1  }
0x8c: {  	s17 =	sshll.u32 s0, $0xA;
	s2 =	sadd.s32 s3, s2  }
0x8d: {  	s2 =	sadd.s32 s2, s17  }
0x8e: {  	[smem:$0x3FBF] =	sst s2  }
0x8f: {  	_ = 	snop  }
0x90: {  	s18 =	sld [smem:$0x3FD0];
	(tm) =	ssettm $0x1  }
0x91: {  	s19 =	sld [smem:$0x3FFB];
	_ =	sdelay $0x3  }
0x92: {  	_ =	strace s19  }
0x93: {  	s2 =	sld [smem:$0x3FFC];
	_ =	sdelay $0x3  }
0x94: {  	_ =	strace s2  }
0x95: {  	s2 =	sld [smem:$0x3FFD];
	_ =	sdelay $0x3  }
0x96: {  	_ =	strace s2  }
0x97: {  	_ =	strace $0x8FFFFFFF  }
0x98: {  	s20 =	sld [smem:$0x3FDB];
	_ =	sdelay $0x1  }
0x99: {  	s4 =	simm.s32 $_scs_section_size  }
0x9a: {  	s5 =	simm.s32 $_size__tile_overlayer_lowered;
	s6 =	simm.s32 $_tile_overlayer_lowered  }
0x9b: {  	s7 =	simm.s32 $0x1BFF;
	s21 =	sshll.u32 s6, $0x1;
	s4 =	sadd.s32 s4, s20  }
0x9c: {  	s22 =	simm.s32 $0x0;
	s5 =	sshll.u32 s5, $0x1;
	s6 =	sadd.s32 s21, s4  }
0x9d: {  	[timem:s22], [sflag:s7] =	dma.local [hbm:s6], s5  }
0x9e: {  	_ =	swait.ge [sflag:s7], s5  }
0x9f: {  	s5 =	ssub.s32 $0x0, s5;
	[sflag:s7] =	ssyncset.done $0x0  }
0xa0: {  	[sflag:s7] =	ssyncadd.s32 s5;
	_ =	sdelay $0x1  }
0xa1: {  	s23 =	simm.s32 $0x1B8B  }
0xa2: {  	_ =	swait.ge [sflag:s23], $0x1  }
0xa3: {  	[sflag:s23] =	ssyncset.done $0x0  }
0xa4: {  	[sflag:s23] =	ssyncadd.s32 $0xFFFFFFFF  }
0xa5: {  	s5 =	sld [smem:$0x0]  }
0xa6: {  	s6 =	sand.u32 $0xFFFFFFFE, s1  }
0xa7: {  	p0 =	sne.s32 s1, s6  }
0xa8: {  	s6 =	sshll.u32 @p0 s6, $0xE  }
0xa9: {  	s6 =	sadd.s32 @p0 $0x11B8D, s6;
	s7 =	sshll.u32 @p0 s5, $0x11  }
0xaa: {  	s6 =	sor.u32 @p0 s7, s6  }
0xab: {  	[sflag:s6] =	ssyncadd.remote.s32 @p0 $0x1;
	_ =	sdelay $0x1  }
0xac: {  	s6 =	simm.s32 @p0 $0x1B8D  }
0xad: {  	_ =	swait.eq @p0 [sflag:s6], $0x1  }
0xae: {  	[sflag:s6] =	ssyncadd.s32 @p0 $0xFFFFFFFF  }
0xaf: {  	s7 =	sshll.u32 @!p0 s1, $0xE  }
0xb0: {  	s7 =	sor.u32 @!p0 $0x4000, s7;
	s6 =	simm.s32 @!p0 $0x1B8D  }
0xb1: {  	s5 =	sshll.u32 @!p0 s5, $0x11;
	s7 =	sadd.s32 @!p0 $0x11B8D, s7;
	_ =	swait.eq @!p0 [sflag:s6], $0x1  }
0xb2: {  	s5 =	sor.u32 @!p0 s5, s7;
	[sflag:s6] =	ssyncadd.s32 @!p0 $0xFFFFFFFF  }
0xb3: {  	s25 =	simm.s32 $0x1B8E;
	s24 =	sld [smem:$0x3FFE];
	[sflag:s5] =	ssyncadd.remote.s32 @!p0 $0x1  }
0xb4: {  	s26 =	simm.s32 $execute0_lowered;
	[smem:$0x3FD2] =	sst s25  }
0xb5: {  	s6 =	sshll.u32 s26, $0x1;
	_ =	strace $0x80000052;
	[dreg:$0x1] =	wrdreg $0xFFFFFFFF  }
0xb6: {  	s28 =	simm.s32 $_size_execute0_lowered;
	s4 =	sadd.s32 s4, s6;
	[dreg:$0x0] =	wrdreg $0x0  }
0xb7: {  	s6 =	sshll.u32 s28, $0x1;
	[dreg:$0x2] =	wrdreg s4  }
0xb8: {  	[dreg:$0x3] =	wrdreg s6  }
0xb9: {  	[dreg:$0x4] =	wrdreg $0xC0  }
0xba: {  	_ =	task [dreg:s22], $0x5FFFF  }
0xbb: {  	[dreg:$0x1] =	wrdreg $0xFFFFFFFF  }
0xbc: {  	[dreg:$0x0] =	wrdreg $0x60  }
0xbd: {  	[dreg:$0x2] =	wrdreg s24  }
0xbe: {  	[dreg:$0x3] =	wrdreg s18  }
0xbf: {  	[dreg:$0x4] =	wrdreg $0x30000  }
0xc0: {  	[dreg:$0x5] =	wrdreg $0x9  }
0xc1: {  	_ =	task.clear_ibuf [dreg:s22], $0x6FFFF;
	_ =	strace $0x90000052  }
0xc2: {  	s29 =	simm.s32 $0x9;
	_ =	strace $0x80000054  }
0xc3: {  	_ =	swait.ge [sflag:s29], $0x1  }
0xc4: {  	[sflag:s29] =	ssyncadd.s32 $0xFFFFFFFF  }
0xc5: {  	_ =	strace $0x90000054  }
0xc6: {  	_ =	sfence  }
0xc7: {  	s30 =	sld [smem:$0x0];
	_ =	sdelay $0x2  }
0xc8: {  	s31 =	sshll.u32 s1, $0xD;
	s1 =	sshrl.u32 s1, $0x2  }
0xc9: {  	s4 =	sand.u32 $0x4000, s31;
	s1 =	sadd.s32 s1, s30  }
0xca: {  	s0 =	sor.u32 s4, s0;
	s1 =	sshll.u32 s1, $0x11  }
0xcb: {  	s0 =	sor.u32 s1, s0  }
0xcc: {  	s0 =	sadd.s32 $0x8F2B, s0  }
0xcd: {  	[sflag:s0] =	ssyncadd.remote.s32 $0x1  }
0xce: {  	_ =	sfence.sel $0xFFFF  }
0xcf: {  	[dreg:$0x0] =	wrdreg $0xFFFFFFFF;
	(pc) =	sbr.abs _section_cstart, $3  }
0xd0: {  	[dreg:$0x1] =	wrdreg $0xFFFFFFFF  }
0xd1: {  	_ =	task.clear_ibuf [dreg:s22], $0x2FFFF;
	_ =	strace $0x9FFFFFFF  }
0xd2: {  	(tm) =	ssettm $0x7FFFFFFF  }
0xd3: {  	_ =	shalt  }
tec
execute0_lowered:
.L_overlay_start_1:
0x0: {  	(tag) =	ssettag $0x1  }
0x1: {  	s4 =	rddreg [dreg:$0x0]  }
0x2: {  	s5 =	rddreg [dreg:$0x1]  }
0x3: {  	s2 =	rddreg [dreg:$0x2]  }
0x4: {  	s0 =	rddreg [dreg:$0x3];
	s3 =	simm.s32 $0x0;
	s1 =	stileid.u32  }
0x5: {  	s6 =	srdreg.scid;
	s17 =	simm.s32 $0x1;
	s18 =	simm.s32 $0x80  }
0x6: {  	s19 =	simm.s32 $0x2;
	s20 =	simm.s32 $0x2700;
	s7 =	smul.u32 $0x1400, s1  }
0x7: {  	s21 =	simm.s32 $0x2780;
	s22 =	simm.s32 $0x0;
	s9 =	smul.u32 $0x280, s1  }
0x8: {  	s6 =	sand.u32 $0x1, s6;
	s8 =	sshll.u32 s1, $0x1;
	s15 =	smul.u32 $0x28000, s1  }
0x9: {  	[smem:$0x7FF] =	sst s3;
	s11 =	sadd.s32 $0x10CC00, s4;
	s14 =	smul.u32 $0x2800, s6  }
0xa: {  	s31 =	sshll.u32 s1, $0x6;
	s8 =	sor.u32 s6, s8;
	s24 =	smul.u32 $0x14000, s6  }
0xb: {  	_ =	strace $0x80000053;
	s13 =	ssub.s32 $0x2, s6;
	s10 =	smul.u32 $0x500, s8  }
0xc: {  	s12 =	sshrl.u32 s7, $0x3;
	s8 =	smul.u32 $0x14000, s8;
	s9 =	sadd.s32 s9, s4  }
0xd: {  	s23 =	sshrl.u32 s13, $0x1;
	s16 =	sadd.s32 s7, s2;
	s12 =	sadd.s32 s12, s4  }
0xe: {  	s13 =	ssub.s32 s13, s23;
	s26 =	sadd.s32 s14, s9;
	s14 =	sshrl.u32 s16, $0x3  }
0xf: {  	s16 =	simm.s32 $0x2C00;
	s4 =	sadd.s32 s5, s10;
	s5 =	sadd.s32 $0x10400, s12  }
0x10: {  	s25 =	sshrl.u32 s8, $0x3;
	s10 =	sadd.s32 s24, s15;
	s7 =	sadd.s32 $0x4800, s26  }
0x11: {  	s8 =	smax.u32 s13, $0x1;
	s13 =	sor.u32 $0x1C03, s31;
	s15 =	simm.s32 $0x2800  }
0x12: {  	s6 =	sadd.s32 s11, s25;
	s28 =	sor.u32 $0x800, s10;
	s29 =	sor.u32 $0x400, s10  }
0x13: {  	s9 =	sadd.s32 $0x2780, s6;
	s12 =	sshrl.u32 s28, $0x3;
	s30 =	sshrl.u32 s29, $0x3  }
0x14: {  	s10 =	sadd.s32 s12, s11;
	s11 =	sadd.s32 s30, s11;
	s12 =	simm.s32 $0x3  }
.LBB2_1:
0x15: {  	[tilespmem:s3], [sflag:$0x3] =	stream.linear.gather [hbm4b:s4+s3], $0x2800, $0x38;
	[tilespmem:$0x4400] =	vst v63  }
0x16: {  	_ =	swait.ge [sflag:s12], $0x2800  }
0x17: {  	[sflag:s12] =	ssyncset.done $0x0  }
0x18: {  	[sflag:s12] =	ssyncadd.s32 $0xFFFFD800  }
0x19: {  	[spmem:s14], [sflag:s13] =	dma.local [hbm:s5], $0x280  }
0x1a: {  	_ =	swait.ge [sflag:s12], $0x280  }
0x1b: {  	[sflag:s12] =	ssyncset.done $0x0  }
0x1c: {  	[sflag:s12] =	ssyncadd.s32 $0xFFFFFD80  }
0x1d: {  	[bflag:$0x0] =	sbarrier.arrive $0xFFFF  }
0x1e: {  	[tilespmem:s15], [sflag:$0x1] =	stream.linear.gather [hbm4b:s6+s3], $0x400, $0x38;
	[tilespmem:$0x4400] =	vst v63  }
0x1f: {  	s23 =	sadd.s32 $0x0, s11  }
0x20: {  	[tilespmem:s16], [sflag:$0x2] =	stream.linear.gather [hbm4b:s23+s3], $0x400, $0x38;
	[tilespmem:$0x4400] =	vst v63  }
0x21: {  	_ =	swait.ge [sflag:s17], $0x400  }
0x22: {  	[sflag:s17] =	ssyncset.done $0x0  }
0x23: {  	[sflag:s17] =	ssyncadd.s32 $0xFFFFFC00  }
0x24: {  	[spmem:s2] =	stream.indirect.scatter.add.f32 [tilespmem:s15], [sflag:$0x3], $0x8, s3, s18, $0xb8;
	[tilespmem:$0x4400] =	vst v63  }
0x25: {  	_ =	swait.ge [sflag:s12], $0x400  }
0x26: {  	[sflag:s12] =	ssyncset.done $0x0  }
0x27: {  	s30 =	sadd.s32 $0x0, s10;
	[sflag:s12] =	ssyncadd.s32 $0xFFFFFC00  }
0x28: {  	[tilespmem:s15], [sflag:$0x1] =	stream.linear.gather [hbm4b:s30+s3], $0x400, $0x38;
	[tilespmem:$0x4400] =	vst v63  }
0x29: {  	_ =	swait.ge [sflag:s19], $0x400  }
0x2a: {  	[sflag:s19] =	ssyncset.done $0x0  }
0x2b: {  	s31 =	simm.s32 $0x80;
	[sflag:s19] =	ssyncadd.s32 $0xFFFFFC00  }
0x2c: {  	[spmem:s2] =	stream.indirect.scatter.add.f32 [tilespmem:s16], [sflag:$0x3], $0x8, s31, s18, $0xb8;
	[tilespmem:$0x4400] =	vst v63  }
0x2d: {  	s24 =	simm.s32 $0x100;
	_ =	swait.ge [sflag:s12], $0x400  }
0x2e: {  	s25 =	simm.s32 $0x200;
	s23 =	simm.s32 $0x100;
	[sflag:s12] =	ssyncset.done $0x0  }
.LBB2_2:
0x2f: {  	s26 =	sadd.s32 s24, s11  }
0x30: {  	[sflag:s12] =	ssyncadd.s32 $0xFFFFFC00;
	s28 =	smov.u32 s25;
	s29 =	sadd.s32 $0x100, s25  }
0x31: {  	[tilespmem:s16], [sflag:$0x2] =	stream.linear.gather [hbm4b:s26+s3], $0x400, $0x38;
	[tilespmem:$0x4400] =	vst v63  }
0x32: {  	p0 =	sne.s32 s25, $0x2600;
	_ =	swait.ge [sflag:s17], $0x400  }
0x33: {  	[sflag:s17] =	ssyncset.done $0x0  }
0x34: {  	[sflag:s17] =	ssyncadd.s32 $0xFFFFFC00  }
0x35: {  	[spmem:s2] =	stream.indirect.scatter.add.f32 [tilespmem:s15], [sflag:$0x3], $0x8, s23, s18, $0xb8;
	[tilespmem:$0x4400] =	vst v63  }
0x36: {  	_ =	swait.ge [sflag:s12], $0x400  }
0x37: {  	[sflag:s12] =	ssyncset.done $0x0  }
0x38: {  	s25 =	sadd.s32 s24, s10;
	s24 =	smov.u32 s28;
	[sflag:s12] =	ssyncadd.s32 $0xFFFFFC00  }
0x39: {  	[tilespmem:s15], [sflag:$0x1] =	stream.linear.gather [hbm4b:s25+s3], $0x400, $0x38;
	[tilespmem:$0x4400] =	vst v63  }
0x3a: {  	_ =	swait.ge [sflag:s19], $0x400  }
.Ltmp0:
0x3b: {  	[sflag:s19] =	ssyncset.done $0x0;
	(pc) =	sbr.rel @p0 .LBB2_2-.Ltmp0, $4  }
0x3c: {  	s25 =	sadd.s32 $0x80, s23;
	[sflag:s19] =	ssyncadd.s32 $0xFFFFFC00  }
0x3d: {  	[spmem:s2] =	stream.indirect.scatter.add.f32 [tilespmem:s16], [sflag:$0x3], $0x8, s25, s18, $0xb8;
	[tilespmem:$0x4400] =	vst v63  }
0x3e: {  	_ =	swait.ge [sflag:s12], $0x400  }
0x3f: {  	s23 =	sadd.s32 $0x100, s23;
	s25 =	smov.u32 s29;
	[sflag:s12] =	ssyncset.done $0x0  }
0x40: {  	s25 =	sadd.s32 s24, s11;
	[sflag:s12] =	ssyncadd.s32 $0xFFFFFC00  }
0x41: {  	[tilespmem:s16], [sflag:$0x2] =	stream.linear.gather [hbm4b:s25+s3], $0x400, $0x38;
	[tilespmem:$0x4400] =	vst v63  }
0x42: {  	_ =	swait.ge [sflag:s17], $0x400  }
0x43: {  	[sflag:s17] =	ssyncset.done $0x0  }
0x44: {  	[sflag:s17] =	ssyncadd.s32 $0xFFFFFC00  }
0x45: {  	[spmem:s2] =	stream.indirect.scatter.add.f32 [tilespmem:s15], [sflag:$0x3], $0x8, s23, s18, $0xb8;
	[tilespmem:$0x4400] =	vst v63  }
0x46: {  	_ =	swait.ge [sflag:s12], $0x400  }
0x47: {  	[sflag:s12] =	ssyncset.done $0x0  }
0x48: {  	s30 =	sadd.s32 s24, s10;
	[sflag:s12] =	ssyncadd.s32 $0xFFFFFC00  }
0x49: {  	[tilespmem:s15], [sflag:$0x1] =	stream.linear.gather [hbm4b:s30+s3], $0x400, $0x38;
	[tilespmem:$0x4400] =	vst v63  }
0x4a: {  	_ =	swait.ge [sflag:s19], $0x400  }
0x4b: {  	[sflag:s19] =	ssyncset.done $0x0  }
0x4c: {  	s31 =	sadd.s32 $0x80, s23;
	[sflag:s19] =	ssyncadd.s32 $0xFFFFFC00  }
0x4d: {  	[spmem:s2] =	stream.indirect.scatter.add.f32 [tilespmem:s16], [sflag:$0x3], $0x8, s31, s18, $0xb8;
	[tilespmem:$0x4400] =	vst v63  }
0x4e: {  	_ =	swait.ge [sflag:s12], $0x400  }
0x4f: {  	[sflag:s12] =	ssyncset.done $0x0  }
0x50: {  	[sflag:s12] =	ssyncadd.s32 $0xFFFFFC00  }
0x51: {  	[tilespmem:s16], [sflag:$0x2] =	stream.linear.gather [hbm4b:s9+s3], $0x400, $0x38;
	[tilespmem:$0x4400] =	vst v63  }
0x52: {  	_ =	swait.ge [sflag:s17], $0x400  }
0x53: {  	[sflag:s17] =	ssyncset.done $0x0  }
0x54: {  	[sflag:s17] =	ssyncadd.s32 $0xFFFFFC00  }
0x55: {  	[spmem:s2] =	stream.indirect.scatter.add.f32 [tilespmem:s15], [sflag:$0x3], $0x8, s20, s18, $0xb8;
	[tilespmem:$0x4400] =	vst v63  }
0x56: {  	_ =	swait.ge [sflag:s12], $0x400  }
0x57: {  	[sflag:s12] =	ssyncset.done $0x0  }
0x58: {  	[sflag:s12] =	ssyncadd.s32 $0xFFFFFC00  }
0x59: {  	_ =	swait.ge [sflag:s19], $0x400  }
0x5a: {  	[sflag:s19] =	ssyncset.done $0x0  }
0x5b: {  	[sflag:s19] =	ssyncadd.s32 $0xFFFFFC00  }
0x5c: {  	[spmem:s2] =	stream.indirect.scatter.add.f32 [tilespmem:s16], [sflag:$0x3], $0x8, s21, s18, $0xb8;
	[tilespmem:$0x4400] =	vst v63  }
0x5d: {  	_ =	swait.ge [sflag:s12], $0x400  }
0x5e: {  	s22 =	sadd.s32 $0x1, s22;
	[sflag:s12] =	ssyncset.done $0x0  }
0x5f: {  	p0 =	sne.s32 s22, s8;
	[sflag:s12] =	ssyncadd.s32 $0xFFFFFC00  }
.Ltmp1:
0x60: {  	[bflag:$0x0] =	sbarrier.arrive $0xFFFF;
	(pc) =	sbr.rel @p0 .LBB2_1-.Ltmp1, $4  }
0x61: {  	[hbm:s7], [sflag:s13] =	dma.local [spmem:s14], $0x280  }
0x62: {  	_ =	swait.ge [sflag:s12], $0x280  }
0x63: {  	[sflag:s12] =	ssyncset.done $0x0  }
0x64: {  	[sflag:s12] =	ssyncadd.s32 $0xFFFFFD80  }
0x65: {  	_ =	sfence.sel $0x180000  }
0x66: {  	[bflag:$0x0] =	sbarrier.arrive $0xFFFF  }
0x67: {  	p0 =	sne.s32 s1, $0x0;
	_ =	strace $0x90000053  }
0x68: {  	s0 =	sadd.s32 @!p0 $0x100000, s0;
	[bflag:$0x2] =	sbarrier.arrive $0xFFFF  }
0x69: {  	[sflag:s0] =	ssyncadd.tile.s32 @!p0 $0x1;
	_ =	shalt  }
.Lfunc_end2:
_tile_overlayer_lowered:
.L_overlay_start_2:
0x6a: {  	(tag) =	ssettag $0x2  }
0x6b: {  	s0 =	rddreg [dreg:$0x0];
	s2 =	stileid.u32  }
0x6c: {  	s1 =	rddreg [dreg:$0x1];
	p0 =	sne.s32 s2, $0x0  }
0x6d: {  	s3 =	rddreg [dreg:$0x2];
	[bflag:$0x3] =	sbarrier.arrive $0xFFFF;
	s2 =	simm.s32 @!p0 $0x1C03  }
0x6e: {  	[timem:s3], [sflag:s2] =	dma.local @!p0 [hbm:s0], s1  }
0x6f: {  	s0 =	simm.s32 @!p0 $0x3  }
0x70: {  	_ =	swait.ge @!p0 [sflag:s0], s1  }
0x71: {  	s1 =	ssub.s32 @!p0 $0x0, s1;
	[sflag:s0] =	ssyncset.done @!p0 $0x0  }
0x72: {  	[sflag:s0] =	ssyncadd.s32 @!p0 s1  }
0x73: {  	[bflag:$0x3] =	sbarrier.arrive $0xFFFF  }
0x74: {  	_ =	shalt  }

// kernel: kernel.28.cloned.1.call-start
scs
__scs_entry_jumppad:
0x0: {  	(pc) =	sbr.rel $0x88, $3  }
0x1: {  	(tag) =	ssettag $0x0;
	lr =	simm.s32 $0x1  }
0x2: {  	[smem:$0x3F98] =	sst lr;
	_ =	strace $0xD0000000  }
0x3: {  	_ = 	snop  }
0x4: {  	_ = 	snop  }
0x5: {  	_ = 	snop  }
0x6: {  	_ = 	snop  }
0x7: {  	_ = 	snop  }
__scs_overlays_trampoline_lowered:
0x8: {  	[smem:$0x3FA7] =	sst s0  }
0x9: {  	[smem:$0x3FA8] =	sst s1  }
0xa: {  	[smem:$0x3FA9] =	sst s2  }
0xb: {  	[smem:$0x3FAA] =	sst s3  }
0xc: {  	[smem:$0x3FAB] =	sst s4  }
0xd: {  	[smem:$0x3FAC] =	sst s5  }
0xe: {  	[smem:$0x3FAD] =	sst s6  }
0xf: {  	[smem:$0x3FAE] =	sst s7  }
0x10: {  	[smem:$0x3FAF] =	sst s8  }
0x11: {  	[smem:$0x3FB0] =	sst s9;
	s0 =	simm.s32 @!p0 $0x0  }
0x12: {  	s1 =	sld [smem:$0x3F96];
	s0 =	simm.s32 @p0 $0x1  }
0x13: {  	[smem:$0x3FB1] =	sst s0;
	s0 =	simm.s32 @!p1 $0x0  }
0x14: {  	s2 =	sld [smem:$0x3F95];
	s0 =	simm.s32 @p1 $0x1  }
0x15: {  	[smem:$0x3FB2] =	sst s0;
	s0 =	simm.s32 @!p2 $0x0  }
0x16: {  	s3 =	sld [smem:$0x3FDB];
	s0 =	simm.s32 @p2 $0x1  }
0x17: {  	s4 =	simm.s32 $0x1BF5;
	[smem:$0x3FB4] =	sst s0  }
0x18: {  	s0 =	sld [smem:$0x3F97];
	_ =	swait.ge [sflag:s4], $0x0  }
0x19: {  	s7 =	sld [smem:$0x3F98]  }
0x1a: {  	s8 =	sadd.s32 $0xFFFFE003, lr  }
0x1b: {  	s9 =	sadd.s32 $0xFFFFFEF7, lr;
	s5 =	simm.s32 $0xFFFFFFFF;
	p2 =	slt.u32 s8, $0xFFFFF086  }
0x1c: {  	p1 =	slt.u32 s9, $0xF7A;
	s5 =	simm.s32 @!p2 $0x0  }
0x1d: {  	s5 =	simm.s32 @p1 $0x1;
	p0 =	seq.s32 s7, s2  }
0x1e: {  	s7 =	smul.u32 @!p0 $0xF7A, s2;
	p2 =	seq.s32 @!p0 s5, $0x0  }
0x1f: {  	s9 =	smul.u32 $0xF7A, s1;
	s8 =	simm.s32 @!p0 $0x1BF5;
	p2 =	por !p2, p0  }
0x20: {  	[sflag:s8] =	ssyncset.s32 @!p0 $0xFFFFF086;
	s6 =	sadd.s32 @!p0 s3, s7;
	s7 =	simm.s32 @!p0 $0x108  }
0x21: {  	s3 =	sadd.s32 s3, s9;
	s6 =	sadd.s32 @!p0 $0x88, s6;
	s7 =	simm.s32 @p2 $0x1082  }
0x22: {  	[simem:s7], [sflag:s8] =	dma.local @!p0 [hbm:s6], $0xF7A  }
0x23: {  	s9 =	sor.u32 $0xD0000000, s2;
	s6 =	simm.s32 $0x108;
	_ =	swait.ge @!p0 [sflag:s8], $0x0  }
0x24: {  	s3 =	sadd.s32 $0x88, s3;
	s6 =	simm.s32 @!p1 $0x1082;
	[sflag:s4] =	ssyncset.s32 $0xFFFFF086  }
0x25: {  	[simem:s6], [sflag:s4] =	dma.local [hbm:s3], $0xF7A  }
0x26: {  	[smem:$0x3F98] =	sst s1;
	(tag) =	ssettag s2;
	_ =	strace s9  }
0x27: {  	s1 =	sld [smem:$0x3FA8]  }
0x28: {  	s2 =	sld [smem:$0x3FA9]  }
0x29: {  	s4 =	sld [smem:$0x3FAB]  }
0x2a: {  	p0 =	seq.s32 s5, $0x0;
	s5 =	sld [smem:$0x3FAC]  }
0x2b: {  	s6 =	sld [smem:$0x3FAD]  }
0x2c: {  	s7 =	sld [smem:$0x3FAE]  }
0x2d: {  	s3 =	simm.s32 $0x108;
	s8 =	sld [smem:$0x3FAF]  }
0x2e: {  	s3 =	simm.s32 @!p0 $0x1082;
	s9 =	sld [smem:$0x3FB0]  }
0x2f: {  	lr =	sadd.s32 s0, s3;
	s0 =	sld [smem:$0x3FA7]  }
0x30: {  	s3 =	sld [smem:$0x3FAA]  }
0x31: {  	[smem:$0x3FB3] =	sst s10  }
0x32: {  	s10 =	sld [smem:$0x3FB1];
	_ =	sdelay $0x3  }
0x33: {  	p0 =	seq.s32 s10, $0x1;
	s10 =	sld [smem:$0x3FB3];
	_ =	sdelay $0x3  }
0x34: {  	[smem:$0x3FB3] =	sst s10  }
0x35: {  	s10 =	sld [smem:$0x3FB2];
	_ =	sdelay $0x3  }
0x36: {  	p1 =	seq.s32 s10, $0x1;
	s10 =	sld [smem:$0x3FB3];
	_ =	sdelay $0x3  }
0x37: {  	[smem:$0x3FB3] =	sst s10  }
0x38: {  	s10 =	sld [smem:$0x3FB4]  }
0x39: {  	_ = 	snop;
	(pc) =	sbr.ind lr, $3  }
0x3a: {  	_ = 	snop  }
0x3b: {  	_ = 	snop  }
0x3c: {  	p2 =	seq.s32 s10, $0x1;
	s10 =	sld [smem:$0x3FB3]  }
0x3d: {  	_ =	shalt  }
0x3e: {  	_ =	shalt  }
0x3f: {  	_ =	shalt  }
0x40: {  	_ =	shalt  }
0x41: {  	_ =	shalt  }
0x42: {  	_ =	shalt  }
0x43: {  	_ =	shalt  }
0x44: {  	_ =	shalt  }
0x45: {  	_ =	shalt  }
0x46: {  	_ =	shalt  }
0x47: {  	_ =	shalt  }
0x48: {  	_ =	shalt  }
0x49: {  	_ =	shalt  }
0x4a: {  	_ =	shalt  }
0x4b: {  	_ =	shalt  }
0x4c: {  	_ =	shalt  }
0x4d: {  	_ =	shalt  }
0x4e: {  	_ =	shalt  }
0x4f: {  	_ =	shalt  }
0x50: {  	_ =	shalt  }
0x51: {  	_ =	shalt  }
0x52: {  	_ =	shalt  }
0x53: {  	_ =	shalt  }
0x54: {  	_ =	shalt  }
0x55: {  	_ =	shalt  }
0x56: {  	_ =	shalt  }
0x57: {  	_ =	shalt  }
0x58: {  	_ =	shalt  }
0x59: {  	_ =	shalt  }
0x5a: {  	_ =	shalt  }
0x5b: {  	_ =	shalt  }
0x5c: {  	_ =	shalt  }
0x5d: {  	_ =	shalt  }
0x5e: {  	_ =	shalt  }
0x5f: {  	_ =	shalt  }
0x60: {  	_ =	shalt  }
0x61: {  	_ =	shalt  }
0x62: {  	_ =	shalt  }
0x63: {  	_ =	shalt  }
0x64: {  	_ =	shalt  }
0x65: {  	_ =	shalt  }
0x66: {  	_ =	shalt  }
0x67: {  	_ =	shalt  }
0x68: {  	_ =	shalt  }
0x69: {  	_ =	shalt  }
0x6a: {  	_ =	shalt  }
0x6b: {  	_ =	shalt  }
0x6c: {  	_ =	shalt  }
0x6d: {  	_ =	shalt  }
0x6e: {  	_ =	shalt  }
0x6f: {  	_ =	shalt  }
0x70: {  	_ =	shalt  }
0x71: {  	_ =	shalt  }
0x72: {  	_ =	shalt  }
0x73: {  	_ =	shalt  }
0x74: {  	_ =	shalt  }
0x75: {  	_ =	shalt  }
0x76: {  	_ =	shalt  }
0x77: {  	_ =	shalt  }
0x78: {  	_ =	shalt  }
0x79: {  	_ =	shalt  }
0x7a: {  	_ =	shalt  }
0x7b: {  	_ =	shalt  }
0x7c: {  	_ =	shalt  }
0x7d: {  	_ =	shalt  }
0x7e: {  	_ =	shalt  }
0x7f: {  	_ =	shalt  }
0x80: {  	_ =	shalt  }
0x81: {  	_ =	shalt  }
0x82: {  	_ =	shalt  }
0x83: {  	_ =	shalt  }
0x84: {  	_ =	shalt  }
0x85: {  	_ =	shalt  }
0x86: {  	_ =	shalt  }
0x87: {  	_ =	shalt  }
.Lfunc_end0:
.L_simem_size_0:
called_computation.3_lowered:
.L_overlay_start_0:
0x88: {  	s2 =	sld [smem:$0x3FD9]  }
0x89: {  	s3 =	sld [smem:$0x3FFE];
	_ =	sdelay $0x1  }
0x8a: {  	s1 =	srdreg.scid  }
0x8b: {  	s0 =	sand.u32 $0x1, s1  }
0x8c: {  	s16 =	sshll.u32 s0, $0xA;
	s2 =	sadd.s32 s3, s2  }
0x8d: {  	s2 =	sadd.s32 s2, s16  }
0x8e: {  	[smem:$0x3FBF] =	sst s2  }
0x8f: {  	_ = 	snop  }
0x90: {  	(tm) =	ssettm $0x1  }
0x91: {  	s17 =	sld [smem:$0x3FFB];
	_ =	sdelay $0x3  }
0x92: {  	_ =	strace s17  }
0x93: {  	s2 =	sld [smem:$0x3FFC];
	_ =	sdelay $0x3  }
0x94: {  	_ =	strace s2  }
0x95: {  	s2 =	sld [smem:$0x3FFD];
	_ =	sdelay $0x3  }
0x96: {  	_ =	strace s2  }
0x97: {  	_ =	strace $0x8FFFFFFF  }
0x98: {  	s18 =	sld [smem:$0x3FDB];
	_ =	sdelay $0x1  }
0x99: {  	s19 =	simm.s32 $_scs_section_size  }
0x9a: {  	s4 =	simm.s32 $_size__tile_overlayer_lowered;
	s5 =	simm.s32 $_tile_overlayer_lowered  }
0x9b: {  	s22 =	simm.s32 $0x1BFF;
	s21 =	sshll.u32 s5, $0x1;
	s2 =	sadd.s32 s19, s18  }
0x9c: {  	s6 =	simm.s32 $0x0;
	s20 =	sshll.u32 s4, $0x1;
	s4 =	sadd.s32 s21, s2  }
0x9d: {  	[timem:s6], [sflag:s22] =	dma.local [hbm:s4], s20  }
0x9e: {  	_ =	swait.ge [sflag:s22], s20  }
0x9f: {  	s3 =	ssub.s32 $0x0, s20;
	[sflag:s22] =	ssyncset.done $0x0  }
0xa0: {  	[sflag:s22] =	ssyncadd.s32 s3;
	_ =	sdelay $0x1  }
0xa1: {  	s23 =	simm.s32 $0x1B8B  }
0xa2: {  	_ =	swait.ge [sflag:s23], $0x1  }
0xa3: {  	[sflag:s23] =	ssyncset.done $0x0  }
0xa4: {  	s25 =	simm.s32 $0x1B8E;
	s24 =	sld [smem:$0x3FFE];
	[sflag:s23] =	ssyncadd.s32 $0xFFFFFFFF  }
0xa5: {  	s26 =	simm.s32 $execute0_lowered;
	[smem:$0x3FD2] =	sst s25  }
0xa6: {  	s4 =	sshll.u32 s26, $0x1;
	_ =	strace $0x8000004C;
	[dreg:$0x1] =	wrdreg $0xFFFFFFFF  }
0xa7: {  	s28 =	simm.s32 $_size_execute0_lowered;
	s2 =	sadd.s32 s2, s4;
	[dreg:$0x0] =	wrdreg $0x0  }
0xa8: {  	s4 =	sshll.u32 s28, $0x1;
	[dreg:$0x2] =	wrdreg s2  }
0xa9: {  	[dreg:$0x3] =	wrdreg s4  }
0xaa: {  	[dreg:$0x4] =	wrdreg $0xC0  }
0xab: {  	_ =	task [dreg:s6], $0x5FFFF  }
0xac: {  	[dreg:$0x1] =	wrdreg $0xFFFFFFFF  }
0xad: {  	[dreg:$0x0] =	wrdreg $0x60  }
0xae: {  	[dreg:$0x2] =	wrdreg s24  }
0xaf: {  	[dreg:$0x3] =	wrdreg $0xA8000  }
0xb0: {  	[dreg:$0x4] =	wrdreg $0x9  }
0xb1: {  	_ =	task.clear_ibuf [dreg:s6], $0x5FFFF;
	_ =	strace $0x9000004C  }
0xb2: {  	s29 =	simm.s32 $0x9;
	_ =	strace $0x8000004E  }
0xb3: {  	_ =	swait.ge [sflag:s29], $0x1  }
0xb4: {  	[sflag:s29] =	ssyncadd.s32 $0xFFFFFFFF  }
0xb5: {  	_ =	strace $0x9000004E  }
0xb6: {  	_ =	sfence  }
0xb7: {  	s30 =	sld [smem:$0x0];
	_ =	sdelay $0x2  }
0xb8: {  	s31 =	sshll.u32 s1, $0xD;
	s1 =	sshrl.u32 s1, $0x2  }
0xb9: {  	s3 =	sand.u32 $0x4000, s31;
	s1 =	sadd.s32 s1, s30  }
0xba: {  	s0 =	sor.u32 s3, s0;
	s1 =	sshll.u32 s1, $0x11  }
0xbb: {  	s0 =	sor.u32 s1, s0  }
0xbc: {  	s0 =	sadd.s32 $0x8F2B, s0  }
0xbd: {  	[sflag:s0] =	ssyncadd.remote.s32 $0x1  }
0xbe: {  	_ =	sfence.sel $0xFFFF  }
0xbf: {  	[dreg:$0x0] =	wrdreg $0xFFFFFFFF;
	(pc) =	sbr.abs _section_cstart, $3  }
0xc0: {  	[dreg:$0x1] =	wrdreg $0xFFFFFFFF  }
0xc1: {  	_ =	task.clear_ibuf [dreg:s6], $0x2FFFF;
	_ =	strace $0x9FFFFFFF  }
0xc2: {  	(tm) =	ssettm $0x7FFFFFFF  }
0xc3: {  	_ =	shalt  }
tec
execute0_lowered:
.L_overlay_start_1:
0x0: {  	(tag) =	ssettag $0x1  }
0x1: {  	s1 =	srdreg.scid;
	s5 =	rddreg [dreg:$0x0]  }
0x2: {  	s0 =	stileid.u32;
	s2 =	rddreg [dreg:$0x1];
	s3 =	simm.s32 $0x0  }
0x3: {  	s14 =	simm.s32 $0x80;
	s15 =	simm.s32 $0x2800;
	s16 =	simm.s32 $0x6800  }
0x4: {  	s17 =	simm.s32 $0x1;
	s18 =	simm.s32 $0x2;
	s19 =	simm.s32 $0x1380  }
0x5: {  	s20 =	simm.s32 $0x2700;
	s21 =	simm.s32 $0x2780;
	s22 =	simm.s32 $0x0  }
0x6: {  	s6 =	sand.u32 $0x1, s1;
	s1 =	rddreg [dreg:$0x2];
	s8 =	smul.u32 $0x2800, s0  }
0x7: {  	s30 =	sshll.u32 s0, $0x1;
	[smem:$0x7FF] =	sst s3;
	s11 =	smul.u32 $0x50000, s0  }
0x8: {  	s12 =	sshll.u32 s0, $0x6;
	s4 =	sor.u32 s6, s30;
	_ =	strace $0x8000004D  }
0x9: {  	s9 =	smul.u32 $0x28000, s6;
	s6 =	ssub.s32 $0x2, s6;
	s12 =	sor.u32 $0x1C03, s12  }
0xa: {  	s7 =	smul.u32 $0x280, s4;
	s4 =	sadd.s32 $0x44C00, s5;
	s10 =	sshrl.u32 s6, $0x1  }
0xb: {  	s31 =	sshrl.u32 s11, $0x2;
	s11 =	simm.s32 $0x1400;
	s9 =	sadd.s32 s8, s9  }
0xc: {  	s8 =	sadd.s32 s8, s5;
	s10 =	ssub.s32 s6, s10;
	s13 =	sadd.s32 s31, s2  }
0xd: {  	s7 =	sadd.s32 s7, s5;
	s9 =	sadd.s32 s9, s5;
	s13 =	sshrl.u32 s13, $0x3  }
0xe: {  	s5 =	sadd.s32 $0x3FC00, s7;
	s6 =	sadd.s32 $0xB400, s7;
	s7 =	sadd.s32 $0x6CC00, s8  }
0xf: {  	s8 =	sadd.s32 $0x94C00, s9;
	s9 =	smax.u32 s10, $0x1;
	s10 =	simm.s32 $0x3  }
.LBB2_1:
0x10: {  	[tilespmem:s3], [sflag:$0x3] =	stream.linear.gather [hbm4b:s5+s3], $0x1400, $0x38;
	[tilespmem:$0x1E800] =	vst v63  }
0x11: {  	_ =	swait.ge [sflag:s10], $0x1400  }
0x12: {  	[sflag:s10] =	ssyncset.done $0x0  }
0x13: {  	[sflag:s10] =	ssyncadd.s32 $0xFFFFEC00  }
0x14: {  	[tilespmem:s11], [sflag:$0x3] =	stream.linear.gather [hbm4b:s6+s3], $0x1400, $0x38;
	[tilespmem:$0x1E800] =	vst v63  }
0x15: {  	_ =	swait.ge [sflag:s10], $0x1400  }
0x16: {  	[sflag:s10] =	ssyncset.done $0x0  }
0x17: {  	[sflag:s10] =	ssyncadd.s32 $0xFFFFEC00  }
0x18: {  	[spmem:s13], [sflag:s12] =	dma.local [hbm:s7], $0x2800  }
0x19: {  	_ =	swait.ge [sflag:s10], $0x2800  }
0x1a: {  	[sflag:s10] =	ssyncset.done $0x0  }
0x1b: {  	[sflag:s10] =	ssyncadd.s32 $0xFFFFD800  }
0x1c: {  	[bflag:$0x0] =	sbarrier.arrive $0xFFFF  }
0x1d: {  	[tilespmem:s15], [sflag:$0x1] =	stream.indirect.gather [hbm4b:s4+s14], $0x80, s3, s14, $0xb8;
	[tilespmem:$0x1E800] =	vst v63  }
0x1e: {  	s23 =	simm.s32 $0x80  }
0x1f: {  	[tilespmem:s16], [sflag:$0x2] =	stream.indirect.gather [hbm4b:s4+s14], $0x80, s23, s14, $0xb8;
	[tilespmem:$0x1E800] =	vst v63  }
0x20: {  	_ =	swait.ge [sflag:s17], $0x4000  }
0x21: {  	[sflag:s17] =	ssyncset.done $0x0  }
0x22: {  	s29 =	simm.s32 $0x1400;
	[sflag:s17] =	ssyncadd.s32 $0xFFFFC000  }
0x23: {  	[spmem:s2] =	stream.indirect.scatter.add.f32 [tilespmem:s15], [sflag:$0x3], $0x80, s29, s14, $0xb8;
	[tilespmem:$0x1E800] =	vst v63  }
0x24: {  	_ =	swait.ge [sflag:s10], $0x4000  }
0x25: {  	[sflag:s10] =	ssyncset.done $0x0  }
0x26: {  	s30 =	simm.s32 $0x100;
	[sflag:s10] =	ssyncadd.s32 $0xFFFFC000  }
0x27: {  	[tilespmem:s15], [sflag:$0x1] =	stream.indirect.gather [hbm4b:s4+s14], $0x80, s30, s14, $0xb8;
	[tilespmem:$0x1E800] =	vst v63  }
0x28: {  	_ =	swait.ge [sflag:s18], $0x4000  }
0x29: {  	[sflag:s18] =	ssyncset.done $0x0  }
0x2a: {  	s31 =	simm.s32 $0x1480;
	[sflag:s18] =	ssyncadd.s32 $0xFFFFC000  }
0x2b: {  	[spmem:s2] =	stream.indirect.scatter.add.f32 [tilespmem:s16], [sflag:$0x3], $0x80, s31, s14, $0xb8;
	[tilespmem:$0x1E800] =	vst v63  }
0x2c: {  	_ =	swait.ge [sflag:s10], $0x4000  }
0x2d: {  	s24 =	simm.s32 $0x800;
	s23 =	simm.s32 $0x100;
	[sflag:s10] =	ssyncset.done $0x0  }
.LBB2_2:
0x2e: {  	s25 =	sadd.s32 $0x80, s23  }
0x2f: {  	[sflag:s10] =	ssyncadd.s32 $0xFFFFC000;
	s26 =	smov.u32 s24;
	s28 =	sadd.s32 $0x400, s24  }
0x30: {  	[tilespmem:s16], [sflag:$0x2] =	stream.indirect.gather [hbm4b:s4+s14], $0x80, s25, s14, $0xb8;
	[tilespmem:$0x1E800] =	vst v63  }
0x31: {  	p0 =	sne.s32 s24, $0x4800;
	_ =	swait.ge [sflag:s17], $0x4000  }
0x32: {  	[sflag:s17] =	ssyncset.done $0x0  }
0x33: {  	s24 =	sadd.s32 $0x1400, s23;
	[sflag:s17] =	ssyncadd.s32 $0xFFFFC000  }
0x34: {  	[spmem:s2] =	stream.indirect.scatter.add.f32 [tilespmem:s15], [sflag:$0x3], $0x80, s24, s14, $0xb8;
	[tilespmem:$0x1E800] =	vst v63  }
0x35: {  	_ =	swait.ge [sflag:s10], $0x4000  }
0x36: {  	[sflag:s10] =	ssyncset.done $0x0  }
0x37: {  	s24 =	sadd.s32 $0x100, s23;
	[sflag:s10] =	ssyncadd.s32 $0xFFFFC000  }
0x38: {  	[tilespmem:s15], [sflag:$0x1] =	stream.indirect.gather [hbm4b:s4+s14], $0x80, s24, s14, $0xb8;
	[tilespmem:$0x1E800] =	vst v63  }
0x39: {  	_ =	swait.ge [sflag:s18], $0x4000  }
.Ltmp0:
0x3a: {  	[sflag:s18] =	ssyncset.done $0x0;
	(pc) =	sbr.rel @p0 .LBB2_2-.Ltmp0, $4  }
0x3b: {  	s23 =	sadd.s32 $0x1480, s23;
	[sflag:s18] =	ssyncadd.s32 $0xFFFFC000  }
0x3c: {  	[spmem:s2] =	stream.indirect.scatter.add.f32 [tilespmem:s16], [sflag:$0x3], $0x80, s23, s14, $0xb8;
	[tilespmem:$0x1E800] =	vst v63  }
0x3d: {  	_ =	swait.ge [sflag:s10], $0x4000  }
0x3e: {  	s24 =	smov.u32 s28;
	s23 =	sshra.s32 s26, $0x2;
	[sflag:s10] =	ssyncset.done $0x0  }
0x3f: {  	s24 =	sadd.s32 $0x80, s23;
	[sflag:s10] =	ssyncadd.s32 $0xFFFFC000  }
0x40: {  	[tilespmem:s16], [sflag:$0x2] =	stream.indirect.gather [hbm4b:s4+s14], $0x80, s24, s14, $0xb8;
	[tilespmem:$0x1E800] =	vst v63  }
0x41: {  	_ =	swait.ge [sflag:s17], $0x4000  }
0x42: {  	[sflag:s17] =	ssyncset.done $0x0  }
0x43: {  	s29 =	sadd.s32 $0x1400, s23;
	[sflag:s17] =	ssyncadd.s32 $0xFFFFC000  }
0x44: {  	[spmem:s2] =	stream.indirect.scatter.add.f32 [tilespmem:s15], [sflag:$0x3], $0x80, s29, s14, $0xb8;
	[tilespmem:$0x1E800] =	vst v63  }
0x45: {  	_ =	swait.ge [sflag:s10], $0x4000  }
0x46: {  	[sflag:s10] =	ssyncset.done $0x0  }
0x47: {  	s30 =	sadd.s32 $0x100, s23;
	[sflag:s10] =	ssyncadd.s32 $0xFFFFC000  }
0x48: {  	[tilespmem:s15], [sflag:$0x1] =	stream.indirect.gather [hbm4b:s4+s14], $0x80, s30, s14, $0xb8;
	[tilespmem:$0x1E800] =	vst v63  }
0x49: {  	_ =	swait.ge [sflag:s18], $0x4000  }
0x4a: {  	[sflag:s18] =	ssyncset.done $0x0  }
0x4b: {  	s31 =	sadd.s32 $0x1480, s23;
	[sflag:s18] =	ssyncadd.s32 $0xFFFFC000  }
0x4c: {  	[spmem:s2] =	stream.indirect.scatter.add.f32 [tilespmem:s16], [sflag:$0x3], $0x80, s31, s14, $0xb8;
	[tilespmem:$0x1E800] =	vst v63  }
0x4d: {  	_ =	swait.ge [sflag:s10], $0x4000  }
0x4e: {  	[sflag:s10] =	ssyncset.done $0x0  }
0x4f: {  	[sflag:s10] =	ssyncadd.s32 $0xFFFFC000  }
0x50: {  	[tilespmem:s16], [sflag:$0x2] =	stream.indirect.gather [hbm4b:s4+s14], $0x80, s19, s14, $0xb8;
	[tilespmem:$0x1E800] =	vst v63  }
0x51: {  	_ =	swait.ge [sflag:s17], $0x4000  }
0x52: {  	[sflag:s17] =	ssyncset.done $0x0  }
0x53: {  	[sflag:s17] =	ssyncadd.s32 $0xFFFFC000  }
0x54: {  	[spmem:s2] =	stream.indirect.scatter.add.f32 [tilespmem:s15], [sflag:$0x3], $0x80, s20, s14, $0xb8;
	[tilespmem:$0x1E800] =	vst v63  }
0x55: {  	_ =	swait.ge [sflag:s10], $0x4000  }
0x56: {  	[sflag:s10] =	ssyncset.done $0x0  }
0x57: {  	[sflag:s10] =	ssyncadd.s32 $0xFFFFC000  }
0x58: {  	_ =	swait.ge [sflag:s18], $0x4000  }
0x59: {  	[sflag:s18] =	ssyncset.done $0x0  }
0x5a: {  	[sflag:s18] =	ssyncadd.s32 $0xFFFFC000  }
0x5b: {  	[spmem:s2] =	stream.indirect.scatter.add.f32 [tilespmem:s16], [sflag:$0x3], $0x80, s21, s14, $0xb8;
	[tilespmem:$0x1E800] =	vst v63  }
0x5c: {  	_ =	swait.ge [sflag:s10], $0x4000  }
0x5d: {  	s22 =	sadd.s32 $0x1, s22;
	[sflag:s10] =	ssyncset.done $0x0  }
0x5e: {  	p0 =	sne.s32 s22, s9;
	[sflag:s10] =	ssyncadd.s32 $0xFFFFC000  }
.Ltmp1:
0x5f: {  	[bflag:$0x0] =	sbarrier.arrive $0xFFFF;
	(pc) =	sbr.rel @p0 .LBB2_1-.Ltmp1, $4  }
0x60: {  	[hbm:s8], [sflag:s12] =	dma.local [spmem:s13], $0x2800  }
0x61: {  	_ =	swait.ge [sflag:s10], $0x2800  }
0x62: {  	[sflag:s10] =	ssyncset.done $0x0  }
0x63: {  	[sflag:s10] =	ssyncadd.s32 $0xFFFFD800  }
0x64: {  	_ =	sfence.sel $0x180000  }
0x65: {  	[bflag:$0x0] =	sbarrier.arrive $0xFFFF  }
0x66: {  	p0 =	sne.s32 s0, $0x0;
	_ =	strace $0x9000004D  }
0x67: {  	s0 =	sadd.s32 @!p0 $0x100000, s1;
	[bflag:$0x2] =	sbarrier.arrive $0xFFFF  }
0x68: {  	[sflag:s0] =	ssyncadd.tile.s32 @!p0 $0x1;
	_ =	shalt  }
.Lfunc_end2:
_tile_overlayer_lowered:
.L_overlay_start_2:
0x69: {  	(tag) =	ssettag $0x2  }
0x6a: {  	s0 =	rddreg [dreg:$0x0];
	s2 =	stileid.u32  }
0x6b: {  	s1 =	rddreg [dreg:$0x1];
	p0 =	sne.s32 s2, $0x0  }
0x6c: {  	s3 =	rddreg [dreg:$0x2];
	[bflag:$0x3] =	sbarrier.arrive $0xFFFF;
	s2 =	simm.s32 @!p0 $0x1C03  }
0x6d: {  	[timem:s3], [sflag:s2] =	dma.local @!p0 [hbm:s0], s1  }
0x6e: {  	s0 =	simm.s32 @!p0 $0x3  }
0x6f: {  	_ =	swait.ge @!p0 [sflag:s0], s1  }
0x70: {  	s1 =	ssub.s32 @!p0 $0x0, s1;
	[sflag:s0] =	ssyncset.done @!p0 $0x0  }
0x71: {  	[sflag:s0] =	ssyncadd.s32 @!p0 s1  }
0x72: {  	[bflag:$0x3] =	sbarrier.arrive $0xFFFF  }
0x73: {  	_ =	shalt  }

// kernel: kernel.31.cloned.1.call-start
scs
__scs_entry_jumppad:
0x0: {  	(pc) =	sbr.rel $0x88, $3  }
0x1: {  	(tag) =	ssettag $0x0;
	lr =	simm.s32 $0x1  }
0x2: {  	[smem:$0x3F98] =	sst lr;
	_ =	strace $0xD0000000  }
0x3: {  	_ = 	snop  }
0x4: {  	_ = 	snop  }
0x5: {  	_ = 	snop  }
0x6: {  	_ = 	snop  }
0x7: {  	_ = 	snop  }
__scs_overlays_trampoline_lowered:
0x8: {  	[smem:$0x3FA7] =	sst s0  }
0x9: {  	[smem:$0x3FA8] =	sst s1  }
0xa: {  	[smem:$0x3FA9] =	sst s2  }
0xb: {  	[smem:$0x3FAA] =	sst s3  }
0xc: {  	[smem:$0x3FAB] =	sst s4  }
0xd: {  	[smem:$0x3FAC] =	sst s5  }
0xe: {  	[smem:$0x3FAD] =	sst s6  }
0xf: {  	[smem:$0x3FAE] =	sst s7  }
0x10: {  	[smem:$0x3FAF] =	sst s8  }
0x11: {  	[smem:$0x3FB0] =	sst s9;
	s0 =	simm.s32 @!p0 $0x0  }
0x12: {  	s1 =	sld [smem:$0x3F96];
	s0 =	simm.s32 @p0 $0x1  }
0x13: {  	[smem:$0x3FB1] =	sst s0;
	s0 =	simm.s32 @!p1 $0x0  }
0x14: {  	s2 =	sld [smem:$0x3F95];
	s0 =	simm.s32 @p1 $0x1  }
0x15: {  	[smem:$0x3FB2] =	sst s0;
	s0 =	simm.s32 @!p2 $0x0  }
0x16: {  	s3 =	sld [smem:$0x3FDB];
	s0 =	simm.s32 @p2 $0x1  }
0x17: {  	s4 =	simm.s32 $0x1BF5;
	[smem:$0x3FB4] =	sst s0  }
0x18: {  	s0 =	sld [smem:$0x3F97];
	_ =	swait.ge [sflag:s4], $0x0  }
0x19: {  	s7 =	sld [smem:$0x3F98]  }
0x1a: {  	s8 =	sadd.s32 $0xFFFFE003, lr  }
0x1b: {  	s9 =	sadd.s32 $0xFFFFFEF7, lr;
	s5 =	simm.s32 $0xFFFFFFFF;
	p2 =	slt.u32 s8, $0xFFFFF086  }
0x1c: {  	p1 =	slt.u32 s9, $0xF7A;
	s5 =	simm.s32 @!p2 $0x0  }
0x1d: {  	s5 =	simm.s32 @p1 $0x1;
	p0 =	seq.s32 s7, s2  }
0x1e: {  	s7 =	smul.u32 @!p0 $0xF7A, s2;
	p2 =	seq.s32 @!p0 s5, $0x0  }
0x1f: {  	s9 =	smul.u32 $0xF7A, s1;
	s8 =	simm.s32 @!p0 $0x1BF5;
	p2 =	por !p2, p0  }
0x20: {  	[sflag:s8] =	ssyncset.s32 @!p0 $0xFFFFF086;
	s6 =	sadd.s32 @!p0 s3, s7;
	s7 =	simm.s32 @!p0 $0x108  }
0x21: {  	s3 =	sadd.s32 s3, s9;
	s6 =	sadd.s32 @!p0 $0x88, s6;
	s7 =	simm.s32 @p2 $0x1082  }
0x22: {  	[simem:s7], [sflag:s8] =	dma.local @!p0 [hbm:s6], $0xF7A  }
0x23: {  	s9 =	sor.u32 $0xD0000000, s2;
	s6 =	simm.s32 $0x108;
	_ =	swait.ge @!p0 [sflag:s8], $0x0  }
0x24: {  	s3 =	sadd.s32 $0x88, s3;
	s6 =	simm.s32 @!p1 $0x1082;
	[sflag:s4] =	ssyncset.s32 $0xFFFFF086  }
0x25: {  	[simem:s6], [sflag:s4] =	dma.local [hbm:s3], $0xF7A  }
0x26: {  	[smem:$0x3F98] =	sst s1;
	(tag) =	ssettag s2;
	_ =	strace s9  }
0x27: {  	s1 =	sld [smem:$0x3FA8]  }
0x28: {  	s2 =	sld [smem:$0x3FA9]  }
0x29: {  	s4 =	sld [smem:$0x3FAB]  }
0x2a: {  	p0 =	seq.s32 s5, $0x0;
	s5 =	sld [smem:$0x3FAC]  }
0x2b: {  	s6 =	sld [smem:$0x3FAD]  }
0x2c: {  	s7 =	sld [smem:$0x3FAE]  }
0x2d: {  	s3 =	simm.s32 $0x108;
	s8 =	sld [smem:$0x3FAF]  }
0x2e: {  	s3 =	simm.s32 @!p0 $0x1082;
	s9 =	sld [smem:$0x3FB0]  }
0x2f: {  	lr =	sadd.s32 s0, s3;
	s0 =	sld [smem:$0x3FA7]  }
0x30: {  	s3 =	sld [smem:$0x3FAA]  }
0x31: {  	[smem:$0x3FB3] =	sst s10  }
0x32: {  	s10 =	sld [smem:$0x3FB1];
	_ =	sdelay $0x3  }
0x33: {  	p0 =	seq.s32 s10, $0x1;
	s10 =	sld [smem:$0x3FB3];
	_ =	sdelay $0x3  }
0x34: {  	[smem:$0x3FB3] =	sst s10  }
0x35: {  	s10 =	sld [smem:$0x3FB2];
	_ =	sdelay $0x3  }
0x36: {  	p1 =	seq.s32 s10, $0x1;
	s10 =	sld [smem:$0x3FB3];
	_ =	sdelay $0x3  }
0x37: {  	[smem:$0x3FB3] =	sst s10  }
0x38: {  	s10 =	sld [smem:$0x3FB4]  }
0x39: {  	_ = 	snop;
	(pc) =	sbr.ind lr, $3  }
0x3a: {  	_ = 	snop  }
0x3b: {  	_ = 	snop  }
0x3c: {  	p2 =	seq.s32 s10, $0x1;
	s10 =	sld [smem:$0x3FB3]  }
0x3d: {  	_ =	shalt  }
0x3e: {  	_ =	shalt  }
0x3f: {  	_ =	shalt  }
0x40: {  	_ =	shalt  }
0x41: {  	_ =	shalt  }
0x42: {  	_ =	shalt  }
0x43: {  	_ =	shalt  }
0x44: {  	_ =	shalt  }
0x45: {  	_ =	shalt  }
0x46: {  	_ =	shalt  }
0x47: {  	_ =	shalt  }
0x48: {  	_ =	shalt  }
0x49: {  	_ =	shalt  }
0x4a: {  	_ =	shalt  }
0x4b: {  	_ =	shalt  }
0x4c: {  	_ =	shalt  }
0x4d: {  	_ =	shalt  }
0x4e: {  	_ =	shalt  }
0x4f: {  	_ =	shalt  }
0x50: {  	_ =	shalt  }
0x51: {  	_ =	shalt  }
0x52: {  	_ =	shalt  }
0x53: {  	_ =	shalt  }
0x54: {  	_ =	shalt  }
0x55: {  	_ =	shalt  }
0x56: {  	_ =	shalt  }
0x57: {  	_ =	shalt  }
0x58: {  	_ =	shalt  }
0x59: {  	_ =	shalt  }
0x5a: {  	_ =	shalt  }
0x5b: {  	_ =	shalt  }
0x5c: {  	_ =	shalt  }
0x5d: {  	_ =	shalt  }
0x5e: {  	_ =	shalt  }
0x5f: {  	_ =	shalt  }
0x60: {  	_ =	shalt  }
0x61: {  	_ =	shalt  }
0x62: {  	_ =	shalt  }
0x63: {  	_ =	shalt  }
0x64: {  	_ =	shalt  }
0x65: {  	_ =	shalt  }
0x66: {  	_ =	shalt  }
0x67: {  	_ =	shalt  }
0x68: {  	_ =	shalt  }
0x69: {  	_ =	shalt  }
0x6a: {  	_ =	shalt  }
0x6b: {  	_ =	shalt  }
0x6c: {  	_ =	shalt  }
0x6d: {  	_ =	shalt  }
0x6e: {  	_ =	shalt  }
0x6f: {  	_ =	shalt  }
0x70: {  	_ =	shalt  }
0x71: {  	_ =	shalt  }
0x72: {  	_ =	shalt  }
0x73: {  	_ =	shalt  }
0x74: {  	_ =	shalt  }
0x75: {  	_ =	shalt  }
0x76: {  	_ =	shalt  }
0x77: {  	_ =	shalt  }
0x78: {  	_ =	shalt  }
0x79: {  	_ =	shalt  }
0x7a: {  	_ =	shalt  }
0x7b: {  	_ =	shalt  }
0x7c: {  	_ =	shalt  }
0x7d: {  	_ =	shalt  }
0x7e: {  	_ =	shalt  }
0x7f: {  	_ =	shalt  }
0x80: {  	_ =	shalt  }
0x81: {  	_ =	shalt  }
0x82: {  	_ =	shalt  }
0x83: {  	_ =	shalt  }
0x84: {  	_ =	shalt  }
0x85: {  	_ =	shalt  }
0x86: {  	_ =	shalt  }
0x87: {  	_ =	shalt  }
.Lfunc_end0:
.L_simem_size_0:
called_computation.4_lowered:
.L_overlay_start_0:
0x88: {  	s2 =	sld [smem:$0x3FD9]  }
0x89: {  	s3 =	sld [smem:$0x3FFE];
	_ =	sdelay $0x1  }
0x8a: {  	s1 =	srdreg.scid  }
0x8b: {  	s0 =	sand.u32 $0x1, s1  }
0x8c: {  	s16 =	sshll.u32 s0, $0xA;
	s2 =	sadd.s32 s3, s2  }
0x8d: {  	s2 =	sadd.s32 s2, s16  }
0x8e: {  	[smem:$0x3FBF] =	sst s2  }
0x8f: {  	_ = 	snop  }
0x90: {  	(tm) =	ssettm $0x1  }
0x91: {  	s17 =	sld [smem:$0x3FFB];
	_ =	sdelay $0x3  }
0x92: {  	_ =	strace s17  }
0x93: {  	s2 =	sld [smem:$0x3FFC];
	_ =	sdelay $0x3  }
0x94: {  	_ =	strace s2  }
0x95: {  	s2 =	sld [smem:$0x3FFD];
	_ =	sdelay $0x3  }
0x96: {  	_ =	strace s2  }
0x97: {  	_ =	strace $0x8FFFFFFF  }
0x98: {  	s18 =	sld [smem:$0x3FDB];
	_ =	sdelay $0x1  }
0x99: {  	s19 =	simm.s32 $_scs_section_size  }
0x9a: {  	s4 =	simm.s32 $_size__tile_overlayer_lowered;
	s5 =	simm.s32 $_tile_overlayer_lowered  }
0x9b: {  	s22 =	simm.s32 $0x1BFF;
	s21 =	sshll.u32 s5, $0x1;
	s2 =	sadd.s32 s19, s18  }
0x9c: {  	s6 =	simm.s32 $0x0;
	s20 =	sshll.u32 s4, $0x1;
	s4 =	sadd.s32 s21, s2  }
0x9d: {  	[timem:s6], [sflag:s22] =	dma.local [hbm:s4], s20  }
0x9e: {  	_ =	swait.ge [sflag:s22], s20  }
0x9f: {  	s3 =	ssub.s32 $0x0, s20;
	[sflag:s22] =	ssyncset.done $0x0  }
0xa0: {  	[sflag:s22] =	ssyncadd.s32 s3;
	_ =	sdelay $0x1  }
0xa1: {  	s23 =	simm.s32 $0x1B8B  }
0xa2: {  	_ =	swait.ge [sflag:s23], $0x1  }
0xa3: {  	[sflag:s23] =	ssyncset.done $0x0  }
0xa4: {  	s25 =	simm.s32 $0x1B8E;
	s24 =	sld [smem:$0x3FFE];
	[sflag:s23] =	ssyncadd.s32 $0xFFFFFFFF  }
0xa5: {  	s26 =	simm.s32 $execute0_lowered;
	[smem:$0x3FD2] =	sst s25  }
0xa6: {  	s4 =	sshll.u32 s26, $0x1;
	_ =	strace $0x8000004F;
	[dreg:$0x1] =	wrdreg $0xFFFFFFFF  }
0xa7: {  	s28 =	simm.s32 $_size_execute0_lowered;
	s2 =	sadd.s32 s2, s4;
	[dreg:$0x0] =	wrdreg $0x0  }
0xa8: {  	s4 =	sshll.u32 s28, $0x1;
	[dreg:$0x2] =	wrdreg s2  }
0xa9: {  	[dreg:$0x3] =	wrdreg s4  }
0xaa: {  	[dreg:$0x4] =	wrdreg $0xC0  }
0xab: {  	_ =	task [dreg:s6], $0x5FFFF  }
0xac: {  	[dreg:$0x1] =	wrdreg $0xFFFFFFFF  }
0xad: {  	[dreg:$0x0] =	wrdreg $0x60  }
0xae: {  	[dreg:$0x2] =	wrdreg s24  }
0xaf: {  	[dreg:$0x3] =	wrdreg $0x30000  }
0xb0: {  	[dreg:$0x4] =	wrdreg $0xA  }
0xb1: {  	_ =	task.clear_ibuf [dreg:s6], $0x5FFFF;
	_ =	strace $0x9000004F  }
0xb2: {  	s29 =	simm.s32 $0xA;
	_ =	strace $0x80000051  }
0xb3: {  	_ =	swait.ge [sflag:s29], $0x1  }
0xb4: {  	[sflag:s29] =	ssyncadd.s32 $0xFFFFFFFF  }
0xb5: {  	_ =	strace $0x90000051  }
0xb6: {  	_ =	sfence  }
0xb7: {  	s30 =	sld [smem:$0x0];
	_ =	sdelay $0x2  }
0xb8: {  	s31 =	sshll.u32 s1, $0xD;
	s1 =	sshrl.u32 s1, $0x2  }
0xb9: {  	s3 =	sand.u32 $0x4000, s31;
	s1 =	sadd.s32 s1, s30  }
0xba: {  	s0 =	sor.u32 s3, s0;
	s1 =	sshll.u32 s1, $0x11  }
0xbb: {  	s0 =	sor.u32 s1, s0  }
0xbc: {  	s0 =	sadd.s32 $0x8F2B, s0  }
0xbd: {  	[sflag:s0] =	ssyncadd.remote.s32 $0x1  }
0xbe: {  	_ =	sfence.sel $0xFFFF  }
0xbf: {  	[dreg:$0x0] =	wrdreg $0xFFFFFFFF;
	(pc) =	sbr.abs _section_cstart, $3  }
0xc0: {  	[dreg:$0x1] =	wrdreg $0xFFFFFFFF  }
0xc1: {  	_ =	task.clear_ibuf [dreg:s6], $0x2FFFF;
	_ =	strace $0x9FFFFFFF  }
0xc2: {  	(tm) =	ssettm $0x7FFFFFFF  }
0xc3: {  	_ =	shalt  }
tec
execute0_lowered:
.L_overlay_start_1:
0x0: {  	(tag) =	ssettag $0x1  }
0x1: {  	s5 =	rddreg [dreg:$0x0];
	s1 =	srdreg.scid  }
0x2: {  	s0 =	stileid.u32;
	s2 =	rddreg [dreg:$0x1];
	s3 =	simm.s32 $0x0  }
0x3: {  	s14 =	simm.s32 $0x80;
	s15 =	simm.s32 $0x2800;
	s16 =	simm.s32 $0x2C00  }
0x4: {  	s17 =	simm.s32 $0x1;
	s18 =	simm.s32 $0x2;
	s19 =	simm.s32 $0x1380  }
0x5: {  	s20 =	simm.s32 $0x2700;
	s21 =	simm.s32 $0x2780;
	s22 =	simm.s32 $0x0  }
0x6: {  	s6 =	sand.u32 $0x1, s1;
	s1 =	rddreg [dreg:$0x2];
	s8 =	smul.u32 $0x1400, s0  }
0x7: {  	s4 =	sshll.u32 s0, $0x1;
	[smem:$0x7FF] =	sst s3;
	s9 =	smul.u32 $0x280, s0  }
0x8: {  	s31 =	sshll.u32 s0, $0x6;
	s4 =	sor.u32 s6, s4;
	s13 =	smul.u32 $0x2800, s6  }
0x9: {  	_ =	strace $0x80000050;
	s10 =	ssub.s32 $0x2, s6;
	s7 =	smul.u32 $0x280, s4  }
0xa: {  	s4 =	sadd.s32 $0x2000, s5;
	s11 =	sshrl.u32 s8, $0x3;
	s12 =	sshrl.u32 s10, $0x1  }
0xb: {  	s9 =	sadd.s32 s9, s5;
	s30 =	sadd.s32 s8, s2;
	s11 =	sadd.s32 s11, s5  }
0xc: {  	s10 =	ssub.s32 s10, s12;
	s9 =	sadd.s32 s13, s9;
	s12 =	sor.u32 $0x1C03, s31  }
0xd: {  	s13 =	sshrl.u32 s30, $0x3;
	s7 =	sadd.s32 s7, s5;
	s8 =	sadd.s32 $0x3AC00, s9  }
0xe: {  	s9 =	smax.u32 s10, $0x1;
	s10 =	simm.s32 $0x3;
	s5 =	sadd.s32 $0x3FC00, s7  }
0xf: {  	s6 =	sadd.s32 $0xB400, s7;
	s7 =	sadd.s32 $0x10400, s11;
	s11 =	simm.s32 $0x1400  }
.LBB2_1:
0x10: {  	[tilespmem:s3], [sflag:$0x3] =	stream.linear.gather [hbm4b:s5+s3], $0x1400, $0x38;
	[tilespmem:$0x4400] =	vst v63  }
0x11: {  	_ =	swait.ge [sflag:s10], $0x1400  }
0x12: {  	[sflag:s10] =	ssyncset.done $0x0  }
0x13: {  	[sflag:s10] =	ssyncadd.s32 $0xFFFFEC00  }
0x14: {  	[tilespmem:s11], [sflag:$0x3] =	stream.linear.gather [hbm4b:s6+s3], $0x1400, $0x38;
	[tilespmem:$0x4400] =	vst v63  }
0x15: {  	_ =	swait.ge [sflag:s10], $0x1400  }
0x16: {  	[sflag:s10] =	ssyncset.done $0x0  }
0x17: {  	[sflag:s10] =	ssyncadd.s32 $0xFFFFEC00  }
0x18: {  	[spmem:s13], [sflag:s12] =	dma.local [hbm:s7], $0x280  }
0x19: {  	_ =	swait.ge [sflag:s10], $0x280  }
0x1a: {  	[sflag:s10] =	ssyncset.done $0x0  }
0x1b: {  	[sflag:s10] =	ssyncadd.s32 $0xFFFFFD80  }
0x1c: {  	[bflag:$0x0] =	sbarrier.arrive $0xFFFF  }
0x1d: {  	[tilespmem:s15], [sflag:$0x1] =	stream.indirect.gather [hbm4b:s4+s14], $0x8, s3, s14, $0xb8;
	[tilespmem:$0x4400] =	vst v63  }
0x1e: {  	s23 =	simm.s32 $0x80  }
0x1f: {  	[tilespmem:s16], [sflag:$0x2] =	stream.indirect.gather [hbm4b:s4+s14], $0x8, s23, s14, $0xb8;
	[tilespmem:$0x4400] =	vst v63  }
0x20: {  	_ =	swait.ge [sflag:s17], $0x400  }
0x21: {  	[sflag:s17] =	ssyncset.done $0x0  }
0x22: {  	s29 =	simm.s32 $0x1400;
	[sflag:s17] =	ssyncadd.s32 $0xFFFFFC00  }
0x23: {  	[spmem:s2] =	stream.indirect.scatter.add.f32 [tilespmem:s15], [sflag:$0x3], $0x8, s29, s14, $0xb8;
	[tilespmem:$0x4400] =	vst v63  }
0x24: {  	_ =	swait.ge [sflag:s10], $0x400  }
0x25: {  	[sflag:s10] =	ssyncset.done $0x0  }
0x26: {  	s30 =	simm.s32 $0x100;
	[sflag:s10] =	ssyncadd.s32 $0xFFFFFC00  }
0x27: {  	[tilespmem:s15], [sflag:$0x1] =	stream.indirect.gather [hbm4b:s4+s14], $0x8, s30, s14, $0xb8;
	[tilespmem:$0x4400] =	vst v63  }
0x28: {  	_ =	swait.ge [sflag:s18], $0x400  }
0x29: {  	[sflag:s18] =	ssyncset.done $0x0  }
0x2a: {  	s31 =	simm.s32 $0x1480;
	[sflag:s18] =	ssyncadd.s32 $0xFFFFFC00  }
0x2b: {  	[spmem:s2] =	stream.indirect.scatter.add.f32 [tilespmem:s16], [sflag:$0x3], $0x8, s31, s14, $0xb8;
	[tilespmem:$0x4400] =	vst v63  }
0x2c: {  	_ =	swait.ge [sflag:s10], $0x400  }
0x2d: {  	s24 =	simm.s32 $0x800;
	s23 =	simm.s32 $0x100;
	[sflag:s10] =	ssyncset.done $0x0  }
.LBB2_2:
0x2e: {  	s25 =	sadd.s32 $0x80, s23  }
0x2f: {  	[sflag:s10] =	ssyncadd.s32 $0xFFFFFC00;
	s26 =	smov.u32 s24;
	s28 =	sadd.s32 $0x400, s24  }
0x30: {  	[tilespmem:s16], [sflag:$0x2] =	stream.indirect.gather [hbm4b:s4+s14], $0x8, s25, s14, $0xb8;
	[tilespmem:$0x4400] =	vst v63  }
0x31: {  	p0 =	sne.s32 s24, $0x4800;
	_ =	swait.ge [sflag:s17], $0x400  }
0x32: {  	[sflag:s17] =	ssyncset.done $0x0  }
0x33: {  	s24 =	sadd.s32 $0x1400, s23;
	[sflag:s17] =	ssyncadd.s32 $0xFFFFFC00  }
0x34: {  	[spmem:s2] =	stream.indirect.scatter.add.f32 [tilespmem:s15], [sflag:$0x3], $0x8, s24, s14, $0xb8;
	[tilespmem:$0x4400] =	vst v63  }
0x35: {  	_ =	swait.ge [sflag:s10], $0x400  }
0x36: {  	[sflag:s10] =	ssyncset.done $0x0  }
0x37: {  	s24 =	sadd.s32 $0x100, s23;
	[sflag:s10] =	ssyncadd.s32 $0xFFFFFC00  }
0x38: {  	[tilespmem:s15], [sflag:$0x1] =	stream.indirect.gather [hbm4b:s4+s14], $0x8, s24, s14, $0xb8;
	[tilespmem:$0x4400] =	vst v63  }
0x39: {  	_ =	swait.ge [sflag:s18], $0x400  }
.Ltmp0:
0x3a: {  	[sflag:s18] =	ssyncset.done $0x0;
	(pc) =	sbr.rel @p0 .LBB2_2-.Ltmp0, $4  }
0x3b: {  	s23 =	sadd.s32 $0x1480, s23;
	[sflag:s18] =	ssyncadd.s32 $0xFFFFFC00  }
0x3c: {  	[spmem:s2] =	stream.indirect.scatter.add.f32 [tilespmem:s16], [sflag:$0x3], $0x8, s23, s14, $0xb8;
	[tilespmem:$0x4400] =	vst v63  }
0x3d: {  	_ =	swait.ge [sflag:s10], $0x400  }
0x3e: {  	s24 =	smov.u32 s28;
	s23 =	sshra.s32 s26, $0x2;
	[sflag:s10] =	ssyncset.done $0x0  }
0x3f: {  	s24 =	sadd.s32 $0x80, s23;
	[sflag:s10] =	ssyncadd.s32 $0xFFFFFC00  }
0x40: {  	[tilespmem:s16], [sflag:$0x2] =	stream.indirect.gather [hbm4b:s4+s14], $0x8, s24, s14, $0xb8;
	[tilespmem:$0x4400] =	vst v63  }
0x41: {  	_ =	swait.ge [sflag:s17], $0x400  }
0x42: {  	[sflag:s17] =	ssyncset.done $0x0  }
0x43: {  	s29 =	sadd.s32 $0x1400, s23;
	[sflag:s17] =	ssyncadd.s32 $0xFFFFFC00  }
0x44: {  	[spmem:s2] =	stream.indirect.scatter.add.f32 [tilespmem:s15], [sflag:$0x3], $0x8, s29, s14, $0xb8;
	[tilespmem:$0x4400] =	vst v63  }
0x45: {  	_ =	swait.ge [sflag:s10], $0x400  }
0x46: {  	[sflag:s10] =	ssyncset.done $0x0  }
0x47: {  	s30 =	sadd.s32 $0x100, s23;
	[sflag:s10] =	ssyncadd.s32 $0xFFFFFC00  }
0x48: {  	[tilespmem:s15], [sflag:$0x1] =	stream.indirect.gather [hbm4b:s4+s14], $0x8, s30, s14, $0xb8;
	[tilespmem:$0x4400] =	vst v63  }
0x49: {  	_ =	swait.ge [sflag:s18], $0x400  }
0x4a: {  	[sflag:s18] =	ssyncset.done $0x0  }
0x4b: {  	s31 =	sadd.s32 $0x1480, s23;
	[sflag:s18] =	ssyncadd.s32 $0xFFFFFC00  }
0x4c: {  	[spmem:s2] =	stream.indirect.scatter.add.f32 [tilespmem:s16], [sflag:$0x3], $0x8, s31, s14, $0xb8;
	[tilespmem:$0x4400] =	vst v63  }
0x4d: {  	_ =	swait.ge [sflag:s10], $0x400  }
0x4e: {  	[sflag:s10] =	ssyncset.done $0x0  }
0x4f: {  	[sflag:s10] =	ssyncadd.s32 $0xFFFFFC00  }
0x50: {  	[tilespmem:s16], [sflag:$0x2] =	stream.indirect.gather [hbm4b:s4+s14], $0x8, s19, s14, $0xb8;
	[tilespmem:$0x4400] =	vst v63  }
0x51: {  	_ =	swait.ge [sflag:s17], $0x400  }
0x52: {  	[sflag:s17] =	ssyncset.done $0x0  }
0x53: {  	[sflag:s17] =	ssyncadd.s32 $0xFFFFFC00  }
0x54: {  	[spmem:s2] =	stream.indirect.scatter.add.f32 [tilespmem:s15], [sflag:$0x3], $0x8, s20, s14, $0xb8;
	[tilespmem:$0x4400] =	vst v63  }
0x55: {  	_ =	swait.ge [sflag:s10], $0x400  }
0x56: {  	[sflag:s10] =	ssyncset.done $0x0  }
0x57: {  	[sflag:s10] =	ssyncadd.s32 $0xFFFFFC00  }
0x58: {  	_ =	swait.ge [sflag:s18], $0x400  }
0x59: {  	[sflag:s18] =	ssyncset.done $0x0  }
0x5a: {  	[sflag:s18] =	ssyncadd.s32 $0xFFFFFC00  }
0x5b: {  	[spmem:s2] =	stream.indirect.scatter.add.f32 [tilespmem:s16], [sflag:$0x3], $0x8, s21, s14, $0xb8;
	[tilespmem:$0x4400] =	vst v63  }
0x5c: {  	_ =	swait.ge [sflag:s10], $0x400  }
0x5d: {  	s22 =	sadd.s32 $0x1, s22;
	[sflag:s10] =	ssyncset.done $0x0  }
0x5e: {  	p0 =	sne.s32 s22, s9;
	[sflag:s10] =	ssyncadd.s32 $0xFFFFFC00  }
.Ltmp1:
0x5f: {  	[bflag:$0x0] =	sbarrier.arrive $0xFFFF;
	(pc) =	sbr.rel @p0 .LBB2_1-.Ltmp1, $4  }
0x60: {  	[hbm:s8], [sflag:s12] =	dma.local [spmem:s13], $0x280  }
0x61: {  	_ =	swait.ge [sflag:s10], $0x280  }
0x62: {  	[sflag:s10] =	ssyncset.done $0x0  }
0x63: {  	[sflag:s10] =	ssyncadd.s32 $0xFFFFFD80  }
0x64: {  	_ =	sfence.sel $0x180000  }
0x65: {  	[bflag:$0x0] =	sbarrier.arrive $0xFFFF  }
0x66: {  	p0 =	sne.s32 s0, $0x0;
	_ =	strace $0x90000050  }
0x67: {  	s0 =	sadd.s32 @!p0 $0x100000, s1;
	[bflag:$0x2] =	sbarrier.arrive $0xFFFF  }
0x68: {  	[sflag:s0] =	ssyncadd.tile.s32 @!p0 $0x1;
	_ =	shalt  }
.Lfunc_end2:
_tile_overlayer_lowered:
.L_overlay_start_2:
0x69: {  	(tag) =	ssettag $0x2  }
0x6a: {  	s0 =	rddreg [dreg:$0x0];
	s2 =	stileid.u32  }
0x6b: {  	s1 =	rddreg [dreg:$0x1];
	p0 =	sne.s32 s2, $0x0  }
0x6c: {  	s3 =	rddreg [dreg:$0x2];
	[bflag:$0x3] =	sbarrier.arrive $0xFFFF;
	s2 =	simm.s32 @!p0 $0x1C03  }
0x6d: {  	[timem:s3], [sflag:s2] =	dma.local @!p0 [hbm:s0], s1  }
0x6e: {  	s0 =	simm.s32 @!p0 $0x3  }
0x6f: {  	_ =	swait.ge @!p0 [sflag:s0], s1  }
0x70: {  	s1 =	ssub.s32 @!p0 $0x0, s1;
	[sflag:s0] =	ssyncset.done @!p0 $0x0  }
0x71: {  	[sflag:s0] =	ssyncadd.s32 @!p0 s1  }
0x72: {  	[bflag:$0x3] =	sbarrier.arrive $0xFFFF  }
0x73: {  	_ =	shalt  }

// kernel: kernel.34.cloned.1.call-start
scs
__scs_entry_jumppad:
0x0: {  	(pc) =	sbr.rel $0x88, $3  }
0x1: {  	(tag) =	ssettag $0x0;
	lr =	simm.s32 $0x1  }
0x2: {  	[smem:$0x3F98] =	sst lr;
	_ =	strace $0xD0000000  }
0x3: {  	_ = 	snop  }
0x4: {  	_ = 	snop  }
0x5: {  	_ = 	snop  }
0x6: {  	_ = 	snop  }
0x7: {  	_ = 	snop  }
__scs_overlays_trampoline_lowered:
0x8: {  	[smem:$0x3FA7] =	sst s0  }
0x9: {  	[smem:$0x3FA8] =	sst s1  }
0xa: {  	[smem:$0x3FA9] =	sst s2  }
0xb: {  	[smem:$0x3FAA] =	sst s3  }
0xc: {  	[smem:$0x3FAB] =	sst s4  }
0xd: {  	[smem:$0x3FAC] =	sst s5  }
0xe: {  	[smem:$0x3FAD] =	sst s6  }
0xf: {  	[smem:$0x3FAE] =	sst s7  }
0x10: {  	[smem:$0x3FAF] =	sst s8  }
0x11: {  	[smem:$0x3FB0] =	sst s9;
	s0 =	simm.s32 @!p0 $0x0  }
0x12: {  	s1 =	sld [smem:$0x3F96];
	s0 =	simm.s32 @p0 $0x1  }
0x13: {  	[smem:$0x3FB1] =	sst s0;
	s0 =	simm.s32 @!p1 $0x0  }
0x14: {  	s2 =	sld [smem:$0x3F95];
	s0 =	simm.s32 @p1 $0x1  }
0x15: {  	[smem:$0x3FB2] =	sst s0;
	s0 =	simm.s32 @!p2 $0x0  }
0x16: {  	s3 =	sld [smem:$0x3FDB];
	s0 =	simm.s32 @p2 $0x1  }
0x17: {  	s4 =	simm.s32 $0x1BF5;
	[smem:$0x3FB4] =	sst s0  }
0x18: {  	s0 =	sld [smem:$0x3F97];
	_ =	swait.ge [sflag:s4], $0x0  }
0x19: {  	s7 =	sld [smem:$0x3F98]  }
0x1a: {  	s8 =	sadd.s32 $0xFFFFE003, lr  }
0x1b: {  	s9 =	sadd.s32 $0xFFFFFEF7, lr;
	s5 =	simm.s32 $0xFFFFFFFF;
	p2 =	slt.u32 s8, $0xFFFFF086  }
0x1c: {  	p1 =	slt.u32 s9, $0xF7A;
	s5 =	simm.s32 @!p2 $0x0  }
0x1d: {  	s5 =	simm.s32 @p1 $0x1;
	p0 =	seq.s32 s7, s2  }
0x1e: {  	s7 =	smul.u32 @!p0 $0xF7A, s2;
	p2 =	seq.s32 @!p0 s5, $0x0  }
0x1f: {  	s9 =	smul.u32 $0xF7A, s1;
	s8 =	simm.s32 @!p0 $0x1BF5;
	p2 =	por !p2, p0  }
0x20: {  	[sflag:s8] =	ssyncset.s32 @!p0 $0xFFFFF086;
	s6 =	sadd.s32 @!p0 s3, s7;
	s7 =	simm.s32 @!p0 $0x108  }
0x21: {  	s3 =	sadd.s32 s3, s9;
	s6 =	sadd.s32 @!p0 $0x88, s6;
	s7 =	simm.s32 @p2 $0x1082  }
0x22: {  	[simem:s7], [sflag:s8] =	dma.local @!p0 [hbm:s6], $0xF7A  }
0x23: {  	s9 =	sor.u32 $0xD0000000, s2;
	s6 =	simm.s32 $0x108;
	_ =	swait.ge @!p0 [sflag:s8], $0x0  }
0x24: {  	s3 =	sadd.s32 $0x88, s3;
	s6 =	simm.s32 @!p1 $0x1082;
	[sflag:s4] =	ssyncset.s32 $0xFFFFF086  }
0x25: {  	[simem:s6], [sflag:s4] =	dma.local [hbm:s3], $0xF7A  }
0x26: {  	[smem:$0x3F98] =	sst s1;
	(tag) =	ssettag s2;
	_ =	strace s9  }
0x27: {  	s1 =	sld [smem:$0x3FA8]  }
0x28: {  	s2 =	sld [smem:$0x3FA9]  }
0x29: {  	s4 =	sld [smem:$0x3FAB]  }
0x2a: {  	p0 =	seq.s32 s5, $0x0;
	s5 =	sld [smem:$0x3FAC]  }
0x2b: {  	s6 =	sld [smem:$0x3FAD]  }
0x2c: {  	s7 =	sld [smem:$0x3FAE]  }
0x2d: {  	s3 =	simm.s32 $0x108;
	s8 =	sld [smem:$0x3FAF]  }
0x2e: {  	s3 =	simm.s32 @!p0 $0x1082;
	s9 =	sld [smem:$0x3FB0]  }
0x2f: {  	lr =	sadd.s32 s0, s3;
	s0 =	sld [smem:$0x3FA7]  }
0x30: {  	s3 =	sld [smem:$0x3FAA]  }
0x31: {  	[smem:$0x3FB3] =	sst s10  }
0x32: {  	s10 =	sld [smem:$0x3FB1];
	_ =	sdelay $0x3  }
0x33: {  	p0 =	seq.s32 s10, $0x1;
	s10 =	sld [smem:$0x3FB3];
	_ =	sdelay $0x3  }
0x34: {  	[smem:$0x3FB3] =	sst s10  }
0x35: {  	s10 =	sld [smem:$0x3FB2];
	_ =	sdelay $0x3  }
0x36: {  	p1 =	seq.s32 s10, $0x1;
	s10 =	sld [smem:$0x3FB3];
	_ =	sdelay $0x3  }
0x37: {  	[smem:$0x3FB3] =	sst s10  }
0x38: {  	s10 =	sld [smem:$0x3FB4]  }
0x39: {  	_ = 	snop;
	(pc) =	sbr.ind lr, $3  }
0x3a: {  	_ = 	snop  }
0x3b: {  	_ = 	snop  }
0x3c: {  	p2 =	seq.s32 s10, $0x1;
	s10 =	sld [smem:$0x3FB3]  }
0x3d: {  	_ =	shalt  }
0x3e: {  	_ =	shalt  }
0x3f: {  	_ =	shalt  }
0x40: {  	_ =	shalt  }
0x41: {  	_ =	shalt  }
0x42: {  	_ =	shalt  }
0x43: {  	_ =	shalt  }
0x44: {  	_ =	shalt  }
0x45: {  	_ =	shalt  }
0x46: {  	_ =	shalt  }
0x47: {  	_ =	shalt  }
0x48: {  	_ =	shalt  }
0x49: {  	_ =	shalt  }
0x4a: {  	_ =	shalt  }
0x4b: {  	_ =	shalt  }
0x4c: {  	_ =	shalt  }
0x4d: {  	_ =	shalt  }
0x4e: {  	_ =	shalt  }
0x4f: {  	_ =	shalt  }
0x50: {  	_ =	shalt  }
0x51: {  	_ =	shalt  }
0x52: {  	_ =	shalt  }
0x53: {  	_ =	shalt  }
0x54: {  	_ =	shalt  }
0x55: {  	_ =	shalt  }
0x56: {  	_ =	shalt  }
0x57: {  	_ =	shalt  }
0x58: {  	_ =	shalt  }
0x59: {  	_ =	shalt  }
0x5a: {  	_ =	shalt  }
0x5b: {  	_ =	shalt  }
0x5c: {  	_ =	shalt  }
0x5d: {  	_ =	shalt  }
0x5e: {  	_ =	shalt  }
0x5f: {  	_ =	shalt  }
0x60: {  	_ =	shalt  }
0x61: {  	_ =	shalt  }
0x62: {  	_ =	shalt  }
0x63: {  	_ =	shalt  }
0x64: {  	_ =	shalt  }
0x65: {  	_ =	shalt  }
0x66: {  	_ =	shalt  }
0x67: {  	_ =	shalt  }
0x68: {  	_ =	shalt  }
0x69: {  	_ =	shalt  }
0x6a: {  	_ =	shalt  }
0x6b: {  	_ =	shalt  }
0x6c: {  	_ =	shalt  }
0x6d: {  	_ =	shalt  }
0x6e: {  	_ =	shalt  }
0x6f: {  	_ =	shalt  }
0x70: {  	_ =	shalt  }
0x71: {  	_ =	shalt  }
0x72: {  	_ =	shalt  }
0x73: {  	_ =	shalt  }
0x74: {  	_ =	shalt  }
0x75: {  	_ =	shalt  }
0x76: {  	_ =	shalt  }
0x77: {  	_ =	shalt  }
0x78: {  	_ =	shalt  }
0x79: {  	_ =	shalt  }
0x7a: {  	_ =	shalt  }
0x7b: {  	_ =	shalt  }
0x7c: {  	_ =	shalt  }
0x7d: {  	_ =	shalt  }
0x7e: {  	_ =	shalt  }
0x7f: {  	_ =	shalt  }
0x80: {  	_ =	shalt  }
0x81: {  	_ =	shalt  }
0x82: {  	_ =	shalt  }
0x83: {  	_ =	shalt  }
0x84: {  	_ =	shalt  }
0x85: {  	_ =	shalt  }
0x86: {  	_ =	shalt  }
0x87: {  	_ =	shalt  }
.Lfunc_end0:
.L_simem_size_0:
called_computation.5_lowered:
.L_overlay_start_0:
0x88: {  	s2 =	sld [smem:$0x3FD9]  }
0x89: {  	s3 =	sld [smem:$0x3FFE];
	_ =	sdelay $0x1  }
0x8a: {  	s1 =	srdreg.scid  }
0x8b: {  	s0 =	sand.u32 $0x1, s1  }
0x8c: {  	s17 =	sshll.u32 s0, $0xA;
	s2 =	sadd.s32 s3, s2  }
0x8d: {  	s2 =	sadd.s32 s2, s17  }
0x8e: {  	[smem:$0x3FBF] =	sst s2  }
0x8f: {  	_ = 	snop  }
0x90: {  	(tm) =	ssettm $0x1  }
0x91: {  	s18 =	sld [smem:$0x3FFB];
	_ =	sdelay $0x3  }
0x92: {  	_ =	strace s18  }
0x93: {  	s2 =	sld [smem:$0x3FFC];
	_ =	sdelay $0x3  }
0x94: {  	_ =	strace s2  }
0x95: {  	s2 =	sld [smem:$0x3FFD];
	_ =	sdelay $0x3  }
0x96: {  	_ =	strace s2  }
0x97: {  	_ =	strace $0x8FFFFFFF  }
0x98: {  	s19 =	sld [smem:$0x3FDB];
	_ =	sdelay $0x1  }
0x99: {  	s20 =	simm.s32 $_scs_section_size  }
0x9a: {  	s4 =	simm.s32 $_size__tile_overlayer_lowered;
	s5 =	simm.s32 $_tile_overlayer_lowered  }
0x9b: {  	s6 =	simm.s32 $0x1BFF;
	s21 =	sshll.u32 s5, $0x1;
	s3 =	sadd.s32 s20, s19  }
0x9c: {  	s22 =	simm.s32 $0x0;
	s4 =	sshll.u32 s4, $0x1;
	s5 =	sadd.s32 s21, s3  }
0x9d: {  	[timem:s22], [sflag:s6] =	dma.local [hbm:s5], s4  }
0x9e: {  	_ =	swait.ge [sflag:s6], s4  }
0x9f: {  	s4 =	ssub.s32 $0x0, s4;
	[sflag:s6] =	ssyncset.done $0x0  }
0xa0: {  	[sflag:s6] =	ssyncadd.s32 s4;
	_ =	sdelay $0x1  }
0xa1: {  	s23 =	simm.s32 $0x1B8B  }
0xa2: {  	_ =	swait.ge [sflag:s23], $0x1  }
0xa3: {  	[sflag:s23] =	ssyncset.done $0x0  }
0xa4: {  	[sflag:s23] =	ssyncadd.s32 $0xFFFFFFFF  }
0xa5: {  	s4 =	sld [smem:$0x0]  }
0xa6: {  	s5 =	sand.u32 $0xFFFFFFFE, s1  }
0xa7: {  	p0 =	sne.s32 s1, s5  }
0xa8: {  	s5 =	sshll.u32 @p0 s5, $0xE  }
0xa9: {  	s5 =	sadd.s32 @p0 $0x11B8D, s5;
	s6 =	sshll.u32 @p0 s4, $0x11  }
0xaa: {  	s5 =	sor.u32 @p0 s6, s5  }
0xab: {  	[sflag:s5] =	ssyncadd.remote.s32 @p0 $0x1;
	_ =	sdelay $0x1  }
0xac: {  	s5 =	simm.s32 @p0 $0x1B8D  }
0xad: {  	_ =	swait.eq @p0 [sflag:s5], $0x1  }
0xae: {  	[sflag:s5] =	ssyncadd.s32 @p0 $0xFFFFFFFF  }
0xaf: {  	s6 =	sshll.u32 @!p0 s1, $0xE  }
0xb0: {  	s6 =	sor.u32 @!p0 $0x4000, s6;
	s5 =	simm.s32 @!p0 $0x1B8D  }
0xb1: {  	s4 =	sshll.u32 @!p0 s4, $0x11;
	s6 =	sadd.s32 @!p0 $0x11B8D, s6;
	_ =	swait.eq @!p0 [sflag:s5], $0x1  }
0xb2: {  	s4 =	sor.u32 @!p0 s4, s6;
	[sflag:s5] =	ssyncadd.s32 @!p0 $0xFFFFFFFF  }
0xb3: {  	s25 =	simm.s32 $0x1B8E;
	s24 =	sld [smem:$0x3FFE];
	[sflag:s4] =	ssyncadd.remote.s32 @!p0 $0x1  }
0xb4: {  	s26 =	simm.s32 $execute0_lowered;
	[smem:$0x3FD2] =	sst s25  }
0xb5: {  	s5 =	sshll.u32 s26, $0x1;
	_ =	strace $0x80000055;
	[dreg:$0x1] =	wrdreg $0xFFFFFFFF  }
0xb6: {  	s28 =	simm.s32 $_size_execute0_lowered;
	s3 =	sadd.s32 s3, s5;
	[dreg:$0x0] =	wrdreg $0x0  }
0xb7: {  	s5 =	sshll.u32 s28, $0x1;
	[dreg:$0x2] =	wrdreg s3  }
0xb8: {  	[dreg:$0x3] =	wrdreg s5  }
0xb9: {  	[dreg:$0x4] =	wrdreg $0xC0  }
0xba: {  	_ =	task [dreg:s22], $0x5FFFF  }
0xbb: {  	[dreg:$0x1] =	wrdreg $0xFFFFFFFF  }
0xbc: {  	[dreg:$0x0] =	wrdreg $0x60  }
0xbd: {  	[dreg:$0x2] =	wrdreg s24  }
0xbe: {  	[dreg:$0x3] =	wrdreg $0x30000  }
0xbf: {  	[dreg:$0x4] =	wrdreg $0xA  }
0xc0: {  	_ =	task.clear_ibuf [dreg:s22], $0x5FFFF;
	_ =	strace $0x90000055  }
0xc1: {  	s29 =	simm.s32 $0xA;
	_ =	strace $0x80000057  }
0xc2: {  	_ =	swait.ge [sflag:s29], $0x1  }
0xc3: {  	[sflag:s29] =	ssyncadd.s32 $0xFFFFFFFF  }
0xc4: {  	_ =	strace $0x90000057  }
0xc5: {  	_ =	sfence  }
0xc6: {  	s30 =	sld [smem:$0x0];
	_ =	sdelay $0x2  }
0xc7: {  	s31 =	sshll.u32 s1, $0xD;
	s1 =	sshrl.u32 s1, $0x2  }
0xc8: {  	s4 =	sand.u32 $0x4000, s31;
	s1 =	sadd.s32 s1, s30  }
0xc9: {  	s0 =	sor.u32 s4, s0;
	s1 =	sshll.u32 s1, $0x11  }
0xca: {  	s0 =	sor.u32 s1, s0  }
0xcb: {  	s0 =	sadd.s32 $0x8F2B, s0  }
0xcc: {  	[sflag:s0] =	ssyncadd.remote.s32 $0x1  }
0xcd: {  	_ =	sfence.sel $0xFFFF  }
0xce: {  	[dreg:$0x0] =	wrdreg $0xFFFFFFFF;
	(pc) =	sbr.abs _section_cstart, $3  }
0xcf: {  	[dreg:$0x1] =	wrdreg $0xFFFFFFFF  }
0xd0: {  	_ =	task.clear_ibuf [dreg:s22], $0x2FFFF;
	_ =	strace $0x9FFFFFFF  }
0xd1: {  	(tm) =	ssettm $0x7FFFFFFF  }
tec
execute0_lowered:
.L_overlay_start_1:
0x0: {  	(tag) =	ssettag $0x1  }
0x1: {  	s5 =	rddreg [dreg:$0x0];
	s1 =	srdreg.scid  }
0x2: {  	s0 =	stileid.u32;
	s2 =	rddreg [dreg:$0x1];
	s3 =	simm.s32 $0x0  }
0x3: {  	s14 =	simm.s32 $0x80;
	s15 =	simm.s32 $0x2800;
	s16 =	simm.s32 $0x2C00  }
0x4: {  	s17 =	simm.s32 $0x1;
	s18 =	simm.s32 $0x2;
	s19 =	simm.s32 $0x1380  }
0x5: {  	s20 =	simm.s32 $0x2700;
	s21 =	simm.s32 $0x2780;
	s22 =	simm.s32 $0x0  }
0x6: {  	s6 =	sand.u32 $0x1, s1;
	s1 =	rddreg [dreg:$0x2];
	s8 =	smul.u32 $0x1400, s0  }
0x7: {  	s4 =	sshll.u32 s0, $0x1;
	[smem:$0x7FF] =	sst s3;
	s9 =	smul.u32 $0x280, s0  }
0x8: {  	s31 =	sshll.u32 s0, $0x6;
	s4 =	sor.u32 s6, s4;
	s13 =	smul.u32 $0x2800, s6  }
0x9: {  	_ =	strace $0x80000056;
	s10 =	ssub.s32 $0x2, s6;
	s7 =	smul.u32 $0x280, s4  }
0xa: {  	s4 =	sadd.s32 $0x1400, s5;
	s11 =	sshrl.u32 s8, $0x3;
	s12 =	sshrl.u32 s10, $0x1  }
0xb: {  	s9 =	sadd.s32 s9, s5;
	s30 =	sadd.s32 s8, s2;
	s11 =	sadd.s32 s11, s5  }
0xc: {  	s10 =	ssub.s32 s10, s12;
	s9 =	sadd.s32 s13, s9;
	s12 =	sor.u32 $0x1C03, s31  }
0xd: {  	s13 =	sshrl.u32 s30, $0x3;
	s7 =	sadd.s32 s7, s5;
	s8 =	sadd.s32 $0x3AC00, s9  }
0xe: {  	s9 =	smax.u32 s10, $0x1;
	s10 =	simm.s32 $0x3;
	s5 =	sadd.s32 $0x3FC00, s7  }
0xf: {  	s6 =	sadd.s32 $0xB400, s7;
	s7 =	sadd.s32 $0x10400, s11;
	s11 =	simm.s32 $0x1400  }
.LBB2_1:
0x10: {  	[tilespmem:s3], [sflag:$0x3] =	stream.linear.gather [hbm4b:s5+s3], $0x1400, $0x38;
	[tilespmem:$0x4400] =	vst v63  }
0x11: {  	_ =	swait.ge [sflag:s10], $0x1400  }
0x12: {  	[sflag:s10] =	ssyncset.done $0x0  }
0x13: {  	[sflag:s10] =	ssyncadd.s32 $0xFFFFEC00  }
0x14: {  	[tilespmem:s11], [sflag:$0x3] =	stream.linear.gather [hbm4b:s6+s3], $0x1400, $0x38;
	[tilespmem:$0x4400] =	vst v63  }
0x15: {  	_ =	swait.ge [sflag:s10], $0x1400  }
0x16: {  	[sflag:s10] =	ssyncset.done $0x0  }
0x17: {  	[sflag:s10] =	ssyncadd.s32 $0xFFFFEC00  }
0x18: {  	[spmem:s13], [sflag:s12] =	dma.local [hbm:s7], $0x280  }
0x19: {  	_ =	swait.ge [sflag:s10], $0x280  }
0x1a: {  	[sflag:s10] =	ssyncset.done $0x0  }
0x1b: {  	[sflag:s10] =	ssyncadd.s32 $0xFFFFFD80  }
0x1c: {  	[bflag:$0x0] =	sbarrier.arrive $0xFFFF  }
0x1d: {  	[tilespmem:s15], [sflag:$0x1] =	stream.indirect.gather [hbm4b:s4+s14], $0x8, s3, s14, $0xb8;
	[tilespmem:$0x4400] =	vst v63  }
0x1e: {  	s23 =	simm.s32 $0x80  }
0x1f: {  	[tilespmem:s16], [sflag:$0x2] =	stream.indirect.gather [hbm4b:s4+s14], $0x8, s23, s14, $0xb8;
	[tilespmem:$0x4400] =	vst v63  }
0x20: {  	_ =	swait.ge [sflag:s17], $0x400  }
0x21: {  	[sflag:s17] =	ssyncset.done $0x0  }
0x22: {  	s29 =	simm.s32 $0x1400;
	[sflag:s17] =	ssyncadd.s32 $0xFFFFFC00  }
0x23: {  	[spmem:s2] =	stream.indirect.scatter.add.f32 [tilespmem:s15], [sflag:$0x3], $0x8, s29, s14, $0xb8;
	[tilespmem:$0x4400] =	vst v63  }
0x24: {  	_ =	swait.ge [sflag:s10], $0x400  }
0x25: {  	[sflag:s10] =	ssyncset.done $0x0  }
0x26: {  	s30 =	simm.s32 $0x100;
	[sflag:s10] =	ssyncadd.s32 $0xFFFFFC00  }
0x27: {  	[tilespmem:s15], [sflag:$0x1] =	stream.indirect.gather [hbm4b:s4+s14], $0x8, s30, s14, $0xb8;
	[tilespmem:$0x4400] =	vst v63  }
0x28: {  	_ =	swait.ge [sflag:s18], $0x400  }
0x29: {  	[sflag:s18] =	ssyncset.done $0x0  }
0x2a: {  	s31 =	simm.s32 $0x1480;
	[sflag:s18] =	ssyncadd.s32 $0xFFFFFC00  }
0x2b: {  	[spmem:s2] =	stream.indirect.scatter.add.f32 [tilespmem:s16], [sflag:$0x3], $0x8, s31, s14, $0xb8;
	[tilespmem:$0x4400] =	vst v63  }
0x2c: {  	_ =	swait.ge [sflag:s10], $0x400  }
0x2d: {  	s24 =	simm.s32 $0x800;
	s23 =	simm.s32 $0x100;
	[sflag:s10] =	ssyncset.done $0x0  }
.LBB2_2:
0x2e: {  	s25 =	sadd.s32 $0x80, s23  }
0x2f: {  	[sflag:s10] =	ssyncadd.s32 $0xFFFFFC00;
	s26 =	smov.u32 s24;
	s28 =	sadd.s32 $0x400, s24  }
0x30: {  	[tilespmem:s16], [sflag:$0x2] =	stream.indirect.gather [hbm4b:s4+s14], $0x8, s25, s14, $0xb8;
	[tilespmem:$0x4400] =	vst v63  }
0x31: {  	p0 =	sne.s32 s24, $0x4800;
	_ =	swait.ge [sflag:s17], $0x400  }
0x32: {  	[sflag:s17] =	ssyncset.done $0x0  }
0x33: {  	s24 =	sadd.s32 $0x1400, s23;
	[sflag:s17] =	ssyncadd.s32 $0xFFFFFC00  }
0x34: {  	[spmem:s2] =	stream.indirect.scatter.add.f32 [tilespmem:s15], [sflag:$0x3], $0x8, s24, s14, $0xb8;
	[tilespmem:$0x4400] =	vst v63  }
0x35: {  	_ =	swait.ge [sflag:s10], $0x400  }
0x36: {  	[sflag:s10] =	ssyncset.done $0x0  }
0x37: {  	s24 =	sadd.s32 $0x100, s23;
	[sflag:s10] =	ssyncadd.s32 $0xFFFFFC00  }
0x38: {  	[tilespmem:s15], [sflag:$0x1] =	stream.indirect.gather [hbm4b:s4+s14], $0x8, s24, s14, $0xb8;
	[tilespmem:$0x4400] =	vst v63  }
0x39: {  	_ =	swait.ge [sflag:s18], $0x400  }
.Ltmp0:
0x3a: {  	[sflag:s18] =	ssyncset.done $0x0;
	(pc) =	sbr.rel @p0 .LBB2_2-.Ltmp0, $4  }
0x3b: {  	s23 =	sadd.s32 $0x1480, s23;
	[sflag:s18] =	ssyncadd.s32 $0xFFFFFC00  }
0x3c: {  	[spmem:s2] =	stream.indirect.scatter.add.f32 [tilespmem:s16], [sflag:$0x3], $0x8, s23, s14, $0xb8;
	[tilespmem:$0x4400] =	vst v63  }
0x3d: {  	_ =	swait.ge [sflag:s10], $0x400  }
0x3e: {  	s24 =	smov.u32 s28;
	s23 =	sshra.s32 s26, $0x2;
	[sflag:s10] =	ssyncset.done $0x0  }
0x3f: {  	s24 =	sadd.s32 $0x80, s23;
	[sflag:s10] =	ssyncadd.s32 $0xFFFFFC00  }
0x40: {  	[tilespmem:s16], [sflag:$0x2] =	stream.indirect.gather [hbm4b:s4+s14], $0x8, s24, s14, $0xb8;
	[tilespmem:$0x4400] =	vst v63  }
0x41: {  	_ =	swait.ge [sflag:s17], $0x400  }
0x42: {  	[sflag:s17] =	ssyncset.done $0x0  }
0x43: {  	s29 =	sadd.s32 $0x1400, s23;
	[sflag:s17] =	ssyncadd.s32 $0xFFFFFC00  }
0x44: {  	[spmem:s2] =	stream.indirect.scatter.add.f32 [tilespmem:s15], [sflag:$0x3], $0x8, s29, s14, $0xb8;
	[tilespmem:$0x4400] =	vst v63  }
0x45: {  	_ =	swait.ge [sflag:s10], $0x400  }
0x46: {  	[sflag:s10] =	ssyncset.done $0x0  }
0x47: {  	s30 =	sadd.s32 $0x100, s23;
	[sflag:s10] =	ssyncadd.s32 $0xFFFFFC00  }
0x48: {  	[tilespmem:s15], [sflag:$0x1] =	stream.indirect.gather [hbm4b:s4+s14], $0x8, s30, s14, $0xb8;
	[tilespmem:$0x4400] =	vst v63  }
0x49: {  	_ =	swait.ge [sflag:s18], $0x400  }
0x4a: {  	[sflag:s18] =	ssyncset.done $0x0  }
0x4b: {  	s31 =	sadd.s32 $0x1480, s23;
	[sflag:s18] =	ssyncadd.s32 $0xFFFFFC00  }
0x4c: {  	[spmem:s2] =	stream.indirect.scatter.add.f32 [tilespmem:s16], [sflag:$0x3], $0x8, s31, s14, $0xb8;
	[tilespmem:$0x4400] =	vst v63  }
0x4d: {  	_ =	swait.ge [sflag:s10], $0x400  }
0x4e: {  	[sflag:s10] =	ssyncset.done $0x0  }
0x4f: {  	[sflag:s10] =	ssyncadd.s32 $0xFFFFFC00  }
0x50: {  	[tilespmem:s16], [sflag:$0x2] =	stream.indirect.gather [hbm4b:s4+s14], $0x8, s19, s14, $0xb8;
	[tilespmem:$0x4400] =	vst v63  }
0x51: {  	_ =	swait.ge [sflag:s17], $0x400  }
0x52: {  	[sflag:s17] =	ssyncset.done $0x0  }
0x53: {  	[sflag:s17] =	ssyncadd.s32 $0xFFFFFC00  }
0x54: {  	[spmem:s2] =	stream.indirect.scatter.add.f32 [tilespmem:s15], [sflag:$0x3], $0x8, s20, s14, $0xb8;
	[tilespmem:$0x4400] =	vst v63  }
0x55: {  	_ =	swait.ge [sflag:s10], $0x400  }
0x56: {  	[sflag:s10] =	ssyncset.done $0x0  }
0x57: {  	[sflag:s10] =	ssyncadd.s32 $0xFFFFFC00  }
0x58: {  	_ =	swait.ge [sflag:s18], $0x400  }
0x59: {  	[sflag:s18] =	ssyncset.done $0x0  }
0x5a: {  	[sflag:s18] =	ssyncadd.s32 $0xFFFFFC00  }
0x5b: {  	[spmem:s2] =	stream.indirect.scatter.add.f32 [tilespmem:s16], [sflag:$0x3], $0x8, s21, s14, $0xb8;
	[tilespmem:$0x4400] =	vst v63  }
0x5c: {  	_ =	swait.ge [sflag:s10], $0x400  }
0x5d: {  	s22 =	sadd.s32 $0x1, s22;
	[sflag:s10] =	ssyncset.done $0x0  }
0x5e: {  	p0 =	sne.s32 s22, s9;
	[sflag:s10] =	ssyncadd.s32 $0xFFFFFC00  }
.Ltmp1:
0x5f: {  	[bflag:$0x0] =	sbarrier.arrive $0xFFFF;
	(pc) =	sbr.rel @p0 .LBB2_1-.Ltmp1, $4  }
0x60: {  	[hbm:s8], [sflag:s12] =	dma.local [spmem:s13], $0x280  }
0x61: {  	_ =	swait.ge [sflag:s10], $0x280  }
0x62: {  	[sflag:s10] =	ssyncset.done $0x0  }
0x63: {  	[sflag:s10] =	ssyncadd.s32 $0xFFFFFD80  }
0x64: {  	_ =	sfence.sel $0x180000  }
0x65: {  	[bflag:$0x0] =	sbarrier.arrive $0xFFFF  }
0x66: {  	p0 =	sne.s32 s0, $0x0;
	_ =	strace $0x90000056  }
0x67: {  	s0 =	sadd.s32 @!p0 $0x100000, s1;
	[bflag:$0x2] =	sbarrier.arrive $0xFFFF  }
0x68: {  	[sflag:s0] =	ssyncadd.tile.s32 @!p0 $0x1;
	_ =	shalt  }
.Lfunc_end2:
_tile_overlayer_lowered:
.L_overlay_start_2:
0x69: {  	(tag) =	ssettag $0x2  }
0x6a: {  	s0 =	rddreg [dreg:$0x0];
	s2 =	stileid.u32  }
0x6b: {  	s1 =	rddreg [dreg:$0x1];
	p0 =	sne.s32 s2, $0x0  }
0x6c: {  	s3 =	rddreg [dreg:$0x2];
	[bflag:$0x3] =	sbarrier.arrive $0xFFFF;
	s2 =	simm.s32 @!p0 $0x1C03  }
0x6d: {  	[timem:s3], [sflag:s2] =	dma.local @!p0 [hbm:s0], s1  }
0x6e: {  	s0 =	simm.s32 @!p0 $0x3  }
0x6f: {  	_ =	swait.ge @!p0 [sflag:s0], s1  }
0x70: {  	s1 =	ssub.s32 @!p0 $0x0, s1;
	[sflag:s0] =	ssyncset.done @!p0 $0x0  }
0x71: {  	[sflag:s0] =	ssyncadd.s32 @!p0 s1  }
0x72: {  	[bflag:$0x3] =	sbarrier.arrive $0xFFFF  }
0x73: {  	_ =	shalt  }

// kernel: kernel.37.cloned.1.call-start
scs
__scs_entry_jumppad:
0x0: {  	(pc) =	sbr.rel $0x88, $3  }
0x1: {  	(tag) =	ssettag $0x0;
	lr =	simm.s32 $0x1  }
0x2: {  	[smem:$0x3F98] =	sst lr;
	_ =	strace $0xD0000000  }
0x3: {  	_ = 	snop  }
0x4: {  	_ = 	snop  }
0x5: {  	_ = 	snop  }
0x6: {  	_ = 	snop  }
0x7: {  	_ = 	snop  }
__scs_overlays_trampoline_lowered:
0x8: {  	[smem:$0x3FA7] =	sst s0  }
0x9: {  	[smem:$0x3FA8] =	sst s1  }
0xa: {  	[smem:$0x3FA9] =	sst s2  }
0xb: {  	[smem:$0x3FAA] =	sst s3  }
0xc: {  	[smem:$0x3FAB] =	sst s4  }
0xd: {  	[smem:$0x3FAC] =	sst s5  }
0xe: {  	[smem:$0x3FAD] =	sst s6  }
0xf: {  	[smem:$0x3FAE] =	sst s7  }
0x10: {  	[smem:$0x3FAF] =	sst s8  }
0x11: {  	[smem:$0x3FB0] =	sst s9;
	s0 =	simm.s32 @!p0 $0x0  }
0x12: {  	s1 =	sld [smem:$0x3F96];
	s0 =	simm.s32 @p0 $0x1  }
0x13: {  	[smem:$0x3FB1] =	sst s0;
	s0 =	simm.s32 @!p1 $0x0  }
0x14: {  	s2 =	sld [smem:$0x3F95];
	s0 =	simm.s32 @p1 $0x1  }
0x15: {  	[smem:$0x3FB2] =	sst s0;
	s0 =	simm.s32 @!p2 $0x0  }
0x16: {  	s3 =	sld [smem:$0x3FDB];
	s0 =	simm.s32 @p2 $0x1  }
0x17: {  	s4 =	simm.s32 $0x1BF5;
	[smem:$0x3FB4] =	sst s0  }
0x18: {  	s0 =	sld [smem:$0x3F97];
	_ =	swait.ge [sflag:s4], $0x0  }
0x19: {  	s7 =	sld [smem:$0x3F98]  }
0x1a: {  	s8 =	sadd.s32 $0xFFFFE003, lr  }
0x1b: {  	s9 =	sadd.s32 $0xFFFFFEF7, lr;
	s5 =	simm.s32 $0xFFFFFFFF;
	p2 =	slt.u32 s8, $0xFFFFF086  }
0x1c: {  	p1 =	slt.u32 s9, $0xF7A;
	s5 =	simm.s32 @!p2 $0x0  }
0x1d: {  	s5 =	simm.s32 @p1 $0x1;
	p0 =	seq.s32 s7, s2  }
0x1e: {  	s7 =	smul.u32 @!p0 $0xF7A, s2;
	p2 =	seq.s32 @!p0 s5, $0x0  }
0x1f: {  	s9 =	smul.u32 $0xF7A, s1;
	s8 =	simm.s32 @!p0 $0x1BF5;
	p2 =	por !p2, p0  }
0x20: {  	[sflag:s8] =	ssyncset.s32 @!p0 $0xFFFFF086;
	s6 =	sadd.s32 @!p0 s3, s7;
	s7 =	simm.s32 @!p0 $0x108  }
0x21: {  	s3 =	sadd.s32 s3, s9;
	s6 =	sadd.s32 @!p0 $0x88, s6;
	s7 =	simm.s32 @p2 $0x1082  }
0x22: {  	[simem:s7], [sflag:s8] =	dma.local @!p0 [hbm:s6], $0xF7A  }
0x23: {  	s9 =	sor.u32 $0xD0000000, s2;
	s6 =	simm.s32 $0x108;
	_ =	swait.ge @!p0 [sflag:s8], $0x0  }
0x24: {  	s3 =	sadd.s32 $0x88, s3;
	s6 =	simm.s32 @!p1 $0x1082;
	[sflag:s4] =	ssyncset.s32 $0xFFFFF086  }
0x25: {  	[simem:s6], [sflag:s4] =	dma.local [hbm:s3], $0xF7A  }
0x26: {  	[smem:$0x3F98] =	sst s1;
	(tag) =	ssettag s2;
	_ =	strace s9  }
0x27: {  	s1 =	sld [smem:$0x3FA8]  }
0x28: {  	s2 =	sld [smem:$0x3FA9]  }
0x29: {  	s4 =	sld [smem:$0x3FAB]  }
0x2a: {  	p0 =	seq.s32 s5, $0x0;
	s5 =	sld [smem:$0x3FAC]  }
0x2b: {  	s6 =	sld [smem:$0x3FAD]  }
0x2c: {  	s7 =	sld [smem:$0x3FAE]  }
0x2d: {  	s3 =	simm.s32 $0x108;
	s8 =	sld [smem:$0x3FAF]  }
0x2e: {  	s3 =	simm.s32 @!p0 $0x1082;
	s9 =	sld [smem:$0x3FB0]  }
0x2f: {  	lr =	sadd.s32 s0, s3;
	s0 =	sld [smem:$0x3FA7]  }
0x30: {  	s3 =	sld [smem:$0x3FAA]  }
0x31: {  	[smem:$0x3FB3] =	sst s10  }
0x32: {  	s10 =	sld [smem:$0x3FB1];
	_ =	sdelay $0x3  }
0x33: {  	p0 =	seq.s32 s10, $0x1;
	s10 =	sld [smem:$0x3FB3];
	_ =	sdelay $0x3  }
0x34: {  	[smem:$0x3FB3] =	sst s10  }
0x35: {  	s10 =	sld [smem:$0x3FB2];
	_ =	sdelay $0x3  }
0x36: {  	p1 =	seq.s32 s10, $0x1;
	s10 =	sld [smem:$0x3FB3];
	_ =	sdelay $0x3  }
0x37: {  	[smem:$0x3FB3] =	sst s10  }
0x38: {  	s10 =	sld [smem:$0x3FB4]  }
0x39: {  	_ = 	snop;
	(pc) =	sbr.ind lr, $3  }
0x3a: {  	_ = 	snop  }
0x3b: {  	_ = 	snop  }
0x3c: {  	p2 =	seq.s32 s10, $0x1;
	s10 =	sld [smem:$0x3FB3]  }
0x3d: {  	_ =	shalt  }
0x3e: {  	_ =	shalt  }
0x3f: {  	_ =	shalt  }
0x40: {  	_ =	shalt  }
0x41: {  	_ =	shalt  }
0x42: {  	_ =	shalt  }
0x43: {  	_ =	shalt  }
0x44: {  	_ =	shalt  }
0x45: {  	_ =	shalt  }
0x46: {  	_ =	shalt  }
0x47: {  	_ =	shalt  }
0x48: {  	_ =	shalt  }
0x49: {  	_ =	shalt  }
0x4a: {  	_ =	shalt  }
0x4b: {  	_ =	shalt  }
0x4c: {  	_ =	shalt  }
0x4d: {  	_ =	shalt  }
0x4e: {  	_ =	shalt  }
0x4f: {  	_ =	shalt  }
0x50: {  	_ =	shalt  }
0x51: {  	_ =	shalt  }
0x52: {  	_ =	shalt  }
0x53: {  	_ =	shalt  }
0x54: {  	_ =	shalt  }
0x55: {  	_ =	shalt  }
0x56: {  	_ =	shalt  }
0x57: {  	_ =	shalt  }
0x58: {  	_ =	shalt  }
0x59: {  	_ =	shalt  }
0x5a: {  	_ =	shalt  }
0x5b: {  	_ =	shalt  }
0x5c: {  	_ =	shalt  }
0x5d: {  	_ =	shalt  }
0x5e: {  	_ =	shalt  }
0x5f: {  	_ =	shalt  }
0x60: {  	_ =	shalt  }
0x61: {  	_ =	shalt  }
0x62: {  	_ =	shalt  }
0x63: {  	_ =	shalt  }
0x64: {  	_ =	shalt  }
0x65: {  	_ =	shalt  }
0x66: {  	_ =	shalt  }
0x67: {  	_ =	shalt  }
0x68: {  	_ =	shalt  }
0x69: {  	_ =	shalt  }
0x6a: {  	_ =	shalt  }
0x6b: {  	_ =	shalt  }
0x6c: {  	_ =	shalt  }
0x6d: {  	_ =	shalt  }
0x6e: {  	_ =	shalt  }
0x6f: {  	_ =	shalt  }
0x70: {  	_ =	shalt  }
0x71: {  	_ =	shalt  }
0x72: {  	_ =	shalt  }
0x73: {  	_ =	shalt  }
0x74: {  	_ =	shalt  }
0x75: {  	_ =	shalt  }
0x76: {  	_ =	shalt  }
0x77: {  	_ =	shalt  }
0x78: {  	_ =	shalt  }
0x79: {  	_ =	shalt  }
0x7a: {  	_ =	shalt  }
0x7b: {  	_ =	shalt  }
0x7c: {  	_ =	shalt  }
0x7d: {  	_ =	shalt  }
0x7e: {  	_ =	shalt  }
0x7f: {  	_ =	shalt  }
0x80: {  	_ =	shalt  }
0x81: {  	_ =	shalt  }
0x82: {  	_ =	shalt  }
0x83: {  	_ =	shalt  }
0x84: {  	_ =	shalt  }
0x85: {  	_ =	shalt  }
0x86: {  	_ =	shalt  }
0x87: {  	_ =	shalt  }
.Lfunc_end0:
.L_simem_size_0:
called_computation.6_lowered:
.L_overlay_start_0:
0x88: {  	s2 =	sld [smem:$0x3FD9]  }
0x89: {  	s3 =	sld [smem:$0x3FFE];
	_ =	sdelay $0x1  }
0x8a: {  	s1 =	srdreg.scid  }
0x8b: {  	s0 =	sand.u32 $0x1, s1  }
0x8c: {  	s16 =	sshll.u32 s0, $0xA;
	s2 =	sadd.s32 s3, s2  }
0x8d: {  	s2 =	sadd.s32 s2, s16  }
0x8e: {  	[smem:$0x3FBF] =	sst s2  }
0x8f: {  	_ = 	snop  }
0x90: {  	(tm) =	ssettm $0x1  }
0x91: {  	s17 =	sld [smem:$0x3FFB];
	_ =	sdelay $0x3  }
0x92: {  	_ =	strace s17  }
0x93: {  	s2 =	sld [smem:$0x3FFC];
	_ =	sdelay $0x3  }
0x94: {  	_ =	strace s2  }
0x95: {  	s2 =	sld [smem:$0x3FFD];
	_ =	sdelay $0x3  }
0x96: {  	_ =	strace s2  }
0x97: {  	_ =	strace $0x8FFFFFFF  }
0x98: {  	s18 =	sld [smem:$0x3FDB];
	_ =	sdelay $0x1  }
0x99: {  	s19 =	simm.s32 $_scs_section_size  }
0x9a: {  	s4 =	simm.s32 $_size__tile_overlayer_lowered;
	s5 =	simm.s32 $_tile_overlayer_lowered  }
0x9b: {  	s22 =	simm.s32 $0x1BFF;
	s21 =	sshll.u32 s5, $0x1;
	s2 =	sadd.s32 s19, s18  }
0x9c: {  	s6 =	simm.s32 $0x0;
	s20 =	sshll.u32 s4, $0x1;
	s4 =	sadd.s32 s21, s2  }
0x9d: {  	[timem:s6], [sflag:s22] =	dma.local [hbm:s4], s20  }
0x9e: {  	_ =	swait.ge [sflag:s22], s20  }
0x9f: {  	s3 =	ssub.s32 $0x0, s20;
	[sflag:s22] =	ssyncset.done $0x0  }
0xa0: {  	[sflag:s22] =	ssyncadd.s32 s3;
	_ =	sdelay $0x1  }
0xa1: {  	s23 =	simm.s32 $0x1B8B  }
0xa2: {  	_ =	swait.ge [sflag:s23], $0x1  }
0xa3: {  	[sflag:s23] =	ssyncset.done $0x0  }
0xa4: {  	s25 =	simm.s32 $0x1B8E;
	s24 =	sld [smem:$0x3FFE];
	[sflag:s23] =	ssyncadd.s32 $0xFFFFFFFF  }
0xa5: {  	s26 =	simm.s32 $execute0_lowered;
	[smem:$0x3FD2] =	sst s25  }
0xa6: {  	s4 =	sshll.u32 s26, $0x1;
	_ =	strace $0x80000058;
	[dreg:$0x1] =	wrdreg $0xFFFFFFFF  }
0xa7: {  	s28 =	simm.s32 $_size_execute0_lowered;
	s2 =	sadd.s32 s2, s4;
	[dreg:$0x0] =	wrdreg $0x0  }
0xa8: {  	s4 =	sshll.u32 s28, $0x1;
	[dreg:$0x2] =	wrdreg s2  }
0xa9: {  	[dreg:$0x3] =	wrdreg s4  }
0xaa: {  	[dreg:$0x4] =	wrdreg $0xC0  }
0xab: {  	_ =	task [dreg:s6], $0x5FFFF  }
0xac: {  	[dreg:$0x1] =	wrdreg $0xFFFFFFFF  }
0xad: {  	[dreg:$0x0] =	wrdreg $0x60  }
0xae: {  	[dreg:$0x2] =	wrdreg s24  }
0xaf: {  	[dreg:$0x3] =	wrdreg $0xA8000  }
0xb0: {  	[dreg:$0x4] =	wrdreg $0x9  }
0xb1: {  	_ =	task.clear_ibuf [dreg:s6], $0x5FFFF;
	_ =	strace $0x90000058  }
0xb2: {  	s29 =	simm.s32 $0x9;
	_ =	strace $0x8000005A  }
0xb3: {  	_ =	swait.ge [sflag:s29], $0x1  }
0xb4: {  	[sflag:s29] =	ssyncadd.s32 $0xFFFFFFFF  }
0xb5: {  	_ =	strace $0x9000005A  }
0xb6: {  	_ =	sfence  }
0xb7: {  	s30 =	sld [smem:$0x0];
	_ =	sdelay $0x2  }
0xb8: {  	s31 =	sshll.u32 s1, $0xD;
	s1 =	sshrl.u32 s1, $0x2  }
0xb9: {  	s3 =	sand.u32 $0x4000, s31;
	s1 =	sadd.s32 s1, s30  }
0xba: {  	s0 =	sor.u32 s3, s0;
	s1 =	sshll.u32 s1, $0x11  }
0xbb: {  	s0 =	sor.u32 s1, s0  }
0xbc: {  	s0 =	sadd.s32 $0x8F2B, s0  }
0xbd: {  	[sflag:s0] =	ssyncadd.remote.s32 $0x1  }
0xbe: {  	_ =	sfence.sel $0xFFFF  }
0xbf: {  	[dreg:$0x0] =	wrdreg $0xFFFFFFFF;
	(pc) =	sbr.abs _section_cstart, $3  }
0xc0: {  	[dreg:$0x1] =	wrdreg $0xFFFFFFFF  }
0xc1: {  	_ =	task.clear_ibuf [dreg:s6], $0x2FFFF;
	_ =	strace $0x9FFFFFFF  }
0xc2: {  	(tm) =	ssettm $0x7FFFFFFF  }
0xc3: {  	_ =	shalt  }
tec
execute0_lowered:
.L_overlay_start_1:
0x0: {  	(tag) =	ssettag $0x1  }
0x1: {  	s1 =	srdreg.scid;
	s5 =	rddreg [dreg:$0x0]  }
0x2: {  	s0 =	stileid.u32;
	s2 =	rddreg [dreg:$0x1];
	s3 =	simm.s32 $0x0  }
0x3: {  	s14 =	simm.s32 $0x80;
	s15 =	simm.s32 $0x2800;
	s16 =	simm.s32 $0x6800  }
0x4: {  	s17 =	simm.s32 $0x1;
	s18 =	simm.s32 $0x2;
	s19 =	simm.s32 $0x1380  }
0x5: {  	s20 =	simm.s32 $0x2700;
	s21 =	simm.s32 $0x2780;
	s22 =	simm.s32 $0x0  }
0x6: {  	s6 =	sand.u32 $0x1, s1;
	s1 =	rddreg [dreg:$0x2];
	s8 =	smul.u32 $0x2800, s0  }
0x7: {  	s30 =	sshll.u32 s0, $0x1;
	[smem:$0x7FF] =	sst s3;
	s11 =	smul.u32 $0x50000, s0  }
0x8: {  	s12 =	sshll.u32 s0, $0x6;
	s4 =	sor.u32 s6, s30;
	_ =	strace $0x80000059  }
0x9: {  	s9 =	smul.u32 $0x28000, s6;
	s6 =	ssub.s32 $0x2, s6;
	s12 =	sor.u32 $0x1C03, s12  }
0xa: {  	s7 =	smul.u32 $0x280, s4;
	s4 =	sadd.s32 $0x94C00, s5;
	s10 =	sshrl.u32 s6, $0x1  }
0xb: {  	s31 =	sshrl.u32 s11, $0x2;
	s11 =	simm.s32 $0x1400;
	s9 =	sadd.s32 s8, s9  }
0xc: {  	s8 =	sadd.s32 s8, s5;
	s10 =	ssub.s32 s6, s10;
	s13 =	sadd.s32 s31, s2  }
0xd: {  	s7 =	sadd.s32 s7, s5;
	s9 =	sadd.s32 s9, s5;
	s13 =	sshrl.u32 s13, $0x3  }
0xe: {  	s5 =	sadd.s32 $0x3FC00, s7;
	s6 =	sadd.s32 $0xB400, s7;
	s7 =	sadd.s32 $0x6CC00, s8  }
0xf: {  	s8 =	sadd.s32 $0x10CC00, s9;
	s9 =	smax.u32 s10, $0x1;
	s10 =	simm.s32 $0x3  }
.LBB2_1:
0x10: {  	[tilespmem:s3], [sflag:$0x3] =	stream.linear.gather [hbm4b:s5+s3], $0x1400, $0x38;
	[tilespmem:$0x1E800] =	vst v63  }
0x11: {  	_ =	swait.ge [sflag:s10], $0x1400  }
0x12: {  	[sflag:s10] =	ssyncset.done $0x0  }
0x13: {  	[sflag:s10] =	ssyncadd.s32 $0xFFFFEC00  }
0x14: {  	[tilespmem:s11], [sflag:$0x3] =	stream.linear.gather [hbm4b:s6+s3], $0x1400, $0x38;
	[tilespmem:$0x1E800] =	vst v63  }
0x15: {  	_ =	swait.ge [sflag:s10], $0x1400  }
0x16: {  	[sflag:s10] =	ssyncset.done $0x0  }
0x17: {  	[sflag:s10] =	ssyncadd.s32 $0xFFFFEC00  }
0x18: {  	[spmem:s13], [sflag:s12] =	dma.local [hbm:s7], $0x2800  }
0x19: {  	_ =	swait.ge [sflag:s10], $0x2800  }
0x1a: {  	[sflag:s10] =	ssyncset.done $0x0  }
0x1b: {  	[sflag:s10] =	ssyncadd.s32 $0xFFFFD800  }
0x1c: {  	[bflag:$0x0] =	sbarrier.arrive $0xFFFF  }
0x1d: {  	[tilespmem:s15], [sflag:$0x1] =	stream.indirect.gather [hbm4b:s4+s14], $0x80, s3, s14, $0xb8;
	[tilespmem:$0x1E800] =	vst v63  }
0x1e: {  	s23 =	simm.s32 $0x80  }
0x1f: {  	[tilespmem:s16], [sflag:$0x2] =	stream.indirect.gather [hbm4b:s4+s14], $0x80, s23, s14, $0xb8;
	[tilespmem:$0x1E800] =	vst v63  }
0x20: {  	_ =	swait.ge [sflag:s17], $0x4000  }
0x21: {  	[sflag:s17] =	ssyncset.done $0x0  }
0x22: {  	s29 =	simm.s32 $0x1400;
	[sflag:s17] =	ssyncadd.s32 $0xFFFFC000  }
0x23: {  	[spmem:s2] =	stream.indirect.scatter.add.f32 [tilespmem:s15], [sflag:$0x3], $0x80, s29, s14, $0xb8;
	[tilespmem:$0x1E800] =	vst v63  }
0x24: {  	_ =	swait.ge [sflag:s10], $0x4000  }
0x25: {  	[sflag:s10] =	ssyncset.done $0x0  }
0x26: {  	s30 =	simm.s32 $0x100;
	[sflag:s10] =	ssyncadd.s32 $0xFFFFC000  }
0x27: {  	[tilespmem:s15], [sflag:$0x1] =	stream.indirect.gather [hbm4b:s4+s14], $0x80, s30, s14, $0xb8;
	[tilespmem:$0x1E800] =	vst v63  }
0x28: {  	_ =	swait.ge [sflag:s18], $0x4000  }
0x29: {  	[sflag:s18] =	ssyncset.done $0x0  }
0x2a: {  	s31 =	simm.s32 $0x1480;
	[sflag:s18] =	ssyncadd.s32 $0xFFFFC000  }
0x2b: {  	[spmem:s2] =	stream.indirect.scatter.add.f32 [tilespmem:s16], [sflag:$0x3], $0x80, s31, s14, $0xb8;
	[tilespmem:$0x1E800] =	vst v63  }
0x2c: {  	_ =	swait.ge [sflag:s10], $0x4000  }
0x2d: {  	s24 =	simm.s32 $0x800;
	s23 =	simm.s32 $0x100;
	[sflag:s10] =	ssyncset.done $0x0  }
.LBB2_2:
0x2e: {  	s25 =	sadd.s32 $0x80, s23  }
0x2f: {  	[sflag:s10] =	ssyncadd.s32 $0xFFFFC000;
	s26 =	smov.u32 s24;
	s28 =	sadd.s32 $0x400, s24  }
0x30: {  	[tilespmem:s16], [sflag:$0x2] =	stream.indirect.gather [hbm4b:s4+s14], $0x80, s25, s14, $0xb8;
	[tilespmem:$0x1E800] =	vst v63  }
0x31: {  	p0 =	sne.s32 s24, $0x4800;
	_ =	swait.ge [sflag:s17], $0x4000  }
0x32: {  	[sflag:s17] =	ssyncset.done $0x0  }
0x33: {  	s24 =	sadd.s32 $0x1400, s23;
	[sflag:s17] =	ssyncadd.s32 $0xFFFFC000  }
0x34: {  	[spmem:s2] =	stream.indirect.scatter.add.f32 [tilespmem:s15], [sflag:$0x3], $0x80, s24, s14, $0xb8;
	[tilespmem:$0x1E800] =	vst v63  }
0x35: {  	_ =	swait.ge [sflag:s10], $0x4000  }
0x36: {  	[sflag:s10] =	ssyncset.done $0x0  }
0x37: {  	s24 =	sadd.s32 $0x100, s23;
	[sflag:s10] =	ssyncadd.s32 $0xFFFFC000  }
0x38: {  	[tilespmem:s15], [sflag:$0x1] =	stream.indirect.gather [hbm4b:s4+s14], $0x80, s24, s14, $0xb8;
	[tilespmem:$0x1E800] =	vst v63  }
0x39: {  	_ =	swait.ge [sflag:s18], $0x4000  }
.Ltmp0:
0x3a: {  	[sflag:s18] =	ssyncset.done $0x0;
	(pc) =	sbr.rel @p0 .LBB2_2-.Ltmp0, $4  }
0x3b: {  	s23 =	sadd.s32 $0x1480, s23;
	[sflag:s18] =	ssyncadd.s32 $0xFFFFC000  }
0x3c: {  	[spmem:s2] =	stream.indirect.scatter.add.f32 [tilespmem:s16], [sflag:$0x3], $0x80, s23, s14, $0xb8;
	[tilespmem:$0x1E800] =	vst v63  }
0x3d: {  	_ =	swait.ge [sflag:s10], $0x4000  }
0x3e: {  	s24 =	smov.u32 s28;
	s23 =	sshra.s32 s26, $0x2;
	[sflag:s10] =	ssyncset.done $0x0  }
0x3f: {  	s24 =	sadd.s32 $0x80, s23;
	[sflag:s10] =	ssyncadd.s32 $0xFFFFC000  }
0x40: {  	[tilespmem:s16], [sflag:$0x2] =	stream.indirect.gather [hbm4b:s4+s14], $0x80, s24, s14, $0xb8;
	[tilespmem:$0x1E800] =	vst v63  }
0x41: {  	_ =	swait.ge [sflag:s17], $0x4000  }
0x42: {  	[sflag:s17] =	ssyncset.done $0x0  }
0x43: {  	s29 =	sadd.s32 $0x1400, s23;
	[sflag:s17] =	ssyncadd.s32 $0xFFFFC000  }
0x44: {  	[spmem:s2] =	stream.indirect.scatter.add.f32 [tilespmem:s15], [sflag:$0x3], $0x80, s29, s14, $0xb8;
	[tilespmem:$0x1E800] =	vst v63  }
0x45: {  	_ =	swait.ge [sflag:s10], $0x4000  }
0x46: {  	[sflag:s10] =	ssyncset.done $0x0  }
0x47: {  	s30 =	sadd.s32 $0x100, s23;
	[sflag:s10] =	ssyncadd.s32 $0xFFFFC000  }
0x48: {  	[tilespmem:s15], [sflag:$0x1] =	stream.indirect.gather [hbm4b:s4+s14], $0x80, s30, s14, $0xb8;
	[tilespmem:$0x1E800] =	vst v63  }
0x49: {  	_ =	swait.ge [sflag:s18], $0x4000  }
0x4a: {  	[sflag:s18] =	ssyncset.done $0x0  }
0x4b: {  	s31 =	sadd.s32 $0x1480, s23;
	[sflag:s18] =	ssyncadd.s32 $0xFFFFC000  }
0x4c: {  	[spmem:s2] =	stream.indirect.scatter.add.f32 [tilespmem:s16], [sflag:$0x3], $0x80, s31, s14, $0xb8;
	[tilespmem:$0x1E800] =	vst v63  }
0x4d: {  	_ =	swait.ge [sflag:s10], $0x4000  }
0x4e: {  	[sflag:s10] =	ssyncset.done $0x0  }
0x4f: {  	[sflag:s10] =	ssyncadd.s32 $0xFFFFC000  }
0x50: {  	[tilespmem:s16], [sflag:$0x2] =	stream.indirect.gather [hbm4b:s4+s14], $0x80, s19, s14, $0xb8;
	[tilespmem:$0x1E800] =	vst v63  }
0x51: {  	_ =	swait.ge [sflag:s17], $0x4000  }
0x52: {  	[sflag:s17] =	ssyncset.done $0x0  }
0x53: {  	[sflag:s17] =	ssyncadd.s32 $0xFFFFC000  }
0x54: {  	[spmem:s2] =	stream.indirect.scatter.add.f32 [tilespmem:s15], [sflag:$0x3], $0x80, s20, s14, $0xb8;
	[tilespmem:$0x1E800] =	vst v63  }
0x55: {  	_ =	swait.ge [sflag:s10], $0x4000  }
0x56: {  	[sflag:s10] =	ssyncset.done $0x0  }
0x57: {  	[sflag:s10] =	ssyncadd.s32 $0xFFFFC000  }
0x58: {  	_ =	swait.ge [sflag:s18], $0x4000  }
0x59: {  	[sflag:s18] =	ssyncset.done $0x0  }
0x5a: {  	[sflag:s18] =	ssyncadd.s32 $0xFFFFC000  }
0x5b: {  	[spmem:s2] =	stream.indirect.scatter.add.f32 [tilespmem:s16], [sflag:$0x3], $0x80, s21, s14, $0xb8;
	[tilespmem:$0x1E800] =	vst v63  }
0x5c: {  	_ =	swait.ge [sflag:s10], $0x4000  }
0x5d: {  	s22 =	sadd.s32 $0x1, s22;
	[sflag:s10] =	ssyncset.done $0x0  }
0x5e: {  	p0 =	sne.s32 s22, s9;
	[sflag:s10] =	ssyncadd.s32 $0xFFFFC000  }
.Ltmp1:
0x5f: {  	[bflag:$0x0] =	sbarrier.arrive $0xFFFF;
	(pc) =	sbr.rel @p0 .LBB2_1-.Ltmp1, $4  }
0x60: {  	[hbm:s8], [sflag:s12] =	dma.local [spmem:s13], $0x2800  }
0x61: {  	_ =	swait.ge [sflag:s10], $0x2800  }
0x62: {  	[sflag:s10] =	ssyncset.done $0x0  }
0x63: {  	[sflag:s10] =	ssyncadd.s32 $0xFFFFD800  }
0x64: {  	_ =	sfence.sel $0x180000  }
0x65: {  	[bflag:$0x0] =	sbarrier.arrive $0xFFFF  }
0x66: {  	p0 =	sne.s32 s0, $0x0;
	_ =	strace $0x90000059  }
0x67: {  	s0 =	sadd.s32 @!p0 $0x100000, s1;
	[bflag:$0x2] =	sbarrier.arrive $0xFFFF  }
0x68: {  	[sflag:s0] =	ssyncadd.tile.s32 @!p0 $0x1;
	_ =	shalt  }
.Lfunc_end2:
_tile_overlayer_lowered:
.L_overlay_start_2:
0x69: {  	(tag) =	ssettag $0x2  }
0x6a: {  	s0 =	rddreg [dreg:$0x0];
	s2 =	stileid.u32  }
0x6b: {  	s1 =	rddreg [dreg:$0x1];
	p0 =	sne.s32 s2, $0x0  }
0x6c: {  	s3 =	rddreg [dreg:$0x2];
	[bflag:$0x3] =	sbarrier.arrive $0xFFFF;
	s2 =	simm.s32 @!p0 $0x1C03  }
0x6d: {  	[timem:s3], [sflag:s2] =	dma.local @!p0 [hbm:s0], s1  }
0x6e: {  	s0 =	simm.s32 @!p0 $0x3  }
0x6f: {  	_ =	swait.ge @!p0 [sflag:s0], s1  }
0x70: {  	s1 =	ssub.s32 @!p0 $0x0, s1;
	[sflag:s0] =	ssyncset.done @!p0 $0x0  }
0x71: {  	[sflag:s0] =	ssyncadd.s32 @!p0 s1  }
0x72: {  	[bflag:$0x3] =	sbarrier.arrive $0xFFFF  }
0x73: {  	_ =	shalt  }

// kernel: kernel.40.cloned.1.call-start
scs
__scs_entry_jumppad:
0x0: {  	(pc) =	sbr.rel $0x88, $3  }
0x1: {  	(tag) =	ssettag $0x0;
	lr =	simm.s32 $0x1  }
0x2: {  	[smem:$0x3F98] =	sst lr;
	_ =	strace $0xD0000000  }
0x3: {  	_ = 	snop  }
0x4: {  	_ = 	snop  }
0x5: {  	_ = 	snop  }
0x6: {  	_ = 	snop  }
0x7: {  	_ = 	snop  }
__scs_overlays_trampoline_lowered:
0x8: {  	[smem:$0x3FA7] =	sst s0  }
0x9: {  	[smem:$0x3FA8] =	sst s1  }
0xa: {  	[smem:$0x3FA9] =	sst s2  }
0xb: {  	[smem:$0x3FAA] =	sst s3  }
0xc: {  	[smem:$0x3FAB] =	sst s4  }
0xd: {  	[smem:$0x3FAC] =	sst s5  }
0xe: {  	[smem:$0x3FAD] =	sst s6  }
0xf: {  	[smem:$0x3FAE] =	sst s7  }
0x10: {  	[smem:$0x3FAF] =	sst s8  }
0x11: {  	[smem:$0x3FB0] =	sst s9;
	s0 =	simm.s32 @!p0 $0x0  }
0x12: {  	s1 =	sld [smem:$0x3F96];
	s0 =	simm.s32 @p0 $0x1  }
0x13: {  	[smem:$0x3FB1] =	sst s0;
	s0 =	simm.s32 @!p1 $0x0  }
0x14: {  	s2 =	sld [smem:$0x3F95];
	s0 =	simm.s32 @p1 $0x1  }
0x15: {  	[smem:$0x3FB2] =	sst s0;
	s0 =	simm.s32 @!p2 $0x0  }
0x16: {  	s3 =	sld [smem:$0x3FDB];
	s0 =	simm.s32 @p2 $0x1  }
0x17: {  	s4 =	simm.s32 $0x1BF5;
	[smem:$0x3FB4] =	sst s0  }
0x18: {  	s0 =	sld [smem:$0x3F97];
	_ =	swait.ge [sflag:s4], $0x0  }
0x19: {  	s7 =	sld [smem:$0x3F98]  }
0x1a: {  	s8 =	sadd.s32 $0xFFFFE003, lr  }
0x1b: {  	s9 =	sadd.s32 $0xFFFFFEF7, lr;
	s5 =	simm.s32 $0xFFFFFFFF;
	p2 =	slt.u32 s8, $0xFFFFF086  }
0x1c: {  	p1 =	slt.u32 s9, $0xF7A;
	s5 =	simm.s32 @!p2 $0x0  }
0x1d: {  	s5 =	simm.s32 @p1 $0x1;
	p0 =	seq.s32 s7, s2  }
0x1e: {  	s7 =	smul.u32 @!p0 $0xF7A, s2;
	p2 =	seq.s32 @!p0 s5, $0x0  }
0x1f: {  	s9 =	smul.u32 $0xF7A, s1;
	s8 =	simm.s32 @!p0 $0x1BF5;
	p2 =	por !p2, p0  }
0x20: {  	[sflag:s8] =	ssyncset.s32 @!p0 $0xFFFFF086;
	s6 =	sadd.s32 @!p0 s3, s7;
	s7 =	simm.s32 @!p0 $0x108  }
0x21: {  	s3 =	sadd.s32 s3, s9;
	s6 =	sadd.s32 @!p0 $0x88, s6;
	s7 =	simm.s32 @p2 $0x1082  }
0x22: {  	[simem:s7], [sflag:s8] =	dma.local @!p0 [hbm:s6], $0xF7A  }
0x23: {  	s9 =	sor.u32 $0xD0000000, s2;
	s6 =	simm.s32 $0x108;
	_ =	swait.ge @!p0 [sflag:s8], $0x0  }
0x24: {  	s3 =	sadd.s32 $0x88, s3;
	s6 =	simm.s32 @!p1 $0x1082;
	[sflag:s4] =	ssyncset.s32 $0xFFFFF086  }
0x25: {  	[simem:s6], [sflag:s4] =	dma.local [hbm:s3], $0xF7A  }
0x26: {  	[smem:$0x3F98] =	sst s1;
	(tag) =	ssettag s2;
	_ =	strace s9  }
0x27: {  	s1 =	sld [smem:$0x3FA8]  }
0x28: {  	s2 =	sld [smem:$0x3FA9]  }
0x29: {  	s4 =	sld [smem:$0x3FAB]  }
0x2a: {  	p0 =	seq.s32 s5, $0x0;
	s5 =	sld [smem:$0x3FAC]  }
0x2b: {  	s6 =	sld [smem:$0x3FAD]  }
0x2c: {  	s7 =	sld [smem:$0x3FAE]  }
0x2d: {  	s3 =	simm.s32 $0x108;
	s8 =	sld [smem:$0x3FAF]  }
0x2e: {  	s3 =	simm.s32 @!p0 $0x1082;
	s9 =	sld [smem:$0x3FB0]  }
0x2f: {  	lr =	sadd.s32 s0, s3;
	s0 =	sld [smem:$0x3FA7]  }
0x30: {  	s3 =	sld [smem:$0x3FAA]  }
0x31: {  	[smem:$0x3FB3] =	sst s10  }
0x32: {  	s10 =	sld [smem:$0x3FB1];
	_ =	sdelay $0x3  }
0x33: {  	p0 =	seq.s32 s10, $0x1;
	s10 =	sld [smem:$0x3FB3];
	_ =	sdelay $0x3  }
0x34: {  	[smem:$0x3FB3] =	sst s10  }
0x35: {  	s10 =	sld [smem:$0x3FB2];
	_ =	sdelay $0x3  }
0x36: {  	p1 =	seq.s32 s10, $0x1;
	s10 =	sld [smem:$0x3FB3];
	_ =	sdelay $0x3  }
0x37: {  	[smem:$0x3FB3] =	sst s10  }
0x38: {  	s10 =	sld [smem:$0x3FB4]  }
0x39: {  	_ = 	snop;
	(pc) =	sbr.ind lr, $3  }
0x3a: {  	_ = 	snop  }
0x3b: {  	_ = 	snop  }
0x3c: {  	p2 =	seq.s32 s10, $0x1;
	s10 =	sld [smem:$0x3FB3]  }
0x3d: {  	_ =	shalt  }
0x3e: {  	_ =	shalt  }
0x3f: {  	_ =	shalt  }
0x40: {  	_ =	shalt  }
0x41: {  	_ =	shalt  }
0x42: {  	_ =	shalt  }
0x43: {  	_ =	shalt  }
0x44: {  	_ =	shalt  }
0x45: {  	_ =	shalt  }
0x46: {  	_ =	shalt  }
0x47: {  	_ =	shalt  }
0x48: {  	_ =	shalt  }
0x49: {  	_ =	shalt  }
0x4a: {  	_ =	shalt  }
0x4b: {  	_ =	shalt  }
0x4c: {  	_ =	shalt  }
0x4d: {  	_ =	shalt  }
0x4e: {  	_ =	shalt  }
0x4f: {  	_ =	shalt  }
0x50: {  	_ =	shalt  }
0x51: {  	_ =	shalt  }
0x52: {  	_ =	shalt  }
0x53: {  	_ =	shalt  }
0x54: {  	_ =	shalt  }
0x55: {  	_ =	shalt  }
0x56: {  	_ =	shalt  }
0x57: {  	_ =	shalt  }
0x58: {  	_ =	shalt  }
0x59: {  	_ =	shalt  }
0x5a: {  	_ =	shalt  }
0x5b: {  	_ =	shalt  }
0x5c: {  	_ =	shalt  }
0x5d: {  	_ =	shalt  }
0x5e: {  	_ =	shalt  }
0x5f: {  	_ =	shalt  }
0x60: {  	_ =	shalt  }
0x61: {  	_ =	shalt  }
0x62: {  	_ =	shalt  }
0x63: {  	_ =	shalt  }
0x64: {  	_ =	shalt  }
0x65: {  	_ =	shalt  }
0x66: {  	_ =	shalt  }
0x67: {  	_ =	shalt  }
0x68: {  	_ =	shalt  }
0x69: {  	_ =	shalt  }
0x6a: {  	_ =	shalt  }
0x6b: {  	_ =	shalt  }
0x6c: {  	_ =	shalt  }
0x6d: {  	_ =	shalt  }
0x6e: {  	_ =	shalt  }
0x6f: {  	_ =	shalt  }
0x70: {  	_ =	shalt  }
0x71: {  	_ =	shalt  }
0x72: {  	_ =	shalt  }
0x73: {  	_ =	shalt  }
0x74: {  	_ =	shalt  }
0x75: {  	_ =	shalt  }
0x76: {  	_ =	shalt  }
0x77: {  	_ =	shalt  }
0x78: {  	_ =	shalt  }
0x79: {  	_ =	shalt  }
0x7a: {  	_ =	shalt  }
0x7b: {  	_ =	shalt  }
0x7c: {  	_ =	shalt  }
0x7d: {  	_ =	shalt  }
0x7e: {  	_ =	shalt  }
0x7f: {  	_ =	shalt  }
0x80: {  	_ =	shalt  }
0x81: {  	_ =	shalt  }
0x82: {  	_ =	shalt  }
0x83: {  	_ =	shalt  }
0x84: {  	_ =	shalt  }
0x85: {  	_ =	shalt  }
0x86: {  	_ =	shalt  }
0x87: {  	_ =	shalt  }
.Lfunc_end0:
.L_simem_size_0:
called_computation.7_lowered:
.L_overlay_start_0:
0x88: {  	s2 =	sld [smem:$0x3FD9]  }
0x89: {  	s3 =	sld [smem:$0x3FFE];
	_ =	sdelay $0x1  }
0x8a: {  	s1 =	srdreg.scid  }
0x8b: {  	s0 =	sand.u32 $0x1, s1  }
0x8c: {  	s16 =	sshll.u32 s0, $0xA;
	s2 =	sadd.s32 s3, s2  }
0x8d: {  	s2 =	sadd.s32 s2, s16  }
0x8e: {  	[smem:$0x3FBF] =	sst s2  }
0x8f: {  	_ = 	snop  }
0x90: {  	(tm) =	ssettm $0x1  }
0x91: {  	s17 =	sld [smem:$0x3FFB];
	_ =	sdelay $0x3  }
0x92: {  	_ =	strace s17  }
0x93: {  	s2 =	sld [smem:$0x3FFC];
	_ =	sdelay $0x3  }
0x94: {  	_ =	strace s2  }
0x95: {  	s2 =	sld [smem:$0x3FFD];
	_ =	sdelay $0x3  }
0x96: {  	_ =	strace s2  }
0x97: {  	_ =	strace $0x8FFFFFFF  }
0x98: {  	s18 =	sld [smem:$0x3FDB];
	_ =	sdelay $0x1  }
0x99: {  	s19 =	simm.s32 $_scs_section_size  }
0x9a: {  	s4 =	simm.s32 $_size__tile_overlayer_lowered;
	s5 =	simm.s32 $_tile_overlayer_lowered  }
0x9b: {  	s22 =	simm.s32 $0x1BFF;
	s21 =	sshll.u32 s5, $0x1;
	s2 =	sadd.s32 s19, s18  }
0x9c: {  	s6 =	simm.s32 $0x0;
	s20 =	sshll.u32 s4, $0x1;
	s4 =	sadd.s32 s21, s2  }
0x9d: {  	[timem:s6], [sflag:s22] =	dma.local [hbm:s4], s20  }
0x9e: {  	_ =	swait.ge [sflag:s22], s20  }
0x9f: {  	s3 =	ssub.s32 $0x0, s20;
	[sflag:s22] =	ssyncset.done $0x0  }
0xa0: {  	[sflag:s22] =	ssyncadd.s32 s3;
	_ =	sdelay $0x1  }
0xa1: {  	s23 =	simm.s32 $0x1B8B  }
0xa2: {  	_ =	swait.ge [sflag:s23], $0x1  }
0xa3: {  	[sflag:s23] =	ssyncset.done $0x0  }
0xa4: {  	s25 =	simm.s32 $0x1B8E;
	s24 =	sld [smem:$0x3FFE];
	[sflag:s23] =	ssyncadd.s32 $0xFFFFFFFF  }
0xa5: {  	s26 =	simm.s32 $execute0_lowered;
	[smem:$0x3FD2] =	sst s25  }
0xa6: {  	s4 =	sshll.u32 s26, $0x1;
	_ =	strace $0x8000005B;
	[dreg:$0x1] =	wrdreg $0xFFFFFFFF  }
0xa7: {  	s28 =	simm.s32 $_size_execute0_lowered;
	s2 =	sadd.s32 s2, s4;
	[dreg:$0x0] =	wrdreg $0x0  }
0xa8: {  	s4 =	sshll.u32 s28, $0x1;
	[dreg:$0x2] =	wrdreg s2  }
0xa9: {  	[dreg:$0x3] =	wrdreg s4  }
0xaa: {  	[dreg:$0x4] =	wrdreg $0xC0  }
0xab: {  	_ =	task [dreg:s6], $0x5FFFF  }
0xac: {  	[dreg:$0x1] =	wrdreg $0xFFFFFFFF  }
0xad: {  	[dreg:$0x0] =	wrdreg $0x60  }
0xae: {  	[dreg:$0x2] =	wrdreg s24  }
0xaf: {  	[dreg:$0x3] =	wrdreg $0xA8000  }
0xb0: {  	[dreg:$0x4] =	wrdreg $0x9  }
0xb1: {  	_ =	task.clear_ibuf [dreg:s6], $0x5FFFF;
	_ =	strace $0x9000005B  }
0xb2: {  	s29 =	simm.s32 $0x9;
	_ =	strace $0x8000005D  }
0xb3: {  	_ =	swait.ge [sflag:s29], $0x1  }
0xb4: {  	[sflag:s29] =	ssyncadd.s32 $0xFFFFFFFF  }
0xb5: {  	_ =	strace $0x9000005D  }
0xb6: {  	_ =	sfence  }
0xb7: {  	s30 =	sld [smem:$0x0];
	_ =	sdelay $0x2  }
0xb8: {  	s31 =	sshll.u32 s1, $0xD;
	s1 =	sshrl.u32 s1, $0x2  }
0xb9: {  	s3 =	sand.u32 $0x4000, s31;
	s1 =	sadd.s32 s1, s30  }
0xba: {  	s0 =	sor.u32 s3, s0;
	s1 =	sshll.u32 s1, $0x11  }
0xbb: {  	s0 =	sor.u32 s1, s0  }
0xbc: {  	s0 =	sadd.s32 $0x8F2B, s0  }
0xbd: {  	[sflag:s0] =	ssyncadd.remote.s32 $0x1  }
0xbe: {  	_ =	sfence.sel $0xFFFF  }
0xbf: {  	[dreg:$0x0] =	wrdreg $0xFFFFFFFF;
	(pc) =	sbr.abs _section_cstart, $3  }
0xc0: {  	[dreg:$0x1] =	wrdreg $0xFFFFFFFF  }
0xc1: {  	_ =	task.clear_ibuf [dreg:s6], $0x2FFFF;
	_ =	strace $0x9FFFFFFF  }
0xc2: {  	(tm) =	ssettm $0x7FFFFFFF  }
0xc3: {  	_ =	shalt  }
tec
execute0_lowered:
.L_overlay_start_1:
0x0: {  	(tag) =	ssettag $0x1  }
0x1: {  	s1 =	srdreg.scid;
	s5 =	rddreg [dreg:$0x0]  }
0x2: {  	s0 =	stileid.u32;
	s2 =	rddreg [dreg:$0x1];
	s3 =	simm.s32 $0x0  }
0x3: {  	s14 =	simm.s32 $0x80;
	s15 =	simm.s32 $0x2800;
	s16 =	simm.s32 $0x6800  }
0x4: {  	s17 =	simm.s32 $0x1;
	s18 =	simm.s32 $0x2;
	s19 =	simm.s32 $0x1380  }
0x5: {  	s20 =	simm.s32 $0x2700;
	s21 =	simm.s32 $0x2780;
	s22 =	simm.s32 $0x0  }
0x6: {  	s6 =	sand.u32 $0x1, s1;
	s1 =	rddreg [dreg:$0x2];
	s8 =	smul.u32 $0x2800, s0  }
0x7: {  	s30 =	sshll.u32 s0, $0x1;
	[smem:$0x7FF] =	sst s3;
	s11 =	smul.u32 $0x50000, s0  }
0x8: {  	s12 =	sshll.u32 s0, $0x6;
	s4 =	sor.u32 s6, s30;
	_ =	strace $0x8000005C  }
0x9: {  	s9 =	smul.u32 $0x28000, s6;
	s6 =	ssub.s32 $0x2, s6;
	s12 =	sor.u32 $0x1C03, s12  }
0xa: {  	s7 =	smul.u32 $0x280, s4;
	s4 =	sadd.s32 $0xBCC00, s5;
	s10 =	sshrl.u32 s6, $0x1  }
0xb: {  	s31 =	sshrl.u32 s11, $0x2;
	s11 =	simm.s32 $0x1400;
	s9 =	sadd.s32 s8, s9  }
0xc: {  	s8 =	sadd.s32 s8, s5;
	s10 =	ssub.s32 s6, s10;
	s13 =	sadd.s32 s31, s2  }
0xd: {  	s7 =	sadd.s32 s7, s5;
	s9 =	sadd.s32 s9, s5;
	s13 =	sshrl.u32 s13, $0x3  }
0xe: {  	s5 =	sadd.s32 $0x3FC00, s7;
	s6 =	sadd.s32 $0xB400, s7;
	s7 =	sadd.s32 $0x6CC00, s8  }
0xf: {  	s8 =	sadd.s32 $0x10CC00, s9;
	s9 =	smax.u32 s10, $0x1;
	s10 =	simm.s32 $0x3  }
.LBB2_1:
0x10: {  	[tilespmem:s3], [sflag:$0x3] =	stream.linear.gather [hbm4b:s5+s3], $0x1400, $0x38;
	[tilespmem:$0x1E800] =	vst v63  }
0x11: {  	_ =	swait.ge [sflag:s10], $0x1400  }
0x12: {  	[sflag:s10] =	ssyncset.done $0x0  }
0x13: {  	[sflag:s10] =	ssyncadd.s32 $0xFFFFEC00  }
0x14: {  	[tilespmem:s11], [sflag:$0x3] =	stream.linear.gather [hbm4b:s6+s3], $0x1400, $0x38;
	[tilespmem:$0x1E800] =	vst v63  }
0x15: {  	_ =	swait.ge [sflag:s10], $0x1400  }
0x16: {  	[sflag:s10] =	ssyncset.done $0x0  }
0x17: {  	[sflag:s10] =	ssyncadd.s32 $0xFFFFEC00  }
0x18: {  	[spmem:s13], [sflag:s12] =	dma.local [hbm:s7], $0x2800  }
0x19: {  	_ =	swait.ge [sflag:s10], $0x2800  }
0x1a: {  	[sflag:s10] =	ssyncset.done $0x0  }
0x1b: {  	[sflag:s10] =	ssyncadd.s32 $0xFFFFD800  }
0x1c: {  	[bflag:$0x0] =	sbarrier.arrive $0xFFFF  }
0x1d: {  	[tilespmem:s15], [sflag:$0x1] =	stream.indirect.gather [hbm4b:s4+s14], $0x80, s3, s14, $0xb8;
	[tilespmem:$0x1E800] =	vst v63  }
0x1e: {  	s23 =	simm.s32 $0x80  }
0x1f: {  	[tilespmem:s16], [sflag:$0x2] =	stream.indirect.gather [hbm4b:s4+s14], $0x80, s23, s14, $0xb8;
	[tilespmem:$0x1E800] =	vst v63  }
0x20: {  	_ =	swait.ge [sflag:s17], $0x4000  }
0x21: {  	[sflag:s17] =	ssyncset.done $0x0  }
0x22: {  	s29 =	simm.s32 $0x1400;
	[sflag:s17] =	ssyncadd.s32 $0xFFFFC000  }
0x23: {  	[spmem:s2] =	stream.indirect.scatter.add.f32 [tilespmem:s15], [sflag:$0x3], $0x80, s29, s14, $0xb8;
	[tilespmem:$0x1E800] =	vst v63  }
0x24: {  	_ =	swait.ge [sflag:s10], $0x4000  }
0x25: {  	[sflag:s10] =	ssyncset.done $0x0  }
0x26: {  	s30 =	simm.s32 $0x100;
	[sflag:s10] =	ssyncadd.s32 $0xFFFFC000  }
0x27: {  	[tilespmem:s15], [sflag:$0x1] =	stream.indirect.gather [hbm4b:s4+s14], $0x80, s30, s14, $0xb8;
	[tilespmem:$0x1E800] =	vst v63  }
0x28: {  	_ =	swait.ge [sflag:s18], $0x4000  }
0x29: {  	[sflag:s18] =	ssyncset.done $0x0  }
0x2a: {  	s31 =	simm.s32 $0x1480;
	[sflag:s18] =	ssyncadd.s32 $0xFFFFC000  }
0x2b: {  	[spmem:s2] =	stream.indirect.scatter.add.f32 [tilespmem:s16], [sflag:$0x3], $0x80, s31, s14, $0xb8;
	[tilespmem:$0x1E800] =	vst v63  }
0x2c: {  	_ =	swait.ge [sflag:s10], $0x4000  }
0x2d: {  	s24 =	simm.s32 $0x800;
	s23 =	simm.s32 $0x100;
	[sflag:s10] =	ssyncset.done $0x0  }
.LBB2_2:
0x2e: {  	s25 =	sadd.s32 $0x80, s23  }
0x2f: {  	[sflag:s10] =	ssyncadd.s32 $0xFFFFC000;
	s26 =	smov.u32 s24;
	s28 =	sadd.s32 $0x400, s24  }
0x30: {  	[tilespmem:s16], [sflag:$0x2] =	stream.indirect.gather [hbm4b:s4+s14], $0x80, s25, s14, $0xb8;
	[tilespmem:$0x1E800] =	vst v63  }
0x31: {  	p0 =	sne.s32 s24, $0x4800;
	_ =	swait.ge [sflag:s17], $0x4000  }
0x32: {  	[sflag:s17] =	ssyncset.done $0x0  }
0x33: {  	s24 =	sadd.s32 $0x1400, s23;
	[sflag:s17] =	ssyncadd.s32 $0xFFFFC000  }
0x34: {  	[spmem:s2] =	stream.indirect.scatter.add.f32 [tilespmem:s15], [sflag:$0x3], $0x80, s24, s14, $0xb8;
	[tilespmem:$0x1E800] =	vst v63  }
0x35: {  	_ =	swait.ge [sflag:s10], $0x4000  }
0x36: {  	[sflag:s10] =	ssyncset.done $0x0  }
0x37: {  	s24 =	sadd.s32 $0x100, s23;
	[sflag:s10] =	ssyncadd.s32 $0xFFFFC000  }
0x38: {  	[tilespmem:s15], [sflag:$0x1] =	stream.indirect.gather [hbm4b:s4+s14], $0x80, s24, s14, $0xb8;
	[tilespmem:$0x1E800] =	vst v63  }
0x39: {  	_ =	swait.ge [sflag:s18], $0x4000  }
.Ltmp0:
0x3a: {  	[sflag:s18] =	ssyncset.done $0x0;
	(pc) =	sbr.rel @p0 .LBB2_2-.Ltmp0, $4  }
0x3b: {  	s23 =	sadd.s32 $0x1480, s23;
	[sflag:s18] =	ssyncadd.s32 $0xFFFFC000  }
0x3c: {  	[spmem:s2] =	stream.indirect.scatter.add.f32 [tilespmem:s16], [sflag:$0x3], $0x80, s23, s14, $0xb8;
	[tilespmem:$0x1E800] =	vst v63  }
0x3d: {  	_ =	swait.ge [sflag:s10], $0x4000  }
0x3e: {  	s24 =	smov.u32 s28;
	s23 =	sshra.s32 s26, $0x2;
	[sflag:s10] =	ssyncset.done $0x0  }
0x3f: {  	s24 =	sadd.s32 $0x80, s23;
	[sflag:s10] =	ssyncadd.s32 $0xFFFFC000  }
0x40: {  	[tilespmem:s16], [sflag:$0x2] =	stream.indirect.gather [hbm4b:s4+s14], $0x80, s24, s14, $0xb8;
	[tilespmem:$0x1E800] =	vst v63  }
0x41: {  	_ =	swait.ge [sflag:s17], $0x4000  }
0x42: {  	[sflag:s17] =	ssyncset.done $0x0  }
0x43: {  	s29 =	sadd.s32 $0x1400, s23;
	[sflag:s17] =	ssyncadd.s32 $0xFFFFC000  }
0x44: {  	[spmem:s2] =	stream.indirect.scatter.add.f32 [tilespmem:s15], [sflag:$0x3], $0x80, s29, s14, $0xb8;
	[tilespmem:$0x1E800] =	vst v63  }
0x45: {  	_ =	swait.ge [sflag:s10], $0x4000  }
0x46: {  	[sflag:s10] =	ssyncset.done $0x0  }
0x47: {  	s30 =	sadd.s32 $0x100, s23;
	[sflag:s10] =	ssyncadd.s32 $0xFFFFC000  }
0x48: {  	[tilespmem:s15], [sflag:$0x1] =	stream.indirect.gather [hbm4b:s4+s14], $0x80, s30, s14, $0xb8;
	[tilespmem:$0x1E800] =	vst v63  }
0x49: {  	_ =	swait.ge [sflag:s18], $0x4000  }
0x4a: {  	[sflag:s18] =	ssyncset.done $0x0  }
0x4b: {  	s31 =	sadd.s32 $0x1480, s23;
	[sflag:s18] =	ssyncadd.s32 $0xFFFFC000  }
0x4c: {  	[spmem:s2] =	stream.indirect.scatter.add.f32 [tilespmem:s16], [sflag:$0x3], $0x80, s31, s14, $0xb8;
	[tilespmem:$0x1E800] =	vst v63  }
0x4d: {  	_ =	swait.ge [sflag:s10], $0x4000  }
0x4e: {  	[sflag:s10] =	ssyncset.done $0x0  }
0x4f: {  	[sflag:s10] =	ssyncadd.s32 $0xFFFFC000  }
0x50: {  	[tilespmem:s16], [sflag:$0x2] =	stream.indirect.gather [hbm4b:s4+s14], $0x80, s19, s14, $0xb8;
	[tilespmem:$0x1E800] =	vst v63  }
0x51: {  	_ =	swait.ge [sflag:s17], $0x4000  }
0x52: {  	[sflag:s17] =	ssyncset.done $0x0  }
0x53: {  	[sflag:s17] =	ssyncadd.s32 $0xFFFFC000  }
0x54: {  	[spmem:s2] =	stream.indirect.scatter.add.f32 [tilespmem:s15], [sflag:$0x3], $0x80, s20, s14, $0xb8;
	[tilespmem:$0x1E800] =	vst v63  }
0x55: {  	_ =	swait.ge [sflag:s10], $0x4000  }
0x56: {  	[sflag:s10] =	ssyncset.done $0x0  }
0x57: {  	[sflag:s10] =	ssyncadd.s32 $0xFFFFC000  }
0x58: {  	_ =	swait.ge [sflag:s18], $0x4000  }
0x59: {  	[sflag:s18] =	ssyncset.done $0x0  }
0x5a: {  	[sflag:s18] =	ssyncadd.s32 $0xFFFFC000  }
0x5b: {  	[spmem:s2] =	stream.indirect.scatter.add.f32 [tilespmem:s16], [sflag:$0x3], $0x80, s21, s14, $0xb8;
	[tilespmem:$0x1E800] =	vst v63  }
0x5c: {  	_ =	swait.ge [sflag:s10], $0x4000  }
0x5d: {  	s22 =	sadd.s32 $0x1, s22;
	[sflag:s10] =	ssyncset.done $0x0  }
0x5e: {  	p0 =	sne.s32 s22, s9;
	[sflag:s10] =	ssyncadd.s32 $0xFFFFC000  }
.Ltmp1:
0x5f: {  	[bflag:$0x0] =	sbarrier.arrive $0xFFFF;
	(pc) =	sbr.rel @p0 .LBB2_1-.Ltmp1, $4  }
0x60: {  	[hbm:s8], [sflag:s12] =	dma.local [spmem:s13], $0x2800  }
0x61: {  	_ =	swait.ge [sflag:s10], $0x2800  }
0x62: {  	[sflag:s10] =	ssyncset.done $0x0  }
0x63: {  	[sflag:s10] =	ssyncadd.s32 $0xFFFFD800  }
0x64: {  	_ =	sfence.sel $0x180000  }
0x65: {  	[bflag:$0x0] =	sbarrier.arrive $0xFFFF  }
0x66: {  	p0 =	sne.s32 s0, $0x0;
	_ =	strace $0x9000005C  }
0x67: {  	s0 =	sadd.s32 @!p0 $0x100000, s1;
	[bflag:$0x2] =	sbarrier.arrive $0xFFFF  }
0x68: {  	[sflag:s0] =	ssyncadd.tile.s32 @!p0 $0x1;
	_ =	shalt  }
.Lfunc_end2:
_tile_overlayer_lowered:
.L_overlay_start_2:
0x69: {  	(tag) =	ssettag $0x2  }
0x6a: {  	s0 =	rddreg [dreg:$0x0];
	s2 =	stileid.u32  }
0x6b: {  	s1 =	rddreg [dreg:$0x1];
	p0 =	sne.s32 s2, $0x0  }
0x6c: {  	s3 =	rddreg [dreg:$0x2];
	[bflag:$0x3] =	sbarrier.arrive $0xFFFF;
	s2 =	simm.s32 @!p0 $0x1C03  }
0x6d: {  	[timem:s3], [sflag:s2] =	dma.local @!p0 [hbm:s0], s1  }
0x6e: {  	s0 =	simm.s32 @!p0 $0x3  }
0x6f: {  	_ =	swait.ge @!p0 [sflag:s0], s1  }
0x70: {  	s1 =	ssub.s32 @!p0 $0x0, s1;
	[sflag:s0] =	ssyncset.done @!p0 $0x0  }
0x71: {  	[sflag:s0] =	ssyncadd.s32 @!p0 s1  }
0x72: {  	[bflag:$0x3] =	sbarrier.arrive $0xFFFF  }
0x73: {  	_ =	shalt  }

// kernel: kernel.43.cloned.1.call-start
scs
__scs_entry_jumppad:
0x0: {  	(pc) =	sbr.rel $0x88, $3  }
0x1: {  	(tag) =	ssettag $0x0;
	lr =	simm.s32 $0x1  }
0x2: {  	[smem:$0x3F98] =	sst lr;
	_ =	strace $0xD0000000  }
0x3: {  	_ = 	snop  }
0x4: {  	_ = 	snop  }
0x5: {  	_ = 	snop  }
0x6: {  	_ = 	snop  }
0x7: {  	_ = 	snop  }
__scs_overlays_trampoline_lowered:
0x8: {  	[smem:$0x3FA7] =	sst s0  }
0x9: {  	[smem:$0x3FA8] =	sst s1  }
0xa: {  	[smem:$0x3FA9] =	sst s2  }
0xb: {  	[smem:$0x3FAA] =	sst s3  }
0xc: {  	[smem:$0x3FAB] =	sst s4  }
0xd: {  	[smem:$0x3FAC] =	sst s5  }
0xe: {  	[smem:$0x3FAD] =	sst s6  }
0xf: {  	[smem:$0x3FAE] =	sst s7  }
0x10: {  	[smem:$0x3FAF] =	sst s8  }
0x11: {  	[smem:$0x3FB0] =	sst s9;
	s0 =	simm.s32 @!p0 $0x0  }
0x12: {  	s1 =	sld [smem:$0x3F96];
	s0 =	simm.s32 @p0 $0x1  }
0x13: {  	[smem:$0x3FB1] =	sst s0;
	s0 =	simm.s32 @!p1 $0x0  }
0x14: {  	s2 =	sld [smem:$0x3F95];
	s0 =	simm.s32 @p1 $0x1  }
0x15: {  	[smem:$0x3FB2] =	sst s0;
	s0 =	simm.s32 @!p2 $0x0  }
0x16: {  	s3 =	sld [smem:$0x3FDB];
	s0 =	simm.s32 @p2 $0x1  }
0x17: {  	s4 =	simm.s32 $0x1BF5;
	[smem:$0x3FB4] =	sst s0  }
0x18: {  	s0 =	sld [smem:$0x3F97];
	_ =	swait.ge [sflag:s4], $0x0  }
0x19: {  	s7 =	sld [smem:$0x3F98]  }
0x1a: {  	s8 =	sadd.s32 $0xFFFFE003, lr  }
0x1b: {  	s9 =	sadd.s32 $0xFFFFFEF7, lr;
	s5 =	simm.s32 $0xFFFFFFFF;
	p2 =	slt.u32 s8, $0xFFFFF086  }
0x1c: {  	p1 =	slt.u32 s9, $0xF7A;
	s5 =	simm.s32 @!p2 $0x0  }
0x1d: {  	s5 =	simm.s32 @p1 $0x1;
	p0 =	seq.s32 s7, s2  }
0x1e: {  	s7 =	smul.u32 @!p0 $0xF7A, s2;
	p2 =	seq.s32 @!p0 s5, $0x0  }
0x1f: {  	s9 =	smul.u32 $0xF7A, s1;
	s8 =	simm.s32 @!p0 $0x1BF5;
	p2 =	por !p2, p0  }
0x20: {  	[sflag:s8] =	ssyncset.s32 @!p0 $0xFFFFF086;
	s6 =	sadd.s32 @!p0 s3, s7;
	s7 =	simm.s32 @!p0 $0x108  }
0x21: {  	s3 =	sadd.s32 s3, s9;
	s6 =	sadd.s32 @!p0 $0x88, s6;
	s7 =	simm.s32 @p2 $0x1082  }
0x22: {  	[simem:s7], [sflag:s8] =	dma.local @!p0 [hbm:s6], $0xF7A  }
0x23: {  	s9 =	sor.u32 $0xD0000000, s2;
	s6 =	simm.s32 $0x108;
	_ =	swait.ge @!p0 [sflag:s8], $0x0  }
0x24: {  	s3 =	sadd.s32 $0x88, s3;
	s6 =	simm.s32 @!p1 $0x1082;
	[sflag:s4] =	ssyncset.s32 $0xFFFFF086  }
0x25: {  	[simem:s6], [sflag:s4] =	dma.local [hbm:s3], $0xF7A  }
0x26: {  	[smem:$0x3F98] =	sst s1;
	(tag) =	ssettag s2;
	_ =	strace s9  }
0x27: {  	s1 =	sld [smem:$0x3FA8]  }
0x28: {  	s2 =	sld [smem:$0x3FA9]  }
0x29: {  	s4 =	sld [smem:$0x3FAB]  }
0x2a: {  	p0 =	seq.s32 s5, $0x0;
	s5 =	sld [smem:$0x3FAC]  }
0x2b: {  	s6 =	sld [smem:$0x3FAD]  }
0x2c: {  	s7 =	sld [smem:$0x3FAE]  }
0x2d: {  	s3 =	simm.s32 $0x108;
	s8 =	sld [smem:$0x3FAF]  }
0x2e: {  	s3 =	simm.s32 @!p0 $0x1082;
	s9 =	sld [smem:$0x3FB0]  }
0x2f: {  	lr =	sadd.s32 s0, s3;
	s0 =	sld [smem:$0x3FA7]  }
0x30: {  	s3 =	sld [smem:$0x3FAA]  }
0x31: {  	[smem:$0x3FB3] =	sst s10  }
0x32: {  	s10 =	sld [smem:$0x3FB1];
	_ =	sdelay $0x3  }
0x33: {  	p0 =	seq.s32 s10, $0x1;
	s10 =	sld [smem:$0x3FB3];
	_ =	sdelay $0x3  }
0x34: {  	[smem:$0x3FB3] =	sst s10  }
0x35: {  	s10 =	sld [smem:$0x3FB2];
	_ =	sdelay $0x3  }
0x36: {  	p1 =	seq.s32 s10, $0x1;
	s10 =	sld [smem:$0x3FB3];
	_ =	sdelay $0x3  }
0x37: {  	[smem:$0x3FB3] =	sst s10  }
0x38: {  	s10 =	sld [smem:$0x3FB4]  }
0x39: {  	_ = 	snop;
	(pc) =	sbr.ind lr, $3  }
0x3a: {  	_ = 	snop  }
0x3b: {  	_ = 	snop  }
0x3c: {  	p2 =	seq.s32 s10, $0x1;
	s10 =	sld [smem:$0x3FB3]  }
0x3d: {  	_ =	shalt  }
0x3e: {  	_ =	shalt  }
0x3f: {  	_ =	shalt  }
0x40: {  	_ =	shalt  }
0x41: {  	_ =	shalt  }
0x42: {  	_ =	shalt  }
0x43: {  	_ =	shalt  }
0x44: {  	_ =	shalt  }
0x45: {  	_ =	shalt  }
0x46: {  	_ =	shalt  }
0x47: {  	_ =	shalt  }
0x48: {  	_ =	shalt  }
0x49: {  	_ =	shalt  }
0x4a: {  	_ =	shalt  }
0x4b: {  	_ =	shalt  }
0x4c: {  	_ =	shalt  }
0x4d: {  	_ =	shalt  }
0x4e: {  	_ =	shalt  }
0x4f: {  	_ =	shalt  }
0x50: {  	_ =	shalt  }
0x51: {  	_ =	shalt  }
0x52: {  	_ =	shalt  }
0x53: {  	_ =	shalt  }
0x54: {  	_ =	shalt  }
0x55: {  	_ =	shalt  }
0x56: {  	_ =	shalt  }
0x57: {  	_ =	shalt  }
0x58: {  	_ =	shalt  }
0x59: {  	_ =	shalt  }
0x5a: {  	_ =	shalt  }
0x5b: {  	_ =	shalt  }
0x5c: {  	_ =	shalt  }
0x5d: {  	_ =	shalt  }
0x5e: {  	_ =	shalt  }
0x5f: {  	_ =	shalt  }
0x60: {  	_ =	shalt  }
0x61: {  	_ =	shalt  }
0x62: {  	_ =	shalt  }
0x63: {  	_ =	shalt  }
0x64: {  	_ =	shalt  }
0x65: {  	_ =	shalt  }
0x66: {  	_ =	shalt  }
0x67: {  	_ =	shalt  }
0x68: {  	_ =	shalt  }
0x69: {  	_ =	shalt  }
0x6a: {  	_ =	shalt  }
0x6b: {  	_ =	shalt  }
0x6c: {  	_ =	shalt  }
0x6d: {  	_ =	shalt  }
0x6e: {  	_ =	shalt  }
0x6f: {  	_ =	shalt  }
0x70: {  	_ =	shalt  }
0x71: {  	_ =	shalt  }
0x72: {  	_ =	shalt  }
0x73: {  	_ =	shalt  }
0x74: {  	_ =	shalt  }
0x75: {  	_ =	shalt  }
0x76: {  	_ =	shalt  }
0x77: {  	_ =	shalt  }
0x78: {  	_ =	shalt  }
0x79: {  	_ =	shalt  }
0x7a: {  	_ =	shalt  }
0x7b: {  	_ =	shalt  }
0x7c: {  	_ =	shalt  }
0x7d: {  	_ =	shalt  }
0x7e: {  	_ =	shalt  }
0x7f: {  	_ =	shalt  }
0x80: {  	_ =	shalt  }
0x81: {  	_ =	shalt  }
0x82: {  	_ =	shalt  }
0x83: {  	_ =	shalt  }
0x84: {  	_ =	shalt  }
0x85: {  	_ =	shalt  }
0x86: {  	_ =	shalt  }
0x87: {  	_ =	shalt  }
.Lfunc_end0:
.L_simem_size_0:
called_computation.8_lowered:
.L_overlay_start_0:
0x88: {  	s2 =	sld [smem:$0x3FD9]  }
0x89: {  	s3 =	sld [smem:$0x3FFE];
	_ =	sdelay $0x1  }
0x8a: {  	s1 =	srdreg.scid  }
0x8b: {  	s0 =	sand.u32 $0x1, s1  }
0x8c: {  	s16 =	sshll.u32 s0, $0xA;
	s2 =	sadd.s32 s3, s2  }
0x8d: {  	s2 =	sadd.s32 s2, s16  }
0x8e: {  	[smem:$0x3FBF] =	sst s2  }
0x8f: {  	_ = 	snop  }
0x90: {  	(tm) =	ssettm $0x1  }
0x91: {  	s17 =	sld [smem:$0x3FFB];
	_ =	sdelay $0x3  }
0x92: {  	_ =	strace s17  }
0x93: {  	s2 =	sld [smem:$0x3FFC];
	_ =	sdelay $0x3  }
0x94: {  	_ =	strace s2  }
0x95: {  	s2 =	sld [smem:$0x3FFD];
	_ =	sdelay $0x3  }
0x96: {  	_ =	strace s2  }
0x97: {  	_ =	strace $0x8FFFFFFF  }
0x98: {  	s18 =	sld [smem:$0x3FDB];
	_ =	sdelay $0x1  }
0x99: {  	s19 =	simm.s32 $_scs_section_size  }
0x9a: {  	s4 =	simm.s32 $_size__tile_overlayer_lowered;
	s5 =	simm.s32 $_tile_overlayer_lowered  }
0x9b: {  	s22 =	simm.s32 $0x1BFF;
	s21 =	sshll.u32 s5, $0x1;
	s2 =	sadd.s32 s19, s18  }
0x9c: {  	s6 =	simm.s32 $0x0;
	s20 =	sshll.u32 s4, $0x1;
	s4 =	sadd.s32 s21, s2  }
0x9d: {  	[timem:s6], [sflag:s22] =	dma.local [hbm:s4], s20  }
0x9e: {  	_ =	swait.ge [sflag:s22], s20  }
0x9f: {  	s3 =	ssub.s32 $0x0, s20;
	[sflag:s22] =	ssyncset.done $0x0  }
0xa0: {  	[sflag:s22] =	ssyncadd.s32 s3;
	_ =	sdelay $0x1  }
0xa1: {  	s23 =	simm.s32 $0x1B8B  }
0xa2: {  	_ =	swait.ge [sflag:s23], $0x1  }
0xa3: {  	[sflag:s23] =	ssyncset.done $0x0  }
0xa4: {  	s25 =	simm.s32 $0x1B8E;
	s24 =	sld [smem:$0x3FFE];
	[sflag:s23] =	ssyncadd.s32 $0xFFFFFFFF  }
0xa5: {  	s26 =	simm.s32 $execute0_lowered;
	[smem:$0x3FD2] =	sst s25  }
0xa6: {  	s4 =	sshll.u32 s26, $0x1;
	_ =	strace $0x8000005E;
	[dreg:$0x1] =	wrdreg $0xFFFFFFFF  }
0xa7: {  	s28 =	simm.s32 $_size_execute0_lowered;
	s2 =	sadd.s32 s2, s4;
	[dreg:$0x0] =	wrdreg $0x0  }
0xa8: {  	s4 =	sshll.u32 s28, $0x1;
	[dreg:$0x2] =	wrdreg s2  }
0xa9: {  	[dreg:$0x3] =	wrdreg s4  }
0xaa: {  	[dreg:$0x4] =	wrdreg $0xC0  }
0xab: {  	_ =	task [dreg:s6], $0x5FFFF  }
0xac: {  	[dreg:$0x1] =	wrdreg $0xFFFFFFFF  }
0xad: {  	[dreg:$0x0] =	wrdreg $0x60  }
0xae: {  	[dreg:$0x2] =	wrdreg s24  }
0xaf: {  	[dreg:$0x3] =	wrdreg $0xA8000  }
0xb0: {  	[dreg:$0x4] =	wrdreg $0x9  }
0xb1: {  	_ =	task.clear_ibuf [dreg:s6], $0x5FFFF;
	_ =	strace $0x9000005E  }
0xb2: {  	s29 =	simm.s32 $0x9;
	_ =	strace $0x80000060  }
0xb3: {  	_ =	swait.ge [sflag:s29], $0x1  }
0xb4: {  	[sflag:s29] =	ssyncadd.s32 $0xFFFFFFFF  }
0xb5: {  	_ =	strace $0x90000060  }
0xb6: {  	_ =	sfence  }
0xb7: {  	s30 =	sld [smem:$0x0];
	_ =	sdelay $0x2  }
0xb8: {  	s31 =	sshll.u32 s1, $0xD;
	s1 =	sshrl.u32 s1, $0x2  }
0xb9: {  	s3 =	sand.u32 $0x4000, s31;
	s1 =	sadd.s32 s1, s30  }
0xba: {  	s0 =	sor.u32 s3, s0;
	s1 =	sshll.u32 s1, $0x11  }
0xbb: {  	s0 =	sor.u32 s1, s0  }
0xbc: {  	s0 =	sadd.s32 $0x8F2B, s0  }
0xbd: {  	[sflag:s0] =	ssyncadd.remote.s32 $0x1  }
0xbe: {  	_ =	sfence.sel $0xFFFF  }
0xbf: {  	[dreg:$0x0] =	wrdreg $0xFFFFFFFF;
	(pc) =	sbr.abs _section_cstart, $3  }
0xc0: {  	[dreg:$0x1] =	wrdreg $0xFFFFFFFF  }
0xc1: {  	_ =	task.clear_ibuf [dreg:s6], $0x2FFFF;
	_ =	strace $0x9FFFFFFF  }
0xc2: {  	(tm) =	ssettm $0x7FFFFFFF  }
0xc3: {  	_ =	shalt  }
tec
execute0_lowered:
.L_overlay_start_1:
0x0: {  	(tag) =	ssettag $0x1  }
0x1: {  	s1 =	srdreg.scid;
	s5 =	rddreg [dreg:$0x0]  }
0x2: {  	s0 =	stileid.u32;
	s2 =	rddreg [dreg:$0x1];
	s3 =	simm.s32 $0x0  }
0x3: {  	s14 =	simm.s32 $0x80;
	s15 =	simm.s32 $0x2800;
	s16 =	simm.s32 $0x6800  }
0x4: {  	s17 =	simm.s32 $0x1;
	s18 =	simm.s32 $0x2;
	s19 =	simm.s32 $0x1380  }
0x5: {  	s20 =	simm.s32 $0x2700;
	s21 =	simm.s32 $0x2780;
	s22 =	simm.s32 $0x0  }
0x6: {  	s6 =	sand.u32 $0x1, s1;
	s1 =	rddreg [dreg:$0x2];
	s8 =	smul.u32 $0x2800, s0  }
0x7: {  	s30 =	sshll.u32 s0, $0x1;
	[smem:$0x7FF] =	sst s3;
	s11 =	smul.u32 $0x50000, s0  }
0x8: {  	s12 =	sshll.u32 s0, $0x6;
	s4 =	sor.u32 s6, s30;
	_ =	strace $0x8000005F  }
0x9: {  	s9 =	smul.u32 $0x28000, s6;
	s6 =	ssub.s32 $0x2, s6;
	s12 =	sor.u32 $0x1C03, s12  }
0xa: {  	s7 =	smul.u32 $0x280, s4;
	s4 =	sadd.s32 $0x44C00, s5;
	s10 =	sshrl.u32 s6, $0x1  }
0xb: {  	s31 =	sshrl.u32 s11, $0x2;
	s11 =	simm.s32 $0x1400;
	s9 =	sadd.s32 s8, s9  }
0xc: {  	s8 =	sadd.s32 s8, s5;
	s10 =	ssub.s32 s6, s10;
	s13 =	sadd.s32 s31, s2  }
0xd: {  	s7 =	sadd.s32 s7, s5;
	s9 =	sadd.s32 s9, s5;
	s13 =	sshrl.u32 s13, $0x3  }
0xe: {  	s5 =	sadd.s32 $0x3FC00, s7;
	s6 =	sadd.s32 $0xB400, s7;
	s7 =	sadd.s32 $0x6CC00, s8  }
0xf: {  	s8 =	sadd.s32 $0x94C00, s9;
	s9 =	smax.u32 s10, $0x1;
	s10 =	simm.s32 $0x3  }
.LBB2_1:
0x10: {  	[tilespmem:s3], [sflag:$0x3] =	stream.linear.gather [hbm4b:s5+s3], $0x1400, $0x38;
	[tilespmem:$0x1E800] =	vst v63  }
0x11: {  	_ =	swait.ge [sflag:s10], $0x1400  }
0x12: {  	[sflag:s10] =	ssyncset.done $0x0  }
0x13: {  	[sflag:s10] =	ssyncadd.s32 $0xFFFFEC00  }
0x14: {  	[tilespmem:s11], [sflag:$0x3] =	stream.linear.gather [hbm4b:s6+s3], $0x1400, $0x38;
	[tilespmem:$0x1E800] =	vst v63  }
0x15: {  	_ =	swait.ge [sflag:s10], $0x1400  }
0x16: {  	[sflag:s10] =	ssyncset.done $0x0  }
0x17: {  	[sflag:s10] =	ssyncadd.s32 $0xFFFFEC00  }
0x18: {  	[spmem:s13], [sflag:s12] =	dma.local [hbm:s7], $0x2800  }
0x19: {  	_ =	swait.ge [sflag:s10], $0x2800  }
0x1a: {  	[sflag:s10] =	ssyncset.done $0x0  }
0x1b: {  	[sflag:s10] =	ssyncadd.s32 $0xFFFFD800  }
0x1c: {  	[bflag:$0x0] =	sbarrier.arrive $0xFFFF  }
0x1d: {  	[tilespmem:s15], [sflag:$0x1] =	stream.indirect.gather [hbm4b:s4+s14], $0x80, s3, s14, $0xb8;
	[tilespmem:$0x1E800] =	vst v63  }
0x1e: {  	s23 =	simm.s32 $0x80  }
0x1f: {  	[tilespmem:s16], [sflag:$0x2] =	stream.indirect.gather [hbm4b:s4+s14], $0x80, s23, s14, $0xb8;
	[tilespmem:$0x1E800] =	vst v63  }
0x20: {  	_ =	swait.ge [sflag:s17], $0x4000  }
0x21: {  	[sflag:s17] =	ssyncset.done $0x0  }
0x22: {  	s29 =	simm.s32 $0x1400;
	[sflag:s17] =	ssyncadd.s32 $0xFFFFC000  }
0x23: {  	[spmem:s2] =	stream.indirect.scatter.add.f32 [tilespmem:s15], [sflag:$0x3], $0x80, s29, s14, $0xb8;
	[tilespmem:$0x1E800] =	vst v63  }
0x24: {  	_ =	swait.ge [sflag:s10], $0x4000  }
0x25: {  	[sflag:s10] =	ssyncset.done $0x0  }
0x26: {  	s30 =	simm.s32 $0x100;
	[sflag:s10] =	ssyncadd.s32 $0xFFFFC000  }
0x27: {  	[tilespmem:s15], [sflag:$0x1] =	stream.indirect.gather [hbm4b:s4+s14], $0x80, s30, s14, $0xb8;
	[tilespmem:$0x1E800] =	vst v63  }
0x28: {  	_ =	swait.ge [sflag:s18], $0x4000  }
0x29: {  	[sflag:s18] =	ssyncset.done $0x0  }
0x2a: {  	s31 =	simm.s32 $0x1480;
	[sflag:s18] =	ssyncadd.s32 $0xFFFFC000  }
0x2b: {  	[spmem:s2] =	stream.indirect.scatter.add.f32 [tilespmem:s16], [sflag:$0x3], $0x80, s31, s14, $0xb8;
	[tilespmem:$0x1E800] =	vst v63  }
0x2c: {  	_ =	swait.ge [sflag:s10], $0x4000  }
0x2d: {  	s24 =	simm.s32 $0x800;
	s23 =	simm.s32 $0x100;
	[sflag:s10] =	ssyncset.done $0x0  }
.LBB2_2:
0x2e: {  	s25 =	sadd.s32 $0x80, s23  }
0x2f: {  	[sflag:s10] =	ssyncadd.s32 $0xFFFFC000;
	s26 =	smov.u32 s24;
	s28 =	sadd.s32 $0x400, s24  }
0x30: {  	[tilespmem:s16], [sflag:$0x2] =	stream.indirect.gather [hbm4b:s4+s14], $0x80, s25, s14, $0xb8;
	[tilespmem:$0x1E800] =	vst v63  }
0x31: {  	p0 =	sne.s32 s24, $0x4800;
	_ =	swait.ge [sflag:s17], $0x4000  }
0x32: {  	[sflag:s17] =	ssyncset.done $0x0  }
0x33: {  	s24 =	sadd.s32 $0x1400, s23;
	[sflag:s17] =	ssyncadd.s32 $0xFFFFC000  }
0x34: {  	[spmem:s2] =	stream.indirect.scatter.add.f32 [tilespmem:s15], [sflag:$0x3], $0x80, s24, s14, $0xb8;
	[tilespmem:$0x1E800] =	vst v63  }
0x35: {  	_ =	swait.ge [sflag:s10], $0x4000  }
0x36: {  	[sflag:s10] =	ssyncset.done $0x0  }
0x37: {  	s24 =	sadd.s32 $0x100, s23;
	[sflag:s10] =	ssyncadd.s32 $0xFFFFC000  }
0x38: {  	[tilespmem:s15], [sflag:$0x1] =	stream.indirect.gather [hbm4b:s4+s14], $0x80, s24, s14, $0xb8;
	[tilespmem:$0x1E800] =	vst v63  }
0x39: {  	_ =	swait.ge [sflag:s18], $0x4000  }
.Ltmp0:
0x3a: {  	[sflag:s18] =	ssyncset.done $0x0;
	(pc) =	sbr.rel @p0 .LBB2_2-.Ltmp0, $4  }
0x3b: {  	s23 =	sadd.s32 $0x1480, s23;
	[sflag:s18] =	ssyncadd.s32 $0xFFFFC000  }
0x3c: {  	[spmem:s2] =	stream.indirect.scatter.add.f32 [tilespmem:s16], [sflag:$0x3], $0x80, s23, s14, $0xb8;
	[tilespmem:$0x1E800] =	vst v63  }
0x3d: {  	_ =	swait.ge [sflag:s10], $0x4000  }
0x3e: {  	s24 =	smov.u32 s28;
	s23 =	sshra.s32 s26, $0x2;
	[sflag:s10] =	ssyncset.done $0x0  }
0x3f: {  	s24 =	sadd.s32 $0x80, s23;
	[sflag:s10] =	ssyncadd.s32 $0xFFFFC000  }
0x40: {  	[tilespmem:s16], [sflag:$0x2] =	stream.indirect.gather [hbm4b:s4+s14], $0x80, s24, s14, $0xb8;
	[tilespmem:$0x1E800] =	vst v63  }
0x41: {  	_ =	swait.ge [sflag:s17], $0x4000  }
0x42: {  	[sflag:s17] =	ssyncset.done $0x0  }
0x43: {  	s29 =	sadd.s32 $0x1400, s23;
	[sflag:s17] =	ssyncadd.s32 $0xFFFFC000  }
0x44: {  	[spmem:s2] =	stream.indirect.scatter.add.f32 [tilespmem:s15], [sflag:$0x3], $0x80, s29, s14, $0xb8;
	[tilespmem:$0x1E800] =	vst v63  }
0x45: {  	_ =	swait.ge [sflag:s10], $0x4000  }
0x46: {  	[sflag:s10] =	ssyncset.done $0x0  }
0x47: {  	s30 =	sadd.s32 $0x100, s23;
	[sflag:s10] =	ssyncadd.s32 $0xFFFFC000  }
0x48: {  	[tilespmem:s15], [sflag:$0x1] =	stream.indirect.gather [hbm4b:s4+s14], $0x80, s30, s14, $0xb8;
	[tilespmem:$0x1E800] =	vst v63  }
0x49: {  	_ =	swait.ge [sflag:s18], $0x4000  }
0x4a: {  	[sflag:s18] =	ssyncset.done $0x0  }
0x4b: {  	s31 =	sadd.s32 $0x1480, s23;
	[sflag:s18] =	ssyncadd.s32 $0xFFFFC000  }
0x4c: {  	[spmem:s2] =	stream.indirect.scatter.add.f32 [tilespmem:s16], [sflag:$0x3], $0x80, s31, s14, $0xb8;
	[tilespmem:$0x1E800] =	vst v63  }
0x4d: {  	_ =	swait.ge [sflag:s10], $0x4000  }
0x4e: {  	[sflag:s10] =	ssyncset.done $0x0  }
0x4f: {  	[sflag:s10] =	ssyncadd.s32 $0xFFFFC000  }
0x50: {  	[tilespmem:s16], [sflag:$0x2] =	stream.indirect.gather [hbm4b:s4+s14], $0x80, s19, s14, $0xb8;
	[tilespmem:$0x1E800] =	vst v63  }
0x51: {  	_ =	swait.ge [sflag:s17], $0x4000  }
0x52: {  	[sflag:s17] =	ssyncset.done $0x0  }
0x53: {  	[sflag:s17] =	ssyncadd.s32 $0xFFFFC000  }
0x54: {  	[spmem:s2] =	stream.indirect.scatter.add.f32 [tilespmem:s15], [sflag:$0x3], $0x80, s20, s14, $0xb8;
	[tilespmem:$0x1E800] =	vst v63  }
0x55: {  	_ =	swait.ge [sflag:s10], $0x4000  }
0x56: {  	[sflag:s10] =	ssyncset.done $0x0  }
0x57: {  	[sflag:s10] =	ssyncadd.s32 $0xFFFFC000  }
0x58: {  	_ =	swait.ge [sflag:s18], $0x4000  }
0x59: {  	[sflag:s18] =	ssyncset.done $0x0  }
0x5a: {  	[sflag:s18] =	ssyncadd.s32 $0xFFFFC000  }
0x5b: {  	[spmem:s2] =	stream.indirect.scatter.add.f32 [tilespmem:s16], [sflag:$0x3], $0x80, s21, s14, $0xb8;
	[tilespmem:$0x1E800] =	vst v63  }
0x5c: {  	_ =	swait.ge [sflag:s10], $0x4000  }
0x5d: {  	s22 =	sadd.s32 $0x1, s22;
	[sflag:s10] =	ssyncset.done $0x0  }
0x5e: {  	p0 =	sne.s32 s22, s9;
	[sflag:s10] =	ssyncadd.s32 $0xFFFFC000  }
.Ltmp1:
0x5f: {  	[bflag:$0x0] =	sbarrier.arrive $0xFFFF;
	(pc) =	sbr.rel @p0 .LBB2_1-.Ltmp1, $4  }
0x60: {  	[hbm:s8], [sflag:s12] =	dma.local [spmem:s13], $0x2800  }
0x61: {  	_ =	swait.ge [sflag:s10], $0x2800  }
0x62: {  	[sflag:s10] =	ssyncset.done $0x0  }
0x63: {  	[sflag:s10] =	ssyncadd.s32 $0xFFFFD800  }
0x64: {  	_ =	sfence.sel $0x180000  }
0x65: {  	[bflag:$0x0] =	sbarrier.arrive $0xFFFF  }
0x66: {  	p0 =	sne.s32 s0, $0x0;
	_ =	strace $0x9000005F  }
0x67: {  	s0 =	sadd.s32 @!p0 $0x100000, s1;
	[bflag:$0x2] =	sbarrier.arrive $0xFFFF  }
0x68: {  	[sflag:s0] =	ssyncadd.tile.s32 @!p0 $0x1;
	_ =	shalt  }
.Lfunc_end2:
_tile_overlayer_lowered:
.L_overlay_start_2:
0x69: {  	(tag) =	ssettag $0x2  }
0x6a: {  	s0 =	rddreg [dreg:$0x0];
	s2 =	stileid.u32  }
0x6b: {  	s1 =	rddreg [dreg:$0x1];
	p0 =	sne.s32 s2, $0x0  }
0x6c: {  	s3 =	rddreg [dreg:$0x2];
	[bflag:$0x3] =	sbarrier.arrive $0xFFFF;
	s2 =	simm.s32 @!p0 $0x1C03  }
0x6d: {  	[timem:s3], [sflag:s2] =	dma.local @!p0 [hbm:s0], s1  }
0x6e: {  	s0 =	simm.s32 @!p0 $0x3  }
0x6f: {  	_ =	swait.ge @!p0 [sflag:s0], s1  }
0x70: {  	s1 =	ssub.s32 @!p0 $0x0, s1;
	[sflag:s0] =	ssyncset.done @!p0 $0x0  }
0x71: {  	[sflag:s0] =	ssyncadd.s32 @!p0 s1  }
0x72: {  	[bflag:$0x3] =	sbarrier.arrive $0xFFFF  }
0x73: {  	_ =	shalt  }

</sc_bundles>
